<compile_context>
chip_gen: v7x
topology: tpu7x:2x2x1
jax: 0.10.2.dev20260603
libtpu: 0.0.44.dev20260713+nightly
codegen_flags: <defaults>
</compile_context>

<pallas_src>
import functools

import jax
import jax.numpy as jnp
from jax import lax
from jax.experimental import pallas as pl
from jax.experimental.pallas import tpu as pltpu
from jax.experimental.pallas import tpu_sc as plsc

N = 50000
E = 800000
NP = 50176
NTRASH = 64
CH = 128

EPS = 50176
NCH_M = EPS // CH
NPAIR2 = NCH_M // 4

NPH = NP // 2
DTRASH = 256
DACC = NPH + DTRASH
DPS = DACC // 16

ROWS_PER_SUB = NP // 16
OCH = 32
NOCH = ROWS_PER_SUB // OCH

BR = 3136
GRID = NP // BR



_MESH = plsc.VectorSubcoreMesh(core_axis_name="c", subcore_axis_name="s")
_SC_PARAMS = pltpu.CompilerParams(use_tc_tiling_on_sc=False,
                                  disable_bounds_checks=True,
                                  disable_semaphore_checks=True)


def _deg_body(idx_hbm, degp_hbm, idxb_v, ones_v, zbuf_v, acc_sh,
              semi0, semi1, sems):
    c = lax.axis_index("c")
    s = lax.axis_index("s")
    half0 = c * NPH

    def _z(i, _):
        zbuf_v[pl.ds(i * 16, 16)] = jnp.zeros((16,), jnp.float32)
        return _

    lax.fori_loop(0, DPS // 16, _z, None)
    for i in range(CH // 16):
        ones_v[pl.ds(i * 16, 16)] = jnp.full((16,), 1.0, jnp.float32)
    pltpu.sync_copy(zbuf_v, acc_sh.at[pl.ds(s * DPS, DPS)])
    plsc.subcore_barrier()

    def _ldq(q, sl, sm):
        pltpu.async_copy(idx_hbm.at[s, pl.ds(4 * q, 4)], idxb_v.at[sl], sm)

    def _wtq(q, sl, sm):
        pltpu.make_async_copy(idx_hbm.at[s, pl.ds(4 * q, 4)],
                              idxb_v.at[sl], sm).wait()

    def _remap(sl):
        for u in range(4):
            for t in range(CH // 16):
                d = idxb_v[sl, u, 1, pl.ds(t * 16, 16)]
                inhalf = (d >= half0) & (d < half0 + NPH)
                idxb_v[sl, u, 1, pl.ds(t * 16, 16)] = jnp.where(
                    inhalf, d - half0, NPH + (d & (DTRASH - 1)))

    def _fire(sl):
        for u in range(4):
            pltpu.async_copy(ones_v, acc_sh.at[idxb_v.at[sl, u, 1]], sems,
                             add=True)

    def _drain(sl):
        for u in range(4):
            pltpu.make_async_copy(ones_v, acc_sh.at[idxb_v.at[sl, u, 1]],
                                  sems).wait()

    NQ = NCH_M // 4
    _ldq(0, 0, semi0)
    _ldq(1, 1, semi1)

    def _body(i, _):
        a = 2 * i
        _wtq(a, 0, semi0)
        _remap(0)
        _fire(0)
        _drain(0)

        @pl.when(a + 2 < NQ)
        def _():
            _ldq(a + 2, 0, semi0)

        _wtq(a + 1, 1, semi1)
        _remap(1)
        _fire(1)
        _drain(1)

        @pl.when(a + 3 < NQ)
        def _():
            _ldq(a + 3, 1, semi1)

        return _

    lax.fori_loop(0, NQ // 2, _body, None)
    plsc.subcore_barrier()
    pltpu.sync_copy(acc_sh.at[pl.ds(s * DPS, DPS)], zbuf_v)
    pltpu.sync_copy(zbuf_v, degp_hbm.at[pl.ds(c * DACC + s * DPS, DPS)])


_deg_call = functools.partial(
    pl.kernel,
    out_type=jax.ShapeDtypeStruct((2 * DACC,), jnp.float32),
    mesh=_MESH,
    compiler_params=_SC_PARAMS,
    scratch_types=[
        pltpu.VMEM((2, 4, 2, CH), jnp.int32),
        pltpu.VMEM((CH,), jnp.float32),
        pltpu.VMEM((DPS,), jnp.float32),
        pltpu.VMEM_SHARED((DACC,), jnp.float32),
        pltpu.SemaphoreType.DMA,
        pltpu.SemaphoreType.DMA,
        pltpu.SemaphoreType.DMA,
    ],
)(_deg_body)


def _scat_body(g_hbm, idx_hbm, zer_hbm, out_hbm,
               idxb_v, rows_v, stage_v, oidx_v, acc_sh,
               semi0, semi1, semg0, semg1, semg2, semg3, sems):
    c = lax.axis_index("c")
    s = lax.axis_index("s")
    iota2 = lax.iota(jnp.int32, 16) * 2
    base2 = (s * ROWS_PER_SUB) * 2 + c

    def _oidx(k, _):
        for t in range(OCH // 16):
            oidx_v[k, pl.ds(t * 16, 16)] = (
                base2 + k * (OCH * 2) + t * 32 + iota2)
        return _

    lax.fori_loop(0, NOCH, _oidx, None)
    pltpu.sync_copy(zer_hbm.at[pl.ds(s * ROWS_PER_SUB, ROWS_PER_SUB)],
                    acc_sh.at[pl.ds(s * ROWS_PER_SUB, ROWS_PER_SUB)])
    plsc.subcore_barrier()

    semg = (semg0, semg1, semg2, semg3)
    g_view = g_hbm.at[pl.ds(c, 2 * NP - 8)]

    def _ldq(q, sl, sm):
        pltpu.async_copy(idx_hbm.at[s, pl.ds(4 * q, 4)], idxb_v.at[sl], sm)

    def _wtq(q, sl, sm):
        pltpu.make_async_copy(idx_hbm.at[s, pl.ds(4 * q, 4)],
                              idxb_v.at[sl], sm).wait()

    def _g(sl, u):
        pltpu.async_copy(g_view.at[idxb_v.at[sl, u, 0]], rows_v.at[u],
                         semg[u])

    def _wg(sl, u):
        pltpu.make_async_copy(g_view.at[idxb_v.at[sl, u, 0]], rows_v.at[u],
                              semg[u]).wait()

    def _fsc(sl, u):
        pltpu.async_copy(rows_v.at[u], acc_sh.at[idxb_v.at[sl, u, 1]], sems,
                         add=True)

    def _dsc(sl, u):
        pltpu.make_async_copy(rows_v.at[u], acc_sh.at[idxb_v.at[sl, u, 1]],
                              sems).wait()

    NQ = NCH_M // 4
    _ldq(0, 0, semi0)
    _wtq(0, 0, semi0)
    for u in range(4):
        _g(0, u)
    _ldq(1, 1, semi1)

    def _body(i, _):
        q0 = 2 * i
        _wtq(q0 + 1, 1, semi1)
        for u in range(4):
            _wg(0, u)
            _fsc(0, u)
        for u in range(4):
            _dsc(0, u)
        for u in range(4):
            _g(1, u)

        @pl.when(q0 + 2 < NQ)
        def _():
            _ldq(q0 + 2, 0, semi0)

        for u in range(4):
            _wg(1, u)
            _fsc(1, u)
        for u in range(4):
            _dsc(1, u)

        @pl.when(q0 + 2 < NQ)
        def _():
            _wtq(q0 + 2, 0, semi0)
            for u in range(4):
                _g(0, u)

        @pl.when(q0 + 3 < NQ)
        def _():
            _ldq(q0 + 3, 1, semi1)

        return _

    lax.fori_loop(0, NQ // 2, _body, None)
    plsc.subcore_barrier()

    def _out(k, _):
        pltpu.sync_copy(acc_sh.at[pl.ds(s * ROWS_PER_SUB + k * OCH, OCH)],
                        stage_v.at[0])
        pltpu.sync_copy(stage_v.at[0], out_hbm.at[oidx_v.at[k]])
        return _

    lax.fori_loop(0, NOCH, _out, None)


_scat_call = functools.partial(
    pl.kernel,
    out_type=jax.ShapeDtypeStruct((2 * NP, 32), jnp.float32),
    mesh=_MESH,
    compiler_params=_SC_PARAMS,
    scratch_types=[
        pltpu.VMEM((2, 4, 2, CH), jnp.int32),
        pltpu.VMEM((4, CH, 32), jnp.float32),
        pltpu.VMEM((2, OCH, 32), jnp.float32),
        pltpu.VMEM((NOCH, OCH), jnp.int32),
        pltpu.VMEM_SHARED((NP, 32), jnp.float32),
        pltpu.SemaphoreType.DMA,
        pltpu.SemaphoreType.DMA,
        pltpu.SemaphoreType.DMA,
        pltpu.SemaphoreType.DMA,
        pltpu.SemaphoreType.DMA,
        pltpu.SemaphoreType.DMA,
        pltpu.SemaphoreType.DMA,
    ],
)(_scat_body)



def _dinv(deg):
    return lax.rsqrt(deg + 1.0)


def _tc1_body(x_ref, wct_ref, bc_ref, w1_ref, out_ref):
    t = jnp.dot(x_ref[...], wct_ref[...], preferred_element_type=jnp.float32)
    t = t + bc_ref[...][None, :]
    out_ref[...] = jnp.dot(t, w1_ref[...],
                           preferred_element_type=jnp.float32)


def _tc2_body(s_ref, g_ref, degp_ref, b1_ref, w2_ref, out_ref):
    din = _dinv(degp_ref[...])
    h = (s_ref[...] + g_ref[...]) * din + b1_ref[...][None, :]
    h = jnp.maximum(h, 0.0)
    out_ref[...] = jnp.dot(h, w2_ref[...],
                           preferred_element_type=jnp.float32) * din


def _tc3_body(s_ref, g_ref, degp_ref, b2_ref, out_ref):
    din = _dinv(degp_ref[...])
    out_ref[...] = (s_ref[...] + g_ref[...]) * din + b2_ref[...][None, :]


def _row_spec(w):
    return pl.BlockSpec((BR, w), lambda i: (i, 0))


def _degp_spec():
    return pl.BlockSpec((BR, 1), lambda i: (i, 0))


def _full_spec(shape):
    nd = len(shape)
    return pl.BlockSpec(shape, lambda i: (0,) * nd)


_tc1 = pl.pallas_call(
    _tc1_body,
    out_shape=jax.ShapeDtypeStruct((NP, 64), jnp.float32),
    grid=(GRID,),
    in_specs=[_row_spec(24), _full_spec((24, 64)), _full_spec((64,)),
              _full_spec((64, 64))],
    out_specs=_row_spec(64),
)

_tc2 = pl.pallas_call(
    _tc2_body,
    out_shape=jax.ShapeDtypeStruct((NP, 64), jnp.float32),
    grid=(GRID,),
    in_specs=[_row_spec(64), _row_spec(64), _degp_spec(),
              _full_spec((64,)), _full_spec((64, 64))],
    out_specs=_row_spec(64),
)

_tc3 = pl.pallas_call(
    _tc3_body,
    out_shape=jax.ShapeDtypeStruct((NP, 64), jnp.float32),
    grid=(GRID,),
    in_specs=[_row_spec(64), _row_spec(64), _degp_spec(), _full_spec((64,))],
    out_specs=_row_spec(64),
)



def kernel(x, edge_index, conv1d_w, conv1d_b, W1, b1, W2, b2):
    xf = x[:, :, 0]
    xp = jnp.zeros((NP, 24), jnp.float32).at[:N].set(xf)
    wct = conv1d_w[:, 0, :].T
    zer = jnp.zeros((NP, 32), jnp.float32)

    src = edge_index[0]
    dst = edge_index[1]

    npad = EPS - E // 16
    fill_s = (jnp.arange(16 * npad, dtype=jnp.int32).reshape(16, -1)
              * 9973) % N
    srcm = jnp.concatenate([src.reshape(16, E // 16), fill_s], axis=1)
    srcm = srcm.reshape(16, NCH_M, 1, CH)
    fill_t = N + (jnp.arange(16 * npad, dtype=jnp.int32)
                  .reshape(16, -1) % NTRASH)
    dstm = jnp.concatenate([dst.reshape(16, E // 16), fill_t], axis=1)
    dstm = dstm.reshape(16, NCH_M, 1, CH)
    idx_all = jnp.concatenate([srcm * 2, dstm], axis=2)

    degp = _deg_call(idx_all)
    degp3 = degp.reshape(2, DACC)[:, :NPH].reshape(NP, 1)

    t1 = _tc1(xp, wct, conv1d_b, W1)
    g1 = t1 * lax.rsqrt(degp3 + 1.0)
    s1 = _scat_call(g1.reshape(2 * NP, 32), idx_all, zer)
    g2 = _tc2(s1.reshape(NP, 64), g1, degp3, b1, W2)
    s2 = _scat_call(g2.reshape(2 * NP, 32), idx_all, zer)
    out = _tc3(s2.reshape(NP, 64), g2, degp3, b2)
    return out[:N]

# --- scband reference (transcript-rebuilt; emitter-appended) ---
"""Pipeline reference for scband-matrix-gcn-9801115369777 (READ-ONLY COPY).

The authoritative reference and input builder live on the scoring server;
editing this copy changes nothing except your own understanding.
"""

import jax, jax.numpy as jnp
import numpy as np

N = 50000
E = 800000
HID = 64
OUT = 64


def gcn_layer(x, ei, W, b):
    # PyG GCNConv: linear transform, add self-loops, symmetric normalization, scatter-add aggregate at dst
    x = x @ W
    loop = jnp.arange(N, dtype=ei.dtype)
    src = jnp.concatenate([ei[0], loop])
    dst = jnp.concatenate([ei[1], loop])
    deg = jnp.zeros((N,), x.dtype).at[dst].add(1.0)
    dinv = jnp.where(deg > 0, deg ** -0.5, 0.0)
    norm = dinv[src] * dinv[dst]
    msg = x[src] * norm[:, None]
    out = jnp.zeros((N, x.shape[1]), x.dtype).at[dst].add(msg)
    return out + b


def setup_inputs(seed: int = 0) -> dict:
    key = jax.random.key(seed)
    ks = jax.random.split(key, 8)
    x = jax.random.normal(ks[0], (N, 24, 1), dtype=jnp.float32)
    edge_index = jax.random.randint(ks[1], (2, E), 0, N, dtype=jnp.int32)
    conv1d_w = jax.random.normal(ks[2], (64, 1, 24), dtype=jnp.float32) * (1.0 / np.sqrt(24.0))
    conv1d_b = jax.random.normal(ks[3], (64,), dtype=jnp.float32) * 0.02
    W1 = jax.random.normal(ks[4], (64, HID), dtype=jnp.float32) * (1.0 / np.sqrt(64.0))
    b1 = jnp.zeros((HID,), dtype=jnp.float32)
    W2 = jax.random.normal(ks[5], (HID, OUT), dtype=jnp.float32) * (1.0 / np.sqrt(HID))
    b2 = jnp.zeros((OUT,), dtype=jnp.float32)
    return {"x": x, "edge_index": edge_index, "conv1d_w": conv1d_w, "conv1d_b": conv1d_b, "W1": W1, "b1": b1, "W2": W2, "b2": b2}


def reference(x, edge_index, conv1d_w, conv1d_b, W1, b1, W2, b2):
    # x: [N, 24, 1] -> transpose(1,2) -> [N, 1, 24] -> flatten(1) -> [N, 24]
    h = jnp.transpose(x, (0, 2, 1)).reshape(x.shape[0], -1)
    # Conv1d(1, 64, kernel=24, stride=24) on [N, 1, 24] -> [N, 64, 1]
    h = h[:, None, :]
    h = jax.lax.conv_general_dilated(h, conv1d_w, window_strides=(24,), padding='VALID', dimension_numbers=('NCH', 'OIH', 'NCH'))
    h = h + conv1d_b[None, :, None]
    h = h.reshape(h.shape[0], -1)  # [N, 64]
    h = gcn_layer(h, edge_index, W1, b1)
    h = jax.nn.relu(h)
    h = gcn_layer(h, edge_index, W2, b2)
    return h

if __name__ == "__main__":
    import jax
    _d = setup_inputs()
    print(jax.jit(kernel)(*tuple(_d.values())))

</pallas_src>

<mosaic_0001>
#map = affine_map<(d0, d1) -> (0, 0, 0, 0)>
#map1 = affine_map<(d0, d1) -> (0)>
module attributes {stable_mosaic.version = 14 : i64} {
  func.func @_deg_body(%arg0: i32, %arg1: i32, %arg2: memref<16x392x2x128xi32, #tpu.memory_space<hbm>>, %arg3: memref<50688xf32, #tpu.memory_space<hbm>>, %arg4: memref<2x4x2x128xi32, #tpu.memory_space<vmem>>, %arg5: memref<128xf32, #tpu.memory_space<vmem>>, %arg6: memref<1584xf32, #tpu.memory_space<vmem>>, %arg7: memref<25344xf32, #tpu.memory_space<vmem_shared>>, %arg8: memref<!tpu.dma_semaphore, #tpu.memory_space<semaphore_mem>>, %arg9: memref<!tpu.dma_semaphore, #tpu.memory_space<semaphore_mem>>, %arg10: memref<!tpu.dma_semaphore, #tpu.memory_space<semaphore_mem>>) attributes {dimension_semantics = [#tpu.dimension_semantics<core_parallel>, #tpu.dimension_semantics<subcore_parallel>], iteration_bounds = array<i64: 2, 16>, scalar_prefetch = 0 : i64, scratch_operands = 7 : i64, tpu.core_type = #tpu.core_type<sc_vector_subcore>, window_params = [{transform_indices = #map}, {transform_indices = #map1}]} {
    %mul3A = arith.constant 25088 : i32
    %mul3A_0 = arith.muli %arg0, %mul3A : i32
    %scan3A = arith.constant 0 : i32
    %scan3A_1 = arith.constant 99 : i32
    %scan3A_2 = arith.addi %scan3A, %scan3A_1 : i32
    %scan3A_3 = arith.constant 1 : i32
    scf.for %scan3A_106 = %scan3A to %scan3A_2 step %scan3A_3  : i32 {
      %broadcast_in_dim3A_107 = arith.constant 0.000000e+00 : f32
      %broadcast_in_dim3A_108 = vector.broadcast %broadcast_in_dim3A_107 : f32 to vector<16xf32>
      %mul3A_109 = arith.constant 16 : i32
      %mul3A_110 = arith.muli %scan3A_106, %mul3A_109 : i32
      %swap3A_111 = arith.index_cast %mul3A_110 : i32 to index
      %swap3A_112 = tpu.vector_load %arg6[%swap3A_111] {strides = array<i32>} : memref<1584xf32, #tpu.memory_space<vmem>>, vector<16xf32>,
      %swap3A_113 = vector.shape_cast %swap3A_112 : vector<16xf32> to vector<16xf32>
      %swap3A_114 = vector.shape_cast %broadcast_in_dim3A_108 : vector<16xf32> to vector<16xf32>
      tpu.vector_store %arg6[%swap3A_111], %swap3A_114 {strides = array<i32>} : memref<1584xf32, #tpu.memory_space<vmem>>, vector<16xf32>,
    }
    %scan3A_4 = arith.constant 99 : i32
    %broadcast_in_dim3A = arith.constant 1.000000e+00 : f32
    %broadcast_in_dim3A_5 = vector.broadcast %broadcast_in_dim3A : f32 to vector<16xf32>
    %swap3A = arith.constant 0 : index
    %swap3A_6 = tpu.vector_load %arg5[%swap3A] {strides = array<i32>} : memref<128xf32, #tpu.memory_space<vmem>>, vector<16xf32>,
    %swap3A_7 = vector.shape_cast %swap3A_6 : vector<16xf32> to vector<16xf32>
    %swap3A_8 = vector.shape_cast %broadcast_in_dim3A_5 : vector<16xf32> to vector<16xf32>
    tpu.vector_store %arg5[%swap3A], %swap3A_8 {strides = array<i32>} : memref<128xf32, #tpu.memory_space<vmem>>, vector<16xf32>,
    %broadcast_in_dim3A_9 = arith.constant 1.000000e+00 : f32
    %broadcast_in_dim3A_10 = vector.broadcast %broadcast_in_dim3A_9 : f32 to vector<16xf32>
    %swap3A_11 = arith.constant 16 : index
    %swap3A_12 = tpu.vector_load %arg5[%swap3A_11] {strides = array<i32>} : memref<128xf32, #tpu.memory_space<vmem>>, vector<16xf32>,
    %swap3A_13 = vector.shape_cast %swap3A_12 : vector<16xf32> to vector<16xf32>
    %swap3A_14 = vector.shape_cast %broadcast_in_dim3A_10 : vector<16xf32> to vector<16xf32>
    tpu.vector_store %arg5[%swap3A_11], %swap3A_14 {strides = array<i32>} : memref<128xf32, #tpu.memory_space<vmem>>, vector<16xf32>,
    %broadcast_in_dim3A_15 = arith.constant 1.000000e+00 : f32
    %broadcast_in_dim3A_16 = vector.broadcast %broadcast_in_dim3A_15 : f32 to vector<16xf32>
    %swap3A_17 = arith.constant 32 : index
    %swap3A_18 = tpu.vector_load %arg5[%swap3A_17] {strides = array<i32>} : memref<128xf32, #tpu.memory_space<vmem>>, vector<16xf32>,
    %swap3A_19 = vector.shape_cast %swap3A_18 : vector<16xf32> to vector<16xf32>
    %swap3A_20 = vector.shape_cast %broadcast_in_dim3A_16 : vector<16xf32> to vector<16xf32>
    tpu.vector_store %arg5[%swap3A_17], %swap3A_20 {strides = array<i32>} : memref<128xf32, #tpu.memory_space<vmem>>, vector<16xf32>,
    %broadcast_in_dim3A_21 = arith.constant 1.000000e+00 : f32
    %broadcast_in_dim3A_22 = vector.broadcast %broadcast_in_dim3A_21 : f32 to vector<16xf32>
    %swap3A_23 = arith.constant 48 : index
    %swap3A_24 = tpu.vector_load %arg5[%swap3A_23] {strides = array<i32>} : memref<128xf32, #tpu.memory_space<vmem>>, vector<16xf32>,
    %swap3A_25 = vector.shape_cast %swap3A_24 : vector<16xf32> to vector<16xf32>
    %swap3A_26 = vector.shape_cast %broadcast_in_dim3A_22 : vector<16xf32> to vector<16xf32>
    tpu.vector_store %arg5[%swap3A_23], %swap3A_26 {strides = array<i32>} : memref<128xf32, #tpu.memory_space<vmem>>, vector<16xf32>,
    %broadcast_in_dim3A_27 = arith.constant 1.000000e+00 : f32
    %broadcast_in_dim3A_28 = vector.broadcast %broadcast_in_dim3A_27 : f32 to vector<16xf32>
    %swap3A_29 = arith.constant 64 : index
    %swap3A_30 = tpu.vector_load %arg5[%swap3A_29] {strides = array<i32>} : memref<128xf32, #tpu.memory_space<vmem>>, vector<16xf32>,
    %swap3A_31 = vector.shape_cast %swap3A_30 : vector<16xf32> to vector<16xf32>
    %swap3A_32 = vector.shape_cast %broadcast_in_dim3A_28 : vector<16xf32> to vector<16xf32>
    tpu.vector_store %arg5[%swap3A_29], %swap3A_32 {strides = array<i32>} : memref<128xf32, #tpu.memory_space<vmem>>, vector<16xf32>,
    %broadcast_in_dim3A_33 = arith.constant 1.000000e+00 : f32
    %broadcast_in_dim3A_34 = vector.broadcast %broadcast_in_dim3A_33 : f32 to vector<16xf32>
    %swap3A_35 = arith.constant 80 : index
    %swap3A_36 = tpu.vector_load %arg5[%swap3A_35] {strides = array<i32>} : memref<128xf32, #tpu.memory_space<vmem>>, vector<16xf32>,
    %swap3A_37 = vector.shape_cast %swap3A_36 : vector<16xf32> to vector<16xf32>
    %swap3A_38 = vector.shape_cast %broadcast_in_dim3A_34 : vector<16xf32> to vector<16xf32>
    tpu.vector_store %arg5[%swap3A_35], %swap3A_38 {strides = array<i32>} : memref<128xf32, #tpu.memory_space<vmem>>, vector<16xf32>,
    %broadcast_in_dim3A_39 = arith.constant 1.000000e+00 : f32
    %broadcast_in_dim3A_40 = vector.broadcast %broadcast_in_dim3A_39 : f32 to vector<16xf32>
    %swap3A_41 = arith.constant 96 : index
    %swap3A_42 = tpu.vector_load %arg5[%swap3A_41] {strides = array<i32>} : memref<128xf32, #tpu.memory_space<vmem>>, vector<16xf32>,
    %swap3A_43 = vector.shape_cast %swap3A_42 : vector<16xf32> to vector<16xf32>
    %swap3A_44 = vector.shape_cast %broadcast_in_dim3A_40 : vector<16xf32> to vector<16xf32>
    tpu.vector_store %arg5[%swap3A_41], %swap3A_44 {strides = array<i32>} : memref<128xf32, #tpu.memory_space<vmem>>, vector<16xf32>,
    %broadcast_in_dim3A_45 = arith.constant 1.000000e+00 : f32
    %broadcast_in_dim3A_46 = vector.broadcast %broadcast_in_dim3A_45 : f32 to vector<16xf32>
    %swap3A_47 = arith.constant 112 : index
    %swap3A_48 = tpu.vector_load %arg5[%swap3A_47] {strides = array<i32>} : memref<128xf32, #tpu.memory_space<vmem>>, vector<16xf32>,
    %swap3A_49 = vector.shape_cast %swap3A_48 : vector<16xf32> to vector<16xf32>
    %swap3A_50 = vector.shape_cast %broadcast_in_dim3A_46 : vector<16xf32> to vector<16xf32>
    tpu.vector_store %arg5[%swap3A_47], %swap3A_50 {strides = array<i32>} : memref<128xf32, #tpu.memory_space<vmem>>, vector<16xf32>,
    %mul3A_51 = arith.constant 1584 : i32
    %mul3A_52 = arith.muli %arg1, %mul3A_51 : i32
    "tpu.region"() ({
      %run_scoped3A = tpu.sem_alloc : memref<!tpu.dma_semaphore, #tpu.memory_space<semaphore_mem>>
      %dma_start3A_106 = tpu.memref_slice %arg7[%mul3A_52] : memref<25344xf32, #tpu.memory_space<vmem_shared>> -> memref<1584xf32, #tpu.memory_space<vmem_shared>>
      %dma_start3A_107 = tpu.memref_slice %arg7[%mul3A_52] : memref<25344xf32, #tpu.memory_space<vmem_shared>> -> memref<1584xf32, #tpu.memory_space<vmem_shared>>
      tpu.enqueue_dma source(%arg6 : memref<1584xf32, #tpu.memory_space<vmem>>) target(%dma_start3A_107 : memref<1584xf32, #tpu.memory_space<vmem_shared>>) target_semaphore(%run_scoped3A : memref<!tpu.dma_semaphore, #tpu.memory_space<semaphore_mem>>)
      %dma_wait3A = tpu.memref_slice %arg7[%mul3A_52] : memref<25344xf32, #tpu.memory_space<vmem_shared>> -> memref<1584xf32, #tpu.memory_space<vmem_shared>>
      %dma_wait3A_108 = tpu.memref_slice %arg7[%mul3A_52] : memref<25344xf32, #tpu.memory_space<vmem_shared>> -> memref<1584xf32, #tpu.memory_space<vmem_shared>>
      tpu.wait_dma2 semaphore(%run_scoped3A : memref<!tpu.dma_semaphore, #tpu.memory_space<semaphore_mem>>) src(%arg6 : memref<1584xf32, #tpu.memory_space<vmem>>) dst(%dma_wait3A_108 : memref<1584xf32, #tpu.memory_space<vmem_shared>>)
      tpu.yield
    }) : () -> ()
    %barrier3A = arith.constant 0 : index
    tpu.barrier barrier_id(%barrier3A)
    %dma_start3A = arith.constant 0 : i32
    %dma_start3A_53 = arith.constant 0 : i32
    %dma_start3A_54 = arith.constant 0 : i32
    %dma_start3A_55 = arith.constant 0 : i32
    %dma_start3A_56 = tpu.memref_slice %arg4[%dma_start3A, %dma_start3A_53, %dma_start3A_54, %dma_start3A_55] : memref<2x4x2x128xi32, #tpu.memory_space<vmem>> -> memref<1x4x2x128xi32, #tpu.memory_space<vmem>>
    %dma_start3A_57 = tpu.memref_squeeze %dma_start3A_56 : memref<1x4x2x128xi32, #tpu.memory_space<vmem>> -> memref<4x2x128xi32, #tpu.memory_space<vmem>>
    %dma_start3A_58 = arith.constant 0 : i32
    %dma_start3A_59 = arith.constant 0 : i32
    %dma_start3A_60 = arith.constant 0 : i32
    %dma_start3A_61 = tpu.memref_slice %arg2[%arg1, %dma_start3A_58, %dma_start3A_59, %dma_start3A_60] : memref<16x392x2x128xi32, #tpu.memory_space<hbm>> -> memref<1x4x2x128xi32, #tpu.memory_space<hbm>>
    %dma_start3A_62 = tpu.memref_squeeze %dma_start3A_61 : memref<1x4x2x128xi32, #tpu.memory_space<hbm>> -> memref<4x2x128xi32, #tpu.memory_space<hbm>>
    %dma_start3A_63 = arith.constant 0 : i32
    %dma_start3A_64 = arith.constant 0 : i32
    %dma_start3A_65 = arith.constant 0 : i32
    %dma_start3A_66 = tpu.memref_slice %arg4[%dma_start3A, %dma_start3A_63, %dma_start3A_64, %dma_start3A_65] : memref<2x4x2x128xi32, #tpu.memory_space<vmem>> -> memref<1x4x2x128xi32, #tpu.memory_space<vmem>>
    %dma_start3A_67 = tpu.memref_squeeze %dma_start3A_66 : memref<1x4x2x128xi32, #tpu.memory_space<vmem>> -> memref<4x2x128xi32, #tpu.memory_space<vmem>>
    %dma_start3A_68 = arith.constant 0 : i32
    %dma_start3A_69 = arith.constant 0 : i32
    %dma_start3A_70 = arith.constant 0 : i32
    %dma_start3A_71 = tpu.memref_slice %arg2[%arg1, %dma_start3A_68, %dma_start3A_69, %dma_start3A_70] : memref<16x392x2x128xi32, #tpu.memory_space<hbm>> -> memref<1x4x2x128xi32, #tpu.memory_space<hbm>>
    %dma_start3A_72 = tpu.memref_squeeze %dma_start3A_71 : memref<1x4x2x128xi32, #tpu.memory_space<hbm>> -> memref<4x2x128xi32, #tpu.memory_space<hbm>>
    tpu.enqueue_dma source(%dma_start3A_72 : memref<4x2x128xi32, #tpu.memory_space<hbm>>) target(%dma_start3A_67 : memref<4x2x128xi32, #tpu.memory_space<vmem>>) target_semaphore(%arg8 : memref<!tpu.dma_semaphore, #tpu.memory_space<semaphore_mem>>)
    %dma_start3A_73 = arith.constant 1 : i32
    %dma_start3A_74 = arith.constant 0 : i32
    %dma_start3A_75 = arith.constant 0 : i32
    %dma_start3A_76 = arith.constant 0 : i32
    %dma_start3A_77 = tpu.memref_slice %arg4[%dma_start3A_73, %dma_start3A_74, %dma_start3A_75, %dma_start3A_76] : memref<2x4x2x128xi32, #tpu.memory_space<vmem>> -> memref<1x4x2x128xi32, #tpu.memory_space<vmem>>
    %dma_start3A_78 = tpu.memref_squeeze %dma_start3A_77 : memref<1x4x2x128xi32, #tpu.memory_space<vmem>> -> memref<4x2x128xi32, #tpu.memory_space<vmem>>
    %dma_start3A_79 = arith.constant 4 : i32
    %dma_start3A_80 = arith.constant 0 : i32
    %dma_start3A_81 = arith.constant 0 : i32
    %dma_start3A_82 = tpu.memref_slice %arg2[%arg1, %dma_start3A_79, %dma_start3A_80, %dma_start3A_81] : memref<16x392x2x128xi32, #tpu.memory_space<hbm>> -> memref<1x4x2x128xi32, #tpu.memory_space<hbm>>
    %dma_start3A_83 = tpu.memref_squeeze %dma_start3A_82 : memref<1x4x2x128xi32, #tpu.memory_space<hbm>> -> memref<4x2x128xi32, #tpu.memory_space<hbm>>
    %dma_start3A_84 = arith.constant 0 : i32
    %dma_start3A_85 = arith.constant 0 : i32
    %dma_start3A_86 = arith.constant 0 : i32
    %dma_start3A_87 = tpu.memref_slice %arg4[%dma_start3A_73, %dma_start3A_84, %dma_start3A_85, %dma_start3A_86] : memref<2x4x2x128xi32, #tpu.memory_space<vmem>> -> memref<1x4x2x128xi32, #tpu.memory_space<vmem>>
    %dma_start3A_88 = tpu.memref_squeeze %dma_start3A_87 : memref<1x4x2x128xi32, #tpu.memory_space<vmem>> -> memref<4x2x128xi32, #tpu.memory_space<vmem>>
    %dma_start3A_89 = arith.constant 4 : i32
    %dma_start3A_90 = arith.constant 0 : i32
    %dma_start3A_91 = arith.constant 0 : i32
    %dma_start3A_92 = tpu.memref_slice %arg2[%arg1, %dma_start3A_89, %dma_start3A_90, %dma_start3A_91] : memref<16x392x2x128xi32, #tpu.memory_space<hbm>> -> memref<1x4x2x128xi32, #tpu.memory_space<hbm>>
    %dma_start3A_93 = tpu.memref_squeeze %dma_start3A_92 : memref<1x4x2x128xi32, #tpu.memory_space<hbm>> -> memref<4x2x128xi32, #tpu.memory_space<hbm>>
    tpu.enqueue_dma source(%dma_start3A_93 : memref<4x2x128xi32, #tpu.memory_space<hbm>>) target(%dma_start3A_88 : memref<4x2x128xi32, #tpu.memory_space<vmem>>) target_semaphore(%arg9 : memref<!tpu.dma_semaphore, #tpu.memory_space<semaphore_mem>>)
    %scan3A_94 = arith.constant 0 : i32
    %scan3A_95 = arith.constant 49 : i32
    %scan3A_96 = arith.addi %scan3A_94, %scan3A_95 : i32
    %scan3A_97 = arith.constant 1 : i32
    scf.for %scan3A_106 = %scan3A_94 to %scan3A_96 step %scan3A_97  : i32 {
      %mul3A_107 = arith.constant 2 : i32
      %mul3A_108 = arith.muli %mul3A_107, %scan3A_106 : i32
      %mul3A_109 = arith.constant 4 : i32
      %mul3A_110 = arith.muli %mul3A_109, %mul3A_108 : i32
      %dma_wait3A = arith.constant 0 : i32
      %dma_wait3A_111 = arith.constant 0 : i32
      %dma_wait3A_112 = arith.constant 0 : i32
      %dma_wait3A_113 = arith.constant 0 : i32
      %dma_wait3A_114 = tpu.memref_slice %arg4[%dma_wait3A, %dma_wait3A_111, %dma_wait3A_112, %dma_wait3A_113] : memref<2x4x2x128xi32, #tpu.memory_space<vmem>> -> memref<1x4x2x128xi32, #tpu.memory_space<vmem>>
      %dma_wait3A_115 = tpu.memref_squeeze %dma_wait3A_114 : memref<1x4x2x128xi32, #tpu.memory_space<vmem>> -> memref<4x2x128xi32, #tpu.memory_space<vmem>>
      %dma_wait3A_116 = arith.constant 0 : i32
      %dma_wait3A_117 = arith.constant 0 : i32
      %dma_wait3A_118 = tpu.memref_slice %arg2[%arg1, %mul3A_110, %dma_wait3A_116, %dma_wait3A_117] : memref<16x392x2x128xi32, #tpu.memory_space<hbm>> -> memref<1x4x2x128xi32, #tpu.memory_space<hbm>>
      %dma_wait3A_119 = tpu.memref_squeeze %dma_wait3A_118 : memref<1x4x2x128xi32, #tpu.memory_space<hbm>> -> memref<4x2x128xi32, #tpu.memory_space<hbm>>
      %dma_wait3A_120 = arith.constant 0 : i32
      %dma_wait3A_121 = arith.constant 0 : i32
      %dma_wait3A_122 = arith.constant 0 : i32
      %dma_wait3A_123 = tpu.memref_slice %arg4[%dma_wait3A, %dma_wait3A_120, %dma_wait3A_121, %dma_wait3A_122] : memref<2x4x2x128xi32, #tpu.memory_space<vmem>> -> memref<1x4x2x128xi32, #tpu.memory_space<vmem>>
      %dma_wait3A_124 = tpu.memref_squeeze %dma_wait3A_123 : memref<1x4x2x128xi32, #tpu.memory_space<vmem>> -> memref<4x2x128xi32, #tpu.memory_space<vmem>>
      %dma_wait3A_125 = arith.constant 0 : i32
      %dma_wait3A_126 = arith.constant 0 : i32
      %dma_wait3A_127 = tpu.memref_slice %arg2[%arg1, %mul3A_110, %dma_wait3A_125, %dma_wait3A_126] : memref<16x392x2x128xi32, #tpu.memory_space<hbm>> -> memref<1x4x2x128xi32, #tpu.memory_space<hbm>>
      %dma_wait3A_128 = tpu.memref_squeeze %dma_wait3A_127 : memref<1x4x2x128xi32, #tpu.memory_space<hbm>> -> memref<4x2x128xi32, #tpu.memory_space<hbm>>
      tpu.wait_dma2 semaphore(%arg8 : memref<!tpu.dma_semaphore, #tpu.memory_space<semaphore_mem>>) src(%dma_wait3A_128 : memref<4x2x128xi32, #tpu.memory_space<hbm>>) dst(%dma_wait3A_124 : memref<4x2x128xi32, #tpu.memory_space<vmem>>)
      %get3A = arith.constant 0 : i32
      %get3A_129 = arith.constant 0 : i32
      %get3A_130 = arith.constant 1 : i32
      %get3A_131 = arith.index_cast %get3A : i32 to index
      %get3A_132 = arith.index_cast %get3A_129 : i32 to index
      %get3A_133 = arith.index_cast %get3A_130 : i32 to index
      %get3A_134 = arith.constant 0 : index
      %get3A_135 = tpu.vector_load %arg4[%get3A_131, %get3A_132, %get3A_133, %get3A_134] {strides = array<i32>} : memref<2x4x2x128xi32, #tpu.memory_space<vmem>>, vector<1x1x1x16xi32>,
      %get3A_136 = vector.shape_cast %get3A_135 : vector<1x1x1x16xi32> to vector<16xi32>
      %ge3A = vector.broadcast %mul3A_0 : i32 to vector<16xi32>
      %ge3A_137 = arith.cmpi sge, %get3A_136, %ge3A : vector<16xi32>
      %add3A_138 = arith.constant 25088 : i32
      %add3A_139 = arith.addi %mul3A_0, %add3A_138 : i32
      %lt3A = vector.broadcast %add3A_139 : i32 to vector<16xi32>
      %lt3A_140 = arith.cmpi slt, %get3A_136, %lt3A : vector<16xi32>
      %and3A = arith.andi %ge3A_137, %lt3A_140 : vector<16xi1>
      %sub3A = vector.broadcast %mul3A_0 : i32 to vector<16xi32>
      %sub3A_141 = arith.subi %get3A_136, %sub3A : vector<16xi32>
      %and3A_142 = arith.constant 255 : i32
      %and3A_143 = vector.broadcast %and3A_142 : i32 to vector<16xi32>
      %and3A_144 = arith.andi %get3A_136, %and3A_143 : vector<16xi32>
      %add3A_145 = arith.constant 25088 : i32
      %add3A_146 = vector.broadcast %add3A_145 : i32 to vector<16xi32>
      %add3A_147 = arith.addi %add3A_146, %and3A_144 : vector<16xi32>
      %select_n3A = arith.select %and3A, %sub3A_141, %add3A_147 : vector<16xi1>, vector<16xi32>
      %swap3A_148 = arith.constant 0 : i32
      %swap3A_149 = arith.constant 0 : i32
      %swap3A_150 = arith.constant 1 : i32
      %swap3A_151 = arith.index_cast %swap3A_148 : i32 to index
      %swap3A_152 = arith.index_cast %swap3A_149 : i32 to index
      %swap3A_153 = arith.index_cast %swap3A_150 : i32 to index
      %swap3A_154 = arith.constant 0 : index
      %swap3A_155 = tpu.vector_load %arg4[%swap3A_151, %swap3A_152, %swap3A_153, %swap3A_154] {strides = array<i32>} : memref<2x4x2x128xi32, #tpu.memory_space<vmem>>, vector<1x1x1x16xi32>,
      %swap3A_156 = vector.shape_cast %swap3A_155 : vector<1x1x1x16xi32> to vector<16xi32>
      %swap3A_157 = vector.shape_cast %select_n3A : vector<16xi32> to vector<1x1x1x16xi32>
      tpu.vector_store %arg4[%swap3A_151, %swap3A_152, %swap3A_153, %swap3A_154], %swap3A_157 {strides = array<i32>} : memref<2x4x2x128xi32, #tpu.memory_space<vmem>>, vector<1x1x1x16xi32>,
      %get3A_158 = arith.constant 0 : i32
      %get3A_159 = arith.constant 0 : i32
      %get3A_160 = arith.constant 1 : i32
      %get3A_161 = arith.index_cast %get3A_158 : i32 to index
      %get3A_162 = arith.index_cast %get3A_159 : i32 to index
      %get3A_163 = arith.index_cast %get3A_160 : i32 to index
      %get3A_164 = arith.constant 16 : index
      %get3A_165 = tpu.vector_load %arg4[%get3A_161, %get3A_162, %get3A_163, %get3A_164] {strides = array<i32>} : memref<2x4x2x128xi32, #tpu.memory_space<vmem>>, vector<1x1x1x16xi32>,
      %get3A_166 = vector.shape_cast %get3A_165 : vector<1x1x1x16xi32> to vector<16xi32>
      %ge3A_167 = vector.broadcast %mul3A_0 : i32 to vector<16xi32>
      %ge3A_168 = arith.cmpi sge, %get3A_166, %ge3A_167 : vector<16xi32>
      %add3A_169 = arith.constant 25088 : i32
      %add3A_170 = arith.addi %mul3A_0, %add3A_169 : i32
      %lt3A_171 = vector.broadcast %add3A_170 : i32 to vector<16xi32>
      %lt3A_172 = arith.cmpi slt, %get3A_166, %lt3A_171 : vector<16xi32>
      %and3A_173 = arith.andi %ge3A_168, %lt3A_172 : vector<16xi1>
      %sub3A_174 = vector.broadcast %mul3A_0 : i32 to vector<16xi32>
      %sub3A_175 = arith.subi %get3A_166, %sub3A_174 : vector<16xi32>
      %and3A_176 = arith.constant 255 : i32
      %and3A_177 = vector.broadcast %and3A_176 : i32 to vector<16xi32>
      %and3A_178 = arith.andi %get3A_166, %and3A_177 : vector<16xi32>
      %add3A_179 = arith.constant 25088 : i32
      %add3A_180 = vector.broadcast %add3A_179 : i32 to vector<16xi32>
      %add3A_181 = arith.addi %add3A_180, %and3A_178 : vector<16xi32>
      %select_n3A_182 = arith.select %and3A_173, %sub3A_175, %add3A_181 : vector<16xi1>, vector<16xi32>
      %swap3A_183 = arith.constant 0 : i32
      %swap3A_184 = arith.constant 0 : i32
      %swap3A_185 = arith.constant 1 : i32
      %swap3A_186 = arith.index_cast %swap3A_183 : i32 to index
      %swap3A_187 = arith.index_cast %swap3A_184 : i32 to index
      %swap3A_188 = arith.index_cast %swap3A_185 : i32 to index
      %swap3A_189 = arith.constant 16 : index
      %swap3A_190 = tpu.vector_load %arg4[%swap3A_186, %swap3A_187, %swap3A_188, %swap3A_189] {strides = array<i32>} : memref<2x4x2x128xi32, #tpu.memory_space<vmem>>, vector<1x1x1x16xi32>,
      %swap3A_191 = vector.shape_cast %swap3A_190 : vector<1x1x1x16xi32> to vector<16xi32>
      %swap3A_192 = vector.shape_cast %select_n3A_182 : vector<16xi32> to vector<1x1x1x16xi32>
      tpu.vector_store %arg4[%swap3A_186, %swap3A_187, %swap3A_188, %swap3A_189], %swap3A_192 {strides = array<i32>} : memref<2x4x2x128xi32, #tpu.memory_space<vmem>>, vector<1x1x1x16xi32>,
      %get3A_193 = arith.constant 0 : i32
      %get3A_194 = arith.constant 0 : i32
      %get3A_195 = arith.constant 1 : i32
      %get3A_196 = arith.index_cast %get3A_193 : i32 to index
      %get3A_197 = arith.index_cast %get3A_194 : i32 to index
      %get3A_198 = arith.index_cast %get3A_195 : i32 to index
      %get3A_199 = arith.constant 32 : index
      %get3A_200 = tpu.vector_load %arg4[%get3A_196, %get3A_197, %get3A_198, %get3A_199] {strides = array<i32>} : memref<2x4x2x128xi32, #tpu.memory_space<vmem>>, vector<1x1x1x16xi32>,
      %get3A_201 = vector.shape_cast %get3A_200 : vector<1x1x1x16xi32> to vector<16xi32>
      %ge3A_202 = vector.broadcast %mul3A_0 : i32 to vector<16xi32>
      %ge3A_203 = arith.cmpi sge, %get3A_201, %ge3A_202 : vector<16xi32>
      %add3A_204 = arith.constant 25088 : i32
      %add3A_205 = arith.addi %mul3A_0, %add3A_204 : i32
      %lt3A_206 = vector.broadcast %add3A_205 : i32 to vector<16xi32>
      %lt3A_207 = arith.cmpi slt, %get3A_201, %lt3A_206 : vector<16xi32>
      %and3A_208 = arith.andi %ge3A_203, %lt3A_207 : vector<16xi1>
      %sub3A_209 = vector.broadcast %mul3A_0 : i32 to vector<16xi32>
      %sub3A_210 = arith.subi %get3A_201, %sub3A_209 : vector<16xi32>
      %and3A_211 = arith.constant 255 : i32
      %and3A_212 = vector.broadcast %and3A_211 : i32 to vector<16xi32>
      %and3A_213 = arith.andi %get3A_201, %and3A_212 : vector<16xi32>
      %add3A_214 = arith.constant 25088 : i32
      %add3A_215 = vector.broadcast %add3A_214 : i32 to vector<16xi32>
      %add3A_216 = arith.addi %add3A_215, %and3A_213 : vector<16xi32>
      %select_n3A_217 = arith.select %and3A_208, %sub3A_210, %add3A_216 : vector<16xi1>, vector<16xi32>
      %swap3A_218 = arith.constant 0 : i32
      %swap3A_219 = arith.constant 0 : i32
      %swap3A_220 = arith.constant 1 : i32
      %swap3A_221 = arith.index_cast %swap3A_218 : i32 to index
      %swap3A_222 = arith.index_cast %swap3A_219 : i32 to index
      %swap3A_223 = arith.index_cast %swap3A_220 : i32 to index
      %swap3A_224 = arith.constant 32 : index
      %swap3A_225 = tpu.vector_load %arg4[%swap3A_221, %swap3A_222, %swap3A_223, %swap3A_224] {strides = array<i32>} : memref<2x4x2x128xi32, #tpu.memory_space<vmem>>, vector<1x1x1x16xi32>,
      %swap3A_226 = vector.shape_cast %swap3A_225 : vector<1x1x1x16xi32> to vector<16xi32>
      %swap3A_227 = vector.shape_cast %select_n3A_217 : vector<16xi32> to vector<1x1x1x16xi32>
      tpu.vector_store %arg4[%swap3A_221, %swap3A_222, %swap3A_223, %swap3A_224], %swap3A_227 {strides = array<i32>} : memref<2x4x2x128xi32, #tpu.memory_space<vmem>>, vector<1x1x1x16xi32>,
      %get3A_228 = arith.constant 0 : i32
      %get3A_229 = arith.constant 0 : i32
      %get3A_230 = arith.constant 1 : i32
      %get3A_231 = arith.index_cast %get3A_228 : i32 to index
      %get3A_232 = arith.index_cast %get3A_229 : i32 to index
      %get3A_233 = arith.index_cast %get3A_230 : i32 to index
      %get3A_234 = arith.constant 48 : index
      %get3A_235 = tpu.vector_load %arg4[%get3A_231, %get3A_232, %get3A_233, %get3A_234] {strides = array<i32>} : memref<2x4x2x128xi32, #tpu.memory_space<vmem>>, vector<1x1x1x16xi32>,
      %get3A_236 = vector.shape_cast %get3A_235 : vector<1x1x1x16xi32> to vector<16xi32>
      %ge3A_237 = vector.broadcast %mul3A_0 : i32 to vector<16xi32>
      %ge3A_238 = arith.cmpi sge, %get3A_236, %ge3A_237 : vector<16xi32>
      %add3A_239 = arith.constant 25088 : i32
      %add3A_240 = arith.addi %mul3A_0, %add3A_239 : i32
      %lt3A_241 = vector.broadcast %add3A_240 : i32 to vector<16xi32>
      %lt3A_242 = arith.cmpi slt, %get3A_236, %lt3A_241 : vector<16xi32>
      %and3A_243 = arith.andi %ge3A_238, %lt3A_242 : vector<16xi1>
      %sub3A_244 = vector.broadcast %mul3A_0 : i32 to vector<16xi32>
      %sub3A_245 = arith.subi %get3A_236, %sub3A_244 : vector<16xi32>
      %and3A_246 = arith.constant 255 : i32
      %and3A_247 = vector.broadcast %and3A_246 : i32 to vector<16xi32>
      %and3A_248 = arith.andi %get3A_236, %and3A_247 : vector<16xi32>
      %add3A_249 = arith.constant 25088 : i32
      %add3A_250 = vector.broadcast %add3A_249 : i32 to vector<16xi32>
      %add3A_251 = arith.addi %add3A_250, %and3A_248 : vector<16xi32>
      %select_n3A_252 = arith.select %and3A_243, %sub3A_245, %add3A_251 : vector<16xi1>, vector<16xi32>
      %swap3A_253 = arith.constant 0 : i32
      %swap3A_254 = arith.constant 0 : i32
      %swap3A_255 = arith.constant 1 : i32
      %swap3A_256 = arith.index_cast %swap3A_253 : i32 to index
      %swap3A_257 = arith.index_cast %swap3A_254 : i32 to index
      %swap3A_258 = arith.index_cast %swap3A_255 : i32 to index
      %swap3A_259 = arith.constant 48 : index
      %swap3A_260 = tpu.vector_load %arg4[%swap3A_256, %swap3A_257, %swap3A_258, %swap3A_259] {strides = array<i32>} : memref<2x4x2x128xi32, #tpu.memory_space<vmem>>, vector<1x1x1x16xi32>,
      %swap3A_261 = vector.shape_cast %swap3A_260 : vector<1x1x1x16xi32> to vector<16xi32>
      %swap3A_262 = vector.shape_cast %select_n3A_252 : vector<16xi32> to vector<1x1x1x16xi32>
      tpu.vector_store %arg4[%swap3A_256, %swap3A_257, %swap3A_258, %swap3A_259], %swap3A_262 {strides = array<i32>} : memref<2x4x2x128xi32, #tpu.memory_space<vmem>>, vector<1x1x1x16xi32>,
      %get3A_263 = arith.constant 0 : i32
      %get3A_264 = arith.constant 0 : i32
      %get3A_265 = arith.constant 1 : i32
      %get3A_266 = arith.index_cast %get3A_263 : i32 to index
      %get3A_267 = arith.index_cast %get3A_264 : i32 to index
      %get3A_268 = arith.index_cast %get3A_265 : i32 to index
      %get3A_269 = arith.constant 64 : index
      %get3A_270 = tpu.vector_load %arg4[%get3A_266, %get3A_267, %get3A_268, %get3A_269] {strides = array<i32>} : memref<2x4x2x128xi32, #tpu.memory_space<vmem>>, vector<1x1x1x16xi32>,
      %get3A_271 = vector.shape_cast %get3A_270 : vector<1x1x1x16xi32> to vector<16xi32>
      %ge3A_272 = vector.broadcast %mul3A_0 : i32 to vector<16xi32>
      %ge3A_273 = arith.cmpi sge, %get3A_271, %ge3A_272 : vector<16xi32>
      %add3A_274 = arith.constant 25088 : i32
      %add3A_275 = arith.addi %mul3A_0, %add3A_274 : i32
      %lt3A_276 = vector.broadcast %add3A_275 : i32 to vector<16xi32>
      %lt3A_277 = arith.cmpi slt, %get3A_271, %lt3A_276 : vector<16xi32>
      %and3A_278 = arith.andi %ge3A_273, %lt3A_277 : vector<16xi1>
      %sub3A_279 = vector.broadcast %mul3A_0 : i32 to vector<16xi32>
      %sub3A_280 = arith.subi %get3A_271, %sub3A_279 : vector<16xi32>
      %and3A_281 = arith.constant 255 : i32
      %and3A_282 = vector.broadcast %and3A_281 : i32 to vector<16xi32>
      %and3A_283 = arith.andi %get3A_271, %and3A_282 : vector<16xi32>
      %add3A_284 = arith.constant 25088 : i32
      %add3A_285 = vector.broadcast %add3A_284 : i32 to vector<16xi32>
      %add3A_286 = arith.addi %add3A_285, %and3A_283 : vector<16xi32>
      %select_n3A_287 = arith.select %and3A_278, %sub3A_280, %add3A_286 : vector<16xi1>, vector<16xi32>
      %swap3A_288 = arith.constant 0 : i32
      %swap3A_289 = arith.constant 0 : i32
      %swap3A_290 = arith.constant 1 : i32
      %swap3A_291 = arith.index_cast %swap3A_288 : i32 to index
      %swap3A_292 = arith.index_cast %swap3A_289 : i32 to index
      %swap3A_293 = arith.index_cast %swap3A_290 : i32 to index
      %swap3A_294 = arith.constant 64 : index
      %swap3A_295 = tpu.vector_load %arg4[%swap3A_291, %swap3A_292, %swap3A_293, %swap3A_294] {strides = array<i32>} : memref<2x4x2x128xi32, #tpu.memory_space<vmem>>, vector<1x1x1x16xi32>,
      %swap3A_296 = vector.shape_cast %swap3A_295 : vector<1x1x1x16xi32> to vector<16xi32>
      %swap3A_297 = vector.shape_cast %select_n3A_287 : vector<16xi32> to vector<1x1x1x16xi32>
      tpu.vector_store %arg4[%swap3A_291, %swap3A_292, %swap3A_293, %swap3A_294], %swap3A_297 {strides = array<i32>} : memref<2x4x2x128xi32, #tpu.memory_space<vmem>>, vector<1x1x1x16xi32>,
      %get3A_298 = arith.constant 0 : i32
      %get3A_299 = arith.constant 0 : i32
      %get3A_300 = arith.constant 1 : i32
      %get3A_301 = arith.index_cast %get3A_298 : i32 to index
      %get3A_302 = arith.index_cast %get3A_299 : i32 to index
      %get3A_303 = arith.index_cast %get3A_300 : i32 to index
      %get3A_304 = arith.constant 80 : index
      %get3A_305 = tpu.vector_load %arg4[%get3A_301, %get3A_302, %get3A_303, %get3A_304] {strides = array<i32>} : memref<2x4x2x128xi32, #tpu.memory_space<vmem>>, vector<1x1x1x16xi32>,
      %get3A_306 = vector.shape_cast %get3A_305 : vector<1x1x1x16xi32> to vector<16xi32>
      %ge3A_307 = vector.broadcast %mul3A_0 : i32 to vector<16xi32>
      %ge3A_308 = arith.cmpi sge, %get3A_306, %ge3A_307 : vector<16xi32>
      %add3A_309 = arith.constant 25088 : i32
      %add3A_310 = arith.addi %mul3A_0, %add3A_309 : i32
      %lt3A_311 = vector.broadcast %add3A_310 : i32 to vector<16xi32>
      %lt3A_312 = arith.cmpi slt, %get3A_306, %lt3A_311 : vector<16xi32>
      %and3A_313 = arith.andi %ge3A_308, %lt3A_312 : vector<16xi1>
      %sub3A_314 = vector.broadcast %mul3A_0 : i32 to vector<16xi32>
      %sub3A_315 = arith.subi %get3A_306, %sub3A_314 : vector<16xi32>
      %and3A_316 = arith.constant 255 : i32
      %and3A_317 = vector.broadcast %and3A_316 : i32 to vector<16xi32>
      %and3A_318 = arith.andi %get3A_306, %and3A_317 : vector<16xi32>
      %add3A_319 = arith.constant 25088 : i32
      %add3A_320 = vector.broadcast %add3A_319 : i32 to vector<16xi32>
      %add3A_321 = arith.addi %add3A_320, %and3A_318 : vector<16xi32>
      %select_n3A_322 = arith.select %and3A_313, %sub3A_315, %add3A_321 : vector<16xi1>, vector<16xi32>
      %swap3A_323 = arith.constant 0 : i32
      %swap3A_324 = arith.constant 0 : i32
      %swap3A_325 = arith.constant 1 : i32
      %swap3A_326 = arith.index_cast %swap3A_323 : i32 to index
      %swap3A_327 = arith.index_cast %swap3A_324 : i32 to index
      %swap3A_328 = arith.index_cast %swap3A_325 : i32 to index
      %swap3A_329 = arith.constant 80 : index
      %swap3A_330 = tpu.vector_load %arg4[%swap3A_326, %swap3A_327, %swap3A_328, %swap3A_329] {strides = array<i32>} : memref<2x4x2x128xi32, #tpu.memory_space<vmem>>, vector<1x1x1x16xi32>,
      %swap3A_331 = vector.shape_cast %swap3A_330 : vector<1x1x1x16xi32> to vector<16xi32>
      %swap3A_332 = vector.shape_cast %select_n3A_322 : vector<16xi32> to vector<1x1x1x16xi32>
      tpu.vector_store %arg4[%swap3A_326, %swap3A_327, %swap3A_328, %swap3A_329], %swap3A_332 {strides = array<i32>} : memref<2x4x2x128xi32, #tpu.memory_space<vmem>>, vector<1x1x1x16xi32>,
      %get3A_333 = arith.constant 0 : i32
      %get3A_334 = arith.constant 0 : i32
      %get3A_335 = arith.constant 1 : i32
      %get3A_336 = arith.index_cast %get3A_333 : i32 to index
      %get3A_337 = arith.index_cast %get3A_334 : i32 to index
      %get3A_338 = arith.index_cast %get3A_335 : i32 to index
      %get3A_339 = arith.constant 96 : index
      %get3A_340 = tpu.vector_load %arg4[%get3A_336, %get3A_337, %get3A_338, %get3A_339] {strides = array<i32>} : memref<2x4x2x128xi32, #tpu.memory_space<vmem>>, vector<1x1x1x16xi32>,
      %get3A_341 = vector.shape_cast %get3A_340 : vector<1x1x1x16xi32> to vector<16xi32>
      %ge3A_342 = vector.broadcast %mul3A_0 : i32 to vector<16xi32>
      %ge3A_343 = arith.cmpi sge, %get3A_341, %ge3A_342 : vector<16xi32>
      %add3A_344 = arith.constant 25088 : i32
      %add3A_345 = arith.addi %mul3A_0, %add3A_344 : i32
      %lt3A_346 = vector.broadcast %add3A_345 : i32 to vector<16xi32>
      %lt3A_347 = arith.cmpi slt, %get3A_341, %lt3A_346 : vector<16xi32>
      %and3A_348 = arith.andi %ge3A_343, %lt3A_347 : vector<16xi1>
      %sub3A_349 = vector.broadcast %mul3A_0 : i32 to vector<16xi32>
      %sub3A_350 = arith.subi %get3A_341, %sub3A_349 : vector<16xi32>
      %and3A_351 = arith.constant 255 : i32
      %and3A_352 = vector.broadcast %and3A_351 : i32 to vector<16xi32>
      %and3A_353 = arith.andi %get3A_341, %and3A_352 : vector<16xi32>
      %add3A_354 = arith.constant 25088 : i32
      %add3A_355 = vector.broadcast %add3A_354 : i32 to vector<16xi32>
      %add3A_356 = arith.addi %add3A_355, %and3A_353 : vector<16xi32>
      %select_n3A_357 = arith.select %and3A_348, %sub3A_350, %add3A_356 : vector<16xi1>, vector<16xi32>
      %swap3A_358 = arith.constant 0 : i32
      %swap3A_359 = arith.constant 0 : i32
      %swap3A_360 = arith.constant 1 : i32
      %swap3A_361 = arith.index_cast %swap3A_358 : i32 to index
      %swap3A_362 = arith.index_cast %swap3A_359 : i32 to index
      %swap3A_363 = arith.index_cast %swap3A_360 : i32 to index
      %swap3A_364 = arith.constant 96 : index
      %swap3A_365 = tpu.vector_load %arg4[%swap3A_361, %swap3A_362, %swap3A_363, %swap3A_364] {strides = array<i32>} : memref<2x4x2x128xi32, #tpu.memory_space<vmem>>, vector<1x1x1x16xi32>,
      %swap3A_366 = vector.shape_cast %swap3A_365 : vector<1x1x1x16xi32> to vector<16xi32>
      %swap3A_367 = vector.shape_cast %select_n3A_357 : vector<16xi32> to vector<1x1x1x16xi32>
      tpu.vector_store %arg4[%swap3A_361, %swap3A_362, %swap3A_363, %swap3A_364], %swap3A_367 {strides = array<i32>} : memref<2x4x2x128xi32, #tpu.memory_space<vmem>>, vector<1x1x1x16xi32>,
      %get3A_368 = arith.constant 0 : i32
      %get3A_369 = arith.constant 0 : i32
      %get3A_370 = arith.constant 1 : i32
      %get3A_371 = arith.index_cast %get3A_368 : i32 to index
      %get3A_372 = arith.index_cast %get3A_369 : i32 to index
      %get3A_373 = arith.index_cast %get3A_370 : i32 to index
      %get3A_374 = arith.constant 112 : index
      %get3A_375 = tpu.vector_load %arg4[%get3A_371, %get3A_372, %get3A_373, %get3A_374] {strides = array<i32>} : memref<2x4x2x128xi32, #tpu.memory_space<vmem>>, vector<1x1x1x16xi32>,
      %get3A_376 = vector.shape_cast %get3A_375 : vector<1x1x1x16xi32> to vector<16xi32>
      %ge3A_377 = vector.broadcast %mul3A_0 : i32 to vector<16xi32>
      %ge3A_378 = arith.cmpi sge, %get3A_376, %ge3A_377 : vector<16xi32>
      %add3A_379 = arith.constant 25088 : i32
      %add3A_380 = arith.addi %mul3A_0, %add3A_379 : i32
      %lt3A_381 = vector.broadcast %add3A_380 : i32 to vector<16xi32>
      %lt3A_382 = arith.cmpi slt, %get3A_376, %lt3A_381 : vector<16xi32>
      %and3A_383 = arith.andi %ge3A_378, %lt3A_382 : vector<16xi1>
      %sub3A_384 = vector.broadcast %mul3A_0 : i32 to vector<16xi32>
      %sub3A_385 = arith.subi %get3A_376, %sub3A_384 : vector<16xi32>
      %and3A_386 = arith.constant 255 : i32
      %and3A_387 = vector.broadcast %and3A_386 : i32 to vector<16xi32>
      %and3A_388 = arith.andi %get3A_376, %and3A_387 : vector<16xi32>
      %add3A_389 = arith.constant 25088 : i32
      %add3A_390 = vector.broadcast %add3A_389 : i32 to vector<16xi32>
      %add3A_391 = arith.addi %add3A_390, %and3A_388 : vector<16xi32>
      %select_n3A_392 = arith.select %and3A_383, %sub3A_385, %add3A_391 : vector<16xi1>, vector<16xi32>
      %swap3A_393 = arith.constant 0 : i32
      %swap3A_394 = arith.constant 0 : i32
      %swap3A_395 = arith.constant 1 : i32
      %swap3A_396 = arith.index_cast %swap3A_393 : i32 to index
      %swap3A_397 = arith.index_cast %swap3A_394 : i32 to index
      %swap3A_398 = arith.index_cast %swap3A_395 : i32 to index
      %swap3A_399 = arith.constant 112 : index
      %swap3A_400 = tpu.vector_load %arg4[%swap3A_396, %swap3A_397, %swap3A_398, %swap3A_399] {strides = array<i32>} : memref<2x4x2x128xi32, #tpu.memory_space<vmem>>, vector<1x1x1x16xi32>,
      %swap3A_401 = vector.shape_cast %swap3A_400 : vector<1x1x1x16xi32> to vector<16xi32>
      %swap3A_402 = vector.shape_cast %select_n3A_392 : vector<16xi32> to vector<1x1x1x16xi32>
      tpu.vector_store %arg4[%swap3A_396, %swap3A_397, %swap3A_398, %swap3A_399], %swap3A_402 {strides = array<i32>} : memref<2x4x2x128xi32, #tpu.memory_space<vmem>>, vector<1x1x1x16xi32>,
      %get3A_403 = arith.constant 0 : i32
      %get3A_404 = arith.constant 1 : i32
      %get3A_405 = arith.constant 1 : i32
      %get3A_406 = arith.index_cast %get3A_403 : i32 to index
      %get3A_407 = arith.index_cast %get3A_404 : i32 to index
      %get3A_408 = arith.index_cast %get3A_405 : i32 to index
      %get3A_409 = arith.constant 0 : index
      %get3A_410 = tpu.vector_load %arg4[%get3A_406, %get3A_407, %get3A_408, %get3A_409] {strides = array<i32>} : memref<2x4x2x128xi32, #tpu.memory_space<vmem>>, vector<1x1x1x16xi32>,
      %get3A_411 = vector.shape_cast %get3A_410 : vector<1x1x1x16xi32> to vector<16xi32>
      %ge3A_412 = vector.broadcast %mul3A_0 : i32 to vector<16xi32>
      %ge3A_413 = arith.cmpi sge, %get3A_411, %ge3A_412 : vector<16xi32>
      %add3A_414 = arith.constant 25088 : i32
      %add3A_415 = arith.addi %mul3A_0, %add3A_414 : i32
      %lt3A_416 = vector.broadcast %add3A_415 : i32 to vector<16xi32>
      %lt3A_417 = arith.cmpi slt, %get3A_411, %lt3A_416 : vector<16xi32>
      %and3A_418 = arith.andi %ge3A_413, %lt3A_417 : vector<16xi1>
      %sub3A_419 = vector.broadcast %mul3A_0 : i32 to vector<16xi32>
      %sub3A_420 = arith.subi %get3A_411, %sub3A_419 : vector<16xi32>
      %and3A_421 = arith.constant 255 : i32
      %and3A_422 = vector.broadcast %and3A_421 : i32 to vector<16xi32>
      %and3A_423 = arith.andi %get3A_411, %and3A_422 : vector<16xi32>
      %add3A_424 = arith.constant 25088 : i32
      %add3A_425 = vector.broadcast %add3A_424 : i32 to vector<16xi32>
      %add3A_426 = arith.addi %add3A_425, %and3A_423 : vector<16xi32>
      %select_n3A_427 = arith.select %and3A_418, %sub3A_420, %add3A_426 : vector<16xi1>, vector<16xi32>
      %swap3A_428 = arith.constant 0 : i32
      %swap3A_429 = arith.constant 1 : i32
      %swap3A_430 = arith.constant 1 : i32
      %swap3A_431 = arith.index_cast %swap3A_428 : i32 to index
      %swap3A_432 = arith.index_cast %swap3A_429 : i32 to index
      %swap3A_433 = arith.index_cast %swap3A_430 : i32 to index
      %swap3A_434 = arith.constant 0 : index
      %swap3A_435 = tpu.vector_load %arg4[%swap3A_431, %swap3A_432, %swap3A_433, %swap3A_434] {strides = array<i32>} : memref<2x4x2x128xi32, #tpu.memory_space<vmem>>, vector<1x1x1x16xi32>,
      %swap3A_436 = vector.shape_cast %swap3A_435 : vector<1x1x1x16xi32> to vector<16xi32>
      %swap3A_437 = vector.shape_cast %select_n3A_427 : vector<16xi32> to vector<1x1x1x16xi32>
      tpu.vector_store %arg4[%swap3A_431, %swap3A_432, %swap3A_433, %swap3A_434], %swap3A_437 {strides = array<i32>} : memref<2x4x2x128xi32, #tpu.memory_space<vmem>>, vector<1x1x1x16xi32>,
      %get3A_438 = arith.constant 0 : i32
      %get3A_439 = arith.constant 1 : i32
      %get3A_440 = arith.constant 1 : i32
      %get3A_441 = arith.index_cast %get3A_438 : i32 to index
      %get3A_442 = arith.index_cast %get3A_439 : i32 to index
      %get3A_443 = arith.index_cast %get3A_440 : i32 to index
      %get3A_444 = arith.constant 16 : index
      %get3A_445 = tpu.vector_load %arg4[%get3A_441, %get3A_442, %get3A_443, %get3A_444] {strides = array<i32>} : memref<2x4x2x128xi32, #tpu.memory_space<vmem>>, vector<1x1x1x16xi32>,
      %get3A_446 = vector.shape_cast %get3A_445 : vector<1x1x1x16xi32> to vector<16xi32>
      %ge3A_447 = vector.broadcast %mul3A_0 : i32 to vector<16xi32>
      %ge3A_448 = arith.cmpi sge, %get3A_446, %ge3A_447 : vector<16xi32>
      %add3A_449 = arith.constant 25088 : i32
      %add3A_450 = arith.addi %mul3A_0, %add3A_449 : i32
      %lt3A_451 = vector.broadcast %add3A_450 : i32 to vector<16xi32>
      %lt3A_452 = arith.cmpi slt, %get3A_446, %lt3A_451 : vector<16xi32>
      %and3A_453 = arith.andi %ge3A_448, %lt3A_452 : vector<16xi1>
      %sub3A_454 = vector.broadcast %mul3A_0 : i32 to vector<16xi32>
      %sub3A_455 = arith.subi %get3A_446, %sub3A_454 : vector<16xi32>
      %and3A_456 = arith.constant 255 : i32
      %and3A_457 = vector.broadcast %and3A_456 : i32 to vector<16xi32>
      %and3A_458 = arith.andi %get3A_446, %and3A_457 : vector<16xi32>
      %add3A_459 = arith.constant 25088 : i32
      %add3A_460 = vector.broadcast %add3A_459 : i32 to vector<16xi32>
      %add3A_461 = arith.addi %add3A_460, %and3A_458 : vector<16xi32>
      %select_n3A_462 = arith.select %and3A_453, %sub3A_455, %add3A_461 : vector<16xi1>, vector<16xi32>
      %swap3A_463 = arith.constant 0 : i32
      %swap3A_464 = arith.constant 1 : i32
      %swap3A_465 = arith.constant 1 : i32
      %swap3A_466 = arith.index_cast %swap3A_463 : i32 to index
      %swap3A_467 = arith.index_cast %swap3A_464 : i32 to index
      %swap3A_468 = arith.index_cast %swap3A_465 : i32 to index
      %swap3A_469 = arith.constant 16 : index
      %swap3A_470 = tpu.vector_load %arg4[%swap3A_466, %swap3A_467, %swap3A_468, %swap3A_469] {strides = array<i32>} : memref<2x4x2x128xi32, #tpu.memory_space<vmem>>, vector<1x1x1x16xi32>,
      %swap3A_471 = vector.shape_cast %swap3A_470 : vector<1x1x1x16xi32> to vector<16xi32>
      %swap3A_472 = vector.shape_cast %select_n3A_462 : vector<16xi32> to vector<1x1x1x16xi32>
      tpu.vector_store %arg4[%swap3A_466, %swap3A_467, %swap3A_468, %swap3A_469], %swap3A_472 {strides = array<i32>} : memref<2x4x2x128xi32, #tpu.memory_space<vmem>>, vector<1x1x1x16xi32>,
      %get3A_473 = arith.constant 0 : i32
      %get3A_474 = arith.constant 1 : i32
      %get3A_475 = arith.constant 1 : i32
      %get3A_476 = arith.index_cast %get3A_473 : i32 to index
      %get3A_477 = arith.index_cast %get3A_474 : i32 to index
      %get3A_478 = arith.index_cast %get3A_475 : i32 to index
      %get3A_479 = arith.constant 32 : index
      %get3A_480 = tpu.vector_load %arg4[%get3A_476, %get3A_477, %get3A_478, %get3A_479] {strides = array<i32>} : memref<2x4x2x128xi32, #tpu.memory_space<vmem>>, vector<1x1x1x16xi32>,
      %get3A_481 = vector.shape_cast %get3A_480 : vector<1x1x1x16xi32> to vector<16xi32>
      %ge3A_482 = vector.broadcast %mul3A_0 : i32 to vector<16xi32>
      %ge3A_483 = arith.cmpi sge, %get3A_481, %ge3A_482 : vector<16xi32>
      %add3A_484 = arith.constant 25088 : i32
      %add3A_485 = arith.addi %mul3A_0, %add3A_484 : i32
      %lt3A_486 = vector.broadcast %add3A_485 : i32 to vector<16xi32>
      %lt3A_487 = arith.cmpi slt, %get3A_481, %lt3A_486 : vector<16xi32>
      %and3A_488 = arith.andi %ge3A_483, %lt3A_487 : vector<16xi1>
      %sub3A_489 = vector.broadcast %mul3A_0 : i32 to vector<16xi32>
      %sub3A_490 = arith.subi %get3A_481, %sub3A_489 : vector<16xi32>
      %and3A_491 = arith.constant 255 : i32
      %and3A_492 = vector.broadcast %and3A_491 : i32 to vector<16xi32>
      %and3A_493 = arith.andi %get3A_481, %and3A_492 : vector<16xi32>
      %add3A_494 = arith.constant 25088 : i32
      %add3A_495 = vector.broadcast %add3A_494 : i32 to vector<16xi32>
      %add3A_496 = arith.addi %add3A_495, %and3A_493 : vector<16xi32>
      %select_n3A_497 = arith.select %and3A_488, %sub3A_490, %add3A_496 : vector<16xi1>, vector<16xi32>
      %swap3A_498 = arith.constant 0 : i32
      %swap3A_499 = arith.constant 1 : i32
      %swap3A_500 = arith.constant 1 : i32
      %swap3A_501 = arith.index_cast %swap3A_498 : i32 to index
      %swap3A_502 = arith.index_cast %swap3A_499 : i32 to index
      %swap3A_503 = arith.index_cast %swap3A_500 : i32 to index
      %swap3A_504 = arith.constant 32 : index
      %swap3A_505 = tpu.vector_load %arg4[%swap3A_501, %swap3A_502, %swap3A_503, %swap3A_504] {strides = array<i32>} : memref<2x4x2x128xi32, #tpu.memory_space<vmem>>, vector<1x1x1x16xi32>,
      %swap3A_506 = vector.shape_cast %swap3A_505 : vector<1x1x1x16xi32> to vector<16xi32>
      %swap3A_507 = vector.shape_cast %select_n3A_497 : vector<16xi32> to vector<1x1x1x16xi32>
      tpu.vector_store %arg4[%swap3A_501, %swap3A_502, %swap3A_503, %swap3A_504], %swap3A_507 {strides = array<i32>} : memref<2x4x2x128xi32, #tpu.memory_space<vmem>>, vector<1x1x1x16xi32>,
      %get3A_508 = arith.constant 0 : i32
      %get3A_509 = arith.constant 1 : i32
      %get3A_510 = arith.constant 1 : i32
      %get3A_511 = arith.index_cast %get3A_508 : i32 to index
      %get3A_512 = arith.index_cast %get3A_509 : i32 to index
      %get3A_513 = arith.index_cast %get3A_510 : i32 to index
      %get3A_514 = arith.constant 48 : index
      %get3A_515 = tpu.vector_load %arg4[%get3A_511, %get3A_512, %get3A_513, %get3A_514] {strides = array<i32>} : memref<2x4x2x128xi32, #tpu.memory_space<vmem>>, vector<1x1x1x16xi32>,
      %get3A_516 = vector.shape_cast %get3A_515 : vector<1x1x1x16xi32> to vector<16xi32>
      %ge3A_517 = vector.broadcast %mul3A_0 : i32 to vector<16xi32>
      %ge3A_518 = arith.cmpi sge, %get3A_516, %ge3A_517 : vector<16xi32>
      %add3A_519 = arith.constant 25088 : i32
      %add3A_520 = arith.addi %mul3A_0, %add3A_519 : i32
      %lt3A_521 = vector.broadcast %add3A_520 : i32 to vector<16xi32>
      %lt3A_522 = arith.cmpi slt, %get3A_516, %lt3A_521 : vector<16xi32>
      %and3A_523 = arith.andi %ge3A_518, %lt3A_522 : vector<16xi1>
      %sub3A_524 = vector.broadcast %mul3A_0 : i32 to vector<16xi32>
      %sub3A_525 = arith.subi %get3A_516, %sub3A_524 : vector<16xi32>
      %and3A_526 = arith.constant 255 : i32
      %and3A_527 = vector.broadcast %and3A_526 : i32 to vector<16xi32>
      %and3A_528 = arith.andi %get3A_516, %and3A_527 : vector<16xi32>
      %add3A_529 = arith.constant 25088 : i32
      %add3A_530 = vector.broadcast %add3A_529 : i32 to vector<16xi32>
      %add3A_531 = arith.addi %add3A_530, %and3A_528 : vector<16xi32>
      %select_n3A_532 = arith.select %and3A_523, %sub3A_525, %add3A_531 : vector<16xi1>, vector<16xi32>
      %swap3A_533 = arith.constant 0 : i32
      %swap3A_534 = arith.constant 1 : i32
      %swap3A_535 = arith.constant 1 : i32
      %swap3A_536 = arith.index_cast %swap3A_533 : i32 to index
      %swap3A_537 = arith.index_cast %swap3A_534 : i32 to index
      %swap3A_538 = arith.index_cast %swap3A_535 : i32 to index
      %swap3A_539 = arith.constant 48 : index
      %swap3A_540 = tpu.vector_load %arg4[%swap3A_536, %swap3A_537, %swap3A_538, %swap3A_539] {strides = array<i32>} : memref<2x4x2x128xi32, #tpu.memory_space<vmem>>, vector<1x1x1x16xi32>,
      %swap3A_541 = vector.shape_cast %swap3A_540 : vector<1x1x1x16xi32> to vector<16xi32>
      %swap3A_542 = vector.shape_cast %select_n3A_532 : vector<16xi32> to vector<1x1x1x16xi32>
      tpu.vector_store %arg4[%swap3A_536, %swap3A_537, %swap3A_538, %swap3A_539], %swap3A_542 {strides = array<i32>} : memref<2x4x2x128xi32, #tpu.memory_space<vmem>>, vector<1x1x1x16xi32>,
      %get3A_543 = arith.constant 0 : i32
      %get3A_544 = arith.constant 1 : i32
      %get3A_545 = arith.constant 1 : i32
      %get3A_546 = arith.index_cast %get3A_543 : i32 to index
      %get3A_547 = arith.index_cast %get3A_544 : i32 to index
      %get3A_548 = arith.index_cast %get3A_545 : i32 to index
      %get3A_549 = arith.constant 64 : index
      %get3A_550 = tpu.vector_load %arg4[%get3A_546, %get3A_547, %get3A_548, %get3A_549] {strides = array<i32>} : memref<2x4x2x128xi32, #tpu.memory_space<vmem>>, vector<1x1x1x16xi32>,
      %get3A_551 = vector.shape_cast %get3A_550 : vector<1x1x1x16xi32> to vector<16xi32>
      %ge3A_552 = vector.broadcast %mul3A_0 : i32 to vector<16xi32>
      %ge3A_553 = arith.cmpi sge, %get3A_551, %ge3A_552 : vector<16xi32>
      %add3A_554 = arith.constant 25088 : i32
      %add3A_555 = arith.addi %mul3A_0, %add3A_554 : i32
      %lt3A_556 = vector.broadcast %add3A_555 : i32 to vector<16xi32>
      %lt3A_557 = arith.cmpi slt, %get3A_551, %lt3A_556 : vector<16xi32>
      %and3A_558 = arith.andi %ge3A_553, %lt3A_557 : vector<16xi1>
      %sub3A_559 = vector.broadcast %mul3A_0 : i32 to vector<16xi32>
      %sub3A_560 = arith.subi %get3A_551, %sub3A_559 : vector<16xi32>
      %and3A_561 = arith.constant 255 : i32
      %and3A_562 = vector.broadcast %and3A_561 : i32 to vector<16xi32>
      %and3A_563 = arith.andi %get3A_551, %and3A_562 : vector<16xi32>
      %add3A_564 = arith.constant 25088 : i32
      %add3A_565 = vector.broadcast %add3A_564 : i32 to vector<16xi32>
      %add3A_566 = arith.addi %add3A_565, %and3A_563 : vector<16xi32>
      %select_n3A_567 = arith.select %and3A_558, %sub3A_560, %add3A_566 : vector<16xi1>, vector<16xi32>
      %swap3A_568 = arith.constant 0 : i32
      %swap3A_569 = arith.constant 1 : i32
      %swap3A_570 = arith.constant 1 : i32
      %swap3A_571 = arith.index_cast %swap3A_568 : i32 to index
      %swap3A_572 = arith.index_cast %swap3A_569 : i32 to index
      %swap3A_573 = arith.index_cast %swap3A_570 : i32 to index
      %swap3A_574 = arith.constant 64 : index
      %swap3A_575 = tpu.vector_load %arg4[%swap3A_571, %swap3A_572, %swap3A_573, %swap3A_574] {strides = array<i32>} : memref<2x4x2x128xi32, #tpu.memory_space<vmem>>, vector<1x1x1x16xi32>,
      %swap3A_576 = vector.shape_cast %swap3A_575 : vector<1x1x1x16xi32> to vector<16xi32>
      %swap3A_577 = vector.shape_cast %select_n3A_567 : vector<16xi32> to vector<1x1x1x16xi32>
      tpu.vector_store %arg4[%swap3A_571, %swap3A_572, %swap3A_573, %swap3A_574], %swap3A_577 {strides = array<i32>} : memref<2x4x2x128xi32, #tpu.memory_space<vmem>>, vector<1x1x1x16xi32>,
      %get3A_578 = arith.constant 0 : i32
      %get3A_579 = arith.constant 1 : i32
      %get3A_580 = arith.constant 1 : i32
      %get3A_581 = arith.index_cast %get3A_578 : i32 to index
      %get3A_582 = arith.index_cast %get3A_579 : i32 to index
      %get3A_583 = arith.index_cast %get3A_580 : i32 to index
      %get3A_584 = arith.constant 80 : index
      %get3A_585 = tpu.vector_load %arg4[%get3A_581, %get3A_582, %get3A_583, %get3A_584] {strides = array<i32>} : memref<2x4x2x128xi32, #tpu.memory_space<vmem>>, vector<1x1x1x16xi32>,
      %get3A_586 = vector.shape_cast %get3A_585 : vector<1x1x1x16xi32> to vector<16xi32>
      %ge3A_587 = vector.broadcast %mul3A_0 : i32 to vector<16xi32>
      %ge3A_588 = arith.cmpi sge, %get3A_586, %ge3A_587 : vector<16xi32>
      %add3A_589 = arith.constant 25088 : i32
      %add3A_590 = arith.addi %mul3A_0, %add3A_589 : i32
      %lt3A_591 = vector.broadcast %add3A_590 : i32 to vector<16xi32>
      %lt3A_592 = arith.cmpi slt, %get3A_586, %lt3A_591 : vector<16xi32>
      %and3A_593 = arith.andi %ge3A_588, %lt3A_592 : vector<16xi1>
      %sub3A_594 = vector.broadcast %mul3A_0 : i32 to vector<16xi32>
      %sub3A_595 = arith.subi %get3A_586, %sub3A_594 : vector<16xi32>
      %and3A_596 = arith.constant 255 : i32
      %and3A_597 = vector.broadcast %and3A_596 : i32 to vector<16xi32>
      %and3A_598 = arith.andi %get3A_586, %and3A_597 : vector<16xi32>
      %add3A_599 = arith.constant 25088 : i32
      %add3A_600 = vector.broadcast %add3A_599 : i32 to vector<16xi32>
      %add3A_601 = arith.addi %add3A_600, %and3A_598 : vector<16xi32>
      %select_n3A_602 = arith.select %and3A_593, %sub3A_595, %add3A_601 : vector<16xi1>, vector<16xi32>
      %swap3A_603 = arith.constant 0 : i32
      %swap3A_604 = arith.constant 1 : i32
      %swap3A_605 = arith.constant 1 : i32
      %swap3A_606 = arith.index_cast %swap3A_603 : i32 to index
      %swap3A_607 = arith.index_cast %swap3A_604 : i32 to index
      %swap3A_608 = arith.index_cast %swap3A_605 : i32 to index
      %swap3A_609 = arith.constant 80 : index
      %swap3A_610 = tpu.vector_load %arg4[%swap3A_606, %swap3A_607, %swap3A_608, %swap3A_609] {strides = array<i32>} : memref<2x4x2x128xi32, #tpu.memory_space<vmem>>, vector<1x1x1x16xi32>,
      %swap3A_611 = vector.shape_cast %swap3A_610 : vector<1x1x1x16xi32> to vector<16xi32>
      %swap3A_612 = vector.shape_cast %select_n3A_602 : vector<16xi32> to vector<1x1x1x16xi32>
      tpu.vector_store %arg4[%swap3A_606, %swap3A_607, %swap3A_608, %swap3A_609], %swap3A_612 {strides = array<i32>} : memref<2x4x2x128xi32, #tpu.memory_space<vmem>>, vector<1x1x1x16xi32>,
      %get3A_613 = arith.constant 0 : i32
      %get3A_614 = arith.constant 1 : i32
      %get3A_615 = arith.constant 1 : i32
      %get3A_616 = arith.index_cast %get3A_613 : i32 to index
      %get3A_617 = arith.index_cast %get3A_614 : i32 to index
      %get3A_618 = arith.index_cast %get3A_615 : i32 to index
      %get3A_619 = arith.constant 96 : index
      %get3A_620 = tpu.vector_load %arg4[%get3A_616, %get3A_617, %get3A_618, %get3A_619] {strides = array<i32>} : memref<2x4x2x128xi32, #tpu.memory_space<vmem>>, vector<1x1x1x16xi32>,
      %get3A_621 = vector.shape_cast %get3A_620 : vector<1x1x1x16xi32> to vector<16xi32>
      %ge3A_622 = vector.broadcast %mul3A_0 : i32 to vector<16xi32>
      %ge3A_623 = arith.cmpi sge, %get3A_621, %ge3A_622 : vector<16xi32>
      %add3A_624 = arith.constant 25088 : i32
      %add3A_625 = arith.addi %mul3A_0, %add3A_624 : i32
      %lt3A_626 = vector.broadcast %add3A_625 : i32 to vector<16xi32>
      %lt3A_627 = arith.cmpi slt, %get3A_621, %lt3A_626 : vector<16xi32>
      %and3A_628 = arith.andi %ge3A_623, %lt3A_627 : vector<16xi1>
      %sub3A_629 = vector.broadcast %mul3A_0 : i32 to vector<16xi32>
      %sub3A_630 = arith.subi %get3A_621, %sub3A_629 : vector<16xi32>
      %and3A_631 = arith.constant 255 : i32
      %and3A_632 = vector.broadcast %and3A_631 : i32 to vector<16xi32>
      %and3A_633 = arith.andi %get3A_621, %and3A_632 : vector<16xi32>
      %add3A_634 = arith.constant 25088 : i32
      %add3A_635 = vector.broadcast %add3A_634 : i32 to vector<16xi32>
      %add3A_636 = arith.addi %add3A_635, %and3A_633 : vector<16xi32>
      %select_n3A_637 = arith.select %and3A_628, %sub3A_630, %add3A_636 : vector<16xi1>, vector<16xi32>
      %swap3A_638 = arith.constant 0 : i32
      %swap3A_639 = arith.constant 1 : i32
      %swap3A_640 = arith.constant 1 : i32
      %swap3A_641 = arith.index_cast %swap3A_638 : i32 to index
      %swap3A_642 = arith.index_cast %swap3A_639 : i32 to index
      %swap3A_643 = arith.index_cast %swap3A_640 : i32 to index
      %swap3A_644 = arith.constant 96 : index
      %swap3A_645 = tpu.vector_load %arg4[%swap3A_641, %swap3A_642, %swap3A_643, %swap3A_644] {strides = array<i32>} : memref<2x4x2x128xi32, #tpu.memory_space<vmem>>, vector<1x1x1x16xi32>,
      %swap3A_646 = vector.shape_cast %swap3A_645 : vector<1x1x1x16xi32> to vector<16xi32>
      %swap3A_647 = vector.shape_cast %select_n3A_637 : vector<16xi32> to vector<1x1x1x16xi32>
      tpu.vector_store %arg4[%swap3A_641, %swap3A_642, %swap3A_643, %swap3A_644], %swap3A_647 {strides = array<i32>} : memref<2x4x2x128xi32, #tpu.memory_space<vmem>>, vector<1x1x1x16xi32>,
      %get3A_648 = arith.constant 0 : i32
      %get3A_649 = arith.constant 1 : i32
      %get3A_650 = arith.constant 1 : i32
      %get3A_651 = arith.index_cast %get3A_648 : i32 to index
      %get3A_652 = arith.index_cast %get3A_649 : i32 to index
      %get3A_653 = arith.index_cast %get3A_650 : i32 to index
      %get3A_654 = arith.constant 112 : index
      %get3A_655 = tpu.vector_load %arg4[%get3A_651, %get3A_652, %get3A_653, %get3A_654] {strides = array<i32>} : memref<2x4x2x128xi32, #tpu.memory_space<vmem>>, vector<1x1x1x16xi32>,
      %get3A_656 = vector.shape_cast %get3A_655 : vector<1x1x1x16xi32> to vector<16xi32>
      %ge3A_657 = vector.broadcast %mul3A_0 : i32 to vector<16xi32>
      %ge3A_658 = arith.cmpi sge, %get3A_656, %ge3A_657 : vector<16xi32>
      %add3A_659 = arith.constant 25088 : i32
      %add3A_660 = arith.addi %mul3A_0, %add3A_659 : i32
      %lt3A_661 = vector.broadcast %add3A_660 : i32 to vector<16xi32>
      %lt3A_662 = arith.cmpi slt, %get3A_656, %lt3A_661 : vector<16xi32>
      %and3A_663 = arith.andi %ge3A_658, %lt3A_662 : vector<16xi1>
      %sub3A_664 = vector.broadcast %mul3A_0 : i32 to vector<16xi32>
      %sub3A_665 = arith.subi %get3A_656, %sub3A_664 : vector<16xi32>
      %and3A_666 = arith.constant 255 : i32
      %and3A_667 = vector.broadcast %and3A_666 : i32 to vector<16xi32>
      %and3A_668 = arith.andi %get3A_656, %and3A_667 : vector<16xi32>
      %add3A_669 = arith.constant 25088 : i32
      %add3A_670 = vector.broadcast %add3A_669 : i32 to vector<16xi32>
      %add3A_671 = arith.addi %add3A_670, %and3A_668 : vector<16xi32>
      %select_n3A_672 = arith.select %and3A_663, %sub3A_665, %add3A_671 : vector<16xi1>, vector<16xi32>
      %swap3A_673 = arith.constant 0 : i32
      %swap3A_674 = arith.constant 1 : i32
      %swap3A_675 = arith.constant 1 : i32
      %swap3A_676 = arith.index_cast %swap3A_673 : i32 to index
      %swap3A_677 = arith.index_cast %swap3A_674 : i32 to index
      %swap3A_678 = arith.index_cast %swap3A_675 : i32 to index
      %swap3A_679 = arith.constant 112 : index
      %swap3A_680 = tpu.vector_load %arg4[%swap3A_676, %swap3A_677, %swap3A_678, %swap3A_679] {strides = array<i32>} : memref<2x4x2x128xi32, #tpu.memory_space<vmem>>, vector<1x1x1x16xi32>,
      %swap3A_681 = vector.shape_cast %swap3A_680 : vector<1x1x1x16xi32> to vector<16xi32>
      %swap3A_682 = vector.shape_cast %select_n3A_672 : vector<16xi32> to vector<1x1x1x16xi32>
      tpu.vector_store %arg4[%swap3A_676, %swap3A_677, %swap3A_678, %swap3A_679], %swap3A_682 {strides = array<i32>} : memref<2x4x2x128xi32, #tpu.memory_space<vmem>>, vector<1x1x1x16xi32>,
      %get3A_683 = arith.constant 0 : i32
      %get3A_684 = arith.constant 2 : i32
      %get3A_685 = arith.constant 1 : i32
      %get3A_686 = arith.index_cast %get3A_683 : i32 to index
      %get3A_687 = arith.index_cast %get3A_684 : i32 to index
      %get3A_688 = arith.index_cast %get3A_685 : i32 to index
      %get3A_689 = arith.constant 0 : index
      %get3A_690 = tpu.vector_load %arg4[%get3A_686, %get3A_687, %get3A_688, %get3A_689] {strides = array<i32>} : memref<2x4x2x128xi32, #tpu.memory_space<vmem>>, vector<1x1x1x16xi32>,
      %get3A_691 = vector.shape_cast %get3A_690 : vector<1x1x1x16xi32> to vector<16xi32>
      %ge3A_692 = vector.broadcast %mul3A_0 : i32 to vector<16xi32>
      %ge3A_693 = arith.cmpi sge, %get3A_691, %ge3A_692 : vector<16xi32>
      %add3A_694 = arith.constant 25088 : i32
      %add3A_695 = arith.addi %mul3A_0, %add3A_694 : i32
      %lt3A_696 = vector.broadcast %add3A_695 : i32 to vector<16xi32>
      %lt3A_697 = arith.cmpi slt, %get3A_691, %lt3A_696 : vector<16xi32>
      %and3A_698 = arith.andi %ge3A_693, %lt3A_697 : vector<16xi1>
      %sub3A_699 = vector.broadcast %mul3A_0 : i32 to vector<16xi32>
      %sub3A_700 = arith.subi %get3A_691, %sub3A_699 : vector<16xi32>
      %and3A_701 = arith.constant 255 : i32
      %and3A_702 = vector.broadcast %and3A_701 : i32 to vector<16xi32>
      %and3A_703 = arith.andi %get3A_691, %and3A_702 : vector<16xi32>
      %add3A_704 = arith.constant 25088 : i32
      %add3A_705 = vector.broadcast %add3A_704 : i32 to vector<16xi32>
      %add3A_706 = arith.addi %add3A_705, %and3A_703 : vector<16xi32>
      %select_n3A_707 = arith.select %and3A_698, %sub3A_700, %add3A_706 : vector<16xi1>, vector<16xi32>
      %swap3A_708 = arith.constant 0 : i32
      %swap3A_709 = arith.constant 2 : i32
      %swap3A_710 = arith.constant 1 : i32
      %swap3A_711 = arith.index_cast %swap3A_708 : i32 to index
      %swap3A_712 = arith.index_cast %swap3A_709 : i32 to index
      %swap3A_713 = arith.index_cast %swap3A_710 : i32 to index
      %swap3A_714 = arith.constant 0 : index
      %swap3A_715 = tpu.vector_load %arg4[%swap3A_711, %swap3A_712, %swap3A_713, %swap3A_714] {strides = array<i32>} : memref<2x4x2x128xi32, #tpu.memory_space<vmem>>, vector<1x1x1x16xi32>,
      %swap3A_716 = vector.shape_cast %swap3A_715 : vector<1x1x1x16xi32> to vector<16xi32>
      %swap3A_717 = vector.shape_cast %select_n3A_707 : vector<16xi32> to vector<1x1x1x16xi32>
      tpu.vector_store %arg4[%swap3A_711, %swap3A_712, %swap3A_713, %swap3A_714], %swap3A_717 {strides = array<i32>} : memref<2x4x2x128xi32, #tpu.memory_space<vmem>>, vector<1x1x1x16xi32>,
      %get3A_718 = arith.constant 0 : i32
      %get3A_719 = arith.constant 2 : i32
      %get3A_720 = arith.constant 1 : i32
      %get3A_721 = arith.index_cast %get3A_718 : i32 to index
      %get3A_722 = arith.index_cast %get3A_719 : i32 to index
      %get3A_723 = arith.index_cast %get3A_720 : i32 to index
      %get3A_724 = arith.constant 16 : index
      %get3A_725 = tpu.vector_load %arg4[%get3A_721, %get3A_722, %get3A_723, %get3A_724] {strides = array<i32>} : memref<2x4x2x128xi32, #tpu.memory_space<vmem>>, vector<1x1x1x16xi32>,
      %get3A_726 = vector.shape_cast %get3A_725 : vector<1x1x1x16xi32> to vector<16xi32>
      %ge3A_727 = vector.broadcast %mul3A_0 : i32 to vector<16xi32>
      %ge3A_728 = arith.cmpi sge, %get3A_726, %ge3A_727 : vector<16xi32>
      %add3A_729 = arith.constant 25088 : i32
      %add3A_730 = arith.addi %mul3A_0, %add3A_729 : i32
      %lt3A_731 = vector.broadcast %add3A_730 : i32 to vector<16xi32>
      %lt3A_732 = arith.cmpi slt, %get3A_726, %lt3A_731 : vector<16xi32>
      %and3A_733 = arith.andi %ge3A_728, %lt3A_732 : vector<16xi1>
      %sub3A_734 = vector.broadcast %mul3A_0 : i32 to vector<16xi32>
      %sub3A_735 = arith.subi %get3A_726, %sub3A_734 : vector<16xi32>
      %and3A_736 = arith.constant 255 : i32
      %and3A_737 = vector.broadcast %and3A_736 : i32 to vector<16xi32>
      %and3A_738 = arith.andi %get3A_726, %and3A_737 : vector<16xi32>
      %add3A_739 = arith.constant 25088 : i32
      %add3A_740 = vector.broadcast %add3A_739 : i32 to vector<16xi32>
      %add3A_741 = arith.addi %add3A_740, %and3A_738 : vector<16xi32>
      %select_n3A_742 = arith.select %and3A_733, %sub3A_735, %add3A_741 : vector<16xi1>, vector<16xi32>
      %swap3A_743 = arith.constant 0 : i32
      %swap3A_744 = arith.constant 2 : i32
      %swap3A_745 = arith.constant 1 : i32
      %swap3A_746 = arith.index_cast %swap3A_743 : i32 to index
      %swap3A_747 = arith.index_cast %swap3A_744 : i32 to index
      %swap3A_748 = arith.index_cast %swap3A_745 : i32 to index
      %swap3A_749 = arith.constant 16 : index
      %swap3A_750 = tpu.vector_load %arg4[%swap3A_746, %swap3A_747, %swap3A_748, %swap3A_749] {strides = array<i32>} : memref<2x4x2x128xi32, #tpu.memory_space<vmem>>, vector<1x1x1x16xi32>,
      %swap3A_751 = vector.shape_cast %swap3A_750 : vector<1x1x1x16xi32> to vector<16xi32>
      %swap3A_752 = vector.shape_cast %select_n3A_742 : vector<16xi32> to vector<1x1x1x16xi32>
      tpu.vector_store %arg4[%swap3A_746, %swap3A_747, %swap3A_748, %swap3A_749], %swap3A_752 {strides = array<i32>} : memref<2x4x2x128xi32, #tpu.memory_space<vmem>>, vector<1x1x1x16xi32>,
      %get3A_753 = arith.constant 0 : i32
      %get3A_754 = arith.constant 2 : i32
      %get3A_755 = arith.constant 1 : i32
      %get3A_756 = arith.index_cast %get3A_753 : i32 to index
      %get3A_757 = arith.index_cast %get3A_754 : i32 to index
      %get3A_758 = arith.index_cast %get3A_755 : i32 to index
      %get3A_759 = arith.constant 32 : index
      %get3A_760 = tpu.vector_load %arg4[%get3A_756, %get3A_757, %get3A_758, %get3A_759] {strides = array<i32>} : memref<2x4x2x128xi32, #tpu.memory_space<vmem>>, vector<1x1x1x16xi32>,
      %get3A_761 = vector.shape_cast %get3A_760 : vector<1x1x1x16xi32> to vector<16xi32>
      %ge3A_762 = vector.broadcast %mul3A_0 : i32 to vector<16xi32>
      %ge3A_763 = arith.cmpi sge, %get3A_761, %ge3A_762 : vector<16xi32>
      %add3A_764 = arith.constant 25088 : i32
      %add3A_765 = arith.addi %mul3A_0, %add3A_764 : i32
      %lt3A_766 = vector.broadcast %add3A_765 : i32 to vector<16xi32>
      %lt3A_767 = arith.cmpi slt, %get3A_761, %lt3A_766 : vector<16xi32>
      %and3A_768 = arith.andi %ge3A_763, %lt3A_767 : vector<16xi1>
      %sub3A_769 = vector.broadcast %mul3A_0 : i32 to vector<16xi32>
      %sub3A_770 = arith.subi %get3A_761, %sub3A_769 : vector<16xi32>
      %and3A_771 = arith.constant 255 : i32
      %and3A_772 = vector.broadcast %and3A_771 : i32 to vector<16xi32>
      %and3A_773 = arith.andi %get3A_761, %and3A_772 : vector<16xi32>
      %add3A_774 = arith.constant 25088 : i32
      %add3A_775 = vector.broadcast %add3A_774 : i32 to vector<16xi32>
      %add3A_776 = arith.addi %add3A_775, %and3A_773 : vector<16xi32>
      %select_n3A_777 = arith.select %and3A_768, %sub3A_770, %add3A_776 : vector<16xi1>, vector<16xi32>
      %swap3A_778 = arith.constant 0 : i32
      %swap3A_779 = arith.constant 2 : i32
      %swap3A_780 = arith.constant 1 : i32
      %swap3A_781 = arith.index_cast %swap3A_778 : i32 to index
      %swap3A_782 = arith.index_cast %swap3A_779 : i32 to index
      %swap3A_783 = arith.index_cast %swap3A_780 : i32 to index
      %swap3A_784 = arith.constant 32 : index
      %swap3A_785 = tpu.vector_load %arg4[%swap3A_781, %swap3A_782, %swap3A_783, %swap3A_784] {strides = array<i32>} : memref<2x4x2x128xi32, #tpu.memory_space<vmem>>, vector<1x1x1x16xi32>,
      %swap3A_786 = vector.shape_cast %swap3A_785 : vector<1x1x1x16xi32> to vector<16xi32>
      %swap3A_787 = vector.shape_cast %select_n3A_777 : vector<16xi32> to vector<1x1x1x16xi32>
      tpu.vector_store %arg4[%swap3A_781, %swap3A_782, %swap3A_783, %swap3A_784], %swap3A_787 {strides = array<i32>} : memref<2x4x2x128xi32, #tpu.memory_space<vmem>>, vector<1x1x1x16xi32>,
      %get3A_788 = arith.constant 0 : i32
      %get3A_789 = arith.constant 2 : i32
      %get3A_790 = arith.constant 1 : i32
      %get3A_791 = arith.index_cast %get3A_788 : i32 to index
      %get3A_792 = arith.index_cast %get3A_789 : i32 to index
      %get3A_793 = arith.index_cast %get3A_790 : i32 to index
      %get3A_794 = arith.constant 48 : index
      %get3A_795 = tpu.vector_load %arg4[%get3A_791, %get3A_792, %get3A_793, %get3A_794] {strides = array<i32>} : memref<2x4x2x128xi32, #tpu.memory_space<vmem>>, vector<1x1x1x16xi32>,
      %get3A_796 = vector.shape_cast %get3A_795 : vector<1x1x1x16xi32> to vector<16xi32>
      %ge3A_797 = vector.broadcast %mul3A_0 : i32 to vector<16xi32>
      %ge3A_798 = arith.cmpi sge, %get3A_796, %ge3A_797 : vector<16xi32>
      %add3A_799 = arith.constant 25088 : i32
      %add3A_800 = arith.addi %mul3A_0, %add3A_799 : i32
      %lt3A_801 = vector.broadcast %add3A_800 : i32 to vector<16xi32>
      %lt3A_802 = arith.cmpi slt, %get3A_796, %lt3A_801 : vector<16xi32>
      %and3A_803 = arith.andi %ge3A_798, %lt3A_802 : vector<16xi1>
      %sub3A_804 = vector.broadcast %mul3A_0 : i32 to vector<16xi32>
      %sub3A_805 = arith.subi %get3A_796, %sub3A_804 : vector<16xi32>
      %and3A_806 = arith.constant 255 : i32
      %and3A_807 = vector.broadcast %and3A_806 : i32 to vector<16xi32>
      %and3A_808 = arith.andi %get3A_796, %and3A_807 : vector<16xi32>
      %add3A_809 = arith.constant 25088 : i32
      %add3A_810 = vector.broadcast %add3A_809 : i32 to vector<16xi32>
      %add3A_811 = arith.addi %add3A_810, %and3A_808 : vector<16xi32>
      %select_n3A_812 = arith.select %and3A_803, %sub3A_805, %add3A_811 : vector<16xi1>, vector<16xi32>
      %swap3A_813 = arith.constant 0 : i32
      %swap3A_814 = arith.constant 2 : i32
      %swap3A_815 = arith.constant 1 : i32
      %swap3A_816 = arith.index_cast %swap3A_813 : i32 to index
      %swap3A_817 = arith.index_cast %swap3A_814 : i32 to index
      %swap3A_818 = arith.index_cast %swap3A_815 : i32 to index
      %swap3A_819 = arith.constant 48 : index
      %swap3A_820 = tpu.vector_load %arg4[%swap3A_816, %swap3A_817, %swap3A_818, %swap3A_819] {strides = array<i32>} : memref<2x4x2x128xi32, #tpu.memory_space<vmem>>, vector<1x1x1x16xi32>,
      %swap3A_821 = vector.shape_cast %swap3A_820 : vector<1x1x1x16xi32> to vector<16xi32>
      %swap3A_822 = vector.shape_cast %select_n3A_812 : vector<16xi32> to vector<1x1x1x16xi32>
      tpu.vector_store %arg4[%swap3A_816, %swap3A_817, %swap3A_818, %swap3A_819], %swap3A_822 {strides = array<i32>} : memref<2x4x2x128xi32, #tpu.memory_space<vmem>>, vector<1x1x1x16xi32>,
      %get3A_823 = arith.constant 0 : i32
      %get3A_824 = arith.constant 2 : i32
      %get3A_825 = arith.constant 1 : i32
      %get3A_826 = arith.index_cast %get3A_823 : i32 to index
      %get3A_827 = arith.index_cast %get3A_824 : i32 to index
      %get3A_828 = arith.index_cast %get3A_825 : i32 to index
      %get3A_829 = arith.constant 64 : index
      %get3A_830 = tpu.vector_load %arg4[%get3A_826, %get3A_827, %get3A_828, %get3A_829] {strides = array<i32>} : memref<2x4x2x128xi32, #tpu.memory_space<vmem>>, vector<1x1x1x16xi32>,
      %get3A_831 = vector.shape_cast %get3A_830 : vector<1x1x1x16xi32> to vector<16xi32>
      %ge3A_832 = vector.broadcast %mul3A_0 : i32 to vector<16xi32>
      %ge3A_833 = arith.cmpi sge, %get3A_831, %ge3A_832 : vector<16xi32>
      %add3A_834 = arith.constant 25088 : i32
      %add3A_835 = arith.addi %mul3A_0, %add3A_834 : i32
      %lt3A_836 = vector.broadcast %add3A_835 : i32 to vector<16xi32>
      %lt3A_837 = arith.cmpi slt, %get3A_831, %lt3A_836 : vector<16xi32>
      %and3A_838 = arith.andi %ge3A_833, %lt3A_837 : vector<16xi1>
      %sub3A_839 = vector.broadcast %mul3A_0 : i32 to vector<16xi32>
      %sub3A_840 = arith.subi %get3A_831, %sub3A_839 : vector<16xi32>
      %and3A_841 = arith.constant 255 : i32
      %and3A_842 = vector.broadcast %and3A_841 : i32 to vector<16xi32>
      %and3A_843 = arith.andi %get3A_831, %and3A_842 : vector<16xi32>
      %add3A_844 = arith.constant 25088 : i32
      %add3A_845 = vector.broadcast %add3A_844 : i32 to vector<16xi32>
      %add3A_846 = arith.addi %add3A_845, %and3A_843 : vector<16xi32>
      %select_n3A_847 = arith.select %and3A_838, %sub3A_840, %add3A_846 : vector<16xi1>, vector<16xi32>
      %swap3A_848 = arith.constant 0 : i32
      %swap3A_849 = arith.constant 2 : i32
      %swap3A_850 = arith.constant 1 : i32
      %swap3A_851 = arith.index_cast %swap3A_848 : i32 to index
      %swap3A_852 = arith.index_cast %swap3A_849 : i32 to index
      %swap3A_853 = arith.index_cast %swap3A_850 : i32 to index
      %swap3A_854 = arith.constant 64 : index
      %swap3A_855 = tpu.vector_load %arg4[%swap3A_851, %swap3A_852, %swap3A_853, %swap3A_854] {strides = array<i32>} : memref<2x4x2x128xi32, #tpu.memory_space<vmem>>, vector<1x1x1x16xi32>,
      %swap3A_856 = vector.shape_cast %swap3A_855 : vector<1x1x1x16xi32> to vector<16xi32>
      %swap3A_857 = vector.shape_cast %select_n3A_847 : vector<16xi32> to vector<1x1x1x16xi32>
      tpu.vector_store %arg4[%swap3A_851, %swap3A_852, %swap3A_853, %swap3A_854], %swap3A_857 {strides = array<i32>} : memref<2x4x2x128xi32, #tpu.memory_space<vmem>>, vector<1x1x1x16xi32>,
      %get3A_858 = arith.constant 0 : i32
      %get3A_859 = arith.constant 2 : i32
      %get3A_860 = arith.constant 1 : i32
      %get3A_861 = arith.index_cast %get3A_858 : i32 to index
      %get3A_862 = arith.index_cast %get3A_859 : i32 to index
      %get3A_863 = arith.index_cast %get3A_860 : i32 to index
      %get3A_864 = arith.constant 80 : index
      %get3A_865 = tpu.vector_load %arg4[%get3A_861, %get3A_862, %get3A_863, %get3A_864] {strides = array<i32>} : memref<2x4x2x128xi32, #tpu.memory_space<vmem>>, vector<1x1x1x16xi32>,
      %get3A_866 = vector.shape_cast %get3A_865 : vector<1x1x1x16xi32> to vector<16xi32>
      %ge3A_867 = vector.broadcast %mul3A_0 : i32 to vector<16xi32>
      %ge3A_868 = arith.cmpi sge, %get3A_866, %ge3A_867 : vector<16xi32>
      %add3A_869 = arith.constant 25088 : i32
      %add3A_870 = arith.addi %mul3A_0, %add3A_869 : i32
      %lt3A_871 = vector.broadcast %add3A_870 : i32 to vector<16xi32>
      %lt3A_872 = arith.cmpi slt, %get3A_866, %lt3A_871 : vector<16xi32>
      %and3A_873 = arith.andi %ge3A_868, %lt3A_872 : vector<16xi1>
      %sub3A_874 = vector.broadcast %mul3A_0 : i32 to vector<16xi32>
      %sub3A_875 = arith.subi %get3A_866, %sub3A_874 : vector<16xi32>
      %and3A_876 = arith.constant 255 : i32
      %and3A_877 = vector.broadcast %and3A_876 : i32 to vector<16xi32>
      %and3A_878 = arith.andi %get3A_866, %and3A_877 : vector<16xi32>
      %add3A_879 = arith.constant 25088 : i32
      %add3A_880 = vector.broadcast %add3A_879 : i32 to vector<16xi32>
      %add3A_881 = arith.addi %add3A_880, %and3A_878 : vector<16xi32>
      %select_n3A_882 = arith.select %and3A_873, %sub3A_875, %add3A_881 : vector<16xi1>, vector<16xi32>
      %swap3A_883 = arith.constant 0 : i32
      %swap3A_884 = arith.constant 2 : i32
      %swap3A_885 = arith.constant 1 : i32
      %swap3A_886 = arith.index_cast %swap3A_883 : i32 to index
      %swap3A_887 = arith.index_cast %swap3A_884 : i32 to index
      %swap3A_888 = arith.index_cast %swap3A_885 : i32 to index
      %swap3A_889 = arith.constant 80 : index
      %swap3A_890 = tpu.vector_load %arg4[%swap3A_886, %swap3A_887, %swap3A_888, %swap3A_889] {strides = array<i32>} : memref<2x4x2x128xi32, #tpu.memory_space<vmem>>, vector<1x1x1x16xi32>,
      %swap3A_891 = vector.shape_cast %swap3A_890 : vector<1x1x1x16xi32> to vector<16xi32>
      %swap3A_892 = vector.shape_cast %select_n3A_882 : vector<16xi32> to vector<1x1x1x16xi32>
      tpu.vector_store %arg4[%swap3A_886, %swap3A_887, %swap3A_888, %swap3A_889], %swap3A_892 {strides = array<i32>} : memref<2x4x2x128xi32, #tpu.memory_space<vmem>>, vector<1x1x1x16xi32>,
      %get3A_893 = arith.constant 0 : i32
      %get3A_894 = arith.constant 2 : i32
      %get3A_895 = arith.constant 1 : i32
      %get3A_896 = arith.index_cast %get3A_893 : i32 to index
      %get3A_897 = arith.index_cast %get3A_894 : i32 to index
      %get3A_898 = arith.index_cast %get3A_895 : i32 to index
      %get3A_899 = arith.constant 96 : index
      %get3A_900 = tpu.vector_load %arg4[%get3A_896, %get3A_897, %get3A_898, %get3A_899] {strides = array<i32>} : memref<2x4x2x128xi32, #tpu.memory_space<vmem>>, vector<1x1x1x16xi32>,
      %get3A_901 = vector.shape_cast %get3A_900 : vector<1x1x1x16xi32> to vector<16xi32>
      %ge3A_902 = vector.broadcast %mul3A_0 : i32 to vector<16xi32>
      %ge3A_903 = arith.cmpi sge, %get3A_901, %ge3A_902 : vector<16xi32>
      %add3A_904 = arith.constant 25088 : i32
      %add3A_905 = arith.addi %mul3A_0, %add3A_904 : i32
      %lt3A_906 = vector.broadcast %add3A_905 : i32 to vector<16xi32>
      %lt3A_907 = arith.cmpi slt, %get3A_901, %lt3A_906 : vector<16xi32>
      %and3A_908 = arith.andi %ge3A_903, %lt3A_907 : vector<16xi1>
      %sub3A_909 = vector.broadcast %mul3A_0 : i32 to vector<16xi32>
      %sub3A_910 = arith.subi %get3A_901, %sub3A_909 : vector<16xi32>
      %and3A_911 = arith.constant 255 : i32
      %and3A_912 = vector.broadcast %and3A_911 : i32 to vector<16xi32>
      %and3A_913 = arith.andi %get3A_901, %and3A_912 : vector<16xi32>
      %add3A_914 = arith.constant 25088 : i32
      %add3A_915 = vector.broadcast %add3A_914 : i32 to vector<16xi32>
      %add3A_916 = arith.addi %add3A_915, %and3A_913 : vector<16xi32>
      %select_n3A_917 = arith.select %and3A_908, %sub3A_910, %add3A_916 : vector<16xi1>, vector<16xi32>
      %swap3A_918 = arith.constant 0 : i32
      %swap3A_919 = arith.constant 2 : i32
      %swap3A_920 = arith.constant 1 : i32
      %swap3A_921 = arith.index_cast %swap3A_918 : i32 to index
      %swap3A_922 = arith.index_cast %swap3A_919 : i32 to index
      %swap3A_923 = arith.index_cast %swap3A_920 : i32 to index
      %swap3A_924 = arith.constant 96 : index
      %swap3A_925 = tpu.vector_load %arg4[%swap3A_921, %swap3A_922, %swap3A_923, %swap3A_924] {strides = array<i32>} : memref<2x4x2x128xi32, #tpu.memory_space<vmem>>, vector<1x1x1x16xi32>,
      %swap3A_926 = vector.shape_cast %swap3A_925 : vector<1x1x1x16xi32> to vector<16xi32>
      %swap3A_927 = vector.shape_cast %select_n3A_917 : vector<16xi32> to vector<1x1x1x16xi32>
      tpu.vector_store %arg4[%swap3A_921, %swap3A_922, %swap3A_923, %swap3A_924], %swap3A_927 {strides = array<i32>} : memref<2x4x2x128xi32, #tpu.memory_space<vmem>>, vector<1x1x1x16xi32>,
      %get3A_928 = arith.constant 0 : i32
      %get3A_929 = arith.constant 2 : i32
      %get3A_930 = arith.constant 1 : i32
      %get3A_931 = arith.index_cast %get3A_928 : i32 to index
      %get3A_932 = arith.index_cast %get3A_929 : i32 to index
      %get3A_933 = arith.index_cast %get3A_930 : i32 to index
      %get3A_934 = arith.constant 112 : index
      %get3A_935 = tpu.vector_load %arg4[%get3A_931, %get3A_932, %get3A_933, %get3A_934] {strides = array<i32>} : memref<2x4x2x128xi32, #tpu.memory_space<vmem>>, vector<1x1x1x16xi32>,
      %get3A_936 = vector.shape_cast %get3A_935 : vector<1x1x1x16xi32> to vector<16xi32>
      %ge3A_937 = vector.broadcast %mul3A_0 : i32 to vector<16xi32>
      %ge3A_938 = arith.cmpi sge, %get3A_936, %ge3A_937 : vector<16xi32>
      %add3A_939 = arith.constant 25088 : i32
      %add3A_940 = arith.addi %mul3A_0, %add3A_939 : i32
      %lt3A_941 = vector.broadcast %add3A_940 : i32 to vector<16xi32>
      %lt3A_942 = arith.cmpi slt, %get3A_936, %lt3A_941 : vector<16xi32>
      %and3A_943 = arith.andi %ge3A_938, %lt3A_942 : vector<16xi1>
      %sub3A_944 = vector.broadcast %mul3A_0 : i32 to vector<16xi32>
      %sub3A_945 = arith.subi %get3A_936, %sub3A_944 : vector<16xi32>
      %and3A_946 = arith.constant 255 : i32
      %and3A_947 = vector.broadcast %and3A_946 : i32 to vector<16xi32>
      %and3A_948 = arith.andi %get3A_936, %and3A_947 : vector<16xi32>
      %add3A_949 = arith.constant 25088 : i32
      %add3A_950 = vector.broadcast %add3A_949 : i32 to vector<16xi32>
      %add3A_951 = arith.addi %add3A_950, %and3A_948 : vector<16xi32>
      %select_n3A_952 = arith.select %and3A_943, %sub3A_945, %add3A_951 : vector<16xi1>, vector<16xi32>
      %swap3A_953 = arith.constant 0 : i32
      %swap3A_954 = arith.constant 2 : i32
      %swap3A_955 = arith.constant 1 : i32
      %swap3A_956 = arith.index_cast %swap3A_953 : i32 to index
      %swap3A_957 = arith.index_cast %swap3A_954 : i32 to index
      %swap3A_958 = arith.index_cast %swap3A_955 : i32 to index
      %swap3A_959 = arith.constant 112 : index
      %swap3A_960 = tpu.vector_load %arg4[%swap3A_956, %swap3A_957, %swap3A_958, %swap3A_959] {strides = array<i32>} : memref<2x4x2x128xi32, #tpu.memory_space<vmem>>, vector<1x1x1x16xi32>,
      %swap3A_961 = vector.shape_cast %swap3A_960 : vector<1x1x1x16xi32> to vector<16xi32>
      %swap3A_962 = vector.shape_cast %select_n3A_952 : vector<16xi32> to vector<1x1x1x16xi32>
      tpu.vector_store %arg4[%swap3A_956, %swap3A_957, %swap3A_958, %swap3A_959], %swap3A_962 {strides = array<i32>} : memref<2x4x2x128xi32, #tpu.memory_space<vmem>>, vector<1x1x1x16xi32>,
      %get3A_963 = arith.constant 0 : i32
      %get3A_964 = arith.constant 3 : i32
      %get3A_965 = arith.constant 1 : i32
      %get3A_966 = arith.index_cast %get3A_963 : i32 to index
      %get3A_967 = arith.index_cast %get3A_964 : i32 to index
      %get3A_968 = arith.index_cast %get3A_965 : i32 to index
      %get3A_969 = arith.constant 0 : index
      %get3A_970 = tpu.vector_load %arg4[%get3A_966, %get3A_967, %get3A_968, %get3A_969] {strides = array<i32>} : memref<2x4x2x128xi32, #tpu.memory_space<vmem>>, vector<1x1x1x16xi32>,
      %get3A_971 = vector.shape_cast %get3A_970 : vector<1x1x1x16xi32> to vector<16xi32>
      %ge3A_972 = vector.broadcast %mul3A_0 : i32 to vector<16xi32>
      %ge3A_973 = arith.cmpi sge, %get3A_971, %ge3A_972 : vector<16xi32>
      %add3A_974 = arith.constant 25088 : i32
      %add3A_975 = arith.addi %mul3A_0, %add3A_974 : i32
      %lt3A_976 = vector.broadcast %add3A_975 : i32 to vector<16xi32>
      %lt3A_977 = arith.cmpi slt, %get3A_971, %lt3A_976 : vector<16xi32>
      %and3A_978 = arith.andi %ge3A_973, %lt3A_977 : vector<16xi1>
      %sub3A_979 = vector.broadcast %mul3A_0 : i32 to vector<16xi32>
      %sub3A_980 = arith.subi %get3A_971, %sub3A_979 : vector<16xi32>
      %and3A_981 = arith.constant 255 : i32
      %and3A_982 = vector.broadcast %and3A_981 : i32 to vector<16xi32>
      %and3A_983 = arith.andi %get3A_971, %and3A_982 : vector<16xi32>
      %add3A_984 = arith.constant 25088 : i32
      %add3A_985 = vector.broadcast %add3A_984 : i32 to vector<16xi32>
      %add3A_986 = arith.addi %add3A_985, %and3A_983 : vector<16xi32>
      %select_n3A_987 = arith.select %and3A_978, %sub3A_980, %add3A_986 : vector<16xi1>, vector<16xi32>
      %swap3A_988 = arith.constant 0 : i32
      %swap3A_989 = arith.constant 3 : i32
      %swap3A_990 = arith.constant 1 : i32
      %swap3A_991 = arith.index_cast %swap3A_988 : i32 to index
      %swap3A_992 = arith.index_cast %swap3A_989 : i32 to index
      %swap3A_993 = arith.index_cast %swap3A_990 : i32 to index
      %swap3A_994 = arith.constant 0 : index
      %swap3A_995 = tpu.vector_load %arg4[%swap3A_991, %swap3A_992, %swap3A_993, %swap3A_994] {strides = array<i32>} : memref<2x4x2x128xi32, #tpu.memory_space<vmem>>, vector<1x1x1x16xi32>,
      %swap3A_996 = vector.shape_cast %swap3A_995 : vector<1x1x1x16xi32> to vector<16xi32>
      %swap3A_997 = vector.shape_cast %select_n3A_987 : vector<16xi32> to vector<1x1x1x16xi32>
      tpu.vector_store %arg4[%swap3A_991, %swap3A_992, %swap3A_993, %swap3A_994], %swap3A_997 {strides = array<i32>} : memref<2x4x2x128xi32, #tpu.memory_space<vmem>>, vector<1x1x1x16xi32>,
      %get3A_998 = arith.constant 0 : i32
      %get3A_999 = arith.constant 3 : i32
      %get3A_1000 = arith.constant 1 : i32
      %get3A_1001 = arith.index_cast %get3A_998 : i32 to index
      %get3A_1002 = arith.index_cast %get3A_999 : i32 to index
      %get3A_1003 = arith.index_cast %get3A_1000 : i32 to index
      %get3A_1004 = arith.constant 16 : index
      %get3A_1005 = tpu.vector_load %arg4[%get3A_1001, %get3A_1002, %get3A_1003, %get3A_1004] {strides = array<i32>} : memref<2x4x2x128xi32, #tpu.memory_space<vmem>>, vector<1x1x1x16xi32>,
      %get3A_1006 = vector.shape_cast %get3A_1005 : vector<1x1x1x16xi32> to vector<16xi32>
      %ge3A_1007 = vector.broadcast %mul3A_0 : i32 to vector<16xi32>
      %ge3A_1008 = arith.cmpi sge, %get3A_1006, %ge3A_1007 : vector<16xi32>
      %add3A_1009 = arith.constant 25088 : i32
      %add3A_1010 = arith.addi %mul3A_0, %add3A_1009 : i32
      %lt3A_1011 = vector.broadcast %add3A_1010 : i32 to vector<16xi32>
      %lt3A_1012 = arith.cmpi slt, %get3A_1006, %lt3A_1011 : vector<16xi32>
      %and3A_1013 = arith.andi %ge3A_1008, %lt3A_1012 : vector<16xi1>
      %sub3A_1014 = vector.broadcast %mul3A_0 : i32 to vector<16xi32>
      %sub3A_1015 = arith.subi %get3A_1006, %sub3A_1014 : vector<16xi32>
      %and3A_1016 = arith.constant 255 : i32
      %and3A_1017 = vector.broadcast %and3A_1016 : i32 to vector<16xi32>
      %and3A_1018 = arith.andi %get3A_1006, %and3A_1017 : vector<16xi32>
      %add3A_1019 = arith.constant 25088 : i32
      %add3A_1020 = vector.broadcast %add3A_1019 : i32 to vector<16xi32>
      %add3A_1021 = arith.addi %add3A_1020, %and3A_1018 : vector<16xi32>
      %select_n3A_1022 = arith.select %and3A_1013, %sub3A_1015, %add3A_1021 : vector<16xi1>, vector<16xi32>
      %swap3A_1023 = arith.constant 0 : i32
      %swap3A_1024 = arith.constant 3 : i32
      %swap3A_1025 = arith.constant 1 : i32
      %swap3A_1026 = arith.index_cast %swap3A_1023 : i32 to index
      %swap3A_1027 = arith.index_cast %swap3A_1024 : i32 to index
      %swap3A_1028 = arith.index_cast %swap3A_1025 : i32 to index
      %swap3A_1029 = arith.constant 16 : index
      %swap3A_1030 = tpu.vector_load %arg4[%swap3A_1026, %swap3A_1027, %swap3A_1028, %swap3A_1029] {strides = array<i32>} : memref<2x4x2x128xi32, #tpu.memory_space<vmem>>, vector<1x1x1x16xi32>,
      %swap3A_1031 = vector.shape_cast %swap3A_1030 : vector<1x1x1x16xi32> to vector<16xi32>
      %swap3A_1032 = vector.shape_cast %select_n3A_1022 : vector<16xi32> to vector<1x1x1x16xi32>
      tpu.vector_store %arg4[%swap3A_1026, %swap3A_1027, %swap3A_1028, %swap3A_1029], %swap3A_1032 {strides = array<i32>} : memref<2x4x2x128xi32, #tpu.memory_space<vmem>>, vector<1x1x1x16xi32>,
      %get3A_1033 = arith.constant 0 : i32
      %get3A_1034 = arith.constant 3 : i32
      %get3A_1035 = arith.constant 1 : i32
      %get3A_1036 = arith.index_cast %get3A_1033 : i32 to index
      %get3A_1037 = arith.index_cast %get3A_1034 : i32 to index
      %get3A_1038 = arith.index_cast %get3A_1035 : i32 to index
      %get3A_1039 = arith.constant 32 : index
      %get3A_1040 = tpu.vector_load %arg4[%get3A_1036, %get3A_1037, %get3A_1038, %get3A_1039] {strides = array<i32>} : memref<2x4x2x128xi32, #tpu.memory_space<vmem>>, vector<1x1x1x16xi32>,
      %get3A_1041 = vector.shape_cast %get3A_1040 : vector<1x1x1x16xi32> to vector<16xi32>
      %ge3A_1042 = vector.broadcast %mul3A_0 : i32 to vector<16xi32>
      %ge3A_1043 = arith.cmpi sge, %get3A_1041, %ge3A_1042 : vector<16xi32>
      %add3A_1044 = arith.constant 25088 : i32
      %add3A_1045 = arith.addi %mul3A_0, %add3A_1044 : i32
      %lt3A_1046 = vector.broadcast %add3A_1045 : i32 to vector<16xi32>
      %lt3A_1047 = arith.cmpi slt, %get3A_1041, %lt3A_1046 : vector<16xi32>
      %and3A_1048 = arith.andi %ge3A_1043, %lt3A_1047 : vector<16xi1>
      %sub3A_1049 = vector.broadcast %mul3A_0 : i32 to vector<16xi32>
      %sub3A_1050 = arith.subi %get3A_1041, %sub3A_1049 : vector<16xi32>
      %and3A_1051 = arith.constant 255 : i32
      %and3A_1052 = vector.broadcast %and3A_1051 : i32 to vector<16xi32>
      %and3A_1053 = arith.andi %get3A_1041, %and3A_1052 : vector<16xi32>
      %add3A_1054 = arith.constant 25088 : i32
      %add3A_1055 = vector.broadcast %add3A_1054 : i32 to vector<16xi32>
      %add3A_1056 = arith.addi %add3A_1055, %and3A_1053 : vector<16xi32>
      %select_n3A_1057 = arith.select %and3A_1048, %sub3A_1050, %add3A_1056 : vector<16xi1>, vector<16xi32>
      %swap3A_1058 = arith.constant 0 : i32
      %swap3A_1059 = arith.constant 3 : i32
      %swap3A_1060 = arith.constant 1 : i32
      %swap3A_1061 = arith.index_cast %swap3A_1058 : i32 to index
      %swap3A_1062 = arith.index_cast %swap3A_1059 : i32 to index
      %swap3A_1063 = arith.index_cast %swap3A_1060 : i32 to index
      %swap3A_1064 = arith.constant 32 : index
      %swap3A_1065 = tpu.vector_load %arg4[%swap3A_1061, %swap3A_1062, %swap3A_1063, %swap3A_1064] {strides = array<i32>} : memref<2x4x2x128xi32, #tpu.memory_space<vmem>>, vector<1x1x1x16xi32>,
      %swap3A_1066 = vector.shape_cast %swap3A_1065 : vector<1x1x1x16xi32> to vector<16xi32>
      %swap3A_1067 = vector.shape_cast %select_n3A_1057 : vector<16xi32> to vector<1x1x1x16xi32>
      tpu.vector_store %arg4[%swap3A_1061, %swap3A_1062, %swap3A_1063, %swap3A_1064], %swap3A_1067 {strides = array<i32>} : memref<2x4x2x128xi32, #tpu.memory_space<vmem>>, vector<1x1x1x16xi32>,
      %get3A_1068 = arith.constant 0 : i32
      %get3A_1069 = arith.constant 3 : i32
      %get3A_1070 = arith.constant 1 : i32
      %get3A_1071 = arith.index_cast %get3A_1068 : i32 to index
      %get3A_1072 = arith.index_cast %get3A_1069 : i32 to index
      %get3A_1073 = arith.index_cast %get3A_1070 : i32 to index
      %get3A_1074 = arith.constant 48 : index
      %get3A_1075 = tpu.vector_load %arg4[%get3A_1071, %get3A_1072, %get3A_1073, %get3A_1074] {strides = array<i32>} : memref<2x4x2x128xi32, #tpu.memory_space<vmem>>, vector<1x1x1x16xi32>,
      %get3A_1076 = vector.shape_cast %get3A_1075 : vector<1x1x1x16xi32> to vector<16xi32>
      %ge3A_1077 = vector.broadcast %mul3A_0 : i32 to vector<16xi32>
      %ge3A_1078 = arith.cmpi sge, %get3A_1076, %ge3A_1077 : vector<16xi32>
      %add3A_1079 = arith.constant 25088 : i32
      %add3A_1080 = arith.addi %mul3A_0, %add3A_1079 : i32
      %lt3A_1081 = vector.broadcast %add3A_1080 : i32 to vector<16xi32>
      %lt3A_1082 = arith.cmpi slt, %get3A_1076, %lt3A_1081 : vector<16xi32>
      %and3A_1083 = arith.andi %ge3A_1078, %lt3A_1082 : vector<16xi1>
      %sub3A_1084 = vector.broadcast %mul3A_0 : i32 to vector<16xi32>
      %sub3A_1085 = arith.subi %get3A_1076, %sub3A_1084 : vector<16xi32>
      %and3A_1086 = arith.constant 255 : i32
      %and3A_1087 = vector.broadcast %and3A_1086 : i32 to vector<16xi32>
      %and3A_1088 = arith.andi %get3A_1076, %and3A_1087 : vector<16xi32>
      %add3A_1089 = arith.constant 25088 : i32
      %add3A_1090 = vector.broadcast %add3A_1089 : i32 to vector<16xi32>
      %add3A_1091 = arith.addi %add3A_1090, %and3A_1088 : vector<16xi32>
      %select_n3A_1092 = arith.select %and3A_1083, %sub3A_1085, %add3A_1091 : vector<16xi1>, vector<16xi32>
      %swap3A_1093 = arith.constant 0 : i32
      %swap3A_1094 = arith.constant 3 : i32
      %swap3A_1095 = arith.constant 1 : i32
      %swap3A_1096 = arith.index_cast %swap3A_1093 : i32 to index
      %swap3A_1097 = arith.index_cast %swap3A_1094 : i32 to index
      %swap3A_1098 = arith.index_cast %swap3A_1095 : i32 to index
      %swap3A_1099 = arith.constant 48 : index
      %swap3A_1100 = tpu.vector_load %arg4[%swap3A_1096, %swap3A_1097, %swap3A_1098, %swap3A_1099] {strides = array<i32>} : memref<2x4x2x128xi32, #tpu.memory_space<vmem>>, vector<1x1x1x16xi32>,
      %swap3A_1101 = vector.shape_cast %swap3A_1100 : vector<1x1x1x16xi32> to vector<16xi32>
      %swap3A_1102 = vector.shape_cast %select_n3A_1092 : vector<16xi32> to vector<1x1x1x16xi32>
      tpu.vector_store %arg4[%swap3A_1096, %swap3A_1097, %swap3A_1098, %swap3A_1099], %swap3A_1102 {strides = array<i32>} : memref<2x4x2x128xi32, #tpu.memory_space<vmem>>, vector<1x1x1x16xi32>,
      %get3A_1103 = arith.constant 0 : i32
      %get3A_1104 = arith.constant 3 : i32
      %get3A_1105 = arith.constant 1 : i32
      %get3A_1106 = arith.index_cast %get3A_1103 : i32 to index
      %get3A_1107 = arith.index_cast %get3A_1104 : i32 to index
      %get3A_1108 = arith.index_cast %get3A_1105 : i32 to index
      %get3A_1109 = arith.constant 64 : index
      %get3A_1110 = tpu.vector_load %arg4[%get3A_1106, %get3A_1107, %get3A_1108, %get3A_1109] {strides = array<i32>} : memref<2x4x2x128xi32, #tpu.memory_space<vmem>>, vector<1x1x1x16xi32>,
      %get3A_1111 = vector.shape_cast %get3A_1110 : vector<1x1x1x16xi32> to vector<16xi32>
      %ge3A_1112 = vector.broadcast %mul3A_0 : i32 to vector<16xi32>
      %ge3A_1113 = arith.cmpi sge, %get3A_1111, %ge3A_1112 : vector<16xi32>
      %add3A_1114 = arith.constant 25088 : i32
      %add3A_1115 = arith.addi %mul3A_0, %add3A_1114 : i32
      %lt3A_1116 = vector.broadcast %add3A_1115 : i32 to vector<16xi32>
      %lt3A_1117 = arith.cmpi slt, %get3A_1111, %lt3A_1116 : vector<16xi32>
      %and3A_1118 = arith.andi %ge3A_1113, %lt3A_1117 : vector<16xi1>
      %sub3A_1119 = vector.broadcast %mul3A_0 : i32 to vector<16xi32>
      %sub3A_1120 = arith.subi %get3A_1111, %sub3A_1119 : vector<16xi32>
      %and3A_1121 = arith.constant 255 : i32
      %and3A_1122 = vector.broadcast %and3A_1121 : i32 to vector<16xi32>
      %and3A_1123 = arith.andi %get3A_1111, %and3A_1122 : vector<16xi32>
      %add3A_1124 = arith.constant 25088 : i32
      %add3A_1125 = vector.broadcast %add3A_1124 : i32 to vector<16xi32>
      %add3A_1126 = arith.addi %add3A_1125, %and3A_1123 : vector<16xi32>
      %select_n3A_1127 = arith.select %and3A_1118, %sub3A_1120, %add3A_1126 : vector<16xi1>, vector<16xi32>
      %swap3A_1128 = arith.constant 0 : i32
      %swap3A_1129 = arith.constant 3 : i32
      %swap3A_1130 = arith.constant 1 : i32
      %swap3A_1131 = arith.index_cast %swap3A_1128 : i32 to index
      %swap3A_1132 = arith.index_cast %swap3A_1129 : i32 to index
      %swap3A_1133 = arith.index_cast %swap3A_1130 : i32 to index
      %swap3A_1134 = arith.constant 64 : index
      %swap3A_1135 = tpu.vector_load %arg4[%swap3A_1131, %swap3A_1132, %swap3A_1133, %swap3A_1134] {strides = array<i32>} : memref<2x4x2x128xi32, #tpu.memory_space<vmem>>, vector<1x1x1x16xi32>,
      %swap3A_1136 = vector.shape_cast %swap3A_1135 : vector<1x1x1x16xi32> to vector<16xi32>
      %swap3A_1137 = vector.shape_cast %select_n3A_1127 : vector<16xi32> to vector<1x1x1x16xi32>
      tpu.vector_store %arg4[%swap3A_1131, %swap3A_1132, %swap3A_1133, %swap3A_1134], %swap3A_1137 {strides = array<i32>} : memref<2x4x2x128xi32, #tpu.memory_space<vmem>>, vector<1x1x1x16xi32>,
      %get3A_1138 = arith.constant 0 : i32
      %get3A_1139 = arith.constant 3 : i32
      %get3A_1140 = arith.constant 1 : i32
      %get3A_1141 = arith.index_cast %get3A_1138 : i32 to index
      %get3A_1142 = arith.index_cast %get3A_1139 : i32 to index
      %get3A_1143 = arith.index_cast %get3A_1140 : i32 to index
      %get3A_1144 = arith.constant 80 : index
      %get3A_1145 = tpu.vector_load %arg4[%get3A_1141, %get3A_1142, %get3A_1143, %get3A_1144] {strides = array<i32>} : memref<2x4x2x128xi32, #tpu.memory_space<vmem>>, vector<1x1x1x16xi32>,
      %get3A_1146 = vector.shape_cast %get3A_1145 : vector<1x1x1x16xi32> to vector<16xi32>
      %ge3A_1147 = vector.broadcast %mul3A_0 : i32 to vector<16xi32>
      %ge3A_1148 = arith.cmpi sge, %get3A_1146, %ge3A_1147 : vector<16xi32>
      %add3A_1149 = arith.constant 25088 : i32
      %add3A_1150 = arith.addi %mul3A_0, %add3A_1149 : i32
      %lt3A_1151 = vector.broadcast %add3A_1150 : i32 to vector<16xi32>
      %lt3A_1152 = arith.cmpi slt, %get3A_1146, %lt3A_1151 : vector<16xi32>
      %and3A_1153 = arith.andi %ge3A_1148, %lt3A_1152 : vector<16xi1>
      %sub3A_1154 = vector.broadcast %mul3A_0 : i32 to vector<16xi32>
      %sub3A_1155 = arith.subi %get3A_1146, %sub3A_1154 : vector<16xi32>
      %and3A_1156 = arith.constant 255 : i32
      %and3A_1157 = vector.broadcast %and3A_1156 : i32 to vector<16xi32>
      %and3A_1158 = arith.andi %get3A_1146, %and3A_1157 : vector<16xi32>
      %add3A_1159 = arith.constant 25088 : i32
      %add3A_1160 = vector.broadcast %add3A_1159 : i32 to vector<16xi32>
      %add3A_1161 = arith.addi %add3A_1160, %and3A_1158 : vector<16xi32>
      %select_n3A_1162 = arith.select %and3A_1153, %sub3A_1155, %add3A_1161 : vector<16xi1>, vector<16xi32>
      %swap3A_1163 = arith.constant 0 : i32
      %swap3A_1164 = arith.constant 3 : i32
      %swap3A_1165 = arith.constant 1 : i32
      %swap3A_1166 = arith.index_cast %swap3A_1163 : i32 to index
      %swap3A_1167 = arith.index_cast %swap3A_1164 : i32 to index
      %swap3A_1168 = arith.index_cast %swap3A_1165 : i32 to index
      %swap3A_1169 = arith.constant 80 : index
      %swap3A_1170 = tpu.vector_load %arg4[%swap3A_1166, %swap3A_1167, %swap3A_1168, %swap3A_1169] {strides = array<i32>} : memref<2x4x2x128xi32, #tpu.memory_space<vmem>>, vector<1x1x1x16xi32>,
      %swap3A_1171 = vector.shape_cast %swap3A_1170 : vector<1x1x1x16xi32> to vector<16xi32>
      %swap3A_1172 = vector.shape_cast %select_n3A_1162 : vector<16xi32> to vector<1x1x1x16xi32>
      tpu.vector_store %arg4[%swap3A_1166, %swap3A_1167, %swap3A_1168, %swap3A_1169], %swap3A_1172 {strides = array<i32>} : memref<2x4x2x128xi32, #tpu.memory_space<vmem>>, vector<1x1x1x16xi32>,
      %get3A_1173 = arith.constant 0 : i32
      %get3A_1174 = arith.constant 3 : i32
      %get3A_1175 = arith.constant 1 : i32
      %get3A_1176 = arith.index_cast %get3A_1173 : i32 to index
      %get3A_1177 = arith.index_cast %get3A_1174 : i32 to index
      %get3A_1178 = arith.index_cast %get3A_1175 : i32 to index
      %get3A_1179 = arith.constant 96 : index
      %get3A_1180 = tpu.vector_load %arg4[%get3A_1176, %get3A_1177, %get3A_1178, %get3A_1179] {strides = array<i32>} : memref<2x4x2x128xi32, #tpu.memory_space<vmem>>, vector<1x1x1x16xi32>,
      %get3A_1181 = vector.shape_cast %get3A_1180 : vector<1x1x1x16xi32> to vector<16xi32>
      %ge3A_1182 = vector.broadcast %mul3A_0 : i32 to vector<16xi32>
      %ge3A_1183 = arith.cmpi sge, %get3A_1181, %ge3A_1182 : vector<16xi32>
      %add3A_1184 = arith.constant 25088 : i32
      %add3A_1185 = arith.addi %mul3A_0, %add3A_1184 : i32
      %lt3A_1186 = vector.broadcast %add3A_1185 : i32 to vector<16xi32>
      %lt3A_1187 = arith.cmpi slt, %get3A_1181, %lt3A_1186 : vector<16xi32>
      %and3A_1188 = arith.andi %ge3A_1183, %lt3A_1187 : vector<16xi1>
      %sub3A_1189 = vector.broadcast %mul3A_0 : i32 to vector<16xi32>
      %sub3A_1190 = arith.subi %get3A_1181, %sub3A_1189 : vector<16xi32>
      %and3A_1191 = arith.constant 255 : i32
      %and3A_1192 = vector.broadcast %and3A_1191 : i32 to vector<16xi32>
      %and3A_1193 = arith.andi %get3A_1181, %and3A_1192 : vector<16xi32>
      %add3A_1194 = arith.constant 25088 : i32
      %add3A_1195 = vector.broadcast %add3A_1194 : i32 to vector<16xi32>
      %add3A_1196 = arith.addi %add3A_1195, %and3A_1193 : vector<16xi32>
      %select_n3A_1197 = arith.select %and3A_1188, %sub3A_1190, %add3A_1196 : vector<16xi1>, vector<16xi32>
      %swap3A_1198 = arith.constant 0 : i32
      %swap3A_1199 = arith.constant 3 : i32
      %swap3A_1200 = arith.constant 1 : i32
      %swap3A_1201 = arith.index_cast %swap3A_1198 : i32 to index
      %swap3A_1202 = arith.index_cast %swap3A_1199 : i32 to index
      %swap3A_1203 = arith.index_cast %swap3A_1200 : i32 to index
      %swap3A_1204 = arith.constant 96 : index
      %swap3A_1205 = tpu.vector_load %arg4[%swap3A_1201, %swap3A_1202, %swap3A_1203, %swap3A_1204] {strides = array<i32>} : memref<2x4x2x128xi32, #tpu.memory_space<vmem>>, vector<1x1x1x16xi32>,
      %swap3A_1206 = vector.shape_cast %swap3A_1205 : vector<1x1x1x16xi32> to vector<16xi32>
      %swap3A_1207 = vector.shape_cast %select_n3A_1197 : vector<16xi32> to vector<1x1x1x16xi32>
      tpu.vector_store %arg4[%swap3A_1201, %swap3A_1202, %swap3A_1203, %swap3A_1204], %swap3A_1207 {strides = array<i32>} : memref<2x4x2x128xi32, #tpu.memory_space<vmem>>, vector<1x1x1x16xi32>,
      %get3A_1208 = arith.constant 0 : i32
      %get3A_1209 = arith.constant 3 : i32
      %get3A_1210 = arith.constant 1 : i32
      %get3A_1211 = arith.index_cast %get3A_1208 : i32 to index
      %get3A_1212 = arith.index_cast %get3A_1209 : i32 to index
      %get3A_1213 = arith.index_cast %get3A_1210 : i32 to index
      %get3A_1214 = arith.constant 112 : index
      %get3A_1215 = tpu.vector_load %arg4[%get3A_1211, %get3A_1212, %get3A_1213, %get3A_1214] {strides = array<i32>} : memref<2x4x2x128xi32, #tpu.memory_space<vmem>>, vector<1x1x1x16xi32>,
      %get3A_1216 = vector.shape_cast %get3A_1215 : vector<1x1x1x16xi32> to vector<16xi32>
      %ge3A_1217 = vector.broadcast %mul3A_0 : i32 to vector<16xi32>
      %ge3A_1218 = arith.cmpi sge, %get3A_1216, %ge3A_1217 : vector<16xi32>
      %add3A_1219 = arith.constant 25088 : i32
      %add3A_1220 = arith.addi %mul3A_0, %add3A_1219 : i32
      %lt3A_1221 = vector.broadcast %add3A_1220 : i32 to vector<16xi32>
      %lt3A_1222 = arith.cmpi slt, %get3A_1216, %lt3A_1221 : vector<16xi32>
      %and3A_1223 = arith.andi %ge3A_1218, %lt3A_1222 : vector<16xi1>
      %sub3A_1224 = vector.broadcast %mul3A_0 : i32 to vector<16xi32>
      %sub3A_1225 = arith.subi %get3A_1216, %sub3A_1224 : vector<16xi32>
      %and3A_1226 = arith.constant 255 : i32
      %and3A_1227 = vector.broadcast %and3A_1226 : i32 to vector<16xi32>
      %and3A_1228 = arith.andi %get3A_1216, %and3A_1227 : vector<16xi32>
      %add3A_1229 = arith.constant 25088 : i32
      %add3A_1230 = vector.broadcast %add3A_1229 : i32 to vector<16xi32>
      %add3A_1231 = arith.addi %add3A_1230, %and3A_1228 : vector<16xi32>
      %select_n3A_1232 = arith.select %and3A_1223, %sub3A_1225, %add3A_1231 : vector<16xi1>, vector<16xi32>
      %swap3A_1233 = arith.constant 0 : i32
      %swap3A_1234 = arith.constant 3 : i32
      %swap3A_1235 = arith.constant 1 : i32
      %swap3A_1236 = arith.index_cast %swap3A_1233 : i32 to index
      %swap3A_1237 = arith.index_cast %swap3A_1234 : i32 to index
      %swap3A_1238 = arith.index_cast %swap3A_1235 : i32 to index
      %swap3A_1239 = arith.constant 112 : index
      %swap3A_1240 = tpu.vector_load %arg4[%swap3A_1236, %swap3A_1237, %swap3A_1238, %swap3A_1239] {strides = array<i32>} : memref<2x4x2x128xi32, #tpu.memory_space<vmem>>, vector<1x1x1x16xi32>,
      %swap3A_1241 = vector.shape_cast %swap3A_1240 : vector<1x1x1x16xi32> to vector<16xi32>
      %swap3A_1242 = vector.shape_cast %select_n3A_1232 : vector<16xi32> to vector<1x1x1x16xi32>
      tpu.vector_store %arg4[%swap3A_1236, %swap3A_1237, %swap3A_1238, %swap3A_1239], %swap3A_1242 {strides = array<i32>} : memref<2x4x2x128xi32, #tpu.memory_space<vmem>>, vector<1x1x1x16xi32>,
      %dma_start3A_1243 = arith.constant 0 : i32
      %dma_start3A_1244 = arith.constant 0 : i32
      %dma_start3A_1245 = arith.constant 1 : i32
      %dma_start3A_1246 = arith.constant 0 : i32
      %dma_start3A_1247 = tpu.memref_slice %arg4[%dma_start3A_1243, %dma_start3A_1244, %dma_start3A_1245, %dma_start3A_1246] : memref<2x4x2x128xi32, #tpu.memory_space<vmem>> -> memref<1x1x1x128xi32, #tpu.memory_space<vmem>>
      %dma_start3A_1248 = tpu.memref_squeeze %dma_start3A_1247 : memref<1x1x1x128xi32, #tpu.memory_space<vmem>> -> memref<128xi32, #tpu.memory_space<vmem>>
      %dma_start3A_1249 = arith.constant 0 : i32
      %dma_start3A_1250 = tpu.memref_slice %arg7[%dma_start3A_1249] : memref<25344xf32, #tpu.memory_space<vmem_shared>> -> memref<25344xf32, #tpu.memory_space<vmem_shared>>
      tpu.enqueue_indirect_dma source(%arg5 : memref<128xf32, #tpu.memory_space<vmem>>) target(%dma_start3A_1250 : memref<25344xf32, #tpu.memory_space<vmem_shared>>) offsets(%dma_start3A_1248 : memref<128xi32, #tpu.memory_space<vmem>>) semaphore(%arg10 : memref<!tpu.dma_semaphore, #tpu.memory_space<semaphore_mem>>) {add = true}
      %dma_start3A_1251 = arith.constant 0 : i32
      %dma_start3A_1252 = arith.constant 1 : i32
      %dma_start3A_1253 = arith.constant 1 : i32
      %dma_start3A_1254 = arith.constant 0 : i32
      %dma_start3A_1255 = tpu.memref_slice %arg4[%dma_start3A_1251, %dma_start3A_1252, %dma_start3A_1253, %dma_start3A_1254] : memref<2x4x2x128xi32, #tpu.memory_space<vmem>> -> memref<1x1x1x128xi32, #tpu.memory_space<vmem>>
      %dma_start3A_1256 = tpu.memref_squeeze %dma_start3A_1255 : memref<1x1x1x128xi32, #tpu.memory_space<vmem>> -> memref<128xi32, #tpu.memory_space<vmem>>
      %dma_start3A_1257 = arith.constant 0 : i32
      %dma_start3A_1258 = tpu.memref_slice %arg7[%dma_start3A_1257] : memref<25344xf32, #tpu.memory_space<vmem_shared>> -> memref<25344xf32, #tpu.memory_space<vmem_shared>>
      tpu.enqueue_indirect_dma source(%arg5 : memref<128xf32, #tpu.memory_space<vmem>>) target(%dma_start3A_1258 : memref<25344xf32, #tpu.memory_space<vmem_shared>>) offsets(%dma_start3A_1256 : memref<128xi32, #tpu.memory_space<vmem>>) semaphore(%arg10 : memref<!tpu.dma_semaphore, #tpu.memory_space<semaphore_mem>>) {add = true}
      %dma_start3A_1259 = arith.constant 0 : i32
      %dma_start3A_1260 = arith.constant 2 : i32
      %dma_start3A_1261 = arith.constant 1 : i32
      %dma_start3A_1262 = arith.constant 0 : i32
      %dma_start3A_1263 = tpu.memref_slice %arg4[%dma_start3A_1259, %dma_start3A_1260, %dma_start3A_1261, %dma_start3A_1262] : memref<2x4x2x128xi32, #tpu.memory_space<vmem>> -> memref<1x1x1x128xi32, #tpu.memory_space<vmem>>
      %dma_start3A_1264 = tpu.memref_squeeze %dma_start3A_1263 : memref<1x1x1x128xi32, #tpu.memory_space<vmem>> -> memref<128xi32, #tpu.memory_space<vmem>>
      %dma_start3A_1265 = arith.constant 0 : i32
      %dma_start3A_1266 = tpu.memref_slice %arg7[%dma_start3A_1265] : memref<25344xf32, #tpu.memory_space<vmem_shared>> -> memref<25344xf32, #tpu.memory_space<vmem_shared>>
      tpu.enqueue_indirect_dma source(%arg5 : memref<128xf32, #tpu.memory_space<vmem>>) target(%dma_start3A_1266 : memref<25344xf32, #tpu.memory_space<vmem_shared>>) offsets(%dma_start3A_1264 : memref<128xi32, #tpu.memory_space<vmem>>) semaphore(%arg10 : memref<!tpu.dma_semaphore, #tpu.memory_space<semaphore_mem>>) {add = true}
      %dma_start3A_1267 = arith.constant 0 : i32
      %dma_start3A_1268 = arith.constant 3 : i32
      %dma_start3A_1269 = arith.constant 1 : i32
      %dma_start3A_1270 = arith.constant 0 : i32
      %dma_start3A_1271 = tpu.memref_slice %arg4[%dma_start3A_1267, %dma_start3A_1268, %dma_start3A_1269, %dma_start3A_1270] : memref<2x4x2x128xi32, #tpu.memory_space<vmem>> -> memref<1x1x1x128xi32, #tpu.memory_space<vmem>>
      %dma_start3A_1272 = tpu.memref_squeeze %dma_start3A_1271 : memref<1x1x1x128xi32, #tpu.memory_space<vmem>> -> memref<128xi32, #tpu.memory_space<vmem>>
      %dma_start3A_1273 = arith.constant 0 : i32
      %dma_start3A_1274 = tpu.memref_slice %arg7[%dma_start3A_1273] : memref<25344xf32, #tpu.memory_space<vmem_shared>> -> memref<25344xf32, #tpu.memory_space<vmem_shared>>
      tpu.enqueue_indirect_dma source(%arg5 : memref<128xf32, #tpu.memory_space<vmem>>) target(%dma_start3A_1274 : memref<25344xf32, #tpu.memory_space<vmem_shared>>) offsets(%dma_start3A_1272 : memref<128xi32, #tpu.memory_space<vmem>>) semaphore(%arg10 : memref<!tpu.dma_semaphore, #tpu.memory_space<semaphore_mem>>) {add = true}
      %dma_wait3A_1275 = arith.constant 0 : i32
      %dma_wait3A_1276 = arith.constant 0 : i32
      %dma_wait3A_1277 = arith.constant 1 : i32
      %dma_wait3A_1278 = arith.constant 0 : i32
      %dma_wait3A_1279 = tpu.memref_slice %arg4[%dma_wait3A_1275, %dma_wait3A_1276, %dma_wait3A_1277, %dma_wait3A_1278] : memref<2x4x2x128xi32, #tpu.memory_space<vmem>> -> memref<1x1x1x128xi32, #tpu.memory_space<vmem>>
      %dma_wait3A_1280 = tpu.memref_squeeze %dma_wait3A_1279 : memref<1x1x1x128xi32, #tpu.memory_space<vmem>> -> memref<128xi32, #tpu.memory_space<vmem>>
      %dma_wait3A_1281 = arith.constant 0 : i32
      %dma_wait3A_1282 = tpu.memref_slice %arg7[%dma_wait3A_1281] : memref<25344xf32, #tpu.memory_space<vmem_shared>> -> memref<25344xf32, #tpu.memory_space<vmem_shared>>
      tpu.wait_indirect_dma semaphore(%arg10 : memref<!tpu.dma_semaphore, #tpu.memory_space<semaphore_mem>>) src(%arg5 : memref<128xf32, #tpu.memory_space<vmem>>) dst(%dma_wait3A_1282 : memref<25344xf32, #tpu.memory_space<vmem_shared>>)
      %dma_wait3A_1283 = arith.constant 0 : i32
      %dma_wait3A_1284 = arith.constant 1 : i32
      %dma_wait3A_1285 = arith.constant 1 : i32
      %dma_wait3A_1286 = arith.constant 0 : i32
      %dma_wait3A_1287 = tpu.memref_slice %arg4[%dma_wait3A_1283, %dma_wait3A_1284, %dma_wait3A_1285, %dma_wait3A_1286] : memref<2x4x2x128xi32, #tpu.memory_space<vmem>> -> memref<1x1x1x128xi32, #tpu.memory_space<vmem>>
      %dma_wait3A_1288 = tpu.memref_squeeze %dma_wait3A_1287 : memref<1x1x1x128xi32, #tpu.memory_space<vmem>> -> memref<128xi32, #tpu.memory_space<vmem>>
      %dma_wait3A_1289 = arith.constant 0 : i32
      %dma_wait3A_1290 = tpu.memref_slice %arg7[%dma_wait3A_1289] : memref<25344xf32, #tpu.memory_space<vmem_shared>> -> memref<25344xf32, #tpu.memory_space<vmem_shared>>
      tpu.wait_indirect_dma semaphore(%arg10 : memref<!tpu.dma_semaphore, #tpu.memory_space<semaphore_mem>>) src(%arg5 : memref<128xf32, #tpu.memory_space<vmem>>) dst(%dma_wait3A_1290 : memref<25344xf32, #tpu.memory_space<vmem_shared>>)
      %dma_wait3A_1291 = arith.constant 0 : i32
      %dma_wait3A_1292 = arith.constant 2 : i32
      %dma_wait3A_1293 = arith.constant 1 : i32
      %dma_wait3A_1294 = arith.constant 0 : i32
      %dma_wait3A_1295 = tpu.memref_slice %arg4[%dma_wait3A_1291, %dma_wait3A_1292, %dma_wait3A_1293, %dma_wait3A_1294] : memref<2x4x2x128xi32, #tpu.memory_space<vmem>> -> memref<1x1x1x128xi32, #tpu.memory_space<vmem>>
      %dma_wait3A_1296 = tpu.memref_squeeze %dma_wait3A_1295 : memref<1x1x1x128xi32, #tpu.memory_space<vmem>> -> memref<128xi32, #tpu.memory_space<vmem>>
      %dma_wait3A_1297 = arith.constant 0 : i32
      %dma_wait3A_1298 = tpu.memref_slice %arg7[%dma_wait3A_1297] : memref<25344xf32, #tpu.memory_space<vmem_shared>> -> memref<25344xf32, #tpu.memory_space<vmem_shared>>
      tpu.wait_indirect_dma semaphore(%arg10 : memref<!tpu.dma_semaphore, #tpu.memory_space<semaphore_mem>>) src(%arg5 : memref<128xf32, #tpu.memory_space<vmem>>) dst(%dma_wait3A_1298 : memref<25344xf32, #tpu.memory_space<vmem_shared>>)
      %dma_wait3A_1299 = arith.constant 0 : i32
      %dma_wait3A_1300 = arith.constant 3 : i32
      %dma_wait3A_1301 = arith.constant 1 : i32
      %dma_wait3A_1302 = arith.constant 0 : i32
      %dma_wait3A_1303 = tpu.memref_slice %arg4[%dma_wait3A_1299, %dma_wait3A_1300, %dma_wait3A_1301, %dma_wait3A_1302] : memref<2x4x2x128xi32, #tpu.memory_space<vmem>> -> memref<1x1x1x128xi32, #tpu.memory_space<vmem>>
      %dma_wait3A_1304 = tpu.memref_squeeze %dma_wait3A_1303 : memref<1x1x1x128xi32, #tpu.memory_space<vmem>> -> memref<128xi32, #tpu.memory_space<vmem>>
      %dma_wait3A_1305 = arith.constant 0 : i32
      %dma_wait3A_1306 = tpu.memref_slice %arg7[%dma_wait3A_1305] : memref<25344xf32, #tpu.memory_space<vmem_shared>> -> memref<25344xf32, #tpu.memory_space<vmem_shared>>
      tpu.wait_indirect_dma semaphore(%arg10 : memref<!tpu.dma_semaphore, #tpu.memory_space<semaphore_mem>>) src(%arg5 : memref<128xf32, #tpu.memory_space<vmem>>) dst(%dma_wait3A_1306 : memref<25344xf32, #tpu.memory_space<vmem_shared>>)
      %add3A_1307 = arith.constant 2 : i32
      %add3A_1308 = arith.addi %mul3A_108, %add3A_1307 : i32
      %lt3A_1309 = arith.constant 98 : i32
      %lt3A_1310 = arith.cmpi slt, %add3A_1308, %lt3A_1309 : i32
      %convert_element_type3A = arith.extui %lt3A_1310 : i1 to i32
      %cond3A = arith.constant 0 : i32
      %cond3A_1311 = arith.cmpi ne, %convert_element_type3A, %cond3A : i32
      scf.if %cond3A_1311 {
        %add3A_2526 = arith.constant 2 : i32
        %add3A_2527 = arith.addi %mul3A_108, %add3A_2526 : i32
        %mul3A_2528 = arith.constant 4 : i32
        %mul3A_2529 = arith.muli %mul3A_2528, %add3A_2527 : i32
        %dma_start3A_2530 = arith.constant 0 : i32
        %dma_start3A_2531 = arith.constant 0 : i32
        %dma_start3A_2532 = arith.constant 0 : i32
        %dma_start3A_2533 = arith.constant 0 : i32
        %dma_start3A_2534 = tpu.memref_slice %arg4[%dma_start3A_2530, %dma_start3A_2531, %dma_start3A_2532, %dma_start3A_2533] : memref<2x4x2x128xi32, #tpu.memory_space<vmem>> -> memref<1x4x2x128xi32, #tpu.memory_space<vmem>>
        %dma_start3A_2535 = tpu.memref_squeeze %dma_start3A_2534 : memref<1x4x2x128xi32, #tpu.memory_space<vmem>> -> memref<4x2x128xi32, #tpu.memory_space<vmem>>
        %dma_start3A_2536 = arith.constant 0 : i32
        %dma_start3A_2537 = arith.constant 0 : i32
        %dma_start3A_2538 = tpu.memref_slice %arg2[%arg1, %mul3A_2529, %dma_start3A_2536, %dma_start3A_2537] : memref<16x392x2x128xi32, #tpu.memory_space<hbm>> -> memref<1x4x2x128xi32, #tpu.memory_space<hbm>>
        %dma_start3A_2539 = tpu.memref_squeeze %dma_start3A_2538 : memref<1x4x2x128xi32, #tpu.memory_space<hbm>> -> memref<4x2x128xi32, #tpu.memory_space<hbm>>
        %dma_start3A_2540 = arith.constant 0 : i32
        %dma_start3A_2541 = arith.constant 0 : i32
        %dma_start3A_2542 = arith.constant 0 : i32
        %dma_start3A_2543 = tpu.memref_slice %arg4[%dma_start3A_2530, %dma_start3A_2540, %dma_start3A_2541, %dma_start3A_2542] : memref<2x4x2x128xi32, #tpu.memory_space<vmem>> -> memref<1x4x2x128xi32, #tpu.memory_space<vmem>>
        %dma_start3A_2544 = tpu.memref_squeeze %dma_start3A_2543 : memref<1x4x2x128xi32, #tpu.memory_space<vmem>> -> memref<4x2x128xi32, #tpu.memory_space<vmem>>
        %dma_start3A_2545 = arith.constant 0 : i32
        %dma_start3A_2546 = arith.constant 0 : i32
        %dma_start3A_2547 = tpu.memref_slice %arg2[%arg1, %mul3A_2529, %dma_start3A_2545, %dma_start3A_2546] : memref<16x392x2x128xi32, #tpu.memory_space<hbm>> -> memref<1x4x2x128xi32, #tpu.memory_space<hbm>>
        %dma_start3A_2548 = tpu.memref_squeeze %dma_start3A_2547 : memref<1x4x2x128xi32, #tpu.memory_space<hbm>> -> memref<4x2x128xi32, #tpu.memory_space<hbm>>
        tpu.enqueue_dma source(%dma_start3A_2548 : memref<4x2x128xi32, #tpu.memory_space<hbm>>) target(%dma_start3A_2544 : memref<4x2x128xi32, #tpu.memory_space<vmem>>) target_semaphore(%arg8 : memref<!tpu.dma_semaphore, #tpu.memory_space<semaphore_mem>>)
      } else {
      }
      %add3A_1312 = arith.constant 1 : i32
      %add3A_1313 = arith.addi %mul3A_108, %add3A_1312 : i32
      %mul3A_1314 = arith.constant 4 : i32
      %mul3A_1315 = arith.muli %mul3A_1314, %add3A_1313 : i32
      %dma_wait3A_1316 = arith.constant 1 : i32
      %dma_wait3A_1317 = arith.constant 0 : i32
      %dma_wait3A_1318 = arith.constant 0 : i32
      %dma_wait3A_1319 = arith.constant 0 : i32
      %dma_wait3A_1320 = tpu.memref_slice %arg4[%dma_wait3A_1316, %dma_wait3A_1317, %dma_wait3A_1318, %dma_wait3A_1319] : memref<2x4x2x128xi32, #tpu.memory_space<vmem>> -> memref<1x4x2x128xi32, #tpu.memory_space<vmem>>
      %dma_wait3A_1321 = tpu.memref_squeeze %dma_wait3A_1320 : memref<1x4x2x128xi32, #tpu.memory_space<vmem>> -> memref<4x2x128xi32, #tpu.memory_space<vmem>>
      %dma_wait3A_1322 = arith.constant 0 : i32
      %dma_wait3A_1323 = arith.constant 0 : i32
      %dma_wait3A_1324 = tpu.memref_slice %arg2[%arg1, %mul3A_1315, %dma_wait3A_1322, %dma_wait3A_1323] : memref<16x392x2x128xi32, #tpu.memory_space<hbm>> -> memref<1x4x2x128xi32, #tpu.memory_space<hbm>>
      %dma_wait3A_1325 = tpu.memref_squeeze %dma_wait3A_1324 : memref<1x4x2x128xi32, #tpu.memory_space<hbm>> -> memref<4x2x128xi32, #tpu.memory_space<hbm>>
      %dma_wait3A_1326 = arith.constant 0 : i32
      %dma_wait3A_1327 = arith.constant 0 : i32
      %dma_wait3A_1328 = arith.constant 0 : i32
      %dma_wait3A_1329 = tpu.memref_slice %arg4[%dma_wait3A_1316, %dma_wait3A_1326, %dma_wait3A_1327, %dma_wait3A_1328] : memref<2x4x2x128xi32, #tpu.memory_space<vmem>> -> memref<1x4x2x128xi32, #tpu.memory_space<vmem>>
      %dma_wait3A_1330 = tpu.memref_squeeze %dma_wait3A_1329 : memref<1x4x2x128xi32, #tpu.memory_space<vmem>> -> memref<4x2x128xi32, #tpu.memory_space<vmem>>
      %dma_wait3A_1331 = arith.constant 0 : i32
      %dma_wait3A_1332 = arith.constant 0 : i32
      %dma_wait3A_1333 = tpu.memref_slice %arg2[%arg1, %mul3A_1315, %dma_wait3A_1331, %dma_wait3A_1332] : memref<16x392x2x128xi32, #tpu.memory_space<hbm>> -> memref<1x4x2x128xi32, #tpu.memory_space<hbm>>
      %dma_wait3A_1334 = tpu.memref_squeeze %dma_wait3A_1333 : memref<1x4x2x128xi32, #tpu.memory_space<hbm>> -> memref<4x2x128xi32, #tpu.memory_space<hbm>>
      tpu.wait_dma2 semaphore(%arg9 : memref<!tpu.dma_semaphore, #tpu.memory_space<semaphore_mem>>) src(%dma_wait3A_1334 : memref<4x2x128xi32, #tpu.memory_space<hbm>>) dst(%dma_wait3A_1330 : memref<4x2x128xi32, #tpu.memory_space<vmem>>)
      %get3A_1335 = arith.constant 1 : i32
      %get3A_1336 = arith.constant 0 : i32
      %get3A_1337 = arith.constant 1 : i32
      %get3A_1338 = arith.index_cast %get3A_1335 : i32 to index
      %get3A_1339 = arith.index_cast %get3A_1336 : i32 to index
      %get3A_1340 = arith.index_cast %get3A_1337 : i32 to index
      %get3A_1341 = arith.constant 0 : index
      %get3A_1342 = tpu.vector_load %arg4[%get3A_1338, %get3A_1339, %get3A_1340, %get3A_1341] {strides = array<i32>} : memref<2x4x2x128xi32, #tpu.memory_space<vmem>>, vector<1x1x1x16xi32>,
      %get3A_1343 = vector.shape_cast %get3A_1342 : vector<1x1x1x16xi32> to vector<16xi32>
      %ge3A_1344 = vector.broadcast %mul3A_0 : i32 to vector<16xi32>
      %ge3A_1345 = arith.cmpi sge, %get3A_1343, %ge3A_1344 : vector<16xi32>
      %add3A_1346 = arith.constant 25088 : i32
      %add3A_1347 = arith.addi %mul3A_0, %add3A_1346 : i32
      %lt3A_1348 = vector.broadcast %add3A_1347 : i32 to vector<16xi32>
      %lt3A_1349 = arith.cmpi slt, %get3A_1343, %lt3A_1348 : vector<16xi32>
      %and3A_1350 = arith.andi %ge3A_1345, %lt3A_1349 : vector<16xi1>
      %sub3A_1351 = vector.broadcast %mul3A_0 : i32 to vector<16xi32>
      %sub3A_1352 = arith.subi %get3A_1343, %sub3A_1351 : vector<16xi32>
      %and3A_1353 = arith.constant 255 : i32
      %and3A_1354 = vector.broadcast %and3A_1353 : i32 to vector<16xi32>
      %and3A_1355 = arith.andi %get3A_1343, %and3A_1354 : vector<16xi32>
      %add3A_1356 = arith.constant 25088 : i32
      %add3A_1357 = vector.broadcast %add3A_1356 : i32 to vector<16xi32>
      %add3A_1358 = arith.addi %add3A_1357, %and3A_1355 : vector<16xi32>
      %select_n3A_1359 = arith.select %and3A_1350, %sub3A_1352, %add3A_1358 : vector<16xi1>, vector<16xi32>
      %swap3A_1360 = arith.constant 1 : i32
      %swap3A_1361 = arith.constant 0 : i32
      %swap3A_1362 = arith.constant 1 : i32
      %swap3A_1363 = arith.index_cast %swap3A_1360 : i32 to index
      %swap3A_1364 = arith.index_cast %swap3A_1361 : i32 to index
      %swap3A_1365 = arith.index_cast %swap3A_1362 : i32 to index
      %swap3A_1366 = arith.constant 0 : index
      %swap3A_1367 = tpu.vector_load %arg4[%swap3A_1363, %swap3A_1364, %swap3A_1365, %swap3A_1366] {strides = array<i32>} : memref<2x4x2x128xi32, #tpu.memory_space<vmem>>, vector<1x1x1x16xi32>,
      %swap3A_1368 = vector.shape_cast %swap3A_1367 : vector<1x1x1x16xi32> to vector<16xi32>
      %swap3A_1369 = vector.shape_cast %select_n3A_1359 : vector<16xi32> to vector<1x1x1x16xi32>
      tpu.vector_store %arg4[%swap3A_1363, %swap3A_1364, %swap3A_1365, %swap3A_1366], %swap3A_1369 {strides = array<i32>} : memref<2x4x2x128xi32, #tpu.memory_space<vmem>>, vector<1x1x1x16xi32>,
      %get3A_1370 = arith.constant 1 : i32
      %get3A_1371 = arith.constant 0 : i32
      %get3A_1372 = arith.constant 1 : i32
      %get3A_1373 = arith.index_cast %get3A_1370 : i32 to index
      %get3A_1374 = arith.index_cast %get3A_1371 : i32 to index
      %get3A_1375 = arith.index_cast %get3A_1372 : i32 to index
      %get3A_1376 = arith.constant 16 : index
      %get3A_1377 = tpu.vector_load %arg4[%get3A_1373, %get3A_1374, %get3A_1375, %get3A_1376] {strides = array<i32>} : memref<2x4x2x128xi32, #tpu.memory_space<vmem>>, vector<1x1x1x16xi32>,
      %get3A_1378 = vector.shape_cast %get3A_1377 : vector<1x1x1x16xi32> to vector<16xi32>
      %ge3A_1379 = vector.broadcast %mul3A_0 : i32 to vector<16xi32>
      %ge3A_1380 = arith.cmpi sge, %get3A_1378, %ge3A_1379 : vector<16xi32>
      %add3A_1381 = arith.constant 25088 : i32
      %add3A_1382 = arith.addi %mul3A_0, %add3A_1381 : i32
      %lt3A_1383 = vector.broadcast %add3A_1382 : i32 to vector<16xi32>
      %lt3A_1384 = arith.cmpi slt, %get3A_1378, %lt3A_1383 : vector<16xi32>
      %and3A_1385 = arith.andi %ge3A_1380, %lt3A_1384 : vector<16xi1>
      %sub3A_1386 = vector.broadcast %mul3A_0 : i32 to vector<16xi32>
      %sub3A_1387 = arith.subi %get3A_1378, %sub3A_1386 : vector<16xi32>
      %and3A_1388 = arith.constant 255 : i32
      %and3A_1389 = vector.broadcast %and3A_1388 : i32 to vector<16xi32>
      %and3A_1390 = arith.andi %get3A_1378, %and3A_1389 : vector<16xi32>
      %add3A_1391 = arith.constant 25088 : i32
      %add3A_1392 = vector.broadcast %add3A_1391 : i32 to vector<16xi32>
      %add3A_1393 = arith.addi %add3A_1392, %and3A_1390 : vector<16xi32>
      %select_n3A_1394 = arith.select %and3A_1385, %sub3A_1387, %add3A_1393 : vector<16xi1>, vector<16xi32>
      %swap3A_1395 = arith.constant 1 : i32
      %swap3A_1396 = arith.constant 0 : i32
      %swap3A_1397 = arith.constant 1 : i32
      %swap3A_1398 = arith.index_cast %swap3A_1395 : i32 to index
      %swap3A_1399 = arith.index_cast %swap3A_1396 : i32 to index
      %swap3A_1400 = arith.index_cast %swap3A_1397 : i32 to index
      %swap3A_1401 = arith.constant 16 : index
      %swap3A_1402 = tpu.vector_load %arg4[%swap3A_1398, %swap3A_1399, %swap3A_1400, %swap3A_1401] {strides = array<i32>} : memref<2x4x2x128xi32, #tpu.memory_space<vmem>>, vector<1x1x1x16xi32>,
      %swap3A_1403 = vector.shape_cast %swap3A_1402 : vector<1x1x1x16xi32> to vector<16xi32>
      %swap3A_1404 = vector.shape_cast %select_n3A_1394 : vector<16xi32> to vector<1x1x1x16xi32>
      tpu.vector_store %arg4[%swap3A_1398, %swap3A_1399, %swap3A_1400, %swap3A_1401], %swap3A_1404 {strides = array<i32>} : memref<2x4x2x128xi32, #tpu.memory_space<vmem>>, vector<1x1x1x16xi32>,
      %get3A_1405 = arith.constant 1 : i32
      %get3A_1406 = arith.constant 0 : i32
      %get3A_1407 = arith.constant 1 : i32
      %get3A_1408 = arith.index_cast %get3A_1405 : i32 to index
      %get3A_1409 = arith.index_cast %get3A_1406 : i32 to index
      %get3A_1410 = arith.index_cast %get3A_1407 : i32 to index
      %get3A_1411 = arith.constant 32 : index
      %get3A_1412 = tpu.vector_load %arg4[%get3A_1408, %get3A_1409, %get3A_1410, %get3A_1411] {strides = array<i32>} : memref<2x4x2x128xi32, #tpu.memory_space<vmem>>, vector<1x1x1x16xi32>,
      %get3A_1413 = vector.shape_cast %get3A_1412 : vector<1x1x1x16xi32> to vector<16xi32>
      %ge3A_1414 = vector.broadcast %mul3A_0 : i32 to vector<16xi32>
      %ge3A_1415 = arith.cmpi sge, %get3A_1413, %ge3A_1414 : vector<16xi32>
      %add3A_1416 = arith.constant 25088 : i32
      %add3A_1417 = arith.addi %mul3A_0, %add3A_1416 : i32
      %lt3A_1418 = vector.broadcast %add3A_1417 : i32 to vector<16xi32>
      %lt3A_1419 = arith.cmpi slt, %get3A_1413, %lt3A_1418 : vector<16xi32>
      %and3A_1420 = arith.andi %ge3A_1415, %lt3A_1419 : vector<16xi1>
      %sub3A_1421 = vector.broadcast %mul3A_0 : i32 to vector<16xi32>
      %sub3A_1422 = arith.subi %get3A_1413, %sub3A_1421 : vector<16xi32>
      %and3A_1423 = arith.constant 255 : i32
      %and3A_1424 = vector.broadcast %and3A_1423 : i32 to vector<16xi32>
      %and3A_1425 = arith.andi %get3A_1413, %and3A_1424 : vector<16xi32>
      %add3A_1426 = arith.constant 25088 : i32
      %add3A_1427 = vector.broadcast %add3A_1426 : i32 to vector<16xi32>
      %add3A_1428 = arith.addi %add3A_1427, %and3A_1425 : vector<16xi32>
      %select_n3A_1429 = arith.select %and3A_1420, %sub3A_1422, %add3A_1428 : vector<16xi1>, vector<16xi32>
      %swap3A_1430 = arith.constant 1 : i32
      %swap3A_1431 = arith.constant 0 : i32
      %swap3A_1432 = arith.constant 1 : i32
      %swap3A_1433 = arith.index_cast %swap3A_1430 : i32 to index
      %swap3A_1434 = arith.index_cast %swap3A_1431 : i32 to index
      %swap3A_1435 = arith.index_cast %swap3A_1432 : i32 to index
      %swap3A_1436 = arith.constant 32 : index
      %swap3A_1437 = tpu.vector_load %arg4[%swap3A_1433, %swap3A_1434, %swap3A_1435, %swap3A_1436] {strides = array<i32>} : memref<2x4x2x128xi32, #tpu.memory_space<vmem>>, vector<1x1x1x16xi32>,
      %swap3A_1438 = vector.shape_cast %swap3A_1437 : vector<1x1x1x16xi32> to vector<16xi32>
      %swap3A_1439 = vector.shape_cast %select_n3A_1429 : vector<16xi32> to vector<1x1x1x16xi32>
      tpu.vector_store %arg4[%swap3A_1433, %swap3A_1434, %swap3A_1435, %swap3A_1436], %swap3A_1439 {strides = array<i32>} : memref<2x4x2x128xi32, #tpu.memory_space<vmem>>, vector<1x1x1x16xi32>,
      %get3A_1440 = arith.constant 1 : i32
      %get3A_1441 = arith.constant 0 : i32
      %get3A_1442 = arith.constant 1 : i32
      %get3A_1443 = arith.index_cast %get3A_1440 : i32 to index
      %get3A_1444 = arith.index_cast %get3A_1441 : i32 to index
      %get3A_1445 = arith.index_cast %get3A_1442 : i32 to index
      %get3A_1446 = arith.constant 48 : index
      %get3A_1447 = tpu.vector_load %arg4[%get3A_1443, %get3A_1444, %get3A_1445, %get3A_1446] {strides = array<i32>} : memref<2x4x2x128xi32, #tpu.memory_space<vmem>>, vector<1x1x1x16xi32>,
      %get3A_1448 = vector.shape_cast %get3A_1447 : vector<1x1x1x16xi32> to vector<16xi32>
      %ge3A_1449 = vector.broadcast %mul3A_0 : i32 to vector<16xi32>
      %ge3A_1450 = arith.cmpi sge, %get3A_1448, %ge3A_1449 : vector<16xi32>
      %add3A_1451 = arith.constant 25088 : i32
      %add3A_1452 = arith.addi %mul3A_0, %add3A_1451 : i32
      %lt3A_1453 = vector.broadcast %add3A_1452 : i32 to vector<16xi32>
      %lt3A_1454 = arith.cmpi slt, %get3A_1448, %lt3A_1453 : vector<16xi32>
      %and3A_1455 = arith.andi %ge3A_1450, %lt3A_1454 : vector<16xi1>
      %sub3A_1456 = vector.broadcast %mul3A_0 : i32 to vector<16xi32>
      %sub3A_1457 = arith.subi %get3A_1448, %sub3A_1456 : vector<16xi32>
      %and3A_1458 = arith.constant 255 : i32
      %and3A_1459 = vector.broadcast %and3A_1458 : i32 to vector<16xi32>
      %and3A_1460 = arith.andi %get3A_1448, %and3A_1459 : vector<16xi32>
      %add3A_1461 = arith.constant 25088 : i32
      %add3A_1462 = vector.broadcast %add3A_1461 : i32 to vector<16xi32>
      %add3A_1463 = arith.addi %add3A_1462, %and3A_1460 : vector<16xi32>
      %select_n3A_1464 = arith.select %and3A_1455, %sub3A_1457, %add3A_1463 : vector<16xi1>, vector<16xi32>
      %swap3A_1465 = arith.constant 1 : i32
      %swap3A_1466 = arith.constant 0 : i32
      %swap3A_1467 = arith.constant 1 : i32
      %swap3A_1468 = arith.index_cast %swap3A_1465 : i32 to index
      %swap3A_1469 = arith.index_cast %swap3A_1466 : i32 to index
      %swap3A_1470 = arith.index_cast %swap3A_1467 : i32 to index
      %swap3A_1471 = arith.constant 48 : index
      %swap3A_1472 = tpu.vector_load %arg4[%swap3A_1468, %swap3A_1469, %swap3A_1470, %swap3A_1471] {strides = array<i32>} : memref<2x4x2x128xi32, #tpu.memory_space<vmem>>, vector<1x1x1x16xi32>,
      %swap3A_1473 = vector.shape_cast %swap3A_1472 : vector<1x1x1x16xi32> to vector<16xi32>
      %swap3A_1474 = vector.shape_cast %select_n3A_1464 : vector<16xi32> to vector<1x1x1x16xi32>
      tpu.vector_store %arg4[%swap3A_1468, %swap3A_1469, %swap3A_1470, %swap3A_1471], %swap3A_1474 {strides = array<i32>} : memref<2x4x2x128xi32, #tpu.memory_space<vmem>>, vector<1x1x1x16xi32>,
      %get3A_1475 = arith.constant 1 : i32
      %get3A_1476 = arith.constant 0 : i32
      %get3A_1477 = arith.constant 1 : i32
      %get3A_1478 = arith.index_cast %get3A_1475 : i32 to index
      %get3A_1479 = arith.index_cast %get3A_1476 : i32 to index
      %get3A_1480 = arith.index_cast %get3A_1477 : i32 to index
      %get3A_1481 = arith.constant 64 : index
      %get3A_1482 = tpu.vector_load %arg4[%get3A_1478, %get3A_1479, %get3A_1480, %get3A_1481] {strides = array<i32>} : memref<2x4x2x128xi32, #tpu.memory_space<vmem>>, vector<1x1x1x16xi32>,
      %get3A_1483 = vector.shape_cast %get3A_1482 : vector<1x1x1x16xi32> to vector<16xi32>
      %ge3A_1484 = vector.broadcast %mul3A_0 : i32 to vector<16xi32>
      %ge3A_1485 = arith.cmpi sge, %get3A_1483, %ge3A_1484 : vector<16xi32>
      %add3A_1486 = arith.constant 25088 : i32
      %add3A_1487 = arith.addi %mul3A_0, %add3A_1486 : i32
      %lt3A_1488 = vector.broadcast %add3A_1487 : i32 to vector<16xi32>
      %lt3A_1489 = arith.cmpi slt, %get3A_1483, %lt3A_1488 : vector<16xi32>
      %and3A_1490 = arith.andi %ge3A_1485, %lt3A_1489 : vector<16xi1>
      %sub3A_1491 = vector.broadcast %mul3A_0 : i32 to vector<16xi32>
      %sub3A_1492 = arith.subi %get3A_1483, %sub3A_1491 : vector<16xi32>
      %and3A_1493 = arith.constant 255 : i32
      %and3A_1494 = vector.broadcast %and3A_1493 : i32 to vector<16xi32>
      %and3A_1495 = arith.andi %get3A_1483, %and3A_1494 : vector<16xi32>
      %add3A_1496 = arith.constant 25088 : i32
      %add3A_1497 = vector.broadcast %add3A_1496 : i32 to vector<16xi32>
      %add3A_1498 = arith.addi %add3A_1497, %and3A_1495 : vector<16xi32>
      %select_n3A_1499 = arith.select %and3A_1490, %sub3A_1492, %add3A_1498 : vector<16xi1>, vector<16xi32>
      %swap3A_1500 = arith.constant 1 : i32
      %swap3A_1501 = arith.constant 0 : i32
      %swap3A_1502 = arith.constant 1 : i32
      %swap3A_1503 = arith.index_cast %swap3A_1500 : i32 to index
      %swap3A_1504 = arith.index_cast %swap3A_1501 : i32 to index
      %swap3A_1505 = arith.index_cast %swap3A_1502 : i32 to index
      %swap3A_1506 = arith.constant 64 : index
      %swap3A_1507 = tpu.vector_load %arg4[%swap3A_1503, %swap3A_1504, %swap3A_1505, %swap3A_1506] {strides = array<i32>} : memref<2x4x2x128xi32, #tpu.memory_space<vmem>>, vector<1x1x1x16xi32>,
      %swap3A_1508 = vector.shape_cast %swap3A_1507 : vector<1x1x1x16xi32> to vector<16xi32>
      %swap3A_1509 = vector.shape_cast %select_n3A_1499 : vector<16xi32> to vector<1x1x1x16xi32>
      tpu.vector_store %arg4[%swap3A_1503, %swap3A_1504, %swap3A_1505, %swap3A_1506], %swap3A_1509 {strides = array<i32>} : memref<2x4x2x128xi32, #tpu.memory_space<vmem>>, vector<1x1x1x16xi32>,
      %get3A_1510 = arith.constant 1 : i32
      %get3A_1511 = arith.constant 0 : i32
      %get3A_1512 = arith.constant 1 : i32
      %get3A_1513 = arith.index_cast %get3A_1510 : i32 to index
      %get3A_1514 = arith.index_cast %get3A_1511 : i32 to index
      %get3A_1515 = arith.index_cast %get3A_1512 : i32 to index
      %get3A_1516 = arith.constant 80 : index
      %get3A_1517 = tpu.vector_load %arg4[%get3A_1513, %get3A_1514, %get3A_1515, %get3A_1516] {strides = array<i32>} : memref<2x4x2x128xi32, #tpu.memory_space<vmem>>, vector<1x1x1x16xi32>,
      %get3A_1518 = vector.shape_cast %get3A_1517 : vector<1x1x1x16xi32> to vector<16xi32>
      %ge3A_1519 = vector.broadcast %mul3A_0 : i32 to vector<16xi32>
      %ge3A_1520 = arith.cmpi sge, %get3A_1518, %ge3A_1519 : vector<16xi32>
      %add3A_1521 = arith.constant 25088 : i32
      %add3A_1522 = arith.addi %mul3A_0, %add3A_1521 : i32
      %lt3A_1523 = vector.broadcast %add3A_1522 : i32 to vector<16xi32>
      %lt3A_1524 = arith.cmpi slt, %get3A_1518, %lt3A_1523 : vector<16xi32>
      %and3A_1525 = arith.andi %ge3A_1520, %lt3A_1524 : vector<16xi1>
      %sub3A_1526 = vector.broadcast %mul3A_0 : i32 to vector<16xi32>
      %sub3A_1527 = arith.subi %get3A_1518, %sub3A_1526 : vector<16xi32>
      %and3A_1528 = arith.constant 255 : i32
      %and3A_1529 = vector.broadcast %and3A_1528 : i32 to vector<16xi32>
      %and3A_1530 = arith.andi %get3A_1518, %and3A_1529 : vector<16xi32>
      %add3A_1531 = arith.constant 25088 : i32
      %add3A_1532 = vector.broadcast %add3A_1531 : i32 to vector<16xi32>
      %add3A_1533 = arith.addi %add3A_1532, %and3A_1530 : vector<16xi32>
      %select_n3A_1534 = arith.select %and3A_1525, %sub3A_1527, %add3A_1533 : vector<16xi1>, vector<16xi32>
      %swap3A_1535 = arith.constant 1 : i32
      %swap3A_1536 = arith.constant 0 : i32
      %swap3A_1537 = arith.constant 1 : i32
      %swap3A_1538 = arith.index_cast %swap3A_1535 : i32 to index
      %swap3A_1539 = arith.index_cast %swap3A_1536 : i32 to index
      %swap3A_1540 = arith.index_cast %swap3A_1537 : i32 to index
      %swap3A_1541 = arith.constant 80 : index
      %swap3A_1542 = tpu.vector_load %arg4[%swap3A_1538, %swap3A_1539, %swap3A_1540, %swap3A_1541] {strides = array<i32>} : memref<2x4x2x128xi32, #tpu.memory_space<vmem>>, vector<1x1x1x16xi32>,
      %swap3A_1543 = vector.shape_cast %swap3A_1542 : vector<1x1x1x16xi32> to vector<16xi32>
      %swap3A_1544 = vector.shape_cast %select_n3A_1534 : vector<16xi32> to vector<1x1x1x16xi32>
      tpu.vector_store %arg4[%swap3A_1538, %swap3A_1539, %swap3A_1540, %swap3A_1541], %swap3A_1544 {strides = array<i32>} : memref<2x4x2x128xi32, #tpu.memory_space<vmem>>, vector<1x1x1x16xi32>,
      %get3A_1545 = arith.constant 1 : i32
      %get3A_1546 = arith.constant 0 : i32
      %get3A_1547 = arith.constant 1 : i32
      %get3A_1548 = arith.index_cast %get3A_1545 : i32 to index
      %get3A_1549 = arith.index_cast %get3A_1546 : i32 to index
      %get3A_1550 = arith.index_cast %get3A_1547 : i32 to index
      %get3A_1551 = arith.constant 96 : index
      %get3A_1552 = tpu.vector_load %arg4[%get3A_1548, %get3A_1549, %get3A_1550, %get3A_1551] {strides = array<i32>} : memref<2x4x2x128xi32, #tpu.memory_space<vmem>>, vector<1x1x1x16xi32>,
      %get3A_1553 = vector.shape_cast %get3A_1552 : vector<1x1x1x16xi32> to vector<16xi32>
      %ge3A_1554 = vector.broadcast %mul3A_0 : i32 to vector<16xi32>
      %ge3A_1555 = arith.cmpi sge, %get3A_1553, %ge3A_1554 : vector<16xi32>
      %add3A_1556 = arith.constant 25088 : i32
      %add3A_1557 = arith.addi %mul3A_0, %add3A_1556 : i32
      %lt3A_1558 = vector.broadcast %add3A_1557 : i32 to vector<16xi32>
      %lt3A_1559 = arith.cmpi slt, %get3A_1553, %lt3A_1558 : vector<16xi32>
      %and3A_1560 = arith.andi %ge3A_1555, %lt3A_1559 : vector<16xi1>
      %sub3A_1561 = vector.broadcast %mul3A_0 : i32 to vector<16xi32>
      %sub3A_1562 = arith.subi %get3A_1553, %sub3A_1561 : vector<16xi32>
      %and3A_1563 = arith.constant 255 : i32
      %and3A_1564 = vector.broadcast %and3A_1563 : i32 to vector<16xi32>
      %and3A_1565 = arith.andi %get3A_1553, %and3A_1564 : vector<16xi32>
      %add3A_1566 = arith.constant 25088 : i32
      %add3A_1567 = vector.broadcast %add3A_1566 : i32 to vector<16xi32>
      %add3A_1568 = arith.addi %add3A_1567, %and3A_1565 : vector<16xi32>
      %select_n3A_1569 = arith.select %and3A_1560, %sub3A_1562, %add3A_1568 : vector<16xi1>, vector<16xi32>
      %swap3A_1570 = arith.constant 1 : i32
      %swap3A_1571 = arith.constant 0 : i32
      %swap3A_1572 = arith.constant 1 : i32
      %swap3A_1573 = arith.index_cast %swap3A_1570 : i32 to index
      %swap3A_1574 = arith.index_cast %swap3A_1571 : i32 to index
      %swap3A_1575 = arith.index_cast %swap3A_1572 : i32 to index
      %swap3A_1576 = arith.constant 96 : index
      %swap3A_1577 = tpu.vector_load %arg4[%swap3A_1573, %swap3A_1574, %swap3A_1575, %swap3A_1576] {strides = array<i32>} : memref<2x4x2x128xi32, #tpu.memory_space<vmem>>, vector<1x1x1x16xi32>,
      %swap3A_1578 = vector.shape_cast %swap3A_1577 : vector<1x1x1x16xi32> to vector<16xi32>
      %swap3A_1579 = vector.shape_cast %select_n3A_1569 : vector<16xi32> to vector<1x1x1x16xi32>
      tpu.vector_store %arg4[%swap3A_1573, %swap3A_1574, %swap3A_1575, %swap3A_1576], %swap3A_1579 {strides = array<i32>} : memref<2x4x2x128xi32, #tpu.memory_space<vmem>>, vector<1x1x1x16xi32>,
      %get3A_1580 = arith.constant 1 : i32
      %get3A_1581 = arith.constant 0 : i32
      %get3A_1582 = arith.constant 1 : i32
      %get3A_1583 = arith.index_cast %get3A_1580 : i32 to index
      %get3A_1584 = arith.index_cast %get3A_1581 : i32 to index
      %get3A_1585 = arith.index_cast %get3A_1582 : i32 to index
      %get3A_1586 = arith.constant 112 : index
      %get3A_1587 = tpu.vector_load %arg4[%get3A_1583, %get3A_1584, %get3A_1585, %get3A_1586] {strides = array<i32>} : memref<2x4x2x128xi32, #tpu.memory_space<vmem>>, vector<1x1x1x16xi32>,
      %get3A_1588 = vector.shape_cast %get3A_1587 : vector<1x1x1x16xi32> to vector<16xi32>
      %ge3A_1589 = vector.broadcast %mul3A_0 : i32 to vector<16xi32>
      %ge3A_1590 = arith.cmpi sge, %get3A_1588, %ge3A_1589 : vector<16xi32>
      %add3A_1591 = arith.constant 25088 : i32
      %add3A_1592 = arith.addi %mul3A_0, %add3A_1591 : i32
      %lt3A_1593 = vector.broadcast %add3A_1592 : i32 to vector<16xi32>
      %lt3A_1594 = arith.cmpi slt, %get3A_1588, %lt3A_1593 : vector<16xi32>
      %and3A_1595 = arith.andi %ge3A_1590, %lt3A_1594 : vector<16xi1>
      %sub3A_1596 = vector.broadcast %mul3A_0 : i32 to vector<16xi32>
      %sub3A_1597 = arith.subi %get3A_1588, %sub3A_1596 : vector<16xi32>
      %and3A_1598 = arith.constant 255 : i32
      %and3A_1599 = vector.broadcast %and3A_1598 : i32 to vector<16xi32>
      %and3A_1600 = arith.andi %get3A_1588, %and3A_1599 : vector<16xi32>
      %add3A_1601 = arith.constant 25088 : i32
      %add3A_1602 = vector.broadcast %add3A_1601 : i32 to vector<16xi32>
      %add3A_1603 = arith.addi %add3A_1602, %and3A_1600 : vector<16xi32>
      %select_n3A_1604 = arith.select %and3A_1595, %sub3A_1597, %add3A_1603 : vector<16xi1>, vector<16xi32>
      %swap3A_1605 = arith.constant 1 : i32
      %swap3A_1606 = arith.constant 0 : i32
      %swap3A_1607 = arith.constant 1 : i32
      %swap3A_1608 = arith.index_cast %swap3A_1605 : i32 to index
      %swap3A_1609 = arith.index_cast %swap3A_1606 : i32 to index
      %swap3A_1610 = arith.index_cast %swap3A_1607 : i32 to index
      %swap3A_1611 = arith.constant 112 : index
      %swap3A_1612 = tpu.vector_load %arg4[%swap3A_1608, %swap3A_1609, %swap3A_1610, %swap3A_1611] {strides = array<i32>} : memref<2x4x2x128xi32, #tpu.memory_space<vmem>>, vector<1x1x1x16xi32>,
      %swap3A_1613 = vector.shape_cast %swap3A_1612 : vector<1x1x1x16xi32> to vector<16xi32>
      %swap3A_1614 = vector.shape_cast %select_n3A_1604 : vector<16xi32> to vector<1x1x1x16xi32>
      tpu.vector_store %arg4[%swap3A_1608, %swap3A_1609, %swap3A_1610, %swap3A_1611], %swap3A_1614 {strides = array<i32>} : memref<2x4x2x128xi32, #tpu.memory_space<vmem>>, vector<1x1x1x16xi32>,
      %get3A_1615 = arith.constant 1 : i32
      %get3A_1616 = arith.constant 1 : i32
      %get3A_1617 = arith.constant 1 : i32
      %get3A_1618 = arith.index_cast %get3A_1615 : i32 to index
      %get3A_1619 = arith.index_cast %get3A_1616 : i32 to index
      %get3A_1620 = arith.index_cast %get3A_1617 : i32 to index
      %get3A_1621 = arith.constant 0 : index
      %get3A_1622 = tpu.vector_load %arg4[%get3A_1618, %get3A_1619, %get3A_1620, %get3A_1621] {strides = array<i32>} : memref<2x4x2x128xi32, #tpu.memory_space<vmem>>, vector<1x1x1x16xi32>,
      %get3A_1623 = vector.shape_cast %get3A_1622 : vector<1x1x1x16xi32> to vector<16xi32>
      %ge3A_1624 = vector.broadcast %mul3A_0 : i32 to vector<16xi32>
      %ge3A_1625 = arith.cmpi sge, %get3A_1623, %ge3A_1624 : vector<16xi32>
      %add3A_1626 = arith.constant 25088 : i32
      %add3A_1627 = arith.addi %mul3A_0, %add3A_1626 : i32
      %lt3A_1628 = vector.broadcast %add3A_1627 : i32 to vector<16xi32>
      %lt3A_1629 = arith.cmpi slt, %get3A_1623, %lt3A_1628 : vector<16xi32>
      %and3A_1630 = arith.andi %ge3A_1625, %lt3A_1629 : vector<16xi1>
      %sub3A_1631 = vector.broadcast %mul3A_0 : i32 to vector<16xi32>
      %sub3A_1632 = arith.subi %get3A_1623, %sub3A_1631 : vector<16xi32>
      %and3A_1633 = arith.constant 255 : i32
      %and3A_1634 = vector.broadcast %and3A_1633 : i32 to vector<16xi32>
      %and3A_1635 = arith.andi %get3A_1623, %and3A_1634 : vector<16xi32>
      %add3A_1636 = arith.constant 25088 : i32
      %add3A_1637 = vector.broadcast %add3A_1636 : i32 to vector<16xi32>
      %add3A_1638 = arith.addi %add3A_1637, %and3A_1635 : vector<16xi32>
      %select_n3A_1639 = arith.select %and3A_1630, %sub3A_1632, %add3A_1638 : vector<16xi1>, vector<16xi32>
      %swap3A_1640 = arith.constant 1 : i32
      %swap3A_1641 = arith.constant 1 : i32
      %swap3A_1642 = arith.constant 1 : i32
      %swap3A_1643 = arith.index_cast %swap3A_1640 : i32 to index
      %swap3A_1644 = arith.index_cast %swap3A_1641 : i32 to index
      %swap3A_1645 = arith.index_cast %swap3A_1642 : i32 to index
      %swap3A_1646 = arith.constant 0 : index
      %swap3A_1647 = tpu.vector_load %arg4[%swap3A_1643, %swap3A_1644, %swap3A_1645, %swap3A_1646] {strides = array<i32>} : memref<2x4x2x128xi32, #tpu.memory_space<vmem>>, vector<1x1x1x16xi32>,
      %swap3A_1648 = vector.shape_cast %swap3A_1647 : vector<1x1x1x16xi32> to vector<16xi32>
      %swap3A_1649 = vector.shape_cast %select_n3A_1639 : vector<16xi32> to vector<1x1x1x16xi32>
      tpu.vector_store %arg4[%swap3A_1643, %swap3A_1644, %swap3A_1645, %swap3A_1646], %swap3A_1649 {strides = array<i32>} : memref<2x4x2x128xi32, #tpu.memory_space<vmem>>, vector<1x1x1x16xi32>,
      %get3A_1650 = arith.constant 1 : i32
      %get3A_1651 = arith.constant 1 : i32
      %get3A_1652 = arith.constant 1 : i32
      %get3A_1653 = arith.index_cast %get3A_1650 : i32 to index
      %get3A_1654 = arith.index_cast %get3A_1651 : i32 to index
      %get3A_1655 = arith.index_cast %get3A_1652 : i32 to index
      %get3A_1656 = arith.constant 16 : index
      %get3A_1657 = tpu.vector_load %arg4[%get3A_1653, %get3A_1654, %get3A_1655, %get3A_1656] {strides = array<i32>} : memref<2x4x2x128xi32, #tpu.memory_space<vmem>>, vector<1x1x1x16xi32>,
      %get3A_1658 = vector.shape_cast %get3A_1657 : vector<1x1x1x16xi32> to vector<16xi32>
      %ge3A_1659 = vector.broadcast %mul3A_0 : i32 to vector<16xi32>
      %ge3A_1660 = arith.cmpi sge, %get3A_1658, %ge3A_1659 : vector<16xi32>
      %add3A_1661 = arith.constant 25088 : i32
      %add3A_1662 = arith.addi %mul3A_0, %add3A_1661 : i32
      %lt3A_1663 = vector.broadcast %add3A_1662 : i32 to vector<16xi32>
      %lt3A_1664 = arith.cmpi slt, %get3A_1658, %lt3A_1663 : vector<16xi32>
      %and3A_1665 = arith.andi %ge3A_1660, %lt3A_1664 : vector<16xi1>
      %sub3A_1666 = vector.broadcast %mul3A_0 : i32 to vector<16xi32>
      %sub3A_1667 = arith.subi %get3A_1658, %sub3A_1666 : vector<16xi32>
      %and3A_1668 = arith.constant 255 : i32
      %and3A_1669 = vector.broadcast %and3A_1668 : i32 to vector<16xi32>
      %and3A_1670 = arith.andi %get3A_1658, %and3A_1669 : vector<16xi32>
      %add3A_1671 = arith.constant 25088 : i32
      %add3A_1672 = vector.broadcast %add3A_1671 : i32 to vector<16xi32>
      %add3A_1673 = arith.addi %add3A_1672, %and3A_1670 : vector<16xi32>
      %select_n3A_1674 = arith.select %and3A_1665, %sub3A_1667, %add3A_1673 : vector<16xi1>, vector<16xi32>
      %swap3A_1675 = arith.constant 1 : i32
      %swap3A_1676 = arith.constant 1 : i32
      %swap3A_1677 = arith.constant 1 : i32
      %swap3A_1678 = arith.index_cast %swap3A_1675 : i32 to index
      %swap3A_1679 = arith.index_cast %swap3A_1676 : i32 to index
      %swap3A_1680 = arith.index_cast %swap3A_1677 : i32 to index
      %swap3A_1681 = arith.constant 16 : index
      %swap3A_1682 = tpu.vector_load %arg4[%swap3A_1678, %swap3A_1679, %swap3A_1680, %swap3A_1681] {strides = array<i32>} : memref<2x4x2x128xi32, #tpu.memory_space<vmem>>, vector<1x1x1x16xi32>,
      %swap3A_1683 = vector.shape_cast %swap3A_1682 : vector<1x1x1x16xi32> to vector<16xi32>
      %swap3A_1684 = vector.shape_cast %select_n3A_1674 : vector<16xi32> to vector<1x1x1x16xi32>
      tpu.vector_store %arg4[%swap3A_1678, %swap3A_1679, %swap3A_1680, %swap3A_1681], %swap3A_1684 {strides = array<i32>} : memref<2x4x2x128xi32, #tpu.memory_space<vmem>>, vector<1x1x1x16xi32>,
      %get3A_1685 = arith.constant 1 : i32
      %get3A_1686 = arith.constant 1 : i32
      %get3A_1687 = arith.constant 1 : i32
      %get3A_1688 = arith.index_cast %get3A_1685 : i32 to index
      %get3A_1689 = arith.index_cast %get3A_1686 : i32 to index
      %get3A_1690 = arith.index_cast %get3A_1687 : i32 to index
      %get3A_1691 = arith.constant 32 : index
      %get3A_1692 = tpu.vector_load %arg4[%get3A_1688, %get3A_1689, %get3A_1690, %get3A_1691] {strides = array<i32>} : memref<2x4x2x128xi32, #tpu.memory_space<vmem>>, vector<1x1x1x16xi32>,
      %get3A_1693 = vector.shape_cast %get3A_1692 : vector<1x1x1x16xi32> to vector<16xi32>
      %ge3A_1694 = vector.broadcast %mul3A_0 : i32 to vector<16xi32>
      %ge3A_1695 = arith.cmpi sge, %get3A_1693, %ge3A_1694 : vector<16xi32>
      %add3A_1696 = arith.constant 25088 : i32
      %add3A_1697 = arith.addi %mul3A_0, %add3A_1696 : i32
      %lt3A_1698 = vector.broadcast %add3A_1697 : i32 to vector<16xi32>
      %lt3A_1699 = arith.cmpi slt, %get3A_1693, %lt3A_1698 : vector<16xi32>
      %and3A_1700 = arith.andi %ge3A_1695, %lt3A_1699 : vector<16xi1>
      %sub3A_1701 = vector.broadcast %mul3A_0 : i32 to vector<16xi32>
      %sub3A_1702 = arith.subi %get3A_1693, %sub3A_1701 : vector<16xi32>
      %and3A_1703 = arith.constant 255 : i32
      %and3A_1704 = vector.broadcast %and3A_1703 : i32 to vector<16xi32>
      %and3A_1705 = arith.andi %get3A_1693, %and3A_1704 : vector<16xi32>
      %add3A_1706 = arith.constant 25088 : i32
      %add3A_1707 = vector.broadcast %add3A_1706 : i32 to vector<16xi32>
      %add3A_1708 = arith.addi %add3A_1707, %and3A_1705 : vector<16xi32>
      %select_n3A_1709 = arith.select %and3A_1700, %sub3A_1702, %add3A_1708 : vector<16xi1>, vector<16xi32>
      %swap3A_1710 = arith.constant 1 : i32
      %swap3A_1711 = arith.constant 1 : i32
      %swap3A_1712 = arith.constant 1 : i32
      %swap3A_1713 = arith.index_cast %swap3A_1710 : i32 to index
      %swap3A_1714 = arith.index_cast %swap3A_1711 : i32 to index
      %swap3A_1715 = arith.index_cast %swap3A_1712 : i32 to index
      %swap3A_1716 = arith.constant 32 : index
      %swap3A_1717 = tpu.vector_load %arg4[%swap3A_1713, %swap3A_1714, %swap3A_1715, %swap3A_1716] {strides = array<i32>} : memref<2x4x2x128xi32, #tpu.memory_space<vmem>>, vector<1x1x1x16xi32>,
      %swap3A_1718 = vector.shape_cast %swap3A_1717 : vector<1x1x1x16xi32> to vector<16xi32>
      %swap3A_1719 = vector.shape_cast %select_n3A_1709 : vector<16xi32> to vector<1x1x1x16xi32>
      tpu.vector_store %arg4[%swap3A_1713, %swap3A_1714, %swap3A_1715, %swap3A_1716], %swap3A_1719 {strides = array<i32>} : memref<2x4x2x128xi32, #tpu.memory_space<vmem>>, vector<1x1x1x16xi32>,
      %get3A_1720 = arith.constant 1 : i32
      %get3A_1721 = arith.constant 1 : i32
      %get3A_1722 = arith.constant 1 : i32
      %get3A_1723 = arith.index_cast %get3A_1720 : i32 to index
      %get3A_1724 = arith.index_cast %get3A_1721 : i32 to index
      %get3A_1725 = arith.index_cast %get3A_1722 : i32 to index
      %get3A_1726 = arith.constant 48 : index
      %get3A_1727 = tpu.vector_load %arg4[%get3A_1723, %get3A_1724, %get3A_1725, %get3A_1726] {strides = array<i32>} : memref<2x4x2x128xi32, #tpu.memory_space<vmem>>, vector<1x1x1x16xi32>,
      %get3A_1728 = vector.shape_cast %get3A_1727 : vector<1x1x1x16xi32> to vector<16xi32>
      %ge3A_1729 = vector.broadcast %mul3A_0 : i32 to vector<16xi32>
      %ge3A_1730 = arith.cmpi sge, %get3A_1728, %ge3A_1729 : vector<16xi32>
      %add3A_1731 = arith.constant 25088 : i32
      %add3A_1732 = arith.addi %mul3A_0, %add3A_1731 : i32
      %lt3A_1733 = vector.broadcast %add3A_1732 : i32 to vector<16xi32>
      %lt3A_1734 = arith.cmpi slt, %get3A_1728, %lt3A_1733 : vector<16xi32>
      %and3A_1735 = arith.andi %ge3A_1730, %lt3A_1734 : vector<16xi1>
      %sub3A_1736 = vector.broadcast %mul3A_0 : i32 to vector<16xi32>
      %sub3A_1737 = arith.subi %get3A_1728, %sub3A_1736 : vector<16xi32>
      %and3A_1738 = arith.constant 255 : i32
      %and3A_1739 = vector.broadcast %and3A_1738 : i32 to vector<16xi32>
      %and3A_1740 = arith.andi %get3A_1728, %and3A_1739 : vector<16xi32>
      %add3A_1741 = arith.constant 25088 : i32
      %add3A_1742 = vector.broadcast %add3A_1741 : i32 to vector<16xi32>
      %add3A_1743 = arith.addi %add3A_1742, %and3A_1740 : vector<16xi32>
      %select_n3A_1744 = arith.select %and3A_1735, %sub3A_1737, %add3A_1743 : vector<16xi1>, vector<16xi32>
      %swap3A_1745 = arith.constant 1 : i32
      %swap3A_1746 = arith.constant 1 : i32
      %swap3A_1747 = arith.constant 1 : i32
      %swap3A_1748 = arith.index_cast %swap3A_1745 : i32 to index
      %swap3A_1749 = arith.index_cast %swap3A_1746 : i32 to index
      %swap3A_1750 = arith.index_cast %swap3A_1747 : i32 to index
      %swap3A_1751 = arith.constant 48 : index
      %swap3A_1752 = tpu.vector_load %arg4[%swap3A_1748, %swap3A_1749, %swap3A_1750, %swap3A_1751] {strides = array<i32>} : memref<2x4x2x128xi32, #tpu.memory_space<vmem>>, vector<1x1x1x16xi32>,
      %swap3A_1753 = vector.shape_cast %swap3A_1752 : vector<1x1x1x16xi32> to vector<16xi32>
      %swap3A_1754 = vector.shape_cast %select_n3A_1744 : vector<16xi32> to vector<1x1x1x16xi32>
      tpu.vector_store %arg4[%swap3A_1748, %swap3A_1749, %swap3A_1750, %swap3A_1751], %swap3A_1754 {strides = array<i32>} : memref<2x4x2x128xi32, #tpu.memory_space<vmem>>, vector<1x1x1x16xi32>,
      %get3A_1755 = arith.constant 1 : i32
      %get3A_1756 = arith.constant 1 : i32
      %get3A_1757 = arith.constant 1 : i32
      %get3A_1758 = arith.index_cast %get3A_1755 : i32 to index
      %get3A_1759 = arith.index_cast %get3A_1756 : i32 to index
      %get3A_1760 = arith.index_cast %get3A_1757 : i32 to index
      %get3A_1761 = arith.constant 64 : index
      %get3A_1762 = tpu.vector_load %arg4[%get3A_1758, %get3A_1759, %get3A_1760, %get3A_1761] {strides = array<i32>} : memref<2x4x2x128xi32, #tpu.memory_space<vmem>>, vector<1x1x1x16xi32>,
      %get3A_1763 = vector.shape_cast %get3A_1762 : vector<1x1x1x16xi32> to vector<16xi32>
      %ge3A_1764 = vector.broadcast %mul3A_0 : i32 to vector<16xi32>
      %ge3A_1765 = arith.cmpi sge, %get3A_1763, %ge3A_1764 : vector<16xi32>
      %add3A_1766 = arith.constant 25088 : i32
      %add3A_1767 = arith.addi %mul3A_0, %add3A_1766 : i32
      %lt3A_1768 = vector.broadcast %add3A_1767 : i32 to vector<16xi32>
      %lt3A_1769 = arith.cmpi slt, %get3A_1763, %lt3A_1768 : vector<16xi32>
      %and3A_1770 = arith.andi %ge3A_1765, %lt3A_1769 : vector<16xi1>
      %sub3A_1771 = vector.broadcast %mul3A_0 : i32 to vector<16xi32>
      %sub3A_1772 = arith.subi %get3A_1763, %sub3A_1771 : vector<16xi32>
      %and3A_1773 = arith.constant 255 : i32
      %and3A_1774 = vector.broadcast %and3A_1773 : i32 to vector<16xi32>
      %and3A_1775 = arith.andi %get3A_1763, %and3A_1774 : vector<16xi32>
      %add3A_1776 = arith.constant 25088 : i32
      %add3A_1777 = vector.broadcast %add3A_1776 : i32 to vector<16xi32>
      %add3A_1778 = arith.addi %add3A_1777, %and3A_1775 : vector<16xi32>
      %select_n3A_1779 = arith.select %and3A_1770, %sub3A_1772, %add3A_1778 : vector<16xi1>, vector<16xi32>
      %swap3A_1780 = arith.constant 1 : i32
      %swap3A_1781 = arith.constant 1 : i32
      %swap3A_1782 = arith.constant 1 : i32
      %swap3A_1783 = arith.index_cast %swap3A_1780 : i32 to index
      %swap3A_1784 = arith.index_cast %swap3A_1781 : i32 to index
      %swap3A_1785 = arith.index_cast %swap3A_1782 : i32 to index
      %swap3A_1786 = arith.constant 64 : index
      %swap3A_1787 = tpu.vector_load %arg4[%swap3A_1783, %swap3A_1784, %swap3A_1785, %swap3A_1786] {strides = array<i32>} : memref<2x4x2x128xi32, #tpu.memory_space<vmem>>, vector<1x1x1x16xi32>,
      %swap3A_1788 = vector.shape_cast %swap3A_1787 : vector<1x1x1x16xi32> to vector<16xi32>
      %swap3A_1789 = vector.shape_cast %select_n3A_1779 : vector<16xi32> to vector<1x1x1x16xi32>
      tpu.vector_store %arg4[%swap3A_1783, %swap3A_1784, %swap3A_1785, %swap3A_1786], %swap3A_1789 {strides = array<i32>} : memref<2x4x2x128xi32, #tpu.memory_space<vmem>>, vector<1x1x1x16xi32>,
      %get3A_1790 = arith.constant 1 : i32
      %get3A_1791 = arith.constant 1 : i32
      %get3A_1792 = arith.constant 1 : i32
      %get3A_1793 = arith.index_cast %get3A_1790 : i32 to index
      %get3A_1794 = arith.index_cast %get3A_1791 : i32 to index
      %get3A_1795 = arith.index_cast %get3A_1792 : i32 to index
      %get3A_1796 = arith.constant 80 : index
      %get3A_1797 = tpu.vector_load %arg4[%get3A_1793, %get3A_1794, %get3A_1795, %get3A_1796] {strides = array<i32>} : memref<2x4x2x128xi32, #tpu.memory_space<vmem>>, vector<1x1x1x16xi32>,
      %get3A_1798 = vector.shape_cast %get3A_1797 : vector<1x1x1x16xi32> to vector<16xi32>
      %ge3A_1799 = vector.broadcast %mul3A_0 : i32 to vector<16xi32>
      %ge3A_1800 = arith.cmpi sge, %get3A_1798, %ge3A_1799 : vector<16xi32>
      %add3A_1801 = arith.constant 25088 : i32
      %add3A_1802 = arith.addi %mul3A_0, %add3A_1801 : i32
      %lt3A_1803 = vector.broadcast %add3A_1802 : i32 to vector<16xi32>
      %lt3A_1804 = arith.cmpi slt, %get3A_1798, %lt3A_1803 : vector<16xi32>
      %and3A_1805 = arith.andi %ge3A_1800, %lt3A_1804 : vector<16xi1>
      %sub3A_1806 = vector.broadcast %mul3A_0 : i32 to vector<16xi32>
      %sub3A_1807 = arith.subi %get3A_1798, %sub3A_1806 : vector<16xi32>
      %and3A_1808 = arith.constant 255 : i32
      %and3A_1809 = vector.broadcast %and3A_1808 : i32 to vector<16xi32>
      %and3A_1810 = arith.andi %get3A_1798, %and3A_1809 : vector<16xi32>
      %add3A_1811 = arith.constant 25088 : i32
      %add3A_1812 = vector.broadcast %add3A_1811 : i32 to vector<16xi32>
      %add3A_1813 = arith.addi %add3A_1812, %and3A_1810 : vector<16xi32>
      %select_n3A_1814 = arith.select %and3A_1805, %sub3A_1807, %add3A_1813 : vector<16xi1>, vector<16xi32>
      %swap3A_1815 = arith.constant 1 : i32
      %swap3A_1816 = arith.constant 1 : i32
      %swap3A_1817 = arith.constant 1 : i32
      %swap3A_1818 = arith.index_cast %swap3A_1815 : i32 to index
      %swap3A_1819 = arith.index_cast %swap3A_1816 : i32 to index
      %swap3A_1820 = arith.index_cast %swap3A_1817 : i32 to index
      %swap3A_1821 = arith.constant 80 : index
      %swap3A_1822 = tpu.vector_load %arg4[%swap3A_1818, %swap3A_1819, %swap3A_1820, %swap3A_1821] {strides = array<i32>} : memref<2x4x2x128xi32, #tpu.memory_space<vmem>>, vector<1x1x1x16xi32>,
      %swap3A_1823 = vector.shape_cast %swap3A_1822 : vector<1x1x1x16xi32> to vector<16xi32>
      %swap3A_1824 = vector.shape_cast %select_n3A_1814 : vector<16xi32> to vector<1x1x1x16xi32>
      tpu.vector_store %arg4[%swap3A_1818, %swap3A_1819, %swap3A_1820, %swap3A_1821], %swap3A_1824 {strides = array<i32>} : memref<2x4x2x128xi32, #tpu.memory_space<vmem>>, vector<1x1x1x16xi32>,
      %get3A_1825 = arith.constant 1 : i32
      %get3A_1826 = arith.constant 1 : i32
      %get3A_1827 = arith.constant 1 : i32
      %get3A_1828 = arith.index_cast %get3A_1825 : i32 to index
      %get3A_1829 = arith.index_cast %get3A_1826 : i32 to index
      %get3A_1830 = arith.index_cast %get3A_1827 : i32 to index
      %get3A_1831 = arith.constant 96 : index
      %get3A_1832 = tpu.vector_load %arg4[%get3A_1828, %get3A_1829, %get3A_1830, %get3A_1831] {strides = array<i32>} : memref<2x4x2x128xi32, #tpu.memory_space<vmem>>, vector<1x1x1x16xi32>,
      %get3A_1833 = vector.shape_cast %get3A_1832 : vector<1x1x1x16xi32> to vector<16xi32>
      %ge3A_1834 = vector.broadcast %mul3A_0 : i32 to vector<16xi32>
      %ge3A_1835 = arith.cmpi sge, %get3A_1833, %ge3A_1834 : vector<16xi32>
      %add3A_1836 = arith.constant 25088 : i32
      %add3A_1837 = arith.addi %mul3A_0, %add3A_1836 : i32
      %lt3A_1838 = vector.broadcast %add3A_1837 : i32 to vector<16xi32>
      %lt3A_1839 = arith.cmpi slt, %get3A_1833, %lt3A_1838 : vector<16xi32>
      %and3A_1840 = arith.andi %ge3A_1835, %lt3A_1839 : vector<16xi1>
      %sub3A_1841 = vector.broadcast %mul3A_0 : i32 to vector<16xi32>
      %sub3A_1842 = arith.subi %get3A_1833, %sub3A_1841 : vector<16xi32>
      %and3A_1843 = arith.constant 255 : i32
      %and3A_1844 = vector.broadcast %and3A_1843 : i32 to vector<16xi32>
      %and3A_1845 = arith.andi %get3A_1833, %and3A_1844 : vector<16xi32>
      %add3A_1846 = arith.constant 25088 : i32
      %add3A_1847 = vector.broadcast %add3A_1846 : i32 to vector<16xi32>
      %add3A_1848 = arith.addi %add3A_1847, %and3A_1845 : vector<16xi32>
      %select_n3A_1849 = arith.select %and3A_1840, %sub3A_1842, %add3A_1848 : vector<16xi1>, vector<16xi32>
      %swap3A_1850 = arith.constant 1 : i32
      %swap3A_1851 = arith.constant 1 : i32
      %swap3A_1852 = arith.constant 1 : i32
      %swap3A_1853 = arith.index_cast %swap3A_1850 : i32 to index
      %swap3A_1854 = arith.index_cast %swap3A_1851 : i32 to index
      %swap3A_1855 = arith.index_cast %swap3A_1852 : i32 to index
      %swap3A_1856 = arith.constant 96 : index
      %swap3A_1857 = tpu.vector_load %arg4[%swap3A_1853, %swap3A_1854, %swap3A_1855, %swap3A_1856] {strides = array<i32>} : memref<2x4x2x128xi32, #tpu.memory_space<vmem>>, vector<1x1x1x16xi32>,
      %swap3A_1858 = vector.shape_cast %swap3A_1857 : vector<1x1x1x16xi32> to vector<16xi32>
      %swap3A_1859 = vector.shape_cast %select_n3A_1849 : vector<16xi32> to vector<1x1x1x16xi32>
      tpu.vector_store %arg4[%swap3A_1853, %swap3A_1854, %swap3A_1855, %swap3A_1856], %swap3A_1859 {strides = array<i32>} : memref<2x4x2x128xi32, #tpu.memory_space<vmem>>, vector<1x1x1x16xi32>,
      %get3A_1860 = arith.constant 1 : i32
      %get3A_1861 = arith.constant 1 : i32
      %get3A_1862 = arith.constant 1 : i32
      %get3A_1863 = arith.index_cast %get3A_1860 : i32 to index
      %get3A_1864 = arith.index_cast %get3A_1861 : i32 to index
      %get3A_1865 = arith.index_cast %get3A_1862 : i32 to index
      %get3A_1866 = arith.constant 112 : index
      %get3A_1867 = tpu.vector_load %arg4[%get3A_1863, %get3A_1864, %get3A_1865, %get3A_1866] {strides = array<i32>} : memref<2x4x2x128xi32, #tpu.memory_space<vmem>>, vector<1x1x1x16xi32>,
      %get3A_1868 = vector.shape_cast %get3A_1867 : vector<1x1x1x16xi32> to vector<16xi32>
      %ge3A_1869 = vector.broadcast %mul3A_0 : i32 to vector<16xi32>
      %ge3A_1870 = arith.cmpi sge, %get3A_1868, %ge3A_1869 : vector<16xi32>
      %add3A_1871 = arith.constant 25088 : i32
      %add3A_1872 = arith.addi %mul3A_0, %add3A_1871 : i32
      %lt3A_1873 = vector.broadcast %add3A_1872 : i32 to vector<16xi32>
      %lt3A_1874 = arith.cmpi slt, %get3A_1868, %lt3A_1873 : vector<16xi32>
      %and3A_1875 = arith.andi %ge3A_1870, %lt3A_1874 : vector<16xi1>
      %sub3A_1876 = vector.broadcast %mul3A_0 : i32 to vector<16xi32>
      %sub3A_1877 = arith.subi %get3A_1868, %sub3A_1876 : vector<16xi32>
      %and3A_1878 = arith.constant 255 : i32
      %and3A_1879 = vector.broadcast %and3A_1878 : i32 to vector<16xi32>
      %and3A_1880 = arith.andi %get3A_1868, %and3A_1879 : vector<16xi32>
      %add3A_1881 = arith.constant 25088 : i32
      %add3A_1882 = vector.broadcast %add3A_1881 : i32 to vector<16xi32>
      %add3A_1883 = arith.addi %add3A_1882, %and3A_1880 : vector<16xi32>
      %select_n3A_1884 = arith.select %and3A_1875, %sub3A_1877, %add3A_1883 : vector<16xi1>, vector<16xi32>
      %swap3A_1885 = arith.constant 1 : i32
      %swap3A_1886 = arith.constant 1 : i32
      %swap3A_1887 = arith.constant 1 : i32
      %swap3A_1888 = arith.index_cast %swap3A_1885 : i32 to index
      %swap3A_1889 = arith.index_cast %swap3A_1886 : i32 to index
      %swap3A_1890 = arith.index_cast %swap3A_1887 : i32 to index
      %swap3A_1891 = arith.constant 112 : index
      %swap3A_1892 = tpu.vector_load %arg4[%swap3A_1888, %swap3A_1889, %swap3A_1890, %swap3A_1891] {strides = array<i32>} : memref<2x4x2x128xi32, #tpu.memory_space<vmem>>, vector<1x1x1x16xi32>,
      %swap3A_1893 = vector.shape_cast %swap3A_1892 : vector<1x1x1x16xi32> to vector<16xi32>
      %swap3A_1894 = vector.shape_cast %select_n3A_1884 : vector<16xi32> to vector<1x1x1x16xi32>
      tpu.vector_store %arg4[%swap3A_1888, %swap3A_1889, %swap3A_1890, %swap3A_1891], %swap3A_1894 {strides = array<i32>} : memref<2x4x2x128xi32, #tpu.memory_space<vmem>>, vector<1x1x1x16xi32>,
      %get3A_1895 = arith.constant 1 : i32
      %get3A_1896 = arith.constant 2 : i32
      %get3A_1897 = arith.constant 1 : i32
      %get3A_1898 = arith.index_cast %get3A_1895 : i32 to index
      %get3A_1899 = arith.index_cast %get3A_1896 : i32 to index
      %get3A_1900 = arith.index_cast %get3A_1897 : i32 to index
      %get3A_1901 = arith.constant 0 : index
      %get3A_1902 = tpu.vector_load %arg4[%get3A_1898, %get3A_1899, %get3A_1900, %get3A_1901] {strides = array<i32>} : memref<2x4x2x128xi32, #tpu.memory_space<vmem>>, vector<1x1x1x16xi32>,
      %get3A_1903 = vector.shape_cast %get3A_1902 : vector<1x1x1x16xi32> to vector<16xi32>
      %ge3A_1904 = vector.broadcast %mul3A_0 : i32 to vector<16xi32>
      %ge3A_1905 = arith.cmpi sge, %get3A_1903, %ge3A_1904 : vector<16xi32>
      %add3A_1906 = arith.constant 25088 : i32
      %add3A_1907 = arith.addi %mul3A_0, %add3A_1906 : i32
      %lt3A_1908 = vector.broadcast %add3A_1907 : i32 to vector<16xi32>
      %lt3A_1909 = arith.cmpi slt, %get3A_1903, %lt3A_1908 : vector<16xi32>
      %and3A_1910 = arith.andi %ge3A_1905, %lt3A_1909 : vector<16xi1>
      %sub3A_1911 = vector.broadcast %mul3A_0 : i32 to vector<16xi32>
      %sub3A_1912 = arith.subi %get3A_1903, %sub3A_1911 : vector<16xi32>
      %and3A_1913 = arith.constant 255 : i32
      %and3A_1914 = vector.broadcast %and3A_1913 : i32 to vector<16xi32>
      %and3A_1915 = arith.andi %get3A_1903, %and3A_1914 : vector<16xi32>
      %add3A_1916 = arith.constant 25088 : i32
      %add3A_1917 = vector.broadcast %add3A_1916 : i32 to vector<16xi32>
      %add3A_1918 = arith.addi %add3A_1917, %and3A_1915 : vector<16xi32>
      %select_n3A_1919 = arith.select %and3A_1910, %sub3A_1912, %add3A_1918 : vector<16xi1>, vector<16xi32>
      %swap3A_1920 = arith.constant 1 : i32
      %swap3A_1921 = arith.constant 2 : i32
      %swap3A_1922 = arith.constant 1 : i32
      %swap3A_1923 = arith.index_cast %swap3A_1920 : i32 to index
      %swap3A_1924 = arith.index_cast %swap3A_1921 : i32 to index
      %swap3A_1925 = arith.index_cast %swap3A_1922 : i32 to index
      %swap3A_1926 = arith.constant 0 : index
      %swap3A_1927 = tpu.vector_load %arg4[%swap3A_1923, %swap3A_1924, %swap3A_1925, %swap3A_1926] {strides = array<i32>} : memref<2x4x2x128xi32, #tpu.memory_space<vmem>>, vector<1x1x1x16xi32>,
      %swap3A_1928 = vector.shape_cast %swap3A_1927 : vector<1x1x1x16xi32> to vector<16xi32>
      %swap3A_1929 = vector.shape_cast %select_n3A_1919 : vector<16xi32> to vector<1x1x1x16xi32>
      tpu.vector_store %arg4[%swap3A_1923, %swap3A_1924, %swap3A_1925, %swap3A_1926], %swap3A_1929 {strides = array<i32>} : memref<2x4x2x128xi32, #tpu.memory_space<vmem>>, vector<1x1x1x16xi32>,
      %get3A_1930 = arith.constant 1 : i32
      %get3A_1931 = arith.constant 2 : i32
      %get3A_1932 = arith.constant 1 : i32
      %get3A_1933 = arith.index_cast %get3A_1930 : i32 to index
      %get3A_1934 = arith.index_cast %get3A_1931 : i32 to index
      %get3A_1935 = arith.index_cast %get3A_1932 : i32 to index
      %get3A_1936 = arith.constant 16 : index
      %get3A_1937 = tpu.vector_load %arg4[%get3A_1933, %get3A_1934, %get3A_1935, %get3A_1936] {strides = array<i32>} : memref<2x4x2x128xi32, #tpu.memory_space<vmem>>, vector<1x1x1x16xi32>,
      %get3A_1938 = vector.shape_cast %get3A_1937 : vector<1x1x1x16xi32> to vector<16xi32>
      %ge3A_1939 = vector.broadcast %mul3A_0 : i32 to vector<16xi32>
      %ge3A_1940 = arith.cmpi sge, %get3A_1938, %ge3A_1939 : vector<16xi32>
      %add3A_1941 = arith.constant 25088 : i32
      %add3A_1942 = arith.addi %mul3A_0, %add3A_1941 : i32
      %lt3A_1943 = vector.broadcast %add3A_1942 : i32 to vector<16xi32>
      %lt3A_1944 = arith.cmpi slt, %get3A_1938, %lt3A_1943 : vector<16xi32>
      %and3A_1945 = arith.andi %ge3A_1940, %lt3A_1944 : vector<16xi1>
      %sub3A_1946 = vector.broadcast %mul3A_0 : i32 to vector<16xi32>
      %sub3A_1947 = arith.subi %get3A_1938, %sub3A_1946 : vector<16xi32>
      %and3A_1948 = arith.constant 255 : i32
      %and3A_1949 = vector.broadcast %and3A_1948 : i32 to vector<16xi32>
      %and3A_1950 = arith.andi %get3A_1938, %and3A_1949 : vector<16xi32>
      %add3A_1951 = arith.constant 25088 : i32
      %add3A_1952 = vector.broadcast %add3A_1951 : i32 to vector<16xi32>
      %add3A_1953 = arith.addi %add3A_1952, %and3A_1950 : vector<16xi32>
      %select_n3A_1954 = arith.select %and3A_1945, %sub3A_1947, %add3A_1953 : vector<16xi1>, vector<16xi32>
      %swap3A_1955 = arith.constant 1 : i32
      %swap3A_1956 = arith.constant 2 : i32
      %swap3A_1957 = arith.constant 1 : i32
      %swap3A_1958 = arith.index_cast %swap3A_1955 : i32 to index
      %swap3A_1959 = arith.index_cast %swap3A_1956 : i32 to index
      %swap3A_1960 = arith.index_cast %swap3A_1957 : i32 to index
      %swap3A_1961 = arith.constant 16 : index
      %swap3A_1962 = tpu.vector_load %arg4[%swap3A_1958, %swap3A_1959, %swap3A_1960, %swap3A_1961] {strides = array<i32>} : memref<2x4x2x128xi32, #tpu.memory_space<vmem>>, vector<1x1x1x16xi32>,
      %swap3A_1963 = vector.shape_cast %swap3A_1962 : vector<1x1x1x16xi32> to vector<16xi32>
      %swap3A_1964 = vector.shape_cast %select_n3A_1954 : vector<16xi32> to vector<1x1x1x16xi32>
      tpu.vector_store %arg4[%swap3A_1958, %swap3A_1959, %swap3A_1960, %swap3A_1961], %swap3A_1964 {strides = array<i32>} : memref<2x4x2x128xi32, #tpu.memory_space<vmem>>, vector<1x1x1x16xi32>,
      %get3A_1965 = arith.constant 1 : i32
      %get3A_1966 = arith.constant 2 : i32
      %get3A_1967 = arith.constant 1 : i32
      %get3A_1968 = arith.index_cast %get3A_1965 : i32 to index
      %get3A_1969 = arith.index_cast %get3A_1966 : i32 to index
      %get3A_1970 = arith.index_cast %get3A_1967 : i32 to index
      %get3A_1971 = arith.constant 32 : index
      %get3A_1972 = tpu.vector_load %arg4[%get3A_1968, %get3A_1969, %get3A_1970, %get3A_1971] {strides = array<i32>} : memref<2x4x2x128xi32, #tpu.memory_space<vmem>>, vector<1x1x1x16xi32>,
      %get3A_1973 = vector.shape_cast %get3A_1972 : vector<1x1x1x16xi32> to vector<16xi32>
      %ge3A_1974 = vector.broadcast %mul3A_0 : i32 to vector<16xi32>
      %ge3A_1975 = arith.cmpi sge, %get3A_1973, %ge3A_1974 : vector<16xi32>
      %add3A_1976 = arith.constant 25088 : i32
      %add3A_1977 = arith.addi %mul3A_0, %add3A_1976 : i32
      %lt3A_1978 = vector.broadcast %add3A_1977 : i32 to vector<16xi32>
      %lt3A_1979 = arith.cmpi slt, %get3A_1973, %lt3A_1978 : vector<16xi32>
      %and3A_1980 = arith.andi %ge3A_1975, %lt3A_1979 : vector<16xi1>
      %sub3A_1981 = vector.broadcast %mul3A_0 : i32 to vector<16xi32>
      %sub3A_1982 = arith.subi %get3A_1973, %sub3A_1981 : vector<16xi32>
      %and3A_1983 = arith.constant 255 : i32
      %and3A_1984 = vector.broadcast %and3A_1983 : i32 to vector<16xi32>
      %and3A_1985 = arith.andi %get3A_1973, %and3A_1984 : vector<16xi32>
      %add3A_1986 = arith.constant 25088 : i32
      %add3A_1987 = vector.broadcast %add3A_1986 : i32 to vector<16xi32>
      %add3A_1988 = arith.addi %add3A_1987, %and3A_1985 : vector<16xi32>
      %select_n3A_1989 = arith.select %and3A_1980, %sub3A_1982, %add3A_1988 : vector<16xi1>, vector<16xi32>
      %swap3A_1990 = arith.constant 1 : i32
      %swap3A_1991 = arith.constant 2 : i32
      %swap3A_1992 = arith.constant 1 : i32
      %swap3A_1993 = arith.index_cast %swap3A_1990 : i32 to index
      %swap3A_1994 = arith.index_cast %swap3A_1991 : i32 to index
      %swap3A_1995 = arith.index_cast %swap3A_1992 : i32 to index
      %swap3A_1996 = arith.constant 32 : index
      %swap3A_1997 = tpu.vector_load %arg4[%swap3A_1993, %swap3A_1994, %swap3A_1995, %swap3A_1996] {strides = array<i32>} : memref<2x4x2x128xi32, #tpu.memory_space<vmem>>, vector<1x1x1x16xi32>,
      %swap3A_1998 = vector.shape_cast %swap3A_1997 : vector<1x1x1x16xi32> to vector<16xi32>
      %swap3A_1999 = vector.shape_cast %select_n3A_1989 : vector<16xi32> to vector<1x1x1x16xi32>
      tpu.vector_store %arg4[%swap3A_1993, %swap3A_1994, %swap3A_1995, %swap3A_1996], %swap3A_1999 {strides = array<i32>} : memref<2x4x2x128xi32, #tpu.memory_space<vmem>>, vector<1x1x1x16xi32>,
      %get3A_2000 = arith.constant 1 : i32
      %get3A_2001 = arith.constant 2 : i32
      %get3A_2002 = arith.constant 1 : i32
      %get3A_2003 = arith.index_cast %get3A_2000 : i32 to index
      %get3A_2004 = arith.index_cast %get3A_2001 : i32 to index
      %get3A_2005 = arith.index_cast %get3A_2002 : i32 to index
      %get3A_2006 = arith.constant 48 : index
      %get3A_2007 = tpu.vector_load %arg4[%get3A_2003, %get3A_2004, %get3A_2005, %get3A_2006] {strides = array<i32>} : memref<2x4x2x128xi32, #tpu.memory_space<vmem>>, vector<1x1x1x16xi32>,
      %get3A_2008 = vector.shape_cast %get3A_2007 : vector<1x1x1x16xi32> to vector<16xi32>
      %ge3A_2009 = vector.broadcast %mul3A_0 : i32 to vector<16xi32>
      %ge3A_2010 = arith.cmpi sge, %get3A_2008, %ge3A_2009 : vector<16xi32>
      %add3A_2011 = arith.constant 25088 : i32
      %add3A_2012 = arith.addi %mul3A_0, %add3A_2011 : i32
      %lt3A_2013 = vector.broadcast %add3A_2012 : i32 to vector<16xi32>
      %lt3A_2014 = arith.cmpi slt, %get3A_2008, %lt3A_2013 : vector<16xi32>
      %and3A_2015 = arith.andi %ge3A_2010, %lt3A_2014 : vector<16xi1>
      %sub3A_2016 = vector.broadcast %mul3A_0 : i32 to vector<16xi32>
      %sub3A_2017 = arith.subi %get3A_2008, %sub3A_2016 : vector<16xi32>
      %and3A_2018 = arith.constant 255 : i32
      %and3A_2019 = vector.broadcast %and3A_2018 : i32 to vector<16xi32>
      %and3A_2020 = arith.andi %get3A_2008, %and3A_2019 : vector<16xi32>
      %add3A_2021 = arith.constant 25088 : i32
      %add3A_2022 = vector.broadcast %add3A_2021 : i32 to vector<16xi32>
      %add3A_2023 = arith.addi %add3A_2022, %and3A_2020 : vector<16xi32>
      %select_n3A_2024 = arith.select %and3A_2015, %sub3A_2017, %add3A_2023 : vector<16xi1>, vector<16xi32>
      %swap3A_2025 = arith.constant 1 : i32
      %swap3A_2026 = arith.constant 2 : i32
      %swap3A_2027 = arith.constant 1 : i32
      %swap3A_2028 = arith.index_cast %swap3A_2025 : i32 to index
      %swap3A_2029 = arith.index_cast %swap3A_2026 : i32 to index
      %swap3A_2030 = arith.index_cast %swap3A_2027 : i32 to index
      %swap3A_2031 = arith.constant 48 : index
      %swap3A_2032 = tpu.vector_load %arg4[%swap3A_2028, %swap3A_2029, %swap3A_2030, %swap3A_2031] {strides = array<i32>} : memref<2x4x2x128xi32, #tpu.memory_space<vmem>>, vector<1x1x1x16xi32>,
      %swap3A_2033 = vector.shape_cast %swap3A_2032 : vector<1x1x1x16xi32> to vector<16xi32>
      %swap3A_2034 = vector.shape_cast %select_n3A_2024 : vector<16xi32> to vector<1x1x1x16xi32>
      tpu.vector_store %arg4[%swap3A_2028, %swap3A_2029, %swap3A_2030, %swap3A_2031], %swap3A_2034 {strides = array<i32>} : memref<2x4x2x128xi32, #tpu.memory_space<vmem>>, vector<1x1x1x16xi32>,
      %get3A_2035 = arith.constant 1 : i32
      %get3A_2036 = arith.constant 2 : i32
      %get3A_2037 = arith.constant 1 : i32
      %get3A_2038 = arith.index_cast %get3A_2035 : i32 to index
      %get3A_2039 = arith.index_cast %get3A_2036 : i32 to index
      %get3A_2040 = arith.index_cast %get3A_2037 : i32 to index
      %get3A_2041 = arith.constant 64 : index
      %get3A_2042 = tpu.vector_load %arg4[%get3A_2038, %get3A_2039, %get3A_2040, %get3A_2041] {strides = array<i32>} : memref<2x4x2x128xi32, #tpu.memory_space<vmem>>, vector<1x1x1x16xi32>,
      %get3A_2043 = vector.shape_cast %get3A_2042 : vector<1x1x1x16xi32> to vector<16xi32>
      %ge3A_2044 = vector.broadcast %mul3A_0 : i32 to vector<16xi32>
      %ge3A_2045 = arith.cmpi sge, %get3A_2043, %ge3A_2044 : vector<16xi32>
      %add3A_2046 = arith.constant 25088 : i32
      %add3A_2047 = arith.addi %mul3A_0, %add3A_2046 : i32
      %lt3A_2048 = vector.broadcast %add3A_2047 : i32 to vector<16xi32>
      %lt3A_2049 = arith.cmpi slt, %get3A_2043, %lt3A_2048 : vector<16xi32>
      %and3A_2050 = arith.andi %ge3A_2045, %lt3A_2049 : vector<16xi1>
      %sub3A_2051 = vector.broadcast %mul3A_0 : i32 to vector<16xi32>
      %sub3A_2052 = arith.subi %get3A_2043, %sub3A_2051 : vector<16xi32>
      %and3A_2053 = arith.constant 255 : i32
      %and3A_2054 = vector.broadcast %and3A_2053 : i32 to vector<16xi32>
      %and3A_2055 = arith.andi %get3A_2043, %and3A_2054 : vector<16xi32>
      %add3A_2056 = arith.constant 25088 : i32
      %add3A_2057 = vector.broadcast %add3A_2056 : i32 to vector<16xi32>
      %add3A_2058 = arith.addi %add3A_2057, %and3A_2055 : vector<16xi32>
      %select_n3A_2059 = arith.select %and3A_2050, %sub3A_2052, %add3A_2058 : vector<16xi1>, vector<16xi32>
      %swap3A_2060 = arith.constant 1 : i32
      %swap3A_2061 = arith.constant 2 : i32
      %swap3A_2062 = arith.constant 1 : i32
      %swap3A_2063 = arith.index_cast %swap3A_2060 : i32 to index
      %swap3A_2064 = arith.index_cast %swap3A_2061 : i32 to index
      %swap3A_2065 = arith.index_cast %swap3A_2062 : i32 to index
      %swap3A_2066 = arith.constant 64 : index
      %swap3A_2067 = tpu.vector_load %arg4[%swap3A_2063, %swap3A_2064, %swap3A_2065, %swap3A_2066] {strides = array<i32>} : memref<2x4x2x128xi32, #tpu.memory_space<vmem>>, vector<1x1x1x16xi32>,
      %swap3A_2068 = vector.shape_cast %swap3A_2067 : vector<1x1x1x16xi32> to vector<16xi32>
      %swap3A_2069 = vector.shape_cast %select_n3A_2059 : vector<16xi32> to vector<1x1x1x16xi32>
      tpu.vector_store %arg4[%swap3A_2063, %swap3A_2064, %swap3A_2065, %swap3A_2066], %swap3A_2069 {strides = array<i32>} : memref<2x4x2x128xi32, #tpu.memory_space<vmem>>, vector<1x1x1x16xi32>,
      %get3A_2070 = arith.constant 1 : i32
      %get3A_2071 = arith.constant 2 : i32
      %get3A_2072 = arith.constant 1 : i32
      %get3A_2073 = arith.index_cast %get3A_2070 : i32 to index
      %get3A_2074 = arith.index_cast %get3A_2071 : i32 to index
      %get3A_2075 = arith.index_cast %get3A_2072 : i32 to index
      %get3A_2076 = arith.constant 80 : index
      %get3A_2077 = tpu.vector_load %arg4[%get3A_2073, %get3A_2074, %get3A_2075, %get3A_2076] {strides = array<i32>} : memref<2x4x2x128xi32, #tpu.memory_space<vmem>>, vector<1x1x1x16xi32>,
      %get3A_2078 = vector.shape_cast %get3A_2077 : vector<1x1x1x16xi32> to vector<16xi32>
      %ge3A_2079 = vector.broadcast %mul3A_0 : i32 to vector<16xi32>
      %ge3A_2080 = arith.cmpi sge, %get3A_2078, %ge3A_2079 : vector<16xi32>
      %add3A_2081 = arith.constant 25088 : i32
      %add3A_2082 = arith.addi %mul3A_0, %add3A_2081 : i32
      %lt3A_2083 = vector.broadcast %add3A_2082 : i32 to vector<16xi32>
      %lt3A_2084 = arith.cmpi slt, %get3A_2078, %lt3A_2083 : vector<16xi32>
      %and3A_2085 = arith.andi %ge3A_2080, %lt3A_2084 : vector<16xi1>
      %sub3A_2086 = vector.broadcast %mul3A_0 : i32 to vector<16xi32>
      %sub3A_2087 = arith.subi %get3A_2078, %sub3A_2086 : vector<16xi32>
      %and3A_2088 = arith.constant 255 : i32
      %and3A_2089 = vector.broadcast %and3A_2088 : i32 to vector<16xi32>
      %and3A_2090 = arith.andi %get3A_2078, %and3A_2089 : vector<16xi32>
      %add3A_2091 = arith.constant 25088 : i32
      %add3A_2092 = vector.broadcast %add3A_2091 : i32 to vector<16xi32>
      %add3A_2093 = arith.addi %add3A_2092, %and3A_2090 : vector<16xi32>
      %select_n3A_2094 = arith.select %and3A_2085, %sub3A_2087, %add3A_2093 : vector<16xi1>, vector<16xi32>
      %swap3A_2095 = arith.constant 1 : i32
      %swap3A_2096 = arith.constant 2 : i32
      %swap3A_2097 = arith.constant 1 : i32
      %swap3A_2098 = arith.index_cast %swap3A_2095 : i32 to index
      %swap3A_2099 = arith.index_cast %swap3A_2096 : i32 to index
      %swap3A_2100 = arith.index_cast %swap3A_2097 : i32 to index
      %swap3A_2101 = arith.constant 80 : index
      %swap3A_2102 = tpu.vector_load %arg4[%swap3A_2098, %swap3A_2099, %swap3A_2100, %swap3A_2101] {strides = array<i32>} : memref<2x4x2x128xi32, #tpu.memory_space<vmem>>, vector<1x1x1x16xi32>,
      %swap3A_2103 = vector.shape_cast %swap3A_2102 : vector<1x1x1x16xi32> to vector<16xi32>
      %swap3A_2104 = vector.shape_cast %select_n3A_2094 : vector<16xi32> to vector<1x1x1x16xi32>
      tpu.vector_store %arg4[%swap3A_2098, %swap3A_2099, %swap3A_2100, %swap3A_2101], %swap3A_2104 {strides = array<i32>} : memref<2x4x2x128xi32, #tpu.memory_space<vmem>>, vector<1x1x1x16xi32>,
      %get3A_2105 = arith.constant 1 : i32
      %get3A_2106 = arith.constant 2 : i32
      %get3A_2107 = arith.constant 1 : i32
      %get3A_2108 = arith.index_cast %get3A_2105 : i32 to index
      %get3A_2109 = arith.index_cast %get3A_2106 : i32 to index
      %get3A_2110 = arith.index_cast %get3A_2107 : i32 to index
      %get3A_2111 = arith.constant 96 : index
      %get3A_2112 = tpu.vector_load %arg4[%get3A_2108, %get3A_2109, %get3A_2110, %get3A_2111] {strides = array<i32>} : memref<2x4x2x128xi32, #tpu.memory_space<vmem>>, vector<1x1x1x16xi32>,
      %get3A_2113 = vector.shape_cast %get3A_2112 : vector<1x1x1x16xi32> to vector<16xi32>
      %ge3A_2114 = vector.broadcast %mul3A_0 : i32 to vector<16xi32>
      %ge3A_2115 = arith.cmpi sge, %get3A_2113, %ge3A_2114 : vector<16xi32>
      %add3A_2116 = arith.constant 25088 : i32
      %add3A_2117 = arith.addi %mul3A_0, %add3A_2116 : i32
      %lt3A_2118 = vector.broadcast %add3A_2117 : i32 to vector<16xi32>
      %lt3A_2119 = arith.cmpi slt, %get3A_2113, %lt3A_2118 : vector<16xi32>
      %and3A_2120 = arith.andi %ge3A_2115, %lt3A_2119 : vector<16xi1>
      %sub3A_2121 = vector.broadcast %mul3A_0 : i32 to vector<16xi32>
      %sub3A_2122 = arith.subi %get3A_2113, %sub3A_2121 : vector<16xi32>
      %and3A_2123 = arith.constant 255 : i32
      %and3A_2124 = vector.broadcast %and3A_2123 : i32 to vector<16xi32>
      %and3A_2125 = arith.andi %get3A_2113, %and3A_2124 : vector<16xi32>
      %add3A_2126 = arith.constant 25088 : i32
      %add3A_2127 = vector.broadcast %add3A_2126 : i32 to vector<16xi32>
      %add3A_2128 = arith.addi %add3A_2127, %and3A_2125 : vector<16xi32>
      %select_n3A_2129 = arith.select %and3A_2120, %sub3A_2122, %add3A_2128 : vector<16xi1>, vector<16xi32>
      %swap3A_2130 = arith.constant 1 : i32
      %swap3A_2131 = arith.constant 2 : i32
      %swap3A_2132 = arith.constant 1 : i32
      %swap3A_2133 = arith.index_cast %swap3A_2130 : i32 to index
      %swap3A_2134 = arith.index_cast %swap3A_2131 : i32 to index
      %swap3A_2135 = arith.index_cast %swap3A_2132 : i32 to index
      %swap3A_2136 = arith.constant 96 : index
      %swap3A_2137 = tpu.vector_load %arg4[%swap3A_2133, %swap3A_2134, %swap3A_2135, %swap3A_2136] {strides = array<i32>} : memref<2x4x2x128xi32, #tpu.memory_space<vmem>>, vector<1x1x1x16xi32>,
      %swap3A_2138 = vector.shape_cast %swap3A_2137 : vector<1x1x1x16xi32> to vector<16xi32>
      %swap3A_2139 = vector.shape_cast %select_n3A_2129 : vector<16xi32> to vector<1x1x1x16xi32>
      tpu.vector_store %arg4[%swap3A_2133, %swap3A_2134, %swap3A_2135, %swap3A_2136], %swap3A_2139 {strides = array<i32>} : memref<2x4x2x128xi32, #tpu.memory_space<vmem>>, vector<1x1x1x16xi32>,
      %get3A_2140 = arith.constant 1 : i32
      %get3A_2141 = arith.constant 2 : i32
      %get3A_2142 = arith.constant 1 : i32
      %get3A_2143 = arith.index_cast %get3A_2140 : i32 to index
      %get3A_2144 = arith.index_cast %get3A_2141 : i32 to index
      %get3A_2145 = arith.index_cast %get3A_2142 : i32 to index
      %get3A_2146 = arith.constant 112 : index
      %get3A_2147 = tpu.vector_load %arg4[%get3A_2143, %get3A_2144, %get3A_2145, %get3A_2146] {strides = array<i32>} : memref<2x4x2x128xi32, #tpu.memory_space<vmem>>, vector<1x1x1x16xi32>,
      %get3A_2148 = vector.shape_cast %get3A_2147 : vector<1x1x1x16xi32> to vector<16xi32>
      %ge3A_2149 = vector.broadcast %mul3A_0 : i32 to vector<16xi32>
      %ge3A_2150 = arith.cmpi sge, %get3A_2148, %ge3A_2149 : vector<16xi32>
      %add3A_2151 = arith.constant 25088 : i32
      %add3A_2152 = arith.addi %mul3A_0, %add3A_2151 : i32
      %lt3A_2153 = vector.broadcast %add3A_2152 : i32 to vector<16xi32>
      %lt3A_2154 = arith.cmpi slt, %get3A_2148, %lt3A_2153 : vector<16xi32>
      %and3A_2155 = arith.andi %ge3A_2150, %lt3A_2154 : vector<16xi1>
      %sub3A_2156 = vector.broadcast %mul3A_0 : i32 to vector<16xi32>
      %sub3A_2157 = arith.subi %get3A_2148, %sub3A_2156 : vector<16xi32>
      %and3A_2158 = arith.constant 255 : i32
      %and3A_2159 = vector.broadcast %and3A_2158 : i32 to vector<16xi32>
      %and3A_2160 = arith.andi %get3A_2148, %and3A_2159 : vector<16xi32>
      %add3A_2161 = arith.constant 25088 : i32
      %add3A_2162 = vector.broadcast %add3A_2161 : i32 to vector<16xi32>
      %add3A_2163 = arith.addi %add3A_2162, %and3A_2160 : vector<16xi32>
      %select_n3A_2164 = arith.select %and3A_2155, %sub3A_2157, %add3A_2163 : vector<16xi1>, vector<16xi32>
      %swap3A_2165 = arith.constant 1 : i32
      %swap3A_2166 = arith.constant 2 : i32
      %swap3A_2167 = arith.constant 1 : i32
      %swap3A_2168 = arith.index_cast %swap3A_2165 : i32 to index
      %swap3A_2169 = arith.index_cast %swap3A_2166 : i32 to index
      %swap3A_2170 = arith.index_cast %swap3A_2167 : i32 to index
      %swap3A_2171 = arith.constant 112 : index
      %swap3A_2172 = tpu.vector_load %arg4[%swap3A_2168, %swap3A_2169, %swap3A_2170, %swap3A_2171] {strides = array<i32>} : memref<2x4x2x128xi32, #tpu.memory_space<vmem>>, vector<1x1x1x16xi32>,
      %swap3A_2173 = vector.shape_cast %swap3A_2172 : vector<1x1x1x16xi32> to vector<16xi32>
      %swap3A_2174 = vector.shape_cast %select_n3A_2164 : vector<16xi32> to vector<1x1x1x16xi32>
      tpu.vector_store %arg4[%swap3A_2168, %swap3A_2169, %swap3A_2170, %swap3A_2171], %swap3A_2174 {strides = array<i32>} : memref<2x4x2x128xi32, #tpu.memory_space<vmem>>, vector<1x1x1x16xi32>,
      %get3A_2175 = arith.constant 1 : i32
      %get3A_2176 = arith.constant 3 : i32
      %get3A_2177 = arith.constant 1 : i32
      %get3A_2178 = arith.index_cast %get3A_2175 : i32 to index
      %get3A_2179 = arith.index_cast %get3A_2176 : i32 to index
      %get3A_2180 = arith.index_cast %get3A_2177 : i32 to index
      %get3A_2181 = arith.constant 0 : index
      %get3A_2182 = tpu.vector_load %arg4[%get3A_2178, %get3A_2179, %get3A_2180, %get3A_2181] {strides = array<i32>} : memref<2x4x2x128xi32, #tpu.memory_space<vmem>>, vector<1x1x1x16xi32>,
      %get3A_2183 = vector.shape_cast %get3A_2182 : vector<1x1x1x16xi32> to vector<16xi32>
      %ge3A_2184 = vector.broadcast %mul3A_0 : i32 to vector<16xi32>
      %ge3A_2185 = arith.cmpi sge, %get3A_2183, %ge3A_2184 : vector<16xi32>
      %add3A_2186 = arith.constant 25088 : i32
      %add3A_2187 = arith.addi %mul3A_0, %add3A_2186 : i32
      %lt3A_2188 = vector.broadcast %add3A_2187 : i32 to vector<16xi32>
      %lt3A_2189 = arith.cmpi slt, %get3A_2183, %lt3A_2188 : vector<16xi32>
      %and3A_2190 = arith.andi %ge3A_2185, %lt3A_2189 : vector<16xi1>
      %sub3A_2191 = vector.broadcast %mul3A_0 : i32 to vector<16xi32>
      %sub3A_2192 = arith.subi %get3A_2183, %sub3A_2191 : vector<16xi32>
      %and3A_2193 = arith.constant 255 : i32
      %and3A_2194 = vector.broadcast %and3A_2193 : i32 to vector<16xi32>
      %and3A_2195 = arith.andi %get3A_2183, %and3A_2194 : vector<16xi32>
      %add3A_2196 = arith.constant 25088 : i32
      %add3A_2197 = vector.broadcast %add3A_2196 : i32 to vector<16xi32>
      %add3A_2198 = arith.addi %add3A_2197, %and3A_2195 : vector<16xi32>
      %select_n3A_2199 = arith.select %and3A_2190, %sub3A_2192, %add3A_2198 : vector<16xi1>, vector<16xi32>
      %swap3A_2200 = arith.constant 1 : i32
      %swap3A_2201 = arith.constant 3 : i32
      %swap3A_2202 = arith.constant 1 : i32
      %swap3A_2203 = arith.index_cast %swap3A_2200 : i32 to index
      %swap3A_2204 = arith.index_cast %swap3A_2201 : i32 to index
      %swap3A_2205 = arith.index_cast %swap3A_2202 : i32 to index
      %swap3A_2206 = arith.constant 0 : index
      %swap3A_2207 = tpu.vector_load %arg4[%swap3A_2203, %swap3A_2204, %swap3A_2205, %swap3A_2206] {strides = array<i32>} : memref<2x4x2x128xi32, #tpu.memory_space<vmem>>, vector<1x1x1x16xi32>,
      %swap3A_2208 = vector.shape_cast %swap3A_2207 : vector<1x1x1x16xi32> to vector<16xi32>
      %swap3A_2209 = vector.shape_cast %select_n3A_2199 : vector<16xi32> to vector<1x1x1x16xi32>
      tpu.vector_store %arg4[%swap3A_2203, %swap3A_2204, %swap3A_2205, %swap3A_2206], %swap3A_2209 {strides = array<i32>} : memref<2x4x2x128xi32, #tpu.memory_space<vmem>>, vector<1x1x1x16xi32>,
      %get3A_2210 = arith.constant 1 : i32
      %get3A_2211 = arith.constant 3 : i32
      %get3A_2212 = arith.constant 1 : i32
      %get3A_2213 = arith.index_cast %get3A_2210 : i32 to index
      %get3A_2214 = arith.index_cast %get3A_2211 : i32 to index
      %get3A_2215 = arith.index_cast %get3A_2212 : i32 to index
      %get3A_2216 = arith.constant 16 : index
      %get3A_2217 = tpu.vector_load %arg4[%get3A_2213, %get3A_2214, %get3A_2215, %get3A_2216] {strides = array<i32>} : memref<2x4x2x128xi32, #tpu.memory_space<vmem>>, vector<1x1x1x16xi32>,
      %get3A_2218 = vector.shape_cast %get3A_2217 : vector<1x1x1x16xi32> to vector<16xi32>
      %ge3A_2219 = vector.broadcast %mul3A_0 : i32 to vector<16xi32>
      %ge3A_2220 = arith.cmpi sge, %get3A_2218, %ge3A_2219 : vector<16xi32>
      %add3A_2221 = arith.constant 25088 : i32
      %add3A_2222 = arith.addi %mul3A_0, %add3A_2221 : i32
      %lt3A_2223 = vector.broadcast %add3A_2222 : i32 to vector<16xi32>
      %lt3A_2224 = arith.cmpi slt, %get3A_2218, %lt3A_2223 : vector<16xi32>
      %and3A_2225 = arith.andi %ge3A_2220, %lt3A_2224 : vector<16xi1>
      %sub3A_2226 = vector.broadcast %mul3A_0 : i32 to vector<16xi32>
      %sub3A_2227 = arith.subi %get3A_2218, %sub3A_2226 : vector<16xi32>
      %and3A_2228 = arith.constant 255 : i32
      %and3A_2229 = vector.broadcast %and3A_2228 : i32 to vector<16xi32>
      %and3A_2230 = arith.andi %get3A_2218, %and3A_2229 : vector<16xi32>
      %add3A_2231 = arith.constant 25088 : i32
      %add3A_2232 = vector.broadcast %add3A_2231 : i32 to vector<16xi32>
      %add3A_2233 = arith.addi %add3A_2232, %and3A_2230 : vector<16xi32>
      %select_n3A_2234 = arith.select %and3A_2225, %sub3A_2227, %add3A_2233 : vector<16xi1>, vector<16xi32>
      %swap3A_2235 = arith.constant 1 : i32
      %swap3A_2236 = arith.constant 3 : i32
      %swap3A_2237 = arith.constant 1 : i32
      %swap3A_2238 = arith.index_cast %swap3A_2235 : i32 to index
      %swap3A_2239 = arith.index_cast %swap3A_2236 : i32 to index
      %swap3A_2240 = arith.index_cast %swap3A_2237 : i32 to index
      %swap3A_2241 = arith.constant 16 : index
      %swap3A_2242 = tpu.vector_load %arg4[%swap3A_2238, %swap3A_2239, %swap3A_2240, %swap3A_2241] {strides = array<i32>} : memref<2x4x2x128xi32, #tpu.memory_space<vmem>>, vector<1x1x1x16xi32>,
      %swap3A_2243 = vector.shape_cast %swap3A_2242 : vector<1x1x1x16xi32> to vector<16xi32>
      %swap3A_2244 = vector.shape_cast %select_n3A_2234 : vector<16xi32> to vector<1x1x1x16xi32>
      tpu.vector_store %arg4[%swap3A_2238, %swap3A_2239, %swap3A_2240, %swap3A_2241], %swap3A_2244 {strides = array<i32>} : memref<2x4x2x128xi32, #tpu.memory_space<vmem>>, vector<1x1x1x16xi32>,
      %get3A_2245 = arith.constant 1 : i32
      %get3A_2246 = arith.constant 3 : i32
      %get3A_2247 = arith.constant 1 : i32
      %get3A_2248 = arith.index_cast %get3A_2245 : i32 to index
      %get3A_2249 = arith.index_cast %get3A_2246 : i32 to index
      %get3A_2250 = arith.index_cast %get3A_2247 : i32 to index
      %get3A_2251 = arith.constant 32 : index
      %get3A_2252 = tpu.vector_load %arg4[%get3A_2248, %get3A_2249, %get3A_2250, %get3A_2251] {strides = array<i32>} : memref<2x4x2x128xi32, #tpu.memory_space<vmem>>, vector<1x1x1x16xi32>,
      %get3A_2253 = vector.shape_cast %get3A_2252 : vector<1x1x1x16xi32> to vector<16xi32>
      %ge3A_2254 = vector.broadcast %mul3A_0 : i32 to vector<16xi32>
      %ge3A_2255 = arith.cmpi sge, %get3A_2253, %ge3A_2254 : vector<16xi32>
      %add3A_2256 = arith.constant 25088 : i32
      %add3A_2257 = arith.addi %mul3A_0, %add3A_2256 : i32
      %lt3A_2258 = vector.broadcast %add3A_2257 : i32 to vector<16xi32>
      %lt3A_2259 = arith.cmpi slt, %get3A_2253, %lt3A_2258 : vector<16xi32>
      %and3A_2260 = arith.andi %ge3A_2255, %lt3A_2259 : vector<16xi1>
      %sub3A_2261 = vector.broadcast %mul3A_0 : i32 to vector<16xi32>
      %sub3A_2262 = arith.subi %get3A_2253, %sub3A_2261 : vector<16xi32>
      %and3A_2263 = arith.constant 255 : i32
      %and3A_2264 = vector.broadcast %and3A_2263 : i32 to vector<16xi32>
      %and3A_2265 = arith.andi %get3A_2253, %and3A_2264 : vector<16xi32>
      %add3A_2266 = arith.constant 25088 : i32
      %add3A_2267 = vector.broadcast %add3A_2266 : i32 to vector<16xi32>
      %add3A_2268 = arith.addi %add3A_2267, %and3A_2265 : vector<16xi32>
      %select_n3A_2269 = arith.select %and3A_2260, %sub3A_2262, %add3A_2268 : vector<16xi1>, vector<16xi32>
      %swap3A_2270 = arith.constant 1 : i32
      %swap3A_2271 = arith.constant 3 : i32
      %swap3A_2272 = arith.constant 1 : i32
      %swap3A_2273 = arith.index_cast %swap3A_2270 : i32 to index
      %swap3A_2274 = arith.index_cast %swap3A_2271 : i32 to index
      %swap3A_2275 = arith.index_cast %swap3A_2272 : i32 to index
      %swap3A_2276 = arith.constant 32 : index
      %swap3A_2277 = tpu.vector_load %arg4[%swap3A_2273, %swap3A_2274, %swap3A_2275, %swap3A_2276] {strides = array<i32>} : memref<2x4x2x128xi32, #tpu.memory_space<vmem>>, vector<1x1x1x16xi32>,
      %swap3A_2278 = vector.shape_cast %swap3A_2277 : vector<1x1x1x16xi32> to vector<16xi32>
      %swap3A_2279 = vector.shape_cast %select_n3A_2269 : vector<16xi32> to vector<1x1x1x16xi32>
      tpu.vector_store %arg4[%swap3A_2273, %swap3A_2274, %swap3A_2275, %swap3A_2276], %swap3A_2279 {strides = array<i32>} : memref<2x4x2x128xi32, #tpu.memory_space<vmem>>, vector<1x1x1x16xi32>,
      %get3A_2280 = arith.constant 1 : i32
      %get3A_2281 = arith.constant 3 : i32
      %get3A_2282 = arith.constant 1 : i32
      %get3A_2283 = arith.index_cast %get3A_2280 : i32 to index
      %get3A_2284 = arith.index_cast %get3A_2281 : i32 to index
      %get3A_2285 = arith.index_cast %get3A_2282 : i32 to index
      %get3A_2286 = arith.constant 48 : index
      %get3A_2287 = tpu.vector_load %arg4[%get3A_2283, %get3A_2284, %get3A_2285, %get3A_2286] {strides = array<i32>} : memref<2x4x2x128xi32, #tpu.memory_space<vmem>>, vector<1x1x1x16xi32>,
      %get3A_2288 = vector.shape_cast %get3A_2287 : vector<1x1x1x16xi32> to vector<16xi32>
      %ge3A_2289 = vector.broadcast %mul3A_0 : i32 to vector<16xi32>
      %ge3A_2290 = arith.cmpi sge, %get3A_2288, %ge3A_2289 : vector<16xi32>
      %add3A_2291 = arith.constant 25088 : i32
      %add3A_2292 = arith.addi %mul3A_0, %add3A_2291 : i32
      %lt3A_2293 = vector.broadcast %add3A_2292 : i32 to vector<16xi32>
      %lt3A_2294 = arith.cmpi slt, %get3A_2288, %lt3A_2293 : vector<16xi32>
      %and3A_2295 = arith.andi %ge3A_2290, %lt3A_2294 : vector<16xi1>
      %sub3A_2296 = vector.broadcast %mul3A_0 : i32 to vector<16xi32>
      %sub3A_2297 = arith.subi %get3A_2288, %sub3A_2296 : vector<16xi32>
      %and3A_2298 = arith.constant 255 : i32
      %and3A_2299 = vector.broadcast %and3A_2298 : i32 to vector<16xi32>
      %and3A_2300 = arith.andi %get3A_2288, %and3A_2299 : vector<16xi32>
      %add3A_2301 = arith.constant 25088 : i32
      %add3A_2302 = vector.broadcast %add3A_2301 : i32 to vector<16xi32>
      %add3A_2303 = arith.addi %add3A_2302, %and3A_2300 : vector<16xi32>
      %select_n3A_2304 = arith.select %and3A_2295, %sub3A_2297, %add3A_2303 : vector<16xi1>, vector<16xi32>
      %swap3A_2305 = arith.constant 1 : i32
      %swap3A_2306 = arith.constant 3 : i32
      %swap3A_2307 = arith.constant 1 : i32
      %swap3A_2308 = arith.index_cast %swap3A_2305 : i32 to index
      %swap3A_2309 = arith.index_cast %swap3A_2306 : i32 to index
      %swap3A_2310 = arith.index_cast %swap3A_2307 : i32 to index
      %swap3A_2311 = arith.constant 48 : index
      %swap3A_2312 = tpu.vector_load %arg4[%swap3A_2308, %swap3A_2309, %swap3A_2310, %swap3A_2311] {strides = array<i32>} : memref<2x4x2x128xi32, #tpu.memory_space<vmem>>, vector<1x1x1x16xi32>,
      %swap3A_2313 = vector.shape_cast %swap3A_2312 : vector<1x1x1x16xi32> to vector<16xi32>
      %swap3A_2314 = vector.shape_cast %select_n3A_2304 : vector<16xi32> to vector<1x1x1x16xi32>
      tpu.vector_store %arg4[%swap3A_2308, %swap3A_2309, %swap3A_2310, %swap3A_2311], %swap3A_2314 {strides = array<i32>} : memref<2x4x2x128xi32, #tpu.memory_space<vmem>>, vector<1x1x1x16xi32>,
      %get3A_2315 = arith.constant 1 : i32
      %get3A_2316 = arith.constant 3 : i32
      %get3A_2317 = arith.constant 1 : i32
      %get3A_2318 = arith.index_cast %get3A_2315 : i32 to index
      %get3A_2319 = arith.index_cast %get3A_2316 : i32 to index
      %get3A_2320 = arith.index_cast %get3A_2317 : i32 to index
      %get3A_2321 = arith.constant 64 : index
      %get3A_2322 = tpu.vector_load %arg4[%get3A_2318, %get3A_2319, %get3A_2320, %get3A_2321] {strides = array<i32>} : memref<2x4x2x128xi32, #tpu.memory_space<vmem>>, vector<1x1x1x16xi32>,
      %get3A_2323 = vector.shape_cast %get3A_2322 : vector<1x1x1x16xi32> to vector<16xi32>
      %ge3A_2324 = vector.broadcast %mul3A_0 : i32 to vector<16xi32>
      %ge3A_2325 = arith.cmpi sge, %get3A_2323, %ge3A_2324 : vector<16xi32>
      %add3A_2326 = arith.constant 25088 : i32
      %add3A_2327 = arith.addi %mul3A_0, %add3A_2326 : i32
      %lt3A_2328 = vector.broadcast %add3A_2327 : i32 to vector<16xi32>
      %lt3A_2329 = arith.cmpi slt, %get3A_2323, %lt3A_2328 : vector<16xi32>
      %and3A_2330 = arith.andi %ge3A_2325, %lt3A_2329 : vector<16xi1>
      %sub3A_2331 = vector.broadcast %mul3A_0 : i32 to vector<16xi32>
      %sub3A_2332 = arith.subi %get3A_2323, %sub3A_2331 : vector<16xi32>
      %and3A_2333 = arith.constant 255 : i32
      %and3A_2334 = vector.broadcast %and3A_2333 : i32 to vector<16xi32>
      %and3A_2335 = arith.andi %get3A_2323, %and3A_2334 : vector<16xi32>
      %add3A_2336 = arith.constant 25088 : i32
      %add3A_2337 = vector.broadcast %add3A_2336 : i32 to vector<16xi32>
      %add3A_2338 = arith.addi %add3A_2337, %and3A_2335 : vector<16xi32>
      %select_n3A_2339 = arith.select %and3A_2330, %sub3A_2332, %add3A_2338 : vector<16xi1>, vector<16xi32>
      %swap3A_2340 = arith.constant 1 : i32
      %swap3A_2341 = arith.constant 3 : i32
      %swap3A_2342 = arith.constant 1 : i32
      %swap3A_2343 = arith.index_cast %swap3A_2340 : i32 to index
      %swap3A_2344 = arith.index_cast %swap3A_2341 : i32 to index
      %swap3A_2345 = arith.index_cast %swap3A_2342 : i32 to index
      %swap3A_2346 = arith.constant 64 : index
      %swap3A_2347 = tpu.vector_load %arg4[%swap3A_2343, %swap3A_2344, %swap3A_2345, %swap3A_2346] {strides = array<i32>} : memref<2x4x2x128xi32, #tpu.memory_space<vmem>>, vector<1x1x1x16xi32>,
      %swap3A_2348 = vector.shape_cast %swap3A_2347 : vector<1x1x1x16xi32> to vector<16xi32>
      %swap3A_2349 = vector.shape_cast %select_n3A_2339 : vector<16xi32> to vector<1x1x1x16xi32>
      tpu.vector_store %arg4[%swap3A_2343, %swap3A_2344, %swap3A_2345, %swap3A_2346], %swap3A_2349 {strides = array<i32>} : memref<2x4x2x128xi32, #tpu.memory_space<vmem>>, vector<1x1x1x16xi32>,
      %get3A_2350 = arith.constant 1 : i32
      %get3A_2351 = arith.constant 3 : i32
      %get3A_2352 = arith.constant 1 : i32
      %get3A_2353 = arith.index_cast %get3A_2350 : i32 to index
      %get3A_2354 = arith.index_cast %get3A_2351 : i32 to index
      %get3A_2355 = arith.index_cast %get3A_2352 : i32 to index
      %get3A_2356 = arith.constant 80 : index
      %get3A_2357 = tpu.vector_load %arg4[%get3A_2353, %get3A_2354, %get3A_2355, %get3A_2356] {strides = array<i32>} : memref<2x4x2x128xi32, #tpu.memory_space<vmem>>, vector<1x1x1x16xi32>,
      %get3A_2358 = vector.shape_cast %get3A_2357 : vector<1x1x1x16xi32> to vector<16xi32>
      %ge3A_2359 = vector.broadcast %mul3A_0 : i32 to vector<16xi32>
      %ge3A_2360 = arith.cmpi sge, %get3A_2358, %ge3A_2359 : vector<16xi32>
      %add3A_2361 = arith.constant 25088 : i32
      %add3A_2362 = arith.addi %mul3A_0, %add3A_2361 : i32
      %lt3A_2363 = vector.broadcast %add3A_2362 : i32 to vector<16xi32>
      %lt3A_2364 = arith.cmpi slt, %get3A_2358, %lt3A_2363 : vector<16xi32>
      %and3A_2365 = arith.andi %ge3A_2360, %lt3A_2364 : vector<16xi1>
      %sub3A_2366 = vector.broadcast %mul3A_0 : i32 to vector<16xi32>
      %sub3A_2367 = arith.subi %get3A_2358, %sub3A_2366 : vector<16xi32>
      %and3A_2368 = arith.constant 255 : i32
      %and3A_2369 = vector.broadcast %and3A_2368 : i32 to vector<16xi32>
      %and3A_2370 = arith.andi %get3A_2358, %and3A_2369 : vector<16xi32>
      %add3A_2371 = arith.constant 25088 : i32
      %add3A_2372 = vector.broadcast %add3A_2371 : i32 to vector<16xi32>
      %add3A_2373 = arith.addi %add3A_2372, %and3A_2370 : vector<16xi32>
      %select_n3A_2374 = arith.select %and3A_2365, %sub3A_2367, %add3A_2373 : vector<16xi1>, vector<16xi32>
      %swap3A_2375 = arith.constant 1 : i32
      %swap3A_2376 = arith.constant 3 : i32
      %swap3A_2377 = arith.constant 1 : i32
      %swap3A_2378 = arith.index_cast %swap3A_2375 : i32 to index
      %swap3A_2379 = arith.index_cast %swap3A_2376 : i32 to index
      %swap3A_2380 = arith.index_cast %swap3A_2377 : i32 to index
      %swap3A_2381 = arith.constant 80 : index
      %swap3A_2382 = tpu.vector_load %arg4[%swap3A_2378, %swap3A_2379, %swap3A_2380, %swap3A_2381] {strides = array<i32>} : memref<2x4x2x128xi32, #tpu.memory_space<vmem>>, vector<1x1x1x16xi32>,
      %swap3A_2383 = vector.shape_cast %swap3A_2382 : vector<1x1x1x16xi32> to vector<16xi32>
      %swap3A_2384 = vector.shape_cast %select_n3A_2374 : vector<16xi32> to vector<1x1x1x16xi32>
      tpu.vector_store %arg4[%swap3A_2378, %swap3A_2379, %swap3A_2380, %swap3A_2381], %swap3A_2384 {strides = array<i32>} : memref<2x4x2x128xi32, #tpu.memory_space<vmem>>, vector<1x1x1x16xi32>,
      %get3A_2385 = arith.constant 1 : i32
      %get3A_2386 = arith.constant 3 : i32
      %get3A_2387 = arith.constant 1 : i32
      %get3A_2388 = arith.index_cast %get3A_2385 : i32 to index
      %get3A_2389 = arith.index_cast %get3A_2386 : i32 to index
      %get3A_2390 = arith.index_cast %get3A_2387 : i32 to index
      %get3A_2391 = arith.constant 96 : index
      %get3A_2392 = tpu.vector_load %arg4[%get3A_2388, %get3A_2389, %get3A_2390, %get3A_2391] {strides = array<i32>} : memref<2x4x2x128xi32, #tpu.memory_space<vmem>>, vector<1x1x1x16xi32>,
      %get3A_2393 = vector.shape_cast %get3A_2392 : vector<1x1x1x16xi32> to vector<16xi32>
      %ge3A_2394 = vector.broadcast %mul3A_0 : i32 to vector<16xi32>
      %ge3A_2395 = arith.cmpi sge, %get3A_2393, %ge3A_2394 : vector<16xi32>
      %add3A_2396 = arith.constant 25088 : i32
      %add3A_2397 = arith.addi %mul3A_0, %add3A_2396 : i32
      %lt3A_2398 = vector.broadcast %add3A_2397 : i32 to vector<16xi32>
      %lt3A_2399 = arith.cmpi slt, %get3A_2393, %lt3A_2398 : vector<16xi32>
      %and3A_2400 = arith.andi %ge3A_2395, %lt3A_2399 : vector<16xi1>
      %sub3A_2401 = vector.broadcast %mul3A_0 : i32 to vector<16xi32>
      %sub3A_2402 = arith.subi %get3A_2393, %sub3A_2401 : vector<16xi32>
      %and3A_2403 = arith.constant 255 : i32
      %and3A_2404 = vector.broadcast %and3A_2403 : i32 to vector<16xi32>
      %and3A_2405 = arith.andi %get3A_2393, %and3A_2404 : vector<16xi32>
      %add3A_2406 = arith.constant 25088 : i32
      %add3A_2407 = vector.broadcast %add3A_2406 : i32 to vector<16xi32>
      %add3A_2408 = arith.addi %add3A_2407, %and3A_2405 : vector<16xi32>
      %select_n3A_2409 = arith.select %and3A_2400, %sub3A_2402, %add3A_2408 : vector<16xi1>, vector<16xi32>
      %swap3A_2410 = arith.constant 1 : i32
      %swap3A_2411 = arith.constant 3 : i32
      %swap3A_2412 = arith.constant 1 : i32
      %swap3A_2413 = arith.index_cast %swap3A_2410 : i32 to index
      %swap3A_2414 = arith.index_cast %swap3A_2411 : i32 to index
      %swap3A_2415 = arith.index_cast %swap3A_2412 : i32 to index
      %swap3A_2416 = arith.constant 96 : index
      %swap3A_2417 = tpu.vector_load %arg4[%swap3A_2413, %swap3A_2414, %swap3A_2415, %swap3A_2416] {strides = array<i32>} : memref<2x4x2x128xi32, #tpu.memory_space<vmem>>, vector<1x1x1x16xi32>,
      %swap3A_2418 = vector.shape_cast %swap3A_2417 : vector<1x1x1x16xi32> to vector<16xi32>
      %swap3A_2419 = vector.shape_cast %select_n3A_2409 : vector<16xi32> to vector<1x1x1x16xi32>
      tpu.vector_store %arg4[%swap3A_2413, %swap3A_2414, %swap3A_2415, %swap3A_2416], %swap3A_2419 {strides = array<i32>} : memref<2x4x2x128xi32, #tpu.memory_space<vmem>>, vector<1x1x1x16xi32>,
      %get3A_2420 = arith.constant 1 : i32
      %get3A_2421 = arith.constant 3 : i32
      %get3A_2422 = arith.constant 1 : i32
      %get3A_2423 = arith.index_cast %get3A_2420 : i32 to index
      %get3A_2424 = arith.index_cast %get3A_2421 : i32 to index
      %get3A_2425 = arith.index_cast %get3A_2422 : i32 to index
      %get3A_2426 = arith.constant 112 : index
      %get3A_2427 = tpu.vector_load %arg4[%get3A_2423, %get3A_2424, %get3A_2425, %get3A_2426] {strides = array<i32>} : memref<2x4x2x128xi32, #tpu.memory_space<vmem>>, vector<1x1x1x16xi32>,
      %get3A_2428 = vector.shape_cast %get3A_2427 : vector<1x1x1x16xi32> to vector<16xi32>
      %ge3A_2429 = vector.broadcast %mul3A_0 : i32 to vector<16xi32>
      %ge3A_2430 = arith.cmpi sge, %get3A_2428, %ge3A_2429 : vector<16xi32>
      %add3A_2431 = arith.constant 25088 : i32
      %add3A_2432 = arith.addi %mul3A_0, %add3A_2431 : i32
      %lt3A_2433 = vector.broadcast %add3A_2432 : i32 to vector<16xi32>
      %lt3A_2434 = arith.cmpi slt, %get3A_2428, %lt3A_2433 : vector<16xi32>
      %and3A_2435 = arith.andi %ge3A_2430, %lt3A_2434 : vector<16xi1>
      %sub3A_2436 = vector.broadcast %mul3A_0 : i32 to vector<16xi32>
      %sub3A_2437 = arith.subi %get3A_2428, %sub3A_2436 : vector<16xi32>
      %and3A_2438 = arith.constant 255 : i32
      %and3A_2439 = vector.broadcast %and3A_2438 : i32 to vector<16xi32>
      %and3A_2440 = arith.andi %get3A_2428, %and3A_2439 : vector<16xi32>
      %add3A_2441 = arith.constant 25088 : i32
      %add3A_2442 = vector.broadcast %add3A_2441 : i32 to vector<16xi32>
      %add3A_2443 = arith.addi %add3A_2442, %and3A_2440 : vector<16xi32>
      %select_n3A_2444 = arith.select %and3A_2435, %sub3A_2437, %add3A_2443 : vector<16xi1>, vector<16xi32>
      %swap3A_2445 = arith.constant 1 : i32
      %swap3A_2446 = arith.constant 3 : i32
      %swap3A_2447 = arith.constant 1 : i32
      %swap3A_2448 = arith.index_cast %swap3A_2445 : i32 to index
      %swap3A_2449 = arith.index_cast %swap3A_2446 : i32 to index
      %swap3A_2450 = arith.index_cast %swap3A_2447 : i32 to index
      %swap3A_2451 = arith.constant 112 : index
      %swap3A_2452 = tpu.vector_load %arg4[%swap3A_2448, %swap3A_2449, %swap3A_2450, %swap3A_2451] {strides = array<i32>} : memref<2x4x2x128xi32, #tpu.memory_space<vmem>>, vector<1x1x1x16xi32>,
      %swap3A_2453 = vector.shape_cast %swap3A_2452 : vector<1x1x1x16xi32> to vector<16xi32>
      %swap3A_2454 = vector.shape_cast %select_n3A_2444 : vector<16xi32> to vector<1x1x1x16xi32>
      tpu.vector_store %arg4[%swap3A_2448, %swap3A_2449, %swap3A_2450, %swap3A_2451], %swap3A_2454 {strides = array<i32>} : memref<2x4x2x128xi32, #tpu.memory_space<vmem>>, vector<1x1x1x16xi32>,
      %dma_start3A_2455 = arith.constant 1 : i32
      %dma_start3A_2456 = arith.constant 0 : i32
      %dma_start3A_2457 = arith.constant 1 : i32
      %dma_start3A_2458 = arith.constant 0 : i32
      %dma_start3A_2459 = tpu.memref_slice %arg4[%dma_start3A_2455, %dma_start3A_2456, %dma_start3A_2457, %dma_start3A_2458] : memref<2x4x2x128xi32, #tpu.memory_space<vmem>> -> memref<1x1x1x128xi32, #tpu.memory_space<vmem>>
      %dma_start3A_2460 = tpu.memref_squeeze %dma_start3A_2459 : memref<1x1x1x128xi32, #tpu.memory_space<vmem>> -> memref<128xi32, #tpu.memory_space<vmem>>
      %dma_start3A_2461 = arith.constant 0 : i32
      %dma_start3A_2462 = tpu.memref_slice %arg7[%dma_start3A_2461] : memref<25344xf32, #tpu.memory_space<vmem_shared>> -> memref<25344xf32, #tpu.memory_space<vmem_shared>>
      tpu.enqueue_indirect_dma source(%arg5 : memref<128xf32, #tpu.memory_space<vmem>>) target(%dma_start3A_2462 : memref<25344xf32, #tpu.memory_space<vmem_shared>>) offsets(%dma_start3A_2460 : memref<128xi32, #tpu.memory_space<vmem>>) semaphore(%arg10 : memref<!tpu.dma_semaphore, #tpu.memory_space<semaphore_mem>>) {add = true}
      %dma_start3A_2463 = arith.constant 1 : i32
      %dma_start3A_2464 = arith.constant 1 : i32
      %dma_start3A_2465 = arith.constant 1 : i32
      %dma_start3A_2466 = arith.constant 0 : i32
      %dma_start3A_2467 = tpu.memref_slice %arg4[%dma_start3A_2463, %dma_start3A_2464, %dma_start3A_2465, %dma_start3A_2466] : memref<2x4x2x128xi32, #tpu.memory_space<vmem>> -> memref<1x1x1x128xi32, #tpu.memory_space<vmem>>
      %dma_start3A_2468 = tpu.memref_squeeze %dma_start3A_2467 : memref<1x1x1x128xi32, #tpu.memory_space<vmem>> -> memref<128xi32, #tpu.memory_space<vmem>>
      %dma_start3A_2469 = arith.constant 0 : i32
      %dma_start3A_2470 = tpu.memref_slice %arg7[%dma_start3A_2469] : memref<25344xf32, #tpu.memory_space<vmem_shared>> -> memref<25344xf32, #tpu.memory_space<vmem_shared>>
      tpu.enqueue_indirect_dma source(%arg5 : memref<128xf32, #tpu.memory_space<vmem>>) target(%dma_start3A_2470 : memref<25344xf32, #tpu.memory_space<vmem_shared>>) offsets(%dma_start3A_2468 : memref<128xi32, #tpu.memory_space<vmem>>) semaphore(%arg10 : memref<!tpu.dma_semaphore, #tpu.memory_space<semaphore_mem>>) {add = true}
      %dma_start3A_2471 = arith.constant 1 : i32
      %dma_start3A_2472 = arith.constant 2 : i32
      %dma_start3A_2473 = arith.constant 1 : i32
      %dma_start3A_2474 = arith.constant 0 : i32
      %dma_start3A_2475 = tpu.memref_slice %arg4[%dma_start3A_2471, %dma_start3A_2472, %dma_start3A_2473, %dma_start3A_2474] : memref<2x4x2x128xi32, #tpu.memory_space<vmem>> -> memref<1x1x1x128xi32, #tpu.memory_space<vmem>>
      %dma_start3A_2476 = tpu.memref_squeeze %dma_start3A_2475 : memref<1x1x1x128xi32, #tpu.memory_space<vmem>> -> memref<128xi32, #tpu.memory_space<vmem>>
      %dma_start3A_2477 = arith.constant 0 : i32
      %dma_start3A_2478 = tpu.memref_slice %arg7[%dma_start3A_2477] : memref<25344xf32, #tpu.memory_space<vmem_shared>> -> memref<25344xf32, #tpu.memory_space<vmem_shared>>
      tpu.enqueue_indirect_dma source(%arg5 : memref<128xf32, #tpu.memory_space<vmem>>) target(%dma_start3A_2478 : memref<25344xf32, #tpu.memory_space<vmem_shared>>) offsets(%dma_start3A_2476 : memref<128xi32, #tpu.memory_space<vmem>>) semaphore(%arg10 : memref<!tpu.dma_semaphore, #tpu.memory_space<semaphore_mem>>) {add = true}
      %dma_start3A_2479 = arith.constant 1 : i32
      %dma_start3A_2480 = arith.constant 3 : i32
      %dma_start3A_2481 = arith.constant 1 : i32
      %dma_start3A_2482 = arith.constant 0 : i32
      %dma_start3A_2483 = tpu.memref_slice %arg4[%dma_start3A_2479, %dma_start3A_2480, %dma_start3A_2481, %dma_start3A_2482] : memref<2x4x2x128xi32, #tpu.memory_space<vmem>> -> memref<1x1x1x128xi32, #tpu.memory_space<vmem>>
      %dma_start3A_2484 = tpu.memref_squeeze %dma_start3A_2483 : memref<1x1x1x128xi32, #tpu.memory_space<vmem>> -> memref<128xi32, #tpu.memory_space<vmem>>
      %dma_start3A_2485 = arith.constant 0 : i32
      %dma_start3A_2486 = tpu.memref_slice %arg7[%dma_start3A_2485] : memref<25344xf32, #tpu.memory_space<vmem_shared>> -> memref<25344xf32, #tpu.memory_space<vmem_shared>>
      tpu.enqueue_indirect_dma source(%arg5 : memref<128xf32, #tpu.memory_space<vmem>>) target(%dma_start3A_2486 : memref<25344xf32, #tpu.memory_space<vmem_shared>>) offsets(%dma_start3A_2484 : memref<128xi32, #tpu.memory_space<vmem>>) semaphore(%arg10 : memref<!tpu.dma_semaphore, #tpu.memory_space<semaphore_mem>>) {add = true}
      %dma_wait3A_2487 = arith.constant 1 : i32
      %dma_wait3A_2488 = arith.constant 0 : i32
      %dma_wait3A_2489 = arith.constant 1 : i32
      %dma_wait3A_2490 = arith.constant 0 : i32
      %dma_wait3A_2491 = tpu.memref_slice %arg4[%dma_wait3A_2487, %dma_wait3A_2488, %dma_wait3A_2489, %dma_wait3A_2490] : memref<2x4x2x128xi32, #tpu.memory_space<vmem>> -> memref<1x1x1x128xi32, #tpu.memory_space<vmem>>
      %dma_wait3A_2492 = tpu.memref_squeeze %dma_wait3A_2491 : memref<1x1x1x128xi32, #tpu.memory_space<vmem>> -> memref<128xi32, #tpu.memory_space<vmem>>
      %dma_wait3A_2493 = arith.constant 0 : i32
      %dma_wait3A_2494 = tpu.memref_slice %arg7[%dma_wait3A_2493] : memref<25344xf32, #tpu.memory_space<vmem_shared>> -> memref<25344xf32, #tpu.memory_space<vmem_shared>>
      tpu.wait_indirect_dma semaphore(%arg10 : memref<!tpu.dma_semaphore, #tpu.memory_space<semaphore_mem>>) src(%arg5 : memref<128xf32, #tpu.memory_space<vmem>>) dst(%dma_wait3A_2494 : memref<25344xf32, #tpu.memory_space<vmem_shared>>)
      %dma_wait3A_2495 = arith.constant 1 : i32
      %dma_wait3A_2496 = arith.constant 1 : i32
      %dma_wait3A_2497 = arith.constant 1 : i32
      %dma_wait3A_2498 = arith.constant 0 : i32
      %dma_wait3A_2499 = tpu.memref_slice %arg4[%dma_wait3A_2495, %dma_wait3A_2496, %dma_wait3A_2497, %dma_wait3A_2498] : memref<2x4x2x128xi32, #tpu.memory_space<vmem>> -> memref<1x1x1x128xi32, #tpu.memory_space<vmem>>
      %dma_wait3A_2500 = tpu.memref_squeeze %dma_wait3A_2499 : memref<1x1x1x128xi32, #tpu.memory_space<vmem>> -> memref<128xi32, #tpu.memory_space<vmem>>
      %dma_wait3A_2501 = arith.constant 0 : i32
      %dma_wait3A_2502 = tpu.memref_slice %arg7[%dma_wait3A_2501] : memref<25344xf32, #tpu.memory_space<vmem_shared>> -> memref<25344xf32, #tpu.memory_space<vmem_shared>>
      tpu.wait_indirect_dma semaphore(%arg10 : memref<!tpu.dma_semaphore, #tpu.memory_space<semaphore_mem>>) src(%arg5 : memref<128xf32, #tpu.memory_space<vmem>>) dst(%dma_wait3A_2502 : memref<25344xf32, #tpu.memory_space<vmem_shared>>)
      %dma_wait3A_2503 = arith.constant 1 : i32
      %dma_wait3A_2504 = arith.constant 2 : i32
      %dma_wait3A_2505 = arith.constant 1 : i32
      %dma_wait3A_2506 = arith.constant 0 : i32
      %dma_wait3A_2507 = tpu.memref_slice %arg4[%dma_wait3A_2503, %dma_wait3A_2504, %dma_wait3A_2505, %dma_wait3A_2506] : memref<2x4x2x128xi32, #tpu.memory_space<vmem>> -> memref<1x1x1x128xi32, #tpu.memory_space<vmem>>
      %dma_wait3A_2508 = tpu.memref_squeeze %dma_wait3A_2507 : memref<1x1x1x128xi32, #tpu.memory_space<vmem>> -> memref<128xi32, #tpu.memory_space<vmem>>
      %dma_wait3A_2509 = arith.constant 0 : i32
      %dma_wait3A_2510 = tpu.memref_slice %arg7[%dma_wait3A_2509] : memref<25344xf32, #tpu.memory_space<vmem_shared>> -> memref<25344xf32, #tpu.memory_space<vmem_shared>>
      tpu.wait_indirect_dma semaphore(%arg10 : memref<!tpu.dma_semaphore, #tpu.memory_space<semaphore_mem>>) src(%arg5 : memref<128xf32, #tpu.memory_space<vmem>>) dst(%dma_wait3A_2510 : memref<25344xf32, #tpu.memory_space<vmem_shared>>)
      %dma_wait3A_2511 = arith.constant 1 : i32
      %dma_wait3A_2512 = arith.constant 3 : i32
      %dma_wait3A_2513 = arith.constant 1 : i32
      %dma_wait3A_2514 = arith.constant 0 : i32
      %dma_wait3A_2515 = tpu.memref_slice %arg4[%dma_wait3A_2511, %dma_wait3A_2512, %dma_wait3A_2513, %dma_wait3A_2514] : memref<2x4x2x128xi32, #tpu.memory_space<vmem>> -> memref<1x1x1x128xi32, #tpu.memory_space<vmem>>
      %dma_wait3A_2516 = tpu.memref_squeeze %dma_wait3A_2515 : memref<1x1x1x128xi32, #tpu.memory_space<vmem>> -> memref<128xi32, #tpu.memory_space<vmem>>
      %dma_wait3A_2517 = arith.constant 0 : i32
      %dma_wait3A_2518 = tpu.memref_slice %arg7[%dma_wait3A_2517] : memref<25344xf32, #tpu.memory_space<vmem_shared>> -> memref<25344xf32, #tpu.memory_space<vmem_shared>>
      tpu.wait_indirect_dma semaphore(%arg10 : memref<!tpu.dma_semaphore, #tpu.memory_space<semaphore_mem>>) src(%arg5 : memref<128xf32, #tpu.memory_space<vmem>>) dst(%dma_wait3A_2518 : memref<25344xf32, #tpu.memory_space<vmem_shared>>)
      %add3A_2519 = arith.constant 3 : i32
      %add3A_2520 = arith.addi %mul3A_108, %add3A_2519 : i32
      %lt3A_2521 = arith.constant 98 : i32
      %lt3A_2522 = arith.cmpi slt, %add3A_2520, %lt3A_2521 : i32
      %convert_element_type3A_2523 = arith.extui %lt3A_2522 : i1 to i32
      %cond3A_2524 = arith.constant 0 : i32
      %cond3A_2525 = arith.cmpi ne, %convert_element_type3A_2523, %cond3A_2524 : i32
      scf.if %cond3A_2525 {
        %add3A_2526 = arith.constant 3 : i32
        %add3A_2527 = arith.addi %mul3A_108, %add3A_2526 : i32
        %mul3A_2528 = arith.constant 4 : i32
        %mul3A_2529 = arith.muli %mul3A_2528, %add3A_2527 : i32
        %dma_start3A_2530 = arith.constant 1 : i32
        %dma_start3A_2531 = arith.constant 0 : i32
        %dma_start3A_2532 = arith.constant 0 : i32
        %dma_start3A_2533 = arith.constant 0 : i32
        %dma_start3A_2534 = tpu.memref_slice %arg4[%dma_start3A_2530, %dma_start3A_2531, %dma_start3A_2532, %dma_start3A_2533] : memref<2x4x2x128xi32, #tpu.memory_space<vmem>> -> memref<1x4x2x128xi32, #tpu.memory_space<vmem>>
        %dma_start3A_2535 = tpu.memref_squeeze %dma_start3A_2534 : memref<1x4x2x128xi32, #tpu.memory_space<vmem>> -> memref<4x2x128xi32, #tpu.memory_space<vmem>>
        %dma_start3A_2536 = arith.constant 0 : i32
        %dma_start3A_2537 = arith.constant 0 : i32
        %dma_start3A_2538 = tpu.memref_slice %arg2[%arg1, %mul3A_2529, %dma_start3A_2536, %dma_start3A_2537] : memref<16x392x2x128xi32, #tpu.memory_space<hbm>> -> memref<1x4x2x128xi32, #tpu.memory_space<hbm>>
        %dma_start3A_2539 = tpu.memref_squeeze %dma_start3A_2538 : memref<1x4x2x128xi32, #tpu.memory_space<hbm>> -> memref<4x2x128xi32, #tpu.memory_space<hbm>>
        %dma_start3A_2540 = arith.constant 0 : i32
        %dma_start3A_2541 = arith.constant 0 : i32
        %dma_start3A_2542 = arith.constant 0 : i32
        %dma_start3A_2543 = tpu.memref_slice %arg4[%dma_start3A_2530, %dma_start3A_2540, %dma_start3A_2541, %dma_start3A_2542] : memref<2x4x2x128xi32, #tpu.memory_space<vmem>> -> memref<1x4x2x128xi32, #tpu.memory_space<vmem>>
        %dma_start3A_2544 = tpu.memref_squeeze %dma_start3A_2543 : memref<1x4x2x128xi32, #tpu.memory_space<vmem>> -> memref<4x2x128xi32, #tpu.memory_space<vmem>>
        %dma_start3A_2545 = arith.constant 0 : i32
        %dma_start3A_2546 = arith.constant 0 : i32
        %dma_start3A_2547 = tpu.memref_slice %arg2[%arg1, %mul3A_2529, %dma_start3A_2545, %dma_start3A_2546] : memref<16x392x2x128xi32, #tpu.memory_space<hbm>> -> memref<1x4x2x128xi32, #tpu.memory_space<hbm>>
        %dma_start3A_2548 = tpu.memref_squeeze %dma_start3A_2547 : memref<1x4x2x128xi32, #tpu.memory_space<hbm>> -> memref<4x2x128xi32, #tpu.memory_space<hbm>>
        tpu.enqueue_dma source(%dma_start3A_2548 : memref<4x2x128xi32, #tpu.memory_space<hbm>>) target(%dma_start3A_2544 : memref<4x2x128xi32, #tpu.memory_space<vmem>>) target_semaphore(%arg9 : memref<!tpu.dma_semaphore, #tpu.memory_space<semaphore_mem>>)
      } else {
      }
    }
    %scan3A_98 = arith.constant 49 : i32
    %barrier3A_99 = arith.constant 0 : index
    tpu.barrier barrier_id(%barrier3A_99)
    %mul3A_100 = arith.constant 1584 : i32
    %mul3A_101 = arith.muli %arg1, %mul3A_100 : i32
    "tpu.region"() ({
      %run_scoped3A = tpu.sem_alloc : memref<!tpu.dma_semaphore, #tpu.memory_space<semaphore_mem>>
      %dma_start3A_106 = tpu.memref_slice %arg7[%mul3A_101] : memref<25344xf32, #tpu.memory_space<vmem_shared>> -> memref<1584xf32, #tpu.memory_space<vmem_shared>>
      %dma_start3A_107 = tpu.memref_slice %arg7[%mul3A_101] : memref<25344xf32, #tpu.memory_space<vmem_shared>> -> memref<1584xf32, #tpu.memory_space<vmem_shared>>
      tpu.enqueue_dma source(%dma_start3A_107 : memref<1584xf32, #tpu.memory_space<vmem_shared>>) target(%arg6 : memref<1584xf32, #tpu.memory_space<vmem>>) target_semaphore(%run_scoped3A : memref<!tpu.dma_semaphore, #tpu.memory_space<semaphore_mem>>)
      %dma_wait3A = tpu.memref_slice %arg7[%mul3A_101] : memref<25344xf32, #tpu.memory_space<vmem_shared>> -> memref<1584xf32, #tpu.memory_space<vmem_shared>>
      %dma_wait3A_108 = tpu.memref_slice %arg7[%mul3A_101] : memref<25344xf32, #tpu.memory_space<vmem_shared>> -> memref<1584xf32, #tpu.memory_space<vmem_shared>>
      tpu.wait_dma2 semaphore(%run_scoped3A : memref<!tpu.dma_semaphore, #tpu.memory_space<semaphore_mem>>) src(%dma_wait3A_108 : memref<1584xf32, #tpu.memory_space<vmem_shared>>) dst(%arg6 : memref<1584xf32, #tpu.memory_space<vmem>>)
      tpu.yield
    }) : () -> ()
    %mul3A_102 = arith.constant 25344 : i32
    %mul3A_103 = arith.muli %arg0, %mul3A_102 : i32
    %mul3A_104 = arith.constant 1584 : i32
    %mul3A_105 = arith.muli %arg1, %mul3A_104 : i32
    %add3A = arith.addi %mul3A_103, %mul3A_105 : i32
    "tpu.region"() ({
      %run_scoped3A = tpu.sem_alloc : memref<!tpu.dma_semaphore, #tpu.memory_space<semaphore_mem>>
      %dma_start3A_106 = tpu.memref_slice %arg3[%add3A] : memref<50688xf32, #tpu.memory_space<hbm>> -> memref<1584xf32, #tpu.memory_space<hbm>>
      %dma_start3A_107 = tpu.memref_slice %arg3[%add3A] : memref<50688xf32, #tpu.memory_space<hbm>> -> memref<1584xf32, #tpu.memory_space<hbm>>
      tpu.enqueue_dma source(%arg6 : memref<1584xf32, #tpu.memory_space<vmem>>) target(%dma_start3A_107 : memref<1584xf32, #tpu.memory_space<hbm>>) target_semaphore(%run_scoped3A : memref<!tpu.dma_semaphore, #tpu.memory_space<semaphore_mem>>)
      %dma_wait3A = tpu.memref_slice %arg3[%add3A] : memref<50688xf32, #tpu.memory_space<hbm>> -> memref<1584xf32, #tpu.memory_space<hbm>>
      %dma_wait3A_108 = tpu.memref_slice %arg3[%add3A] : memref<50688xf32, #tpu.memory_space<hbm>> -> memref<1584xf32, #tpu.memory_space<hbm>>
      tpu.wait_dma2 semaphore(%run_scoped3A : memref<!tpu.dma_semaphore, #tpu.memory_space<semaphore_mem>>) src(%arg6 : memref<1584xf32, #tpu.memory_space<vmem>>) dst(%dma_wait3A_108 : memref<1584xf32, #tpu.memory_space<hbm>>)
      tpu.yield
    }) : () -> ()
    return
  }
}

#map = affine_map<(d0, d1) -> (0, 0)>
#map1 = affine_map<(d0, d1) -> (0, 0, 0, 0)>
module attributes {stable_mosaic.version = 14 : i64} {
  func.func @_scat_body(%arg0: i32, %arg1: i32, %arg2: memref<100352x32xf32, #tpu.memory_space<hbm>>, %arg3: memref<16x392x2x128xi32, #tpu.memory_space<hbm>>, %arg4: memref<50176x32xf32, #tpu.memory_space<hbm>>, %arg5: memref<100352x32xf32, #tpu.memory_space<hbm>>, %arg6: memref<2x4x2x128xi32, #tpu.memory_space<vmem>>, %arg7: memref<4x128x32xf32, #tpu.memory_space<vmem>>, %arg8: memref<2x32x32xf32, #tpu.memory_space<vmem>>, %arg9: memref<98x32xi32, #tpu.memory_space<vmem>>, %arg10: memref<50176x32xf32, #tpu.memory_space<vmem_shared>>, %arg11: memref<!tpu.dma_semaphore, #tpu.memory_space<semaphore_mem>>, %arg12: memref<!tpu.dma_semaphore, #tpu.memory_space<semaphore_mem>>, %arg13: memref<!tpu.dma_semaphore, #tpu.memory_space<semaphore_mem>>, %arg14: memref<!tpu.dma_semaphore, #tpu.memory_space<semaphore_mem>>, %arg15: memref<!tpu.dma_semaphore, #tpu.memory_space<semaphore_mem>>, %arg16: memref<!tpu.dma_semaphore, #tpu.memory_space<semaphore_mem>>, %arg17: memref<!tpu.dma_semaphore, #tpu.memory_space<semaphore_mem>>) attributes {dimension_semantics = [#tpu.dimension_semantics<core_parallel>, #tpu.dimension_semantics<subcore_parallel>], iteration_bounds = array<i64: 2, 16>, scalar_prefetch = 0 : i64, scratch_operands = 12 : i64, tpu.core_type = #tpu.core_type<sc_vector_subcore>, window_params = [{transform_indices = #map}, {transform_indices = #map1}, {transform_indices = #map}, {transform_indices = #map}]} {
    %iota3A = tpu.iota {dimensions = array<i32: 0>} : vector<16xi32>
    %mul3A = arith.constant 2 : i32
    %mul3A_0 = vector.broadcast %mul3A : i32 to vector<16xi32>
    %mul3A_1 = arith.muli %iota3A, %mul3A_0 : vector<16xi32>
    %mul3A_2 = arith.constant 3136 : i32
    %mul3A_3 = arith.muli %arg1, %mul3A_2 : i32
    %mul3A_4 = arith.constant 2 : i32
    %mul3A_5 = arith.muli %mul3A_3, %mul3A_4 : i32
    %add3A = arith.addi %mul3A_5, %arg0 : i32
    %scan3A = arith.constant 0 : i32
    %scan3A_6 = arith.constant 98 : i32
    %scan3A_7 = arith.addi %scan3A, %scan3A_6 : i32
    %scan3A_8 = arith.constant 1 : i32
    scf.for %scan3A_150 = %scan3A to %scan3A_7 step %scan3A_8  : i32 {
      %mul3A_151 = arith.constant 64 : i32
      %mul3A_152 = arith.muli %scan3A_150, %mul3A_151 : i32
      %add3A_153 = arith.addi %add3A, %mul3A_152 : i32
      %add3A_154 = arith.constant 0 : i32
      %add3A_155 = arith.addi %add3A_153, %add3A_154 : i32
      %add3A_156 = vector.broadcast %add3A_155 : i32 to vector<16xi32>
      %add3A_157 = arith.addi %add3A_156, %mul3A_1 : vector<16xi32>
      %swap3A = arith.index_cast %scan3A_150 : i32 to index
      %swap3A_158 = arith.constant 0 : index
      %swap3A_159 = tpu.vector_load %arg9[%swap3A, %swap3A_158] {strides = array<i32>} : memref<98x32xi32, #tpu.memory_space<vmem>>, vector<1x16xi32>,
      %swap3A_160 = vector.shape_cast %swap3A_159 : vector<1x16xi32> to vector<16xi32>
      %swap3A_161 = vector.shape_cast %add3A_157 : vector<16xi32> to vector<1x16xi32>
      tpu.vector_store %arg9[%swap3A, %swap3A_158], %swap3A_161 {strides = array<i32>} : memref<98x32xi32, #tpu.memory_space<vmem>>, vector<1x16xi32>,
      %mul3A_162 = arith.constant 64 : i32
      %mul3A_163 = arith.muli %scan3A_150, %mul3A_162 : i32
      %add3A_164 = arith.addi %add3A, %mul3A_163 : i32
      %add3A_165 = arith.constant 32 : i32
      %add3A_166 = arith.addi %add3A_164, %add3A_165 : i32
      %add3A_167 = vector.broadcast %add3A_166 : i32 to vector<16xi32>
      %add3A_168 = arith.addi %add3A_167, %mul3A_1 : vector<16xi32>
      %swap3A_169 = arith.index_cast %scan3A_150 : i32 to index
      %swap3A_170 = arith.constant 16 : index
      %swap3A_171 = tpu.vector_load %arg9[%swap3A_169, %swap3A_170] {strides = array<i32>} : memref<98x32xi32, #tpu.memory_space<vmem>>, vector<1x16xi32>,
      %swap3A_172 = vector.shape_cast %swap3A_171 : vector<1x16xi32> to vector<16xi32>
      %swap3A_173 = vector.shape_cast %add3A_168 : vector<16xi32> to vector<1x16xi32>
      tpu.vector_store %arg9[%swap3A_169, %swap3A_170], %swap3A_173 {strides = array<i32>} : memref<98x32xi32, #tpu.memory_space<vmem>>, vector<1x16xi32>,
    }
    %scan3A_9 = arith.constant 98 : i32
    %mul3A_10 = arith.constant 3136 : i32
    %mul3A_11 = arith.muli %arg1, %mul3A_10 : i32
    %mul3A_12 = arith.constant 3136 : i32
    %mul3A_13 = arith.muli %arg1, %mul3A_12 : i32
    "tpu.region"() ({
      %run_scoped3A = tpu.sem_alloc : memref<!tpu.dma_semaphore, #tpu.memory_space<semaphore_mem>>
      %dma_start3A_150 = arith.constant 0 : i32
      %dma_start3A_151 = tpu.memref_slice %arg10[%mul3A_13, %dma_start3A_150] : memref<50176x32xf32, #tpu.memory_space<vmem_shared>> -> memref<3136x32xf32, #tpu.memory_space<vmem_shared>>
      %dma_start3A_152 = arith.constant 0 : i32
      %dma_start3A_153 = tpu.memref_slice %arg4[%mul3A_11, %dma_start3A_152] : memref<50176x32xf32, #tpu.memory_space<hbm>> -> memref<3136x32xf32, #tpu.memory_space<hbm>>
      tpu.enqueue_dma source(%dma_start3A_153 : memref<3136x32xf32, #tpu.memory_space<hbm>>) target(%dma_start3A_151 : memref<3136x32xf32, #tpu.memory_space<vmem_shared>>) target_semaphore(%run_scoped3A : memref<!tpu.dma_semaphore, #tpu.memory_space<semaphore_mem>>)
      %dma_wait3A_154 = arith.constant 0 : i32
      %dma_wait3A_155 = tpu.memref_slice %arg10[%mul3A_13, %dma_wait3A_154] : memref<50176x32xf32, #tpu.memory_space<vmem_shared>> -> memref<3136x32xf32, #tpu.memory_space<vmem_shared>>
      %dma_wait3A_156 = arith.constant 0 : i32
      %dma_wait3A_157 = tpu.memref_slice %arg4[%mul3A_11, %dma_wait3A_156] : memref<50176x32xf32, #tpu.memory_space<hbm>> -> memref<3136x32xf32, #tpu.memory_space<hbm>>
      tpu.wait_dma2 semaphore(%run_scoped3A : memref<!tpu.dma_semaphore, #tpu.memory_space<semaphore_mem>>) src(%dma_wait3A_157 : memref<3136x32xf32, #tpu.memory_space<hbm>>) dst(%dma_wait3A_155 : memref<3136x32xf32, #tpu.memory_space<vmem_shared>>)
      tpu.yield
    }) : () -> ()
    %barrier3A = arith.constant 0 : index
    tpu.barrier barrier_id(%barrier3A)
    %dma_start3A = arith.constant 0 : i32
    %dma_start3A_14 = arith.constant 0 : i32
    %dma_start3A_15 = arith.constant 0 : i32
    %dma_start3A_16 = arith.constant 0 : i32
    %dma_start3A_17 = tpu.memref_slice %arg6[%dma_start3A, %dma_start3A_14, %dma_start3A_15, %dma_start3A_16] : memref<2x4x2x128xi32, #tpu.memory_space<vmem>> -> memref<1x4x2x128xi32, #tpu.memory_space<vmem>>
    %dma_start3A_18 = tpu.memref_squeeze %dma_start3A_17 : memref<1x4x2x128xi32, #tpu.memory_space<vmem>> -> memref<4x2x128xi32, #tpu.memory_space<vmem>>
    %dma_start3A_19 = arith.constant 0 : i32
    %dma_start3A_20 = arith.constant 0 : i32
    %dma_start3A_21 = arith.constant 0 : i32
    %dma_start3A_22 = tpu.memref_slice %arg3[%arg1, %dma_start3A_19, %dma_start3A_20, %dma_start3A_21] : memref<16x392x2x128xi32, #tpu.memory_space<hbm>> -> memref<1x4x2x128xi32, #tpu.memory_space<hbm>>
    %dma_start3A_23 = tpu.memref_squeeze %dma_start3A_22 : memref<1x4x2x128xi32, #tpu.memory_space<hbm>> -> memref<4x2x128xi32, #tpu.memory_space<hbm>>
    %dma_start3A_24 = arith.constant 0 : i32
    %dma_start3A_25 = arith.constant 0 : i32
    %dma_start3A_26 = arith.constant 0 : i32
    %dma_start3A_27 = tpu.memref_slice %arg6[%dma_start3A, %dma_start3A_24, %dma_start3A_25, %dma_start3A_26] : memref<2x4x2x128xi32, #tpu.memory_space<vmem>> -> memref<1x4x2x128xi32, #tpu.memory_space<vmem>>
    %dma_start3A_28 = tpu.memref_squeeze %dma_start3A_27 : memref<1x4x2x128xi32, #tpu.memory_space<vmem>> -> memref<4x2x128xi32, #tpu.memory_space<vmem>>
    %dma_start3A_29 = arith.constant 0 : i32
    %dma_start3A_30 = arith.constant 0 : i32
    %dma_start3A_31 = arith.constant 0 : i32
    %dma_start3A_32 = tpu.memref_slice %arg3[%arg1, %dma_start3A_29, %dma_start3A_30, %dma_start3A_31] : memref<16x392x2x128xi32, #tpu.memory_space<hbm>> -> memref<1x4x2x128xi32, #tpu.memory_space<hbm>>
    %dma_start3A_33 = tpu.memref_squeeze %dma_start3A_32 : memref<1x4x2x128xi32, #tpu.memory_space<hbm>> -> memref<4x2x128xi32, #tpu.memory_space<hbm>>
    tpu.enqueue_dma source(%dma_start3A_33 : memref<4x2x128xi32, #tpu.memory_space<hbm>>) target(%dma_start3A_28 : memref<4x2x128xi32, #tpu.memory_space<vmem>>) target_semaphore(%arg11 : memref<!tpu.dma_semaphore, #tpu.memory_space<semaphore_mem>>)
    %dma_wait3A = arith.constant 0 : i32
    %dma_wait3A_34 = arith.constant 0 : i32
    %dma_wait3A_35 = arith.constant 0 : i32
    %dma_wait3A_36 = arith.constant 0 : i32
    %dma_wait3A_37 = tpu.memref_slice %arg6[%dma_wait3A, %dma_wait3A_34, %dma_wait3A_35, %dma_wait3A_36] : memref<2x4x2x128xi32, #tpu.memory_space<vmem>> -> memref<1x4x2x128xi32, #tpu.memory_space<vmem>>
    %dma_wait3A_38 = tpu.memref_squeeze %dma_wait3A_37 : memref<1x4x2x128xi32, #tpu.memory_space<vmem>> -> memref<4x2x128xi32, #tpu.memory_space<vmem>>
    %dma_wait3A_39 = arith.constant 0 : i32
    %dma_wait3A_40 = arith.constant 0 : i32
    %dma_wait3A_41 = arith.constant 0 : i32
    %dma_wait3A_42 = tpu.memref_slice %arg3[%arg1, %dma_wait3A_39, %dma_wait3A_40, %dma_wait3A_41] : memref<16x392x2x128xi32, #tpu.memory_space<hbm>> -> memref<1x4x2x128xi32, #tpu.memory_space<hbm>>
    %dma_wait3A_43 = tpu.memref_squeeze %dma_wait3A_42 : memref<1x4x2x128xi32, #tpu.memory_space<hbm>> -> memref<4x2x128xi32, #tpu.memory_space<hbm>>
    %dma_wait3A_44 = arith.constant 0 : i32
    %dma_wait3A_45 = arith.constant 0 : i32
    %dma_wait3A_46 = arith.constant 0 : i32
    %dma_wait3A_47 = tpu.memref_slice %arg6[%dma_wait3A, %dma_wait3A_44, %dma_wait3A_45, %dma_wait3A_46] : memref<2x4x2x128xi32, #tpu.memory_space<vmem>> -> memref<1x4x2x128xi32, #tpu.memory_space<vmem>>
    %dma_wait3A_48 = tpu.memref_squeeze %dma_wait3A_47 : memref<1x4x2x128xi32, #tpu.memory_space<vmem>> -> memref<4x2x128xi32, #tpu.memory_space<vmem>>
    %dma_wait3A_49 = arith.constant 0 : i32
    %dma_wait3A_50 = arith.constant 0 : i32
    %dma_wait3A_51 = arith.constant 0 : i32
    %dma_wait3A_52 = tpu.memref_slice %arg3[%arg1, %dma_wait3A_49, %dma_wait3A_50, %dma_wait3A_51] : memref<16x392x2x128xi32, #tpu.memory_space<hbm>> -> memref<1x4x2x128xi32, #tpu.memory_space<hbm>>
    %dma_wait3A_53 = tpu.memref_squeeze %dma_wait3A_52 : memref<1x4x2x128xi32, #tpu.memory_space<hbm>> -> memref<4x2x128xi32, #tpu.memory_space<hbm>>
    tpu.wait_dma2 semaphore(%arg11 : memref<!tpu.dma_semaphore, #tpu.memory_space<semaphore_mem>>) src(%dma_wait3A_53 : memref<4x2x128xi32, #tpu.memory_space<hbm>>) dst(%dma_wait3A_48 : memref<4x2x128xi32, #tpu.memory_space<vmem>>)
    %dma_start3A_54 = arith.constant 0 : i32
    %dma_start3A_55 = arith.constant 0 : i32
    %dma_start3A_56 = arith.constant 0 : i32
    %dma_start3A_57 = arith.constant 0 : i32
    %dma_start3A_58 = arith.constant 0 : i32
    %dma_start3A_59 = arith.constant 0 : i32
    %dma_start3A_60 = tpu.memref_slice %arg7[%dma_start3A_57, %dma_start3A_58, %dma_start3A_59] : memref<4x128x32xf32, #tpu.memory_space<vmem>> -> memref<1x128x32xf32, #tpu.memory_space<vmem>>
    %dma_start3A_61 = tpu.memref_squeeze %dma_start3A_60 : memref<1x128x32xf32, #tpu.memory_space<vmem>> -> memref<128x32xf32, #tpu.memory_space<vmem>>
    %dma_start3A_62 = arith.constant 0 : i32
    %dma_start3A_63 = tpu.memref_slice %arg6[%dma_start3A_54, %dma_start3A_55, %dma_start3A_56, %dma_start3A_62] : memref<2x4x2x128xi32, #tpu.memory_space<vmem>> -> memref<1x1x1x128xi32, #tpu.memory_space<vmem>>
    %dma_start3A_64 = tpu.memref_squeeze %dma_start3A_63 : memref<1x1x1x128xi32, #tpu.memory_space<vmem>> -> memref<128xi32, #tpu.memory_space<vmem>>
    %dma_start3A_65 = arith.constant 0 : i32
    %dma_start3A_66 = tpu.memref_slice %arg2[%arg0, %dma_start3A_65] : memref<100352x32xf32, #tpu.memory_space<hbm>> -> memref<100344x32xf32, #tpu.memory_space<hbm>>
    %dma_start3A_67 = arith.constant 0 : i32
    %dma_start3A_68 = arith.constant 0 : i32
    %dma_start3A_69 = tpu.memref_slice %dma_start3A_66[%dma_start3A_67, %dma_start3A_68] : memref<100344x32xf32, #tpu.memory_space<hbm>> -> memref<100344x32xf32, #tpu.memory_space<hbm>>
    tpu.enqueue_indirect_dma source(%dma_start3A_69 : memref<100344x32xf32, #tpu.memory_space<hbm>>) target(%dma_start3A_61 : memref<128x32xf32, #tpu.memory_space<vmem>>) offsets(%dma_start3A_64 : memref<128xi32, #tpu.memory_space<vmem>>) semaphore(%arg13 : memref<!tpu.dma_semaphore, #tpu.memory_space<semaphore_mem>>)
    %dma_start3A_70 = arith.constant 0 : i32
    %dma_start3A_71 = arith.constant 1 : i32
    %dma_start3A_72 = arith.constant 0 : i32
    %dma_start3A_73 = arith.constant 1 : i32
    %dma_start3A_74 = arith.constant 0 : i32
    %dma_start3A_75 = arith.constant 0 : i32
    %dma_start3A_76 = tpu.memref_slice %arg7[%dma_start3A_73, %dma_start3A_74, %dma_start3A_75] : memref<4x128x32xf32, #tpu.memory_space<vmem>> -> memref<1x128x32xf32, #tpu.memory_space<vmem>>
    %dma_start3A_77 = tpu.memref_squeeze %dma_start3A_76 : memref<1x128x32xf32, #tpu.memory_space<vmem>> -> memref<128x32xf32, #tpu.memory_space<vmem>>
    %dma_start3A_78 = arith.constant 0 : i32
    %dma_start3A_79 = tpu.memref_slice %arg6[%dma_start3A_70, %dma_start3A_71, %dma_start3A_72, %dma_start3A_78] : memref<2x4x2x128xi32, #tpu.memory_space<vmem>> -> memref<1x1x1x128xi32, #tpu.memory_space<vmem>>
    %dma_start3A_80 = tpu.memref_squeeze %dma_start3A_79 : memref<1x1x1x128xi32, #tpu.memory_space<vmem>> -> memref<128xi32, #tpu.memory_space<vmem>>
    %dma_start3A_81 = arith.constant 0 : i32
    %dma_start3A_82 = tpu.memref_slice %arg2[%arg0, %dma_start3A_81] : memref<100352x32xf32, #tpu.memory_space<hbm>> -> memref<100344x32xf32, #tpu.memory_space<hbm>>
    %dma_start3A_83 = arith.constant 0 : i32
    %dma_start3A_84 = arith.constant 0 : i32
    %dma_start3A_85 = tpu.memref_slice %dma_start3A_82[%dma_start3A_83, %dma_start3A_84] : memref<100344x32xf32, #tpu.memory_space<hbm>> -> memref<100344x32xf32, #tpu.memory_space<hbm>>
    tpu.enqueue_indirect_dma source(%dma_start3A_85 : memref<100344x32xf32, #tpu.memory_space<hbm>>) target(%dma_start3A_77 : memref<128x32xf32, #tpu.memory_space<vmem>>) offsets(%dma_start3A_80 : memref<128xi32, #tpu.memory_space<vmem>>) semaphore(%arg14 : memref<!tpu.dma_semaphore, #tpu.memory_space<semaphore_mem>>)
    %dma_start3A_86 = arith.constant 0 : i32
    %dma_start3A_87 = arith.constant 2 : i32
    %dma_start3A_88 = arith.constant 0 : i32
    %dma_start3A_89 = arith.constant 2 : i32
    %dma_start3A_90 = arith.constant 0 : i32
    %dma_start3A_91 = arith.constant 0 : i32
    %dma_start3A_92 = tpu.memref_slice %arg7[%dma_start3A_89, %dma_start3A_90, %dma_start3A_91] : memref<4x128x32xf32, #tpu.memory_space<vmem>> -> memref<1x128x32xf32, #tpu.memory_space<vmem>>
    %dma_start3A_93 = tpu.memref_squeeze %dma_start3A_92 : memref<1x128x32xf32, #tpu.memory_space<vmem>> -> memref<128x32xf32, #tpu.memory_space<vmem>>
    %dma_start3A_94 = arith.constant 0 : i32
    %dma_start3A_95 = tpu.memref_slice %arg6[%dma_start3A_86, %dma_start3A_87, %dma_start3A_88, %dma_start3A_94] : memref<2x4x2x128xi32, #tpu.memory_space<vmem>> -> memref<1x1x1x128xi32, #tpu.memory_space<vmem>>
    %dma_start3A_96 = tpu.memref_squeeze %dma_start3A_95 : memref<1x1x1x128xi32, #tpu.memory_space<vmem>> -> memref<128xi32, #tpu.memory_space<vmem>>
    %dma_start3A_97 = arith.constant 0 : i32
    %dma_start3A_98 = tpu.memref_slice %arg2[%arg0, %dma_start3A_97] : memref<100352x32xf32, #tpu.memory_space<hbm>> -> memref<100344x32xf32, #tpu.memory_space<hbm>>
    %dma_start3A_99 = arith.constant 0 : i32
    %dma_start3A_100 = arith.constant 0 : i32
    %dma_start3A_101 = tpu.memref_slice %dma_start3A_98[%dma_start3A_99, %dma_start3A_100] : memref<100344x32xf32, #tpu.memory_space<hbm>> -> memref<100344x32xf32, #tpu.memory_space<hbm>>
    tpu.enqueue_indirect_dma source(%dma_start3A_101 : memref<100344x32xf32, #tpu.memory_space<hbm>>) target(%dma_start3A_93 : memref<128x32xf32, #tpu.memory_space<vmem>>) offsets(%dma_start3A_96 : memref<128xi32, #tpu.memory_space<vmem>>) semaphore(%arg15 : memref<!tpu.dma_semaphore, #tpu.memory_space<semaphore_mem>>)
    %dma_start3A_102 = arith.constant 0 : i32
    %dma_start3A_103 = arith.constant 3 : i32
    %dma_start3A_104 = arith.constant 0 : i32
    %dma_start3A_105 = arith.constant 3 : i32
    %dma_start3A_106 = arith.constant 0 : i32
    %dma_start3A_107 = arith.constant 0 : i32
    %dma_start3A_108 = tpu.memref_slice %arg7[%dma_start3A_105, %dma_start3A_106, %dma_start3A_107] : memref<4x128x32xf32, #tpu.memory_space<vmem>> -> memref<1x128x32xf32, #tpu.memory_space<vmem>>
    %dma_start3A_109 = tpu.memref_squeeze %dma_start3A_108 : memref<1x128x32xf32, #tpu.memory_space<vmem>> -> memref<128x32xf32, #tpu.memory_space<vmem>>
    %dma_start3A_110 = arith.constant 0 : i32
    %dma_start3A_111 = tpu.memref_slice %arg6[%dma_start3A_102, %dma_start3A_103, %dma_start3A_104, %dma_start3A_110] : memref<2x4x2x128xi32, #tpu.memory_space<vmem>> -> memref<1x1x1x128xi32, #tpu.memory_space<vmem>>
    %dma_start3A_112 = tpu.memref_squeeze %dma_start3A_111 : memref<1x1x1x128xi32, #tpu.memory_space<vmem>> -> memref<128xi32, #tpu.memory_space<vmem>>
    %dma_start3A_113 = arith.constant 0 : i32
    %dma_start3A_114 = tpu.memref_slice %arg2[%arg0, %dma_start3A_113] : memref<100352x32xf32, #tpu.memory_space<hbm>> -> memref<100344x32xf32, #tpu.memory_space<hbm>>
    %dma_start3A_115 = arith.constant 0 : i32
    %dma_start3A_116 = arith.constant 0 : i32
    %dma_start3A_117 = tpu.memref_slice %dma_start3A_114[%dma_start3A_115, %dma_start3A_116] : memref<100344x32xf32, #tpu.memory_space<hbm>> -> memref<100344x32xf32, #tpu.memory_space<hbm>>
    tpu.enqueue_indirect_dma source(%dma_start3A_117 : memref<100344x32xf32, #tpu.memory_space<hbm>>) target(%dma_start3A_109 : memref<128x32xf32, #tpu.memory_space<vmem>>) offsets(%dma_start3A_112 : memref<128xi32, #tpu.memory_space<vmem>>) semaphore(%arg16 : memref<!tpu.dma_semaphore, #tpu.memory_space<semaphore_mem>>)
    %dma_start3A_118 = arith.constant 1 : i32
    %dma_start3A_119 = arith.constant 0 : i32
    %dma_start3A_120 = arith.constant 0 : i32
    %dma_start3A_121 = arith.constant 0 : i32
    %dma_start3A_122 = tpu.memref_slice %arg6[%dma_start3A_118, %dma_start3A_119, %dma_start3A_120, %dma_start3A_121] : memref<2x4x2x128xi32, #tpu.memory_space<vmem>> -> memref<1x4x2x128xi32, #tpu.memory_space<vmem>>
    %dma_start3A_123 = tpu.memref_squeeze %dma_start3A_122 : memref<1x4x2x128xi32, #tpu.memory_space<vmem>> -> memref<4x2x128xi32, #tpu.memory_space<vmem>>
    %dma_start3A_124 = arith.constant 4 : i32
    %dma_start3A_125 = arith.constant 0 : i32
    %dma_start3A_126 = arith.constant 0 : i32
    %dma_start3A_127 = tpu.memref_slice %arg3[%arg1, %dma_start3A_124, %dma_start3A_125, %dma_start3A_126] : memref<16x392x2x128xi32, #tpu.memory_space<hbm>> -> memref<1x4x2x128xi32, #tpu.memory_space<hbm>>
    %dma_start3A_128 = tpu.memref_squeeze %dma_start3A_127 : memref<1x4x2x128xi32, #tpu.memory_space<hbm>> -> memref<4x2x128xi32, #tpu.memory_space<hbm>>
    %dma_start3A_129 = arith.constant 0 : i32
    %dma_start3A_130 = arith.constant 0 : i32
    %dma_start3A_131 = arith.constant 0 : i32
    %dma_start3A_132 = tpu.memref_slice %arg6[%dma_start3A_118, %dma_start3A_129, %dma_start3A_130, %dma_start3A_131] : memref<2x4x2x128xi32, #tpu.memory_space<vmem>> -> memref<1x4x2x128xi32, #tpu.memory_space<vmem>>
    %dma_start3A_133 = tpu.memref_squeeze %dma_start3A_132 : memref<1x4x2x128xi32, #tpu.memory_space<vmem>> -> memref<4x2x128xi32, #tpu.memory_space<vmem>>
    %dma_start3A_134 = arith.constant 4 : i32
    %dma_start3A_135 = arith.constant 0 : i32
    %dma_start3A_136 = arith.constant 0 : i32
    %dma_start3A_137 = tpu.memref_slice %arg3[%arg1, %dma_start3A_134, %dma_start3A_135, %dma_start3A_136] : memref<16x392x2x128xi32, #tpu.memory_space<hbm>> -> memref<1x4x2x128xi32, #tpu.memory_space<hbm>>
    %dma_start3A_138 = tpu.memref_squeeze %dma_start3A_137 : memref<1x4x2x128xi32, #tpu.memory_space<hbm>> -> memref<4x2x128xi32, #tpu.memory_space<hbm>>
    tpu.enqueue_dma source(%dma_start3A_138 : memref<4x2x128xi32, #tpu.memory_space<hbm>>) target(%dma_start3A_133 : memref<4x2x128xi32, #tpu.memory_space<vmem>>) target_semaphore(%arg12 : memref<!tpu.dma_semaphore, #tpu.memory_space<semaphore_mem>>)
    %scan3A_139 = arith.constant 0 : i32
    %scan3A_140 = arith.constant 49 : i32
    %scan3A_141 = arith.addi %scan3A_139, %scan3A_140 : i32
    %scan3A_142 = arith.constant 1 : i32
    scf.for %scan3A_150 = %scan3A_139 to %scan3A_141 step %scan3A_142  : i32 {
      %mul3A_151 = arith.constant 2 : i32
      %mul3A_152 = arith.muli %mul3A_151, %scan3A_150 : i32
      %add3A_153 = arith.constant 1 : i32
      %add3A_154 = arith.addi %mul3A_152, %add3A_153 : i32
      %mul3A_155 = arith.constant 4 : i32
      %mul3A_156 = arith.muli %mul3A_155, %add3A_154 : i32
      %dma_wait3A_157 = arith.constant 1 : i32
      %dma_wait3A_158 = arith.constant 0 : i32
      %dma_wait3A_159 = arith.constant 0 : i32
      %dma_wait3A_160 = arith.constant 0 : i32
      %dma_wait3A_161 = tpu.memref_slice %arg6[%dma_wait3A_157, %dma_wait3A_158, %dma_wait3A_159, %dma_wait3A_160] : memref<2x4x2x128xi32, #tpu.memory_space<vmem>> -> memref<1x4x2x128xi32, #tpu.memory_space<vmem>>
      %dma_wait3A_162 = tpu.memref_squeeze %dma_wait3A_161 : memref<1x4x2x128xi32, #tpu.memory_space<vmem>> -> memref<4x2x128xi32, #tpu.memory_space<vmem>>
      %dma_wait3A_163 = arith.constant 0 : i32
      %dma_wait3A_164 = arith.constant 0 : i32
      %dma_wait3A_165 = tpu.memref_slice %arg3[%arg1, %mul3A_156, %dma_wait3A_163, %dma_wait3A_164] : memref<16x392x2x128xi32, #tpu.memory_space<hbm>> -> memref<1x4x2x128xi32, #tpu.memory_space<hbm>>
      %dma_wait3A_166 = tpu.memref_squeeze %dma_wait3A_165 : memref<1x4x2x128xi32, #tpu.memory_space<hbm>> -> memref<4x2x128xi32, #tpu.memory_space<hbm>>
      %dma_wait3A_167 = arith.constant 0 : i32
      %dma_wait3A_168 = arith.constant 0 : i32
      %dma_wait3A_169 = arith.constant 0 : i32
      %dma_wait3A_170 = tpu.memref_slice %arg6[%dma_wait3A_157, %dma_wait3A_167, %dma_wait3A_168, %dma_wait3A_169] : memref<2x4x2x128xi32, #tpu.memory_space<vmem>> -> memref<1x4x2x128xi32, #tpu.memory_space<vmem>>
      %dma_wait3A_171 = tpu.memref_squeeze %dma_wait3A_170 : memref<1x4x2x128xi32, #tpu.memory_space<vmem>> -> memref<4x2x128xi32, #tpu.memory_space<vmem>>
      %dma_wait3A_172 = arith.constant 0 : i32
      %dma_wait3A_173 = arith.constant 0 : i32
      %dma_wait3A_174 = tpu.memref_slice %arg3[%arg1, %mul3A_156, %dma_wait3A_172, %dma_wait3A_173] : memref<16x392x2x128xi32, #tpu.memory_space<hbm>> -> memref<1x4x2x128xi32, #tpu.memory_space<hbm>>
      %dma_wait3A_175 = tpu.memref_squeeze %dma_wait3A_174 : memref<1x4x2x128xi32, #tpu.memory_space<hbm>> -> memref<4x2x128xi32, #tpu.memory_space<hbm>>
      tpu.wait_dma2 semaphore(%arg12 : memref<!tpu.dma_semaphore, #tpu.memory_space<semaphore_mem>>) src(%dma_wait3A_175 : memref<4x2x128xi32, #tpu.memory_space<hbm>>) dst(%dma_wait3A_171 : memref<4x2x128xi32, #tpu.memory_space<vmem>>)
      %dma_wait3A_176 = arith.constant 0 : i32
      %dma_wait3A_177 = arith.constant 0 : i32
      %dma_wait3A_178 = arith.constant 0 : i32
      %dma_wait3A_179 = arith.constant 0 : i32
      %dma_wait3A_180 = arith.constant 0 : i32
      %dma_wait3A_181 = arith.constant 0 : i32
      %dma_wait3A_182 = tpu.memref_slice %arg7[%dma_wait3A_179, %dma_wait3A_180, %dma_wait3A_181] : memref<4x128x32xf32, #tpu.memory_space<vmem>> -> memref<1x128x32xf32, #tpu.memory_space<vmem>>
      %dma_wait3A_183 = tpu.memref_squeeze %dma_wait3A_182 : memref<1x128x32xf32, #tpu.memory_space<vmem>> -> memref<128x32xf32, #tpu.memory_space<vmem>>
      %dma_wait3A_184 = arith.constant 0 : i32
      %dma_wait3A_185 = tpu.memref_slice %arg6[%dma_wait3A_176, %dma_wait3A_177, %dma_wait3A_178, %dma_wait3A_184] : memref<2x4x2x128xi32, #tpu.memory_space<vmem>> -> memref<1x1x1x128xi32, #tpu.memory_space<vmem>>
      %dma_wait3A_186 = tpu.memref_squeeze %dma_wait3A_185 : memref<1x1x1x128xi32, #tpu.memory_space<vmem>> -> memref<128xi32, #tpu.memory_space<vmem>>
      %dma_wait3A_187 = arith.constant 0 : i32
      %dma_wait3A_188 = tpu.memref_slice %arg2[%arg0, %dma_wait3A_187] : memref<100352x32xf32, #tpu.memory_space<hbm>> -> memref<100344x32xf32, #tpu.memory_space<hbm>>
      %dma_wait3A_189 = arith.constant 0 : i32
      %dma_wait3A_190 = arith.constant 0 : i32
      %dma_wait3A_191 = tpu.memref_slice %dma_wait3A_188[%dma_wait3A_189, %dma_wait3A_190] : memref<100344x32xf32, #tpu.memory_space<hbm>> -> memref<100344x32xf32, #tpu.memory_space<hbm>>
      tpu.wait_indirect_dma semaphore(%arg13 : memref<!tpu.dma_semaphore, #tpu.memory_space<semaphore_mem>>) src(%dma_wait3A_191 : memref<100344x32xf32, #tpu.memory_space<hbm>>) dst(%dma_wait3A_183 : memref<128x32xf32, #tpu.memory_space<vmem>>)
      %dma_start3A_192 = arith.constant 0 : i32
      %dma_start3A_193 = arith.constant 0 : i32
      %dma_start3A_194 = arith.constant 0 : i32
      %dma_start3A_195 = arith.constant 1 : i32
      %dma_start3A_196 = arith.constant 0 : i32
      %dma_start3A_197 = arith.constant 0 : i32
      %dma_start3A_198 = tpu.memref_slice %arg7[%dma_start3A_192, %dma_start3A_196, %dma_start3A_197] : memref<4x128x32xf32, #tpu.memory_space<vmem>> -> memref<1x128x32xf32, #tpu.memory_space<vmem>>
      %dma_start3A_199 = tpu.memref_squeeze %dma_start3A_198 : memref<1x128x32xf32, #tpu.memory_space<vmem>> -> memref<128x32xf32, #tpu.memory_space<vmem>>
      %dma_start3A_200 = arith.constant 0 : i32
      %dma_start3A_201 = tpu.memref_slice %arg6[%dma_start3A_193, %dma_start3A_194, %dma_start3A_195, %dma_start3A_200] : memref<2x4x2x128xi32, #tpu.memory_space<vmem>> -> memref<1x1x1x128xi32, #tpu.memory_space<vmem>>
      %dma_start3A_202 = tpu.memref_squeeze %dma_start3A_201 : memref<1x1x1x128xi32, #tpu.memory_space<vmem>> -> memref<128xi32, #tpu.memory_space<vmem>>
      %dma_start3A_203 = arith.constant 0 : i32
      %dma_start3A_204 = arith.constant 0 : i32
      %dma_start3A_205 = tpu.memref_slice %arg10[%dma_start3A_203, %dma_start3A_204] : memref<50176x32xf32, #tpu.memory_space<vmem_shared>> -> memref<50176x32xf32, #tpu.memory_space<vmem_shared>>
      tpu.enqueue_indirect_dma source(%dma_start3A_199 : memref<128x32xf32, #tpu.memory_space<vmem>>) target(%dma_start3A_205 : memref<50176x32xf32, #tpu.memory_space<vmem_shared>>) offsets(%dma_start3A_202 : memref<128xi32, #tpu.memory_space<vmem>>) semaphore(%arg17 : memref<!tpu.dma_semaphore, #tpu.memory_space<semaphore_mem>>) {add = true}
      %dma_wait3A_206 = arith.constant 0 : i32
      %dma_wait3A_207 = arith.constant 1 : i32
      %dma_wait3A_208 = arith.constant 0 : i32
      %dma_wait3A_209 = arith.constant 1 : i32
      %dma_wait3A_210 = arith.constant 0 : i32
      %dma_wait3A_211 = arith.constant 0 : i32
      %dma_wait3A_212 = tpu.memref_slice %arg7[%dma_wait3A_209, %dma_wait3A_210, %dma_wait3A_211] : memref<4x128x32xf32, #tpu.memory_space<vmem>> -> memref<1x128x32xf32, #tpu.memory_space<vmem>>
      %dma_wait3A_213 = tpu.memref_squeeze %dma_wait3A_212 : memref<1x128x32xf32, #tpu.memory_space<vmem>> -> memref<128x32xf32, #tpu.memory_space<vmem>>
      %dma_wait3A_214 = arith.constant 0 : i32
      %dma_wait3A_215 = tpu.memref_slice %arg6[%dma_wait3A_206, %dma_wait3A_207, %dma_wait3A_208, %dma_wait3A_214] : memref<2x4x2x128xi32, #tpu.memory_space<vmem>> -> memref<1x1x1x128xi32, #tpu.memory_space<vmem>>
      %dma_wait3A_216 = tpu.memref_squeeze %dma_wait3A_215 : memref<1x1x1x128xi32, #tpu.memory_space<vmem>> -> memref<128xi32, #tpu.memory_space<vmem>>
      %dma_wait3A_217 = arith.constant 0 : i32
      %dma_wait3A_218 = tpu.memref_slice %arg2[%arg0, %dma_wait3A_217] : memref<100352x32xf32, #tpu.memory_space<hbm>> -> memref<100344x32xf32, #tpu.memory_space<hbm>>
      %dma_wait3A_219 = arith.constant 0 : i32
      %dma_wait3A_220 = arith.constant 0 : i32
      %dma_wait3A_221 = tpu.memref_slice %dma_wait3A_218[%dma_wait3A_219, %dma_wait3A_220] : memref<100344x32xf32, #tpu.memory_space<hbm>> -> memref<100344x32xf32, #tpu.memory_space<hbm>>
      tpu.wait_indirect_dma semaphore(%arg14 : memref<!tpu.dma_semaphore, #tpu.memory_space<semaphore_mem>>) src(%dma_wait3A_221 : memref<100344x32xf32, #tpu.memory_space<hbm>>) dst(%dma_wait3A_213 : memref<128x32xf32, #tpu.memory_space<vmem>>)
      %dma_start3A_222 = arith.constant 1 : i32
      %dma_start3A_223 = arith.constant 0 : i32
      %dma_start3A_224 = arith.constant 1 : i32
      %dma_start3A_225 = arith.constant 1 : i32
      %dma_start3A_226 = arith.constant 0 : i32
      %dma_start3A_227 = arith.constant 0 : i32
      %dma_start3A_228 = tpu.memref_slice %arg7[%dma_start3A_222, %dma_start3A_226, %dma_start3A_227] : memref<4x128x32xf32, #tpu.memory_space<vmem>> -> memref<1x128x32xf32, #tpu.memory_space<vmem>>
      %dma_start3A_229 = tpu.memref_squeeze %dma_start3A_228 : memref<1x128x32xf32, #tpu.memory_space<vmem>> -> memref<128x32xf32, #tpu.memory_space<vmem>>
      %dma_start3A_230 = arith.constant 0 : i32
      %dma_start3A_231 = tpu.memref_slice %arg6[%dma_start3A_223, %dma_start3A_224, %dma_start3A_225, %dma_start3A_230] : memref<2x4x2x128xi32, #tpu.memory_space<vmem>> -> memref<1x1x1x128xi32, #tpu.memory_space<vmem>>
      %dma_start3A_232 = tpu.memref_squeeze %dma_start3A_231 : memref<1x1x1x128xi32, #tpu.memory_space<vmem>> -> memref<128xi32, #tpu.memory_space<vmem>>
      %dma_start3A_233 = arith.constant 0 : i32
      %dma_start3A_234 = arith.constant 0 : i32
      %dma_start3A_235 = tpu.memref_slice %arg10[%dma_start3A_233, %dma_start3A_234] : memref<50176x32xf32, #tpu.memory_space<vmem_shared>> -> memref<50176x32xf32, #tpu.memory_space<vmem_shared>>
      tpu.enqueue_indirect_dma source(%dma_start3A_229 : memref<128x32xf32, #tpu.memory_space<vmem>>) target(%dma_start3A_235 : memref<50176x32xf32, #tpu.memory_space<vmem_shared>>) offsets(%dma_start3A_232 : memref<128xi32, #tpu.memory_space<vmem>>) semaphore(%arg17 : memref<!tpu.dma_semaphore, #tpu.memory_space<semaphore_mem>>) {add = true}
      %dma_wait3A_236 = arith.constant 0 : i32
      %dma_wait3A_237 = arith.constant 2 : i32
      %dma_wait3A_238 = arith.constant 0 : i32
      %dma_wait3A_239 = arith.constant 2 : i32
      %dma_wait3A_240 = arith.constant 0 : i32
      %dma_wait3A_241 = arith.constant 0 : i32
      %dma_wait3A_242 = tpu.memref_slice %arg7[%dma_wait3A_239, %dma_wait3A_240, %dma_wait3A_241] : memref<4x128x32xf32, #tpu.memory_space<vmem>> -> memref<1x128x32xf32, #tpu.memory_space<vmem>>
      %dma_wait3A_243 = tpu.memref_squeeze %dma_wait3A_242 : memref<1x128x32xf32, #tpu.memory_space<vmem>> -> memref<128x32xf32, #tpu.memory_space<vmem>>
      %dma_wait3A_244 = arith.constant 0 : i32
      %dma_wait3A_245 = tpu.memref_slice %arg6[%dma_wait3A_236, %dma_wait3A_237, %dma_wait3A_238, %dma_wait3A_244] : memref<2x4x2x128xi32, #tpu.memory_space<vmem>> -> memref<1x1x1x128xi32, #tpu.memory_space<vmem>>
      %dma_wait3A_246 = tpu.memref_squeeze %dma_wait3A_245 : memref<1x1x1x128xi32, #tpu.memory_space<vmem>> -> memref<128xi32, #tpu.memory_space<vmem>>
      %dma_wait3A_247 = arith.constant 0 : i32
      %dma_wait3A_248 = tpu.memref_slice %arg2[%arg0, %dma_wait3A_247] : memref<100352x32xf32, #tpu.memory_space<hbm>> -> memref<100344x32xf32, #tpu.memory_space<hbm>>
      %dma_wait3A_249 = arith.constant 0 : i32
      %dma_wait3A_250 = arith.constant 0 : i32
      %dma_wait3A_251 = tpu.memref_slice %dma_wait3A_248[%dma_wait3A_249, %dma_wait3A_250] : memref<100344x32xf32, #tpu.memory_space<hbm>> -> memref<100344x32xf32, #tpu.memory_space<hbm>>
      tpu.wait_indirect_dma semaphore(%arg15 : memref<!tpu.dma_semaphore, #tpu.memory_space<semaphore_mem>>) src(%dma_wait3A_251 : memref<100344x32xf32, #tpu.memory_space<hbm>>) dst(%dma_wait3A_243 : memref<128x32xf32, #tpu.memory_space<vmem>>)
      %dma_start3A_252 = arith.constant 2 : i32
      %dma_start3A_253 = arith.constant 0 : i32
      %dma_start3A_254 = arith.constant 2 : i32
      %dma_start3A_255 = arith.constant 1 : i32
      %dma_start3A_256 = arith.constant 0 : i32
      %dma_start3A_257 = arith.constant 0 : i32
      %dma_start3A_258 = tpu.memref_slice %arg7[%dma_start3A_252, %dma_start3A_256, %dma_start3A_257] : memref<4x128x32xf32, #tpu.memory_space<vmem>> -> memref<1x128x32xf32, #tpu.memory_space<vmem>>
      %dma_start3A_259 = tpu.memref_squeeze %dma_start3A_258 : memref<1x128x32xf32, #tpu.memory_space<vmem>> -> memref<128x32xf32, #tpu.memory_space<vmem>>
      %dma_start3A_260 = arith.constant 0 : i32
      %dma_start3A_261 = tpu.memref_slice %arg6[%dma_start3A_253, %dma_start3A_254, %dma_start3A_255, %dma_start3A_260] : memref<2x4x2x128xi32, #tpu.memory_space<vmem>> -> memref<1x1x1x128xi32, #tpu.memory_space<vmem>>
      %dma_start3A_262 = tpu.memref_squeeze %dma_start3A_261 : memref<1x1x1x128xi32, #tpu.memory_space<vmem>> -> memref<128xi32, #tpu.memory_space<vmem>>
      %dma_start3A_263 = arith.constant 0 : i32
      %dma_start3A_264 = arith.constant 0 : i32
      %dma_start3A_265 = tpu.memref_slice %arg10[%dma_start3A_263, %dma_start3A_264] : memref<50176x32xf32, #tpu.memory_space<vmem_shared>> -> memref<50176x32xf32, #tpu.memory_space<vmem_shared>>
      tpu.enqueue_indirect_dma source(%dma_start3A_259 : memref<128x32xf32, #tpu.memory_space<vmem>>) target(%dma_start3A_265 : memref<50176x32xf32, #tpu.memory_space<vmem_shared>>) offsets(%dma_start3A_262 : memref<128xi32, #tpu.memory_space<vmem>>) semaphore(%arg17 : memref<!tpu.dma_semaphore, #tpu.memory_space<semaphore_mem>>) {add = true}
      %dma_wait3A_266 = arith.constant 0 : i32
      %dma_wait3A_267 = arith.constant 3 : i32
      %dma_wait3A_268 = arith.constant 0 : i32
      %dma_wait3A_269 = arith.constant 3 : i32
      %dma_wait3A_270 = arith.constant 0 : i32
      %dma_wait3A_271 = arith.constant 0 : i32
      %dma_wait3A_272 = tpu.memref_slice %arg7[%dma_wait3A_269, %dma_wait3A_270, %dma_wait3A_271] : memref<4x128x32xf32, #tpu.memory_space<vmem>> -> memref<1x128x32xf32, #tpu.memory_space<vmem>>
      %dma_wait3A_273 = tpu.memref_squeeze %dma_wait3A_272 : memref<1x128x32xf32, #tpu.memory_space<vmem>> -> memref<128x32xf32, #tpu.memory_space<vmem>>
      %dma_wait3A_274 = arith.constant 0 : i32
      %dma_wait3A_275 = tpu.memref_slice %arg6[%dma_wait3A_266, %dma_wait3A_267, %dma_wait3A_268, %dma_wait3A_274] : memref<2x4x2x128xi32, #tpu.memory_space<vmem>> -> memref<1x1x1x128xi32, #tpu.memory_space<vmem>>
      %dma_wait3A_276 = tpu.memref_squeeze %dma_wait3A_275 : memref<1x1x1x128xi32, #tpu.memory_space<vmem>> -> memref<128xi32, #tpu.memory_space<vmem>>
      %dma_wait3A_277 = arith.constant 0 : i32
      %dma_wait3A_278 = tpu.memref_slice %arg2[%arg0, %dma_wait3A_277] : memref<100352x32xf32, #tpu.memory_space<hbm>> -> memref<100344x32xf32, #tpu.memory_space<hbm>>
      %dma_wait3A_279 = arith.constant 0 : i32
      %dma_wait3A_280 = arith.constant 0 : i32
      %dma_wait3A_281 = tpu.memref_slice %dma_wait3A_278[%dma_wait3A_279, %dma_wait3A_280] : memref<100344x32xf32, #tpu.memory_space<hbm>> -> memref<100344x32xf32, #tpu.memory_space<hbm>>
      tpu.wait_indirect_dma semaphore(%arg16 : memref<!tpu.dma_semaphore, #tpu.memory_space<semaphore_mem>>) src(%dma_wait3A_281 : memref<100344x32xf32, #tpu.memory_space<hbm>>) dst(%dma_wait3A_273 : memref<128x32xf32, #tpu.memory_space<vmem>>)
      %dma_start3A_282 = arith.constant 3 : i32
      %dma_start3A_283 = arith.constant 0 : i32
      %dma_start3A_284 = arith.constant 3 : i32
      %dma_start3A_285 = arith.constant 1 : i32
      %dma_start3A_286 = arith.constant 0 : i32
      %dma_start3A_287 = arith.constant 0 : i32
      %dma_start3A_288 = tpu.memref_slice %arg7[%dma_start3A_282, %dma_start3A_286, %dma_start3A_287] : memref<4x128x32xf32, #tpu.memory_space<vmem>> -> memref<1x128x32xf32, #tpu.memory_space<vmem>>
      %dma_start3A_289 = tpu.memref_squeeze %dma_start3A_288 : memref<1x128x32xf32, #tpu.memory_space<vmem>> -> memref<128x32xf32, #tpu.memory_space<vmem>>
      %dma_start3A_290 = arith.constant 0 : i32
      %dma_start3A_291 = tpu.memref_slice %arg6[%dma_start3A_283, %dma_start3A_284, %dma_start3A_285, %dma_start3A_290] : memref<2x4x2x128xi32, #tpu.memory_space<vmem>> -> memref<1x1x1x128xi32, #tpu.memory_space<vmem>>
      %dma_start3A_292 = tpu.memref_squeeze %dma_start3A_291 : memref<1x1x1x128xi32, #tpu.memory_space<vmem>> -> memref<128xi32, #tpu.memory_space<vmem>>
      %dma_start3A_293 = arith.constant 0 : i32
      %dma_start3A_294 = arith.constant 0 : i32
      %dma_start3A_295 = tpu.memref_slice %arg10[%dma_start3A_293, %dma_start3A_294] : memref<50176x32xf32, #tpu.memory_space<vmem_shared>> -> memref<50176x32xf32, #tpu.memory_space<vmem_shared>>
      tpu.enqueue_indirect_dma source(%dma_start3A_289 : memref<128x32xf32, #tpu.memory_space<vmem>>) target(%dma_start3A_295 : memref<50176x32xf32, #tpu.memory_space<vmem_shared>>) offsets(%dma_start3A_292 : memref<128xi32, #tpu.memory_space<vmem>>) semaphore(%arg17 : memref<!tpu.dma_semaphore, #tpu.memory_space<semaphore_mem>>) {add = true}
      %dma_wait3A_296 = arith.constant 0 : i32
      %dma_wait3A_297 = arith.constant 0 : i32
      %dma_wait3A_298 = arith.constant 0 : i32
      %dma_wait3A_299 = arith.constant 1 : i32
      %dma_wait3A_300 = arith.constant 0 : i32
      %dma_wait3A_301 = arith.constant 0 : i32
      %dma_wait3A_302 = tpu.memref_slice %arg7[%dma_wait3A_296, %dma_wait3A_300, %dma_wait3A_301] : memref<4x128x32xf32, #tpu.memory_space<vmem>> -> memref<1x128x32xf32, #tpu.memory_space<vmem>>
      %dma_wait3A_303 = tpu.memref_squeeze %dma_wait3A_302 : memref<1x128x32xf32, #tpu.memory_space<vmem>> -> memref<128x32xf32, #tpu.memory_space<vmem>>
      %dma_wait3A_304 = arith.constant 0 : i32
      %dma_wait3A_305 = tpu.memref_slice %arg6[%dma_wait3A_297, %dma_wait3A_298, %dma_wait3A_299, %dma_wait3A_304] : memref<2x4x2x128xi32, #tpu.memory_space<vmem>> -> memref<1x1x1x128xi32, #tpu.memory_space<vmem>>
      %dma_wait3A_306 = tpu.memref_squeeze %dma_wait3A_305 : memref<1x1x1x128xi32, #tpu.memory_space<vmem>> -> memref<128xi32, #tpu.memory_space<vmem>>
      %dma_wait3A_307 = arith.constant 0 : i32
      %dma_wait3A_308 = arith.constant 0 : i32
      %dma_wait3A_309 = tpu.memref_slice %arg10[%dma_wait3A_307, %dma_wait3A_308] : memref<50176x32xf32, #tpu.memory_space<vmem_shared>> -> memref<50176x32xf32, #tpu.memory_space<vmem_shared>>
      tpu.wait_indirect_dma semaphore(%arg17 : memref<!tpu.dma_semaphore, #tpu.memory_space<semaphore_mem>>) src(%dma_wait3A_303 : memref<128x32xf32, #tpu.memory_space<vmem>>) dst(%dma_wait3A_309 : memref<50176x32xf32, #tpu.memory_space<vmem_shared>>)
      %dma_wait3A_310 = arith.constant 1 : i32
      %dma_wait3A_311 = arith.constant 0 : i32
      %dma_wait3A_312 = arith.constant 1 : i32
      %dma_wait3A_313 = arith.constant 1 : i32
      %dma_wait3A_314 = arith.constant 0 : i32
      %dma_wait3A_315 = arith.constant 0 : i32
      %dma_wait3A_316 = tpu.memref_slice %arg7[%dma_wait3A_310, %dma_wait3A_314, %dma_wait3A_315] : memref<4x128x32xf32, #tpu.memory_space<vmem>> -> memref<1x128x32xf32, #tpu.memory_space<vmem>>
      %dma_wait3A_317 = tpu.memref_squeeze %dma_wait3A_316 : memref<1x128x32xf32, #tpu.memory_space<vmem>> -> memref<128x32xf32, #tpu.memory_space<vmem>>
      %dma_wait3A_318 = arith.constant 0 : i32
      %dma_wait3A_319 = tpu.memref_slice %arg6[%dma_wait3A_311, %dma_wait3A_312, %dma_wait3A_313, %dma_wait3A_318] : memref<2x4x2x128xi32, #tpu.memory_space<vmem>> -> memref<1x1x1x128xi32, #tpu.memory_space<vmem>>
      %dma_wait3A_320 = tpu.memref_squeeze %dma_wait3A_319 : memref<1x1x1x128xi32, #tpu.memory_space<vmem>> -> memref<128xi32, #tpu.memory_space<vmem>>
      %dma_wait3A_321 = arith.constant 0 : i32
      %dma_wait3A_322 = arith.constant 0 : i32
      %dma_wait3A_323 = tpu.memref_slice %arg10[%dma_wait3A_321, %dma_wait3A_322] : memref<50176x32xf32, #tpu.memory_space<vmem_shared>> -> memref<50176x32xf32, #tpu.memory_space<vmem_shared>>
      tpu.wait_indirect_dma semaphore(%arg17 : memref<!tpu.dma_semaphore, #tpu.memory_space<semaphore_mem>>) src(%dma_wait3A_317 : memref<128x32xf32, #tpu.memory_space<vmem>>) dst(%dma_wait3A_323 : memref<50176x32xf32, #tpu.memory_space<vmem_shared>>)
      %dma_wait3A_324 = arith.constant 2 : i32
      %dma_wait3A_325 = arith.constant 0 : i32
      %dma_wait3A_326 = arith.constant 2 : i32
      %dma_wait3A_327 = arith.constant 1 : i32
      %dma_wait3A_328 = arith.constant 0 : i32
      %dma_wait3A_329 = arith.constant 0 : i32
      %dma_wait3A_330 = tpu.memref_slice %arg7[%dma_wait3A_324, %dma_wait3A_328, %dma_wait3A_329] : memref<4x128x32xf32, #tpu.memory_space<vmem>> -> memref<1x128x32xf32, #tpu.memory_space<vmem>>
      %dma_wait3A_331 = tpu.memref_squeeze %dma_wait3A_330 : memref<1x128x32xf32, #tpu.memory_space<vmem>> -> memref<128x32xf32, #tpu.memory_space<vmem>>
      %dma_wait3A_332 = arith.constant 0 : i32
      %dma_wait3A_333 = tpu.memref_slice %arg6[%dma_wait3A_325, %dma_wait3A_326, %dma_wait3A_327, %dma_wait3A_332] : memref<2x4x2x128xi32, #tpu.memory_space<vmem>> -> memref<1x1x1x128xi32, #tpu.memory_space<vmem>>
      %dma_wait3A_334 = tpu.memref_squeeze %dma_wait3A_333 : memref<1x1x1x128xi32, #tpu.memory_space<vmem>> -> memref<128xi32, #tpu.memory_space<vmem>>
      %dma_wait3A_335 = arith.constant 0 : i32
      %dma_wait3A_336 = arith.constant 0 : i32
      %dma_wait3A_337 = tpu.memref_slice %arg10[%dma_wait3A_335, %dma_wait3A_336] : memref<50176x32xf32, #tpu.memory_space<vmem_shared>> -> memref<50176x32xf32, #tpu.memory_space<vmem_shared>>
      tpu.wait_indirect_dma semaphore(%arg17 : memref<!tpu.dma_semaphore, #tpu.memory_space<semaphore_mem>>) src(%dma_wait3A_331 : memref<128x32xf32, #tpu.memory_space<vmem>>) dst(%dma_wait3A_337 : memref<50176x32xf32, #tpu.memory_space<vmem_shared>>)
      %dma_wait3A_338 = arith.constant 3 : i32
      %dma_wait3A_339 = arith.constant 0 : i32
      %dma_wait3A_340 = arith.constant 3 : i32
      %dma_wait3A_341 = arith.constant 1 : i32
      %dma_wait3A_342 = arith.constant 0 : i32
      %dma_wait3A_343 = arith.constant 0 : i32
      %dma_wait3A_344 = tpu.memref_slice %arg7[%dma_wait3A_338, %dma_wait3A_342, %dma_wait3A_343] : memref<4x128x32xf32, #tpu.memory_space<vmem>> -> memref<1x128x32xf32, #tpu.memory_space<vmem>>
      %dma_wait3A_345 = tpu.memref_squeeze %dma_wait3A_344 : memref<1x128x32xf32, #tpu.memory_space<vmem>> -> memref<128x32xf32, #tpu.memory_space<vmem>>
      %dma_wait3A_346 = arith.constant 0 : i32
      %dma_wait3A_347 = tpu.memref_slice %arg6[%dma_wait3A_339, %dma_wait3A_340, %dma_wait3A_341, %dma_wait3A_346] : memref<2x4x2x128xi32, #tpu.memory_space<vmem>> -> memref<1x1x1x128xi32, #tpu.memory_space<vmem>>
      %dma_wait3A_348 = tpu.memref_squeeze %dma_wait3A_347 : memref<1x1x1x128xi32, #tpu.memory_space<vmem>> -> memref<128xi32, #tpu.memory_space<vmem>>
      %dma_wait3A_349 = arith.constant 0 : i32
      %dma_wait3A_350 = arith.constant 0 : i32
      %dma_wait3A_351 = tpu.memref_slice %arg10[%dma_wait3A_349, %dma_wait3A_350] : memref<50176x32xf32, #tpu.memory_space<vmem_shared>> -> memref<50176x32xf32, #tpu.memory_space<vmem_shared>>
      tpu.wait_indirect_dma semaphore(%arg17 : memref<!tpu.dma_semaphore, #tpu.memory_space<semaphore_mem>>) src(%dma_wait3A_345 : memref<128x32xf32, #tpu.memory_space<vmem>>) dst(%dma_wait3A_351 : memref<50176x32xf32, #tpu.memory_space<vmem_shared>>)
      %dma_start3A_352 = arith.constant 1 : i32
      %dma_start3A_353 = arith.constant 0 : i32
      %dma_start3A_354 = arith.constant 0 : i32
      %dma_start3A_355 = arith.constant 0 : i32
      %dma_start3A_356 = arith.constant 0 : i32
      %dma_start3A_357 = arith.constant 0 : i32
      %dma_start3A_358 = tpu.memref_slice %arg7[%dma_start3A_355, %dma_start3A_356, %dma_start3A_357] : memref<4x128x32xf32, #tpu.memory_space<vmem>> -> memref<1x128x32xf32, #tpu.memory_space<vmem>>
      %dma_start3A_359 = tpu.memref_squeeze %dma_start3A_358 : memref<1x128x32xf32, #tpu.memory_space<vmem>> -> memref<128x32xf32, #tpu.memory_space<vmem>>
      %dma_start3A_360 = arith.constant 0 : i32
      %dma_start3A_361 = tpu.memref_slice %arg6[%dma_start3A_352, %dma_start3A_353, %dma_start3A_354, %dma_start3A_360] : memref<2x4x2x128xi32, #tpu.memory_space<vmem>> -> memref<1x1x1x128xi32, #tpu.memory_space<vmem>>
      %dma_start3A_362 = tpu.memref_squeeze %dma_start3A_361 : memref<1x1x1x128xi32, #tpu.memory_space<vmem>> -> memref<128xi32, #tpu.memory_space<vmem>>
      %dma_start3A_363 = arith.constant 0 : i32
      %dma_start3A_364 = tpu.memref_slice %arg2[%arg0, %dma_start3A_363] : memref<100352x32xf32, #tpu.memory_space<hbm>> -> memref<100344x32xf32, #tpu.memory_space<hbm>>
      %dma_start3A_365 = arith.constant 0 : i32
      %dma_start3A_366 = arith.constant 0 : i32
      %dma_start3A_367 = tpu.memref_slice %dma_start3A_364[%dma_start3A_365, %dma_start3A_366] : memref<100344x32xf32, #tpu.memory_space<hbm>> -> memref<100344x32xf32, #tpu.memory_space<hbm>>
      tpu.enqueue_indirect_dma source(%dma_start3A_367 : memref<100344x32xf32, #tpu.memory_space<hbm>>) target(%dma_start3A_359 : memref<128x32xf32, #tpu.memory_space<vmem>>) offsets(%dma_start3A_362 : memref<128xi32, #tpu.memory_space<vmem>>) semaphore(%arg13 : memref<!tpu.dma_semaphore, #tpu.memory_space<semaphore_mem>>)
      %dma_start3A_368 = arith.constant 1 : i32
      %dma_start3A_369 = arith.constant 1 : i32
      %dma_start3A_370 = arith.constant 0 : i32
      %dma_start3A_371 = arith.constant 1 : i32
      %dma_start3A_372 = arith.constant 0 : i32
      %dma_start3A_373 = arith.constant 0 : i32
      %dma_start3A_374 = tpu.memref_slice %arg7[%dma_start3A_371, %dma_start3A_372, %dma_start3A_373] : memref<4x128x32xf32, #tpu.memory_space<vmem>> -> memref<1x128x32xf32, #tpu.memory_space<vmem>>
      %dma_start3A_375 = tpu.memref_squeeze %dma_start3A_374 : memref<1x128x32xf32, #tpu.memory_space<vmem>> -> memref<128x32xf32, #tpu.memory_space<vmem>>
      %dma_start3A_376 = arith.constant 0 : i32
      %dma_start3A_377 = tpu.memref_slice %arg6[%dma_start3A_368, %dma_start3A_369, %dma_start3A_370, %dma_start3A_376] : memref<2x4x2x128xi32, #tpu.memory_space<vmem>> -> memref<1x1x1x128xi32, #tpu.memory_space<vmem>>
      %dma_start3A_378 = tpu.memref_squeeze %dma_start3A_377 : memref<1x1x1x128xi32, #tpu.memory_space<vmem>> -> memref<128xi32, #tpu.memory_space<vmem>>
      %dma_start3A_379 = arith.constant 0 : i32
      %dma_start3A_380 = tpu.memref_slice %arg2[%arg0, %dma_start3A_379] : memref<100352x32xf32, #tpu.memory_space<hbm>> -> memref<100344x32xf32, #tpu.memory_space<hbm>>
      %dma_start3A_381 = arith.constant 0 : i32
      %dma_start3A_382 = arith.constant 0 : i32
      %dma_start3A_383 = tpu.memref_slice %dma_start3A_380[%dma_start3A_381, %dma_start3A_382] : memref<100344x32xf32, #tpu.memory_space<hbm>> -> memref<100344x32xf32, #tpu.memory_space<hbm>>
      tpu.enqueue_indirect_dma source(%dma_start3A_383 : memref<100344x32xf32, #tpu.memory_space<hbm>>) target(%dma_start3A_375 : memref<128x32xf32, #tpu.memory_space<vmem>>) offsets(%dma_start3A_378 : memref<128xi32, #tpu.memory_space<vmem>>) semaphore(%arg14 : memref<!tpu.dma_semaphore, #tpu.memory_space<semaphore_mem>>)
      %dma_start3A_384 = arith.constant 1 : i32
      %dma_start3A_385 = arith.constant 2 : i32
      %dma_start3A_386 = arith.constant 0 : i32
      %dma_start3A_387 = arith.constant 2 : i32
      %dma_start3A_388 = arith.constant 0 : i32
      %dma_start3A_389 = arith.constant 0 : i32
      %dma_start3A_390 = tpu.memref_slice %arg7[%dma_start3A_387, %dma_start3A_388, %dma_start3A_389] : memref<4x128x32xf32, #tpu.memory_space<vmem>> -> memref<1x128x32xf32, #tpu.memory_space<vmem>>
      %dma_start3A_391 = tpu.memref_squeeze %dma_start3A_390 : memref<1x128x32xf32, #tpu.memory_space<vmem>> -> memref<128x32xf32, #tpu.memory_space<vmem>>
      %dma_start3A_392 = arith.constant 0 : i32
      %dma_start3A_393 = tpu.memref_slice %arg6[%dma_start3A_384, %dma_start3A_385, %dma_start3A_386, %dma_start3A_392] : memref<2x4x2x128xi32, #tpu.memory_space<vmem>> -> memref<1x1x1x128xi32, #tpu.memory_space<vmem>>
      %dma_start3A_394 = tpu.memref_squeeze %dma_start3A_393 : memref<1x1x1x128xi32, #tpu.memory_space<vmem>> -> memref<128xi32, #tpu.memory_space<vmem>>
      %dma_start3A_395 = arith.constant 0 : i32
      %dma_start3A_396 = tpu.memref_slice %arg2[%arg0, %dma_start3A_395] : memref<100352x32xf32, #tpu.memory_space<hbm>> -> memref<100344x32xf32, #tpu.memory_space<hbm>>
      %dma_start3A_397 = arith.constant 0 : i32
      %dma_start3A_398 = arith.constant 0 : i32
      %dma_start3A_399 = tpu.memref_slice %dma_start3A_396[%dma_start3A_397, %dma_start3A_398] : memref<100344x32xf32, #tpu.memory_space<hbm>> -> memref<100344x32xf32, #tpu.memory_space<hbm>>
      tpu.enqueue_indirect_dma source(%dma_start3A_399 : memref<100344x32xf32, #tpu.memory_space<hbm>>) target(%dma_start3A_391 : memref<128x32xf32, #tpu.memory_space<vmem>>) offsets(%dma_start3A_394 : memref<128xi32, #tpu.memory_space<vmem>>) semaphore(%arg15 : memref<!tpu.dma_semaphore, #tpu.memory_space<semaphore_mem>>)
      %dma_start3A_400 = arith.constant 1 : i32
      %dma_start3A_401 = arith.constant 3 : i32
      %dma_start3A_402 = arith.constant 0 : i32
      %dma_start3A_403 = arith.constant 3 : i32
      %dma_start3A_404 = arith.constant 0 : i32
      %dma_start3A_405 = arith.constant 0 : i32
      %dma_start3A_406 = tpu.memref_slice %arg7[%dma_start3A_403, %dma_start3A_404, %dma_start3A_405] : memref<4x128x32xf32, #tpu.memory_space<vmem>> -> memref<1x128x32xf32, #tpu.memory_space<vmem>>
      %dma_start3A_407 = tpu.memref_squeeze %dma_start3A_406 : memref<1x128x32xf32, #tpu.memory_space<vmem>> -> memref<128x32xf32, #tpu.memory_space<vmem>>
      %dma_start3A_408 = arith.constant 0 : i32
      %dma_start3A_409 = tpu.memref_slice %arg6[%dma_start3A_400, %dma_start3A_401, %dma_start3A_402, %dma_start3A_408] : memref<2x4x2x128xi32, #tpu.memory_space<vmem>> -> memref<1x1x1x128xi32, #tpu.memory_space<vmem>>
      %dma_start3A_410 = tpu.memref_squeeze %dma_start3A_409 : memref<1x1x1x128xi32, #tpu.memory_space<vmem>> -> memref<128xi32, #tpu.memory_space<vmem>>
      %dma_start3A_411 = arith.constant 0 : i32
      %dma_start3A_412 = tpu.memref_slice %arg2[%arg0, %dma_start3A_411] : memref<100352x32xf32, #tpu.memory_space<hbm>> -> memref<100344x32xf32, #tpu.memory_space<hbm>>
      %dma_start3A_413 = arith.constant 0 : i32
      %dma_start3A_414 = arith.constant 0 : i32
      %dma_start3A_415 = tpu.memref_slice %dma_start3A_412[%dma_start3A_413, %dma_start3A_414] : memref<100344x32xf32, #tpu.memory_space<hbm>> -> memref<100344x32xf32, #tpu.memory_space<hbm>>
      tpu.enqueue_indirect_dma source(%dma_start3A_415 : memref<100344x32xf32, #tpu.memory_space<hbm>>) target(%dma_start3A_407 : memref<128x32xf32, #tpu.memory_space<vmem>>) offsets(%dma_start3A_410 : memref<128xi32, #tpu.memory_space<vmem>>) semaphore(%arg16 : memref<!tpu.dma_semaphore, #tpu.memory_space<semaphore_mem>>)
      %add3A_416 = arith.constant 2 : i32
      %add3A_417 = arith.addi %mul3A_152, %add3A_416 : i32
      %lt3A = arith.constant 98 : i32
      %lt3A_418 = arith.cmpi slt, %add3A_417, %lt3A : i32
      %convert_element_type3A = arith.extui %lt3A_418 : i1 to i32
      %cond3A = arith.constant 0 : i32
      %cond3A_419 = arith.cmpi ne, %convert_element_type3A, %cond3A : i32
      scf.if %cond3A_419 {
        %add3A_610 = arith.constant 2 : i32
        %add3A_611 = arith.addi %mul3A_152, %add3A_610 : i32
        %mul3A_612 = arith.constant 4 : i32
        %mul3A_613 = arith.muli %mul3A_612, %add3A_611 : i32
        %dma_start3A_614 = arith.constant 0 : i32
        %dma_start3A_615 = arith.constant 0 : i32
        %dma_start3A_616 = arith.constant 0 : i32
        %dma_start3A_617 = arith.constant 0 : i32
        %dma_start3A_618 = tpu.memref_slice %arg6[%dma_start3A_614, %dma_start3A_615, %dma_start3A_616, %dma_start3A_617] : memref<2x4x2x128xi32, #tpu.memory_space<vmem>> -> memref<1x4x2x128xi32, #tpu.memory_space<vmem>>
        %dma_start3A_619 = tpu.memref_squeeze %dma_start3A_618 : memref<1x4x2x128xi32, #tpu.memory_space<vmem>> -> memref<4x2x128xi32, #tpu.memory_space<vmem>>
        %dma_start3A_620 = arith.constant 0 : i32
        %dma_start3A_621 = arith.constant 0 : i32
        %dma_start3A_622 = tpu.memref_slice %arg3[%arg1, %mul3A_613, %dma_start3A_620, %dma_start3A_621] : memref<16x392x2x128xi32, #tpu.memory_space<hbm>> -> memref<1x4x2x128xi32, #tpu.memory_space<hbm>>
        %dma_start3A_623 = tpu.memref_squeeze %dma_start3A_622 : memref<1x4x2x128xi32, #tpu.memory_space<hbm>> -> memref<4x2x128xi32, #tpu.memory_space<hbm>>
        %dma_start3A_624 = arith.constant 0 : i32
        %dma_start3A_625 = arith.constant 0 : i32
        %dma_start3A_626 = arith.constant 0 : i32
        %dma_start3A_627 = tpu.memref_slice %arg6[%dma_start3A_614, %dma_start3A_624, %dma_start3A_625, %dma_start3A_626] : memref<2x4x2x128xi32, #tpu.memory_space<vmem>> -> memref<1x4x2x128xi32, #tpu.memory_space<vmem>>
        %dma_start3A_628 = tpu.memref_squeeze %dma_start3A_627 : memref<1x4x2x128xi32, #tpu.memory_space<vmem>> -> memref<4x2x128xi32, #tpu.memory_space<vmem>>
        %dma_start3A_629 = arith.constant 0 : i32
        %dma_start3A_630 = arith.constant 0 : i32
        %dma_start3A_631 = tpu.memref_slice %arg3[%arg1, %mul3A_613, %dma_start3A_629, %dma_start3A_630] : memref<16x392x2x128xi32, #tpu.memory_space<hbm>> -> memref<1x4x2x128xi32, #tpu.memory_space<hbm>>
        %dma_start3A_632 = tpu.memref_squeeze %dma_start3A_631 : memref<1x4x2x128xi32, #tpu.memory_space<hbm>> -> memref<4x2x128xi32, #tpu.memory_space<hbm>>
        tpu.enqueue_dma source(%dma_start3A_632 : memref<4x2x128xi32, #tpu.memory_space<hbm>>) target(%dma_start3A_628 : memref<4x2x128xi32, #tpu.memory_space<vmem>>) target_semaphore(%arg11 : memref<!tpu.dma_semaphore, #tpu.memory_space<semaphore_mem>>)
      } else {
      }
      %dma_wait3A_420 = arith.constant 1 : i32
      %dma_wait3A_421 = arith.constant 0 : i32
      %dma_wait3A_422 = arith.constant 0 : i32
      %dma_wait3A_423 = arith.constant 0 : i32
      %dma_wait3A_424 = arith.constant 0 : i32
      %dma_wait3A_425 = arith.constant 0 : i32
      %dma_wait3A_426 = tpu.memref_slice %arg7[%dma_wait3A_423, %dma_wait3A_424, %dma_wait3A_425] : memref<4x128x32xf32, #tpu.memory_space<vmem>> -> memref<1x128x32xf32, #tpu.memory_space<vmem>>
      %dma_wait3A_427 = tpu.memref_squeeze %dma_wait3A_426 : memref<1x128x32xf32, #tpu.memory_space<vmem>> -> memref<128x32xf32, #tpu.memory_space<vmem>>
      %dma_wait3A_428 = arith.constant 0 : i32
      %dma_wait3A_429 = tpu.memref_slice %arg6[%dma_wait3A_420, %dma_wait3A_421, %dma_wait3A_422, %dma_wait3A_428] : memref<2x4x2x128xi32, #tpu.memory_space<vmem>> -> memref<1x1x1x128xi32, #tpu.memory_space<vmem>>
      %dma_wait3A_430 = tpu.memref_squeeze %dma_wait3A_429 : memref<1x1x1x128xi32, #tpu.memory_space<vmem>> -> memref<128xi32, #tpu.memory_space<vmem>>
      %dma_wait3A_431 = arith.constant 0 : i32
      %dma_wait3A_432 = tpu.memref_slice %arg2[%arg0, %dma_wait3A_431] : memref<100352x32xf32, #tpu.memory_space<hbm>> -> memref<100344x32xf32, #tpu.memory_space<hbm>>
      %dma_wait3A_433 = arith.constant 0 : i32
      %dma_wait3A_434 = arith.constant 0 : i32
      %dma_wait3A_435 = tpu.memref_slice %dma_wait3A_432[%dma_wait3A_433, %dma_wait3A_434] : memref<100344x32xf32, #tpu.memory_space<hbm>> -> memref<100344x32xf32, #tpu.memory_space<hbm>>
      tpu.wait_indirect_dma semaphore(%arg13 : memref<!tpu.dma_semaphore, #tpu.memory_space<semaphore_mem>>) src(%dma_wait3A_435 : memref<100344x32xf32, #tpu.memory_space<hbm>>) dst(%dma_wait3A_427 : memref<128x32xf32, #tpu.memory_space<vmem>>)
      %dma_start3A_436 = arith.constant 0 : i32
      %dma_start3A_437 = arith.constant 1 : i32
      %dma_start3A_438 = arith.constant 0 : i32
      %dma_start3A_439 = arith.constant 1 : i32
      %dma_start3A_440 = arith.constant 0 : i32
      %dma_start3A_441 = arith.constant 0 : i32
      %dma_start3A_442 = tpu.memref_slice %arg7[%dma_start3A_436, %dma_start3A_440, %dma_start3A_441] : memref<4x128x32xf32, #tpu.memory_space<vmem>> -> memref<1x128x32xf32, #tpu.memory_space<vmem>>
      %dma_start3A_443 = tpu.memref_squeeze %dma_start3A_442 : memref<1x128x32xf32, #tpu.memory_space<vmem>> -> memref<128x32xf32, #tpu.memory_space<vmem>>
      %dma_start3A_444 = arith.constant 0 : i32
      %dma_start3A_445 = tpu.memref_slice %arg6[%dma_start3A_437, %dma_start3A_438, %dma_start3A_439, %dma_start3A_444] : memref<2x4x2x128xi32, #tpu.memory_space<vmem>> -> memref<1x1x1x128xi32, #tpu.memory_space<vmem>>
      %dma_start3A_446 = tpu.memref_squeeze %dma_start3A_445 : memref<1x1x1x128xi32, #tpu.memory_space<vmem>> -> memref<128xi32, #tpu.memory_space<vmem>>
      %dma_start3A_447 = arith.constant 0 : i32
      %dma_start3A_448 = arith.constant 0 : i32
      %dma_start3A_449 = tpu.memref_slice %arg10[%dma_start3A_447, %dma_start3A_448] : memref<50176x32xf32, #tpu.memory_space<vmem_shared>> -> memref<50176x32xf32, #tpu.memory_space<vmem_shared>>
      tpu.enqueue_indirect_dma source(%dma_start3A_443 : memref<128x32xf32, #tpu.memory_space<vmem>>) target(%dma_start3A_449 : memref<50176x32xf32, #tpu.memory_space<vmem_shared>>) offsets(%dma_start3A_446 : memref<128xi32, #tpu.memory_space<vmem>>) semaphore(%arg17 : memref<!tpu.dma_semaphore, #tpu.memory_space<semaphore_mem>>) {add = true}
      %dma_wait3A_450 = arith.constant 1 : i32
      %dma_wait3A_451 = arith.constant 1 : i32
      %dma_wait3A_452 = arith.constant 0 : i32
      %dma_wait3A_453 = arith.constant 1 : i32
      %dma_wait3A_454 = arith.constant 0 : i32
      %dma_wait3A_455 = arith.constant 0 : i32
      %dma_wait3A_456 = tpu.memref_slice %arg7[%dma_wait3A_453, %dma_wait3A_454, %dma_wait3A_455] : memref<4x128x32xf32, #tpu.memory_space<vmem>> -> memref<1x128x32xf32, #tpu.memory_space<vmem>>
      %dma_wait3A_457 = tpu.memref_squeeze %dma_wait3A_456 : memref<1x128x32xf32, #tpu.memory_space<vmem>> -> memref<128x32xf32, #tpu.memory_space<vmem>>
      %dma_wait3A_458 = arith.constant 0 : i32
      %dma_wait3A_459 = tpu.memref_slice %arg6[%dma_wait3A_450, %dma_wait3A_451, %dma_wait3A_452, %dma_wait3A_458] : memref<2x4x2x128xi32, #tpu.memory_space<vmem>> -> memref<1x1x1x128xi32, #tpu.memory_space<vmem>>
      %dma_wait3A_460 = tpu.memref_squeeze %dma_wait3A_459 : memref<1x1x1x128xi32, #tpu.memory_space<vmem>> -> memref<128xi32, #tpu.memory_space<vmem>>
      %dma_wait3A_461 = arith.constant 0 : i32
      %dma_wait3A_462 = tpu.memref_slice %arg2[%arg0, %dma_wait3A_461] : memref<100352x32xf32, #tpu.memory_space<hbm>> -> memref<100344x32xf32, #tpu.memory_space<hbm>>
      %dma_wait3A_463 = arith.constant 0 : i32
      %dma_wait3A_464 = arith.constant 0 : i32
      %dma_wait3A_465 = tpu.memref_slice %dma_wait3A_462[%dma_wait3A_463, %dma_wait3A_464] : memref<100344x32xf32, #tpu.memory_space<hbm>> -> memref<100344x32xf32, #tpu.memory_space<hbm>>
      tpu.wait_indirect_dma semaphore(%arg14 : memref<!tpu.dma_semaphore, #tpu.memory_space<semaphore_mem>>) src(%dma_wait3A_465 : memref<100344x32xf32, #tpu.memory_space<hbm>>) dst(%dma_wait3A_457 : memref<128x32xf32, #tpu.memory_space<vmem>>)
      %dma_start3A_466 = arith.constant 1 : i32
      %dma_start3A_467 = arith.constant 1 : i32
      %dma_start3A_468 = arith.constant 1 : i32
      %dma_start3A_469 = arith.constant 1 : i32
      %dma_start3A_470 = arith.constant 0 : i32
      %dma_start3A_471 = arith.constant 0 : i32
      %dma_start3A_472 = tpu.memref_slice %arg7[%dma_start3A_466, %dma_start3A_470, %dma_start3A_471] : memref<4x128x32xf32, #tpu.memory_space<vmem>> -> memref<1x128x32xf32, #tpu.memory_space<vmem>>
      %dma_start3A_473 = tpu.memref_squeeze %dma_start3A_472 : memref<1x128x32xf32, #tpu.memory_space<vmem>> -> memref<128x32xf32, #tpu.memory_space<vmem>>
      %dma_start3A_474 = arith.constant 0 : i32
      %dma_start3A_475 = tpu.memref_slice %arg6[%dma_start3A_467, %dma_start3A_468, %dma_start3A_469, %dma_start3A_474] : memref<2x4x2x128xi32, #tpu.memory_space<vmem>> -> memref<1x1x1x128xi32, #tpu.memory_space<vmem>>
      %dma_start3A_476 = tpu.memref_squeeze %dma_start3A_475 : memref<1x1x1x128xi32, #tpu.memory_space<vmem>> -> memref<128xi32, #tpu.memory_space<vmem>>
      %dma_start3A_477 = arith.constant 0 : i32
      %dma_start3A_478 = arith.constant 0 : i32
      %dma_start3A_479 = tpu.memref_slice %arg10[%dma_start3A_477, %dma_start3A_478] : memref<50176x32xf32, #tpu.memory_space<vmem_shared>> -> memref<50176x32xf32, #tpu.memory_space<vmem_shared>>
      tpu.enqueue_indirect_dma source(%dma_start3A_473 : memref<128x32xf32, #tpu.memory_space<vmem>>) target(%dma_start3A_479 : memref<50176x32xf32, #tpu.memory_space<vmem_shared>>) offsets(%dma_start3A_476 : memref<128xi32, #tpu.memory_space<vmem>>) semaphore(%arg17 : memref<!tpu.dma_semaphore, #tpu.memory_space<semaphore_mem>>) {add = true}
      %dma_wait3A_480 = arith.constant 1 : i32
      %dma_wait3A_481 = arith.constant 2 : i32
      %dma_wait3A_482 = arith.constant 0 : i32
      %dma_wait3A_483 = arith.constant 2 : i32
      %dma_wait3A_484 = arith.constant 0 : i32
      %dma_wait3A_485 = arith.constant 0 : i32
      %dma_wait3A_486 = tpu.memref_slice %arg7[%dma_wait3A_483, %dma_wait3A_484, %dma_wait3A_485] : memref<4x128x32xf32, #tpu.memory_space<vmem>> -> memref<1x128x32xf32, #tpu.memory_space<vmem>>
      %dma_wait3A_487 = tpu.memref_squeeze %dma_wait3A_486 : memref<1x128x32xf32, #tpu.memory_space<vmem>> -> memref<128x32xf32, #tpu.memory_space<vmem>>
      %dma_wait3A_488 = arith.constant 0 : i32
      %dma_wait3A_489 = tpu.memref_slice %arg6[%dma_wait3A_480, %dma_wait3A_481, %dma_wait3A_482, %dma_wait3A_488] : memref<2x4x2x128xi32, #tpu.memory_space<vmem>> -> memref<1x1x1x128xi32, #tpu.memory_space<vmem>>
      %dma_wait3A_490 = tpu.memref_squeeze %dma_wait3A_489 : memref<1x1x1x128xi32, #tpu.memory_space<vmem>> -> memref<128xi32, #tpu.memory_space<vmem>>
      %dma_wait3A_491 = arith.constant 0 : i32
      %dma_wait3A_492 = tpu.memref_slice %arg2[%arg0, %dma_wait3A_491] : memref<100352x32xf32, #tpu.memory_space<hbm>> -> memref<100344x32xf32, #tpu.memory_space<hbm>>
      %dma_wait3A_493 = arith.constant 0 : i32
      %dma_wait3A_494 = arith.constant 0 : i32
      %dma_wait3A_495 = tpu.memref_slice %dma_wait3A_492[%dma_wait3A_493, %dma_wait3A_494] : memref<100344x32xf32, #tpu.memory_space<hbm>> -> memref<100344x32xf32, #tpu.memory_space<hbm>>
      tpu.wait_indirect_dma semaphore(%arg15 : memref<!tpu.dma_semaphore, #tpu.memory_space<semaphore_mem>>) src(%dma_wait3A_495 : memref<100344x32xf32, #tpu.memory_space<hbm>>) dst(%dma_wait3A_487 : memref<128x32xf32, #tpu.memory_space<vmem>>)
      %dma_start3A_496 = arith.constant 2 : i32
      %dma_start3A_497 = arith.constant 1 : i32
      %dma_start3A_498 = arith.constant 2 : i32
      %dma_start3A_499 = arith.constant 1 : i32
      %dma_start3A_500 = arith.constant 0 : i32
      %dma_start3A_501 = arith.constant 0 : i32
      %dma_start3A_502 = tpu.memref_slice %arg7[%dma_start3A_496, %dma_start3A_500, %dma_start3A_501] : memref<4x128x32xf32, #tpu.memory_space<vmem>> -> memref<1x128x32xf32, #tpu.memory_space<vmem>>
      %dma_start3A_503 = tpu.memref_squeeze %dma_start3A_502 : memref<1x128x32xf32, #tpu.memory_space<vmem>> -> memref<128x32xf32, #tpu.memory_space<vmem>>
      %dma_start3A_504 = arith.constant 0 : i32
      %dma_start3A_505 = tpu.memref_slice %arg6[%dma_start3A_497, %dma_start3A_498, %dma_start3A_499, %dma_start3A_504] : memref<2x4x2x128xi32, #tpu.memory_space<vmem>> -> memref<1x1x1x128xi32, #tpu.memory_space<vmem>>
      %dma_start3A_506 = tpu.memref_squeeze %dma_start3A_505 : memref<1x1x1x128xi32, #tpu.memory_space<vmem>> -> memref<128xi32, #tpu.memory_space<vmem>>
      %dma_start3A_507 = arith.constant 0 : i32
      %dma_start3A_508 = arith.constant 0 : i32
      %dma_start3A_509 = tpu.memref_slice %arg10[%dma_start3A_507, %dma_start3A_508] : memref<50176x32xf32, #tpu.memory_space<vmem_shared>> -> memref<50176x32xf32, #tpu.memory_space<vmem_shared>>
      tpu.enqueue_indirect_dma source(%dma_start3A_503 : memref<128x32xf32, #tpu.memory_space<vmem>>) target(%dma_start3A_509 : memref<50176x32xf32, #tpu.memory_space<vmem_shared>>) offsets(%dma_start3A_506 : memref<128xi32, #tpu.memory_space<vmem>>) semaphore(%arg17 : memref<!tpu.dma_semaphore, #tpu.memory_space<semaphore_mem>>) {add = true}
      %dma_wait3A_510 = arith.constant 1 : i32
      %dma_wait3A_511 = arith.constant 3 : i32
      %dma_wait3A_512 = arith.constant 0 : i32
      %dma_wait3A_513 = arith.constant 3 : i32
      %dma_wait3A_514 = arith.constant 0 : i32
      %dma_wait3A_515 = arith.constant 0 : i32
      %dma_wait3A_516 = tpu.memref_slice %arg7[%dma_wait3A_513, %dma_wait3A_514, %dma_wait3A_515] : memref<4x128x32xf32, #tpu.memory_space<vmem>> -> memref<1x128x32xf32, #tpu.memory_space<vmem>>
      %dma_wait3A_517 = tpu.memref_squeeze %dma_wait3A_516 : memref<1x128x32xf32, #tpu.memory_space<vmem>> -> memref<128x32xf32, #tpu.memory_space<vmem>>
      %dma_wait3A_518 = arith.constant 0 : i32
      %dma_wait3A_519 = tpu.memref_slice %arg6[%dma_wait3A_510, %dma_wait3A_511, %dma_wait3A_512, %dma_wait3A_518] : memref<2x4x2x128xi32, #tpu.memory_space<vmem>> -> memref<1x1x1x128xi32, #tpu.memory_space<vmem>>
      %dma_wait3A_520 = tpu.memref_squeeze %dma_wait3A_519 : memref<1x1x1x128xi32, #tpu.memory_space<vmem>> -> memref<128xi32, #tpu.memory_space<vmem>>
      %dma_wait3A_521 = arith.constant 0 : i32
      %dma_wait3A_522 = tpu.memref_slice %arg2[%arg0, %dma_wait3A_521] : memref<100352x32xf32, #tpu.memory_space<hbm>> -> memref<100344x32xf32, #tpu.memory_space<hbm>>
      %dma_wait3A_523 = arith.constant 0 : i32
      %dma_wait3A_524 = arith.constant 0 : i32
      %dma_wait3A_525 = tpu.memref_slice %dma_wait3A_522[%dma_wait3A_523, %dma_wait3A_524] : memref<100344x32xf32, #tpu.memory_space<hbm>> -> memref<100344x32xf32, #tpu.memory_space<hbm>>
      tpu.wait_indirect_dma semaphore(%arg16 : memref<!tpu.dma_semaphore, #tpu.memory_space<semaphore_mem>>) src(%dma_wait3A_525 : memref<100344x32xf32, #tpu.memory_space<hbm>>) dst(%dma_wait3A_517 : memref<128x32xf32, #tpu.memory_space<vmem>>)
      %dma_start3A_526 = arith.constant 3 : i32
      %dma_start3A_527 = arith.constant 1 : i32
      %dma_start3A_528 = arith.constant 3 : i32
      %dma_start3A_529 = arith.constant 1 : i32
      %dma_start3A_530 = arith.constant 0 : i32
      %dma_start3A_531 = arith.constant 0 : i32
      %dma_start3A_532 = tpu.memref_slice %arg7[%dma_start3A_526, %dma_start3A_530, %dma_start3A_531] : memref<4x128x32xf32, #tpu.memory_space<vmem>> -> memref<1x128x32xf32, #tpu.memory_space<vmem>>
      %dma_start3A_533 = tpu.memref_squeeze %dma_start3A_532 : memref<1x128x32xf32, #tpu.memory_space<vmem>> -> memref<128x32xf32, #tpu.memory_space<vmem>>
      %dma_start3A_534 = arith.constant 0 : i32
      %dma_start3A_535 = tpu.memref_slice %arg6[%dma_start3A_527, %dma_start3A_528, %dma_start3A_529, %dma_start3A_534] : memref<2x4x2x128xi32, #tpu.memory_space<vmem>> -> memref<1x1x1x128xi32, #tpu.memory_space<vmem>>
      %dma_start3A_536 = tpu.memref_squeeze %dma_start3A_535 : memref<1x1x1x128xi32, #tpu.memory_space<vmem>> -> memref<128xi32, #tpu.memory_space<vmem>>
      %dma_start3A_537 = arith.constant 0 : i32
      %dma_start3A_538 = arith.constant 0 : i32
      %dma_start3A_539 = tpu.memref_slice %arg10[%dma_start3A_537, %dma_start3A_538] : memref<50176x32xf32, #tpu.memory_space<vmem_shared>> -> memref<50176x32xf32, #tpu.memory_space<vmem_shared>>
      tpu.enqueue_indirect_dma source(%dma_start3A_533 : memref<128x32xf32, #tpu.memory_space<vmem>>) target(%dma_start3A_539 : memref<50176x32xf32, #tpu.memory_space<vmem_shared>>) offsets(%dma_start3A_536 : memref<128xi32, #tpu.memory_space<vmem>>) semaphore(%arg17 : memref<!tpu.dma_semaphore, #tpu.memory_space<semaphore_mem>>) {add = true}
      %dma_wait3A_540 = arith.constant 0 : i32
      %dma_wait3A_541 = arith.constant 1 : i32
      %dma_wait3A_542 = arith.constant 0 : i32
      %dma_wait3A_543 = arith.constant 1 : i32
      %dma_wait3A_544 = arith.constant 0 : i32
      %dma_wait3A_545 = arith.constant 0 : i32
      %dma_wait3A_546 = tpu.memref_slice %arg7[%dma_wait3A_540, %dma_wait3A_544, %dma_wait3A_545] : memref<4x128x32xf32, #tpu.memory_space<vmem>> -> memref<1x128x32xf32, #tpu.memory_space<vmem>>
      %dma_wait3A_547 = tpu.memref_squeeze %dma_wait3A_546 : memref<1x128x32xf32, #tpu.memory_space<vmem>> -> memref<128x32xf32, #tpu.memory_space<vmem>>
      %dma_wait3A_548 = arith.constant 0 : i32
      %dma_wait3A_549 = tpu.memref_slice %arg6[%dma_wait3A_541, %dma_wait3A_542, %dma_wait3A_543, %dma_wait3A_548] : memref<2x4x2x128xi32, #tpu.memory_space<vmem>> -> memref<1x1x1x128xi32, #tpu.memory_space<vmem>>
      %dma_wait3A_550 = tpu.memref_squeeze %dma_wait3A_549 : memref<1x1x1x128xi32, #tpu.memory_space<vmem>> -> memref<128xi32, #tpu.memory_space<vmem>>
      %dma_wait3A_551 = arith.constant 0 : i32
      %dma_wait3A_552 = arith.constant 0 : i32
      %dma_wait3A_553 = tpu.memref_slice %arg10[%dma_wait3A_551, %dma_wait3A_552] : memref<50176x32xf32, #tpu.memory_space<vmem_shared>> -> memref<50176x32xf32, #tpu.memory_space<vmem_shared>>
      tpu.wait_indirect_dma semaphore(%arg17 : memref<!tpu.dma_semaphore, #tpu.memory_space<semaphore_mem>>) src(%dma_wait3A_547 : memref<128x32xf32, #tpu.memory_space<vmem>>) dst(%dma_wait3A_553 : memref<50176x32xf32, #tpu.memory_space<vmem_shared>>)
      %dma_wait3A_554 = arith.constant 1 : i32
      %dma_wait3A_555 = arith.constant 1 : i32
      %dma_wait3A_556 = arith.constant 1 : i32
      %dma_wait3A_557 = arith.constant 1 : i32
      %dma_wait3A_558 = arith.constant 0 : i32
      %dma_wait3A_559 = arith.constant 0 : i32
      %dma_wait3A_560 = tpu.memref_slice %arg7[%dma_wait3A_554, %dma_wait3A_558, %dma_wait3A_559] : memref<4x128x32xf32, #tpu.memory_space<vmem>> -> memref<1x128x32xf32, #tpu.memory_space<vmem>>
      %dma_wait3A_561 = tpu.memref_squeeze %dma_wait3A_560 : memref<1x128x32xf32, #tpu.memory_space<vmem>> -> memref<128x32xf32, #tpu.memory_space<vmem>>
      %dma_wait3A_562 = arith.constant 0 : i32
      %dma_wait3A_563 = tpu.memref_slice %arg6[%dma_wait3A_555, %dma_wait3A_556, %dma_wait3A_557, %dma_wait3A_562] : memref<2x4x2x128xi32, #tpu.memory_space<vmem>> -> memref<1x1x1x128xi32, #tpu.memory_space<vmem>>
      %dma_wait3A_564 = tpu.memref_squeeze %dma_wait3A_563 : memref<1x1x1x128xi32, #tpu.memory_space<vmem>> -> memref<128xi32, #tpu.memory_space<vmem>>
      %dma_wait3A_565 = arith.constant 0 : i32
      %dma_wait3A_566 = arith.constant 0 : i32
      %dma_wait3A_567 = tpu.memref_slice %arg10[%dma_wait3A_565, %dma_wait3A_566] : memref<50176x32xf32, #tpu.memory_space<vmem_shared>> -> memref<50176x32xf32, #tpu.memory_space<vmem_shared>>
      tpu.wait_indirect_dma semaphore(%arg17 : memref<!tpu.dma_semaphore, #tpu.memory_space<semaphore_mem>>) src(%dma_wait3A_561 : memref<128x32xf32, #tpu.memory_space<vmem>>) dst(%dma_wait3A_567 : memref<50176x32xf32, #tpu.memory_space<vmem_shared>>)
      %dma_wait3A_568 = arith.constant 2 : i32
      %dma_wait3A_569 = arith.constant 1 : i32
      %dma_wait3A_570 = arith.constant 2 : i32
      %dma_wait3A_571 = arith.constant 1 : i32
      %dma_wait3A_572 = arith.constant 0 : i32
      %dma_wait3A_573 = arith.constant 0 : i32
      %dma_wait3A_574 = tpu.memref_slice %arg7[%dma_wait3A_568, %dma_wait3A_572, %dma_wait3A_573] : memref<4x128x32xf32, #tpu.memory_space<vmem>> -> memref<1x128x32xf32, #tpu.memory_space<vmem>>
      %dma_wait3A_575 = tpu.memref_squeeze %dma_wait3A_574 : memref<1x128x32xf32, #tpu.memory_space<vmem>> -> memref<128x32xf32, #tpu.memory_space<vmem>>
      %dma_wait3A_576 = arith.constant 0 : i32
      %dma_wait3A_577 = tpu.memref_slice %arg6[%dma_wait3A_569, %dma_wait3A_570, %dma_wait3A_571, %dma_wait3A_576] : memref<2x4x2x128xi32, #tpu.memory_space<vmem>> -> memref<1x1x1x128xi32, #tpu.memory_space<vmem>>
      %dma_wait3A_578 = tpu.memref_squeeze %dma_wait3A_577 : memref<1x1x1x128xi32, #tpu.memory_space<vmem>> -> memref<128xi32, #tpu.memory_space<vmem>>
      %dma_wait3A_579 = arith.constant 0 : i32
      %dma_wait3A_580 = arith.constant 0 : i32
      %dma_wait3A_581 = tpu.memref_slice %arg10[%dma_wait3A_579, %dma_wait3A_580] : memref<50176x32xf32, #tpu.memory_space<vmem_shared>> -> memref<50176x32xf32, #tpu.memory_space<vmem_shared>>
      tpu.wait_indirect_dma semaphore(%arg17 : memref<!tpu.dma_semaphore, #tpu.memory_space<semaphore_mem>>) src(%dma_wait3A_575 : memref<128x32xf32, #tpu.memory_space<vmem>>) dst(%dma_wait3A_581 : memref<50176x32xf32, #tpu.memory_space<vmem_shared>>)
      %dma_wait3A_582 = arith.constant 3 : i32
      %dma_wait3A_583 = arith.constant 1 : i32
      %dma_wait3A_584 = arith.constant 3 : i32
      %dma_wait3A_585 = arith.constant 1 : i32
      %dma_wait3A_586 = arith.constant 0 : i32
      %dma_wait3A_587 = arith.constant 0 : i32
      %dma_wait3A_588 = tpu.memref_slice %arg7[%dma_wait3A_582, %dma_wait3A_586, %dma_wait3A_587] : memref<4x128x32xf32, #tpu.memory_space<vmem>> -> memref<1x128x32xf32, #tpu.memory_space<vmem>>
      %dma_wait3A_589 = tpu.memref_squeeze %dma_wait3A_588 : memref<1x128x32xf32, #tpu.memory_space<vmem>> -> memref<128x32xf32, #tpu.memory_space<vmem>>
      %dma_wait3A_590 = arith.constant 0 : i32
      %dma_wait3A_591 = tpu.memref_slice %arg6[%dma_wait3A_583, %dma_wait3A_584, %dma_wait3A_585, %dma_wait3A_590] : memref<2x4x2x128xi32, #tpu.memory_space<vmem>> -> memref<1x1x1x128xi32, #tpu.memory_space<vmem>>
      %dma_wait3A_592 = tpu.memref_squeeze %dma_wait3A_591 : memref<1x1x1x128xi32, #tpu.memory_space<vmem>> -> memref<128xi32, #tpu.memory_space<vmem>>
      %dma_wait3A_593 = arith.constant 0 : i32
      %dma_wait3A_594 = arith.constant 0 : i32
      %dma_wait3A_595 = tpu.memref_slice %arg10[%dma_wait3A_593, %dma_wait3A_594] : memref<50176x32xf32, #tpu.memory_space<vmem_shared>> -> memref<50176x32xf32, #tpu.memory_space<vmem_shared>>
      tpu.wait_indirect_dma semaphore(%arg17 : memref<!tpu.dma_semaphore, #tpu.memory_space<semaphore_mem>>) src(%dma_wait3A_589 : memref<128x32xf32, #tpu.memory_space<vmem>>) dst(%dma_wait3A_595 : memref<50176x32xf32, #tpu.memory_space<vmem_shared>>)
      %add3A_596 = arith.constant 2 : i32
      %add3A_597 = arith.addi %mul3A_152, %add3A_596 : i32
      %lt3A_598 = arith.constant 98 : i32
      %lt3A_599 = arith.cmpi slt, %add3A_597, %lt3A_598 : i32
      %convert_element_type3A_600 = arith.extui %lt3A_599 : i1 to i32
      %cond3A_601 = arith.constant 0 : i32
      %cond3A_602 = arith.cmpi ne, %convert_element_type3A_600, %cond3A_601 : i32
      scf.if %cond3A_602 {
        %add3A_610 = arith.constant 2 : i32
        %add3A_611 = arith.addi %mul3A_152, %add3A_610 : i32
        %mul3A_612 = arith.constant 4 : i32
        %mul3A_613 = arith.muli %mul3A_612, %add3A_611 : i32
        %dma_wait3A_614 = arith.constant 0 : i32
        %dma_wait3A_615 = arith.constant 0 : i32
        %dma_wait3A_616 = arith.constant 0 : i32
        %dma_wait3A_617 = arith.constant 0 : i32
        %dma_wait3A_618 = tpu.memref_slice %arg6[%dma_wait3A_614, %dma_wait3A_615, %dma_wait3A_616, %dma_wait3A_617] : memref<2x4x2x128xi32, #tpu.memory_space<vmem>> -> memref<1x4x2x128xi32, #tpu.memory_space<vmem>>
        %dma_wait3A_619 = tpu.memref_squeeze %dma_wait3A_618 : memref<1x4x2x128xi32, #tpu.memory_space<vmem>> -> memref<4x2x128xi32, #tpu.memory_space<vmem>>
        %dma_wait3A_620 = arith.constant 0 : i32
        %dma_wait3A_621 = arith.constant 0 : i32
        %dma_wait3A_622 = tpu.memref_slice %arg3[%arg1, %mul3A_613, %dma_wait3A_620, %dma_wait3A_621] : memref<16x392x2x128xi32, #tpu.memory_space<hbm>> -> memref<1x4x2x128xi32, #tpu.memory_space<hbm>>
        %dma_wait3A_623 = tpu.memref_squeeze %dma_wait3A_622 : memref<1x4x2x128xi32, #tpu.memory_space<hbm>> -> memref<4x2x128xi32, #tpu.memory_space<hbm>>
        %dma_wait3A_624 = arith.constant 0 : i32
        %dma_wait3A_625 = arith.constant 0 : i32
        %dma_wait3A_626 = arith.constant 0 : i32
        %dma_wait3A_627 = tpu.memref_slice %arg6[%dma_wait3A_614, %dma_wait3A_624, %dma_wait3A_625, %dma_wait3A_626] : memref<2x4x2x128xi32, #tpu.memory_space<vmem>> -> memref<1x4x2x128xi32, #tpu.memory_space<vmem>>
        %dma_wait3A_628 = tpu.memref_squeeze %dma_wait3A_627 : memref<1x4x2x128xi32, #tpu.memory_space<vmem>> -> memref<4x2x128xi32, #tpu.memory_space<vmem>>
        %dma_wait3A_629 = arith.constant 0 : i32
        %dma_wait3A_630 = arith.constant 0 : i32
        %dma_wait3A_631 = tpu.memref_slice %arg3[%arg1, %mul3A_613, %dma_wait3A_629, %dma_wait3A_630] : memref<16x392x2x128xi32, #tpu.memory_space<hbm>> -> memref<1x4x2x128xi32, #tpu.memory_space<hbm>>
        %dma_wait3A_632 = tpu.memref_squeeze %dma_wait3A_631 : memref<1x4x2x128xi32, #tpu.memory_space<hbm>> -> memref<4x2x128xi32, #tpu.memory_space<hbm>>
        tpu.wait_dma2 semaphore(%arg11 : memref<!tpu.dma_semaphore, #tpu.memory_space<semaphore_mem>>) src(%dma_wait3A_632 : memref<4x2x128xi32, #tpu.memory_space<hbm>>) dst(%dma_wait3A_628 : memref<4x2x128xi32, #tpu.memory_space<vmem>>)
        %dma_start3A_633 = arith.constant 0 : i32
        %dma_start3A_634 = arith.constant 0 : i32
        %dma_start3A_635 = arith.constant 0 : i32
        %dma_start3A_636 = arith.constant 0 : i32
        %dma_start3A_637 = arith.constant 0 : i32
        %dma_start3A_638 = arith.constant 0 : i32
        %dma_start3A_639 = tpu.memref_slice %arg7[%dma_start3A_636, %dma_start3A_637, %dma_start3A_638] : memref<4x128x32xf32, #tpu.memory_space<vmem>> -> memref<1x128x32xf32, #tpu.memory_space<vmem>>
        %dma_start3A_640 = tpu.memref_squeeze %dma_start3A_639 : memref<1x128x32xf32, #tpu.memory_space<vmem>> -> memref<128x32xf32, #tpu.memory_space<vmem>>
        %dma_start3A_641 = arith.constant 0 : i32
        %dma_start3A_642 = tpu.memref_slice %arg6[%dma_start3A_633, %dma_start3A_634, %dma_start3A_635, %dma_start3A_641] : memref<2x4x2x128xi32, #tpu.memory_space<vmem>> -> memref<1x1x1x128xi32, #tpu.memory_space<vmem>>
        %dma_start3A_643 = tpu.memref_squeeze %dma_start3A_642 : memref<1x1x1x128xi32, #tpu.memory_space<vmem>> -> memref<128xi32, #tpu.memory_space<vmem>>
        %dma_start3A_644 = arith.constant 0 : i32
        %dma_start3A_645 = tpu.memref_slice %arg2[%arg0, %dma_start3A_644] : memref<100352x32xf32, #tpu.memory_space<hbm>> -> memref<100344x32xf32, #tpu.memory_space<hbm>>
        %dma_start3A_646 = arith.constant 0 : i32
        %dma_start3A_647 = arith.constant 0 : i32
        %dma_start3A_648 = tpu.memref_slice %dma_start3A_645[%dma_start3A_646, %dma_start3A_647] : memref<100344x32xf32, #tpu.memory_space<hbm>> -> memref<100344x32xf32, #tpu.memory_space<hbm>>
        tpu.enqueue_indirect_dma source(%dma_start3A_648 : memref<100344x32xf32, #tpu.memory_space<hbm>>) target(%dma_start3A_640 : memref<128x32xf32, #tpu.memory_space<vmem>>) offsets(%dma_start3A_643 : memref<128xi32, #tpu.memory_space<vmem>>) semaphore(%arg13 : memref<!tpu.dma_semaphore, #tpu.memory_space<semaphore_mem>>)
        %dma_start3A_649 = arith.constant 0 : i32
        %dma_start3A_650 = arith.constant 1 : i32
        %dma_start3A_651 = arith.constant 0 : i32
        %dma_start3A_652 = arith.constant 1 : i32
        %dma_start3A_653 = arith.constant 0 : i32
        %dma_start3A_654 = arith.constant 0 : i32
        %dma_start3A_655 = tpu.memref_slice %arg7[%dma_start3A_652, %dma_start3A_653, %dma_start3A_654] : memref<4x128x32xf32, #tpu.memory_space<vmem>> -> memref<1x128x32xf32, #tpu.memory_space<vmem>>
        %dma_start3A_656 = tpu.memref_squeeze %dma_start3A_655 : memref<1x128x32xf32, #tpu.memory_space<vmem>> -> memref<128x32xf32, #tpu.memory_space<vmem>>
        %dma_start3A_657 = arith.constant 0 : i32
        %dma_start3A_658 = tpu.memref_slice %arg6[%dma_start3A_649, %dma_start3A_650, %dma_start3A_651, %dma_start3A_657] : memref<2x4x2x128xi32, #tpu.memory_space<vmem>> -> memref<1x1x1x128xi32, #tpu.memory_space<vmem>>
        %dma_start3A_659 = tpu.memref_squeeze %dma_start3A_658 : memref<1x1x1x128xi32, #tpu.memory_space<vmem>> -> memref<128xi32, #tpu.memory_space<vmem>>
        %dma_start3A_660 = arith.constant 0 : i32
        %dma_start3A_661 = tpu.memref_slice %arg2[%arg0, %dma_start3A_660] : memref<100352x32xf32, #tpu.memory_space<hbm>> -> memref<100344x32xf32, #tpu.memory_space<hbm>>
        %dma_start3A_662 = arith.constant 0 : i32
        %dma_start3A_663 = arith.constant 0 : i32
        %dma_start3A_664 = tpu.memref_slice %dma_start3A_661[%dma_start3A_662, %dma_start3A_663] : memref<100344x32xf32, #tpu.memory_space<hbm>> -> memref<100344x32xf32, #tpu.memory_space<hbm>>
        tpu.enqueue_indirect_dma source(%dma_start3A_664 : memref<100344x32xf32, #tpu.memory_space<hbm>>) target(%dma_start3A_656 : memref<128x32xf32, #tpu.memory_space<vmem>>) offsets(%dma_start3A_659 : memref<128xi32, #tpu.memory_space<vmem>>) semaphore(%arg14 : memref<!tpu.dma_semaphore, #tpu.memory_space<semaphore_mem>>)
        %dma_start3A_665 = arith.constant 0 : i32
        %dma_start3A_666 = arith.constant 2 : i32
        %dma_start3A_667 = arith.constant 0 : i32
        %dma_start3A_668 = arith.constant 2 : i32
        %dma_start3A_669 = arith.constant 0 : i32
        %dma_start3A_670 = arith.constant 0 : i32
        %dma_start3A_671 = tpu.memref_slice %arg7[%dma_start3A_668, %dma_start3A_669, %dma_start3A_670] : memref<4x128x32xf32, #tpu.memory_space<vmem>> -> memref<1x128x32xf32, #tpu.memory_space<vmem>>
        %dma_start3A_672 = tpu.memref_squeeze %dma_start3A_671 : memref<1x128x32xf32, #tpu.memory_space<vmem>> -> memref<128x32xf32, #tpu.memory_space<vmem>>
        %dma_start3A_673 = arith.constant 0 : i32
        %dma_start3A_674 = tpu.memref_slice %arg6[%dma_start3A_665, %dma_start3A_666, %dma_start3A_667, %dma_start3A_673] : memref<2x4x2x128xi32, #tpu.memory_space<vmem>> -> memref<1x1x1x128xi32, #tpu.memory_space<vmem>>
        %dma_start3A_675 = tpu.memref_squeeze %dma_start3A_674 : memref<1x1x1x128xi32, #tpu.memory_space<vmem>> -> memref<128xi32, #tpu.memory_space<vmem>>
        %dma_start3A_676 = arith.constant 0 : i32
        %dma_start3A_677 = tpu.memref_slice %arg2[%arg0, %dma_start3A_676] : memref<100352x32xf32, #tpu.memory_space<hbm>> -> memref<100344x32xf32, #tpu.memory_space<hbm>>
        %dma_start3A_678 = arith.constant 0 : i32
        %dma_start3A_679 = arith.constant 0 : i32
        %dma_start3A_680 = tpu.memref_slice %dma_start3A_677[%dma_start3A_678, %dma_start3A_679] : memref<100344x32xf32, #tpu.memory_space<hbm>> -> memref<100344x32xf32, #tpu.memory_space<hbm>>
        tpu.enqueue_indirect_dma source(%dma_start3A_680 : memref<100344x32xf32, #tpu.memory_space<hbm>>) target(%dma_start3A_672 : memref<128x32xf32, #tpu.memory_space<vmem>>) offsets(%dma_start3A_675 : memref<128xi32, #tpu.memory_space<vmem>>) semaphore(%arg15 : memref<!tpu.dma_semaphore, #tpu.memory_space<semaphore_mem>>)
        %dma_start3A_681 = arith.constant 0 : i32
        %dma_start3A_682 = arith.constant 3 : i32
        %dma_start3A_683 = arith.constant 0 : i32
        %dma_start3A_684 = arith.constant 3 : i32
        %dma_start3A_685 = arith.constant 0 : i32
        %dma_start3A_686 = arith.constant 0 : i32
        %dma_start3A_687 = tpu.memref_slice %arg7[%dma_start3A_684, %dma_start3A_685, %dma_start3A_686] : memref<4x128x32xf32, #tpu.memory_space<vmem>> -> memref<1x128x32xf32, #tpu.memory_space<vmem>>
        %dma_start3A_688 = tpu.memref_squeeze %dma_start3A_687 : memref<1x128x32xf32, #tpu.memory_space<vmem>> -> memref<128x32xf32, #tpu.memory_space<vmem>>
        %dma_start3A_689 = arith.constant 0 : i32
        %dma_start3A_690 = tpu.memref_slice %arg6[%dma_start3A_681, %dma_start3A_682, %dma_start3A_683, %dma_start3A_689] : memref<2x4x2x128xi32, #tpu.memory_space<vmem>> -> memref<1x1x1x128xi32, #tpu.memory_space<vmem>>
        %dma_start3A_691 = tpu.memref_squeeze %dma_start3A_690 : memref<1x1x1x128xi32, #tpu.memory_space<vmem>> -> memref<128xi32, #tpu.memory_space<vmem>>
        %dma_start3A_692 = arith.constant 0 : i32
        %dma_start3A_693 = tpu.memref_slice %arg2[%arg0, %dma_start3A_692] : memref<100352x32xf32, #tpu.memory_space<hbm>> -> memref<100344x32xf32, #tpu.memory_space<hbm>>
        %dma_start3A_694 = arith.constant 0 : i32
        %dma_start3A_695 = arith.constant 0 : i32
        %dma_start3A_696 = tpu.memref_slice %dma_start3A_693[%dma_start3A_694, %dma_start3A_695] : memref<100344x32xf32, #tpu.memory_space<hbm>> -> memref<100344x32xf32, #tpu.memory_space<hbm>>
        tpu.enqueue_indirect_dma source(%dma_start3A_696 : memref<100344x32xf32, #tpu.memory_space<hbm>>) target(%dma_start3A_688 : memref<128x32xf32, #tpu.memory_space<vmem>>) offsets(%dma_start3A_691 : memref<128xi32, #tpu.memory_space<vmem>>) semaphore(%arg16 : memref<!tpu.dma_semaphore, #tpu.memory_space<semaphore_mem>>)
      } else {
      }
      %add3A_603 = arith.constant 3 : i32
      %add3A_604 = arith.addi %mul3A_152, %add3A_603 : i32
      %lt3A_605 = arith.constant 98 : i32
      %lt3A_606 = arith.cmpi slt, %add3A_604, %lt3A_605 : i32
      %convert_element_type3A_607 = arith.extui %lt3A_606 : i1 to i32
      %cond3A_608 = arith.constant 0 : i32
      %cond3A_609 = arith.cmpi ne, %convert_element_type3A_607, %cond3A_608 : i32
      scf.if %cond3A_609 {
        %add3A_610 = arith.constant 3 : i32
        %add3A_611 = arith.addi %mul3A_152, %add3A_610 : i32
        %mul3A_612 = arith.constant 4 : i32
        %mul3A_613 = arith.muli %mul3A_612, %add3A_611 : i32
        %dma_start3A_614 = arith.constant 1 : i32
        %dma_start3A_615 = arith.constant 0 : i32
        %dma_start3A_616 = arith.constant 0 : i32
        %dma_start3A_617 = arith.constant 0 : i32
        %dma_start3A_618 = tpu.memref_slice %arg6[%dma_start3A_614, %dma_start3A_615, %dma_start3A_616, %dma_start3A_617] : memref<2x4x2x128xi32, #tpu.memory_space<vmem>> -> memref<1x4x2x128xi32, #tpu.memory_space<vmem>>
        %dma_start3A_619 = tpu.memref_squeeze %dma_start3A_618 : memref<1x4x2x128xi32, #tpu.memory_space<vmem>> -> memref<4x2x128xi32, #tpu.memory_space<vmem>>
        %dma_start3A_620 = arith.constant 0 : i32
        %dma_start3A_621 = arith.constant 0 : i32
        %dma_start3A_622 = tpu.memref_slice %arg3[%arg1, %mul3A_613, %dma_start3A_620, %dma_start3A_621] : memref<16x392x2x128xi32, #tpu.memory_space<hbm>> -> memref<1x4x2x128xi32, #tpu.memory_space<hbm>>
        %dma_start3A_623 = tpu.memref_squeeze %dma_start3A_622 : memref<1x4x2x128xi32, #tpu.memory_space<hbm>> -> memref<4x2x128xi32, #tpu.memory_space<hbm>>
        %dma_start3A_624 = arith.constant 0 : i32
        %dma_start3A_625 = arith.constant 0 : i32
        %dma_start3A_626 = arith.constant 0 : i32
        %dma_start3A_627 = tpu.memref_slice %arg6[%dma_start3A_614, %dma_start3A_624, %dma_start3A_625, %dma_start3A_626] : memref<2x4x2x128xi32, #tpu.memory_space<vmem>> -> memref<1x4x2x128xi32, #tpu.memory_space<vmem>>
        %dma_start3A_628 = tpu.memref_squeeze %dma_start3A_627 : memref<1x4x2x128xi32, #tpu.memory_space<vmem>> -> memref<4x2x128xi32, #tpu.memory_space<vmem>>
        %dma_start3A_629 = arith.constant 0 : i32
        %dma_start3A_630 = arith.constant 0 : i32
        %dma_start3A_631 = tpu.memref_slice %arg3[%arg1, %mul3A_613, %dma_start3A_629, %dma_start3A_630] : memref<16x392x2x128xi32, #tpu.memory_space<hbm>> -> memref<1x4x2x128xi32, #tpu.memory_space<hbm>>
        %dma_start3A_632 = tpu.memref_squeeze %dma_start3A_631 : memref<1x4x2x128xi32, #tpu.memory_space<hbm>> -> memref<4x2x128xi32, #tpu.memory_space<hbm>>
        tpu.enqueue_dma source(%dma_start3A_632 : memref<4x2x128xi32, #tpu.memory_space<hbm>>) target(%dma_start3A_628 : memref<4x2x128xi32, #tpu.memory_space<vmem>>) target_semaphore(%arg12 : memref<!tpu.dma_semaphore, #tpu.memory_space<semaphore_mem>>)
      } else {
      }
    }
    %scan3A_143 = arith.constant 49 : i32
    %barrier3A_144 = arith.constant 0 : index
    tpu.barrier barrier_id(%barrier3A_144)
    %scan3A_145 = arith.constant 0 : i32
    %scan3A_146 = arith.constant 98 : i32
    %scan3A_147 = arith.addi %scan3A_145, %scan3A_146 : i32
    %scan3A_148 = arith.constant 1 : i32
    scf.for %scan3A_150 = %scan3A_145 to %scan3A_147 step %scan3A_148  : i32 {
      %mul3A_151 = arith.constant 3136 : i32
      %mul3A_152 = arith.muli %arg1, %mul3A_151 : i32
      %mul3A_153 = arith.constant 32 : i32
      %mul3A_154 = arith.muli %scan3A_150, %mul3A_153 : i32
      %add3A_155 = arith.addi %mul3A_152, %mul3A_154 : i32
      %run_scoped3A = arith.constant 0 : i32
      "tpu.region"() ({
        %run_scoped3A_157 = tpu.sem_alloc : memref<!tpu.dma_semaphore, #tpu.memory_space<semaphore_mem>>
        %dma_start3A_158 = arith.constant 0 : i32
        %dma_start3A_159 = arith.constant 0 : i32
        %dma_start3A_160 = tpu.memref_slice %arg8[%run_scoped3A, %dma_start3A_158, %dma_start3A_159] : memref<2x32x32xf32, #tpu.memory_space<vmem>> -> memref<1x32x32xf32, #tpu.memory_space<vmem>>
        %dma_start3A_161 = tpu.memref_squeeze %dma_start3A_160 : memref<1x32x32xf32, #tpu.memory_space<vmem>> -> memref<32x32xf32, #tpu.memory_space<vmem>>
        %dma_start3A_162 = arith.constant 0 : i32
        %dma_start3A_163 = tpu.memref_slice %arg10[%add3A_155, %dma_start3A_162] : memref<50176x32xf32, #tpu.memory_space<vmem_shared>> -> memref<32x32xf32, #tpu.memory_space<vmem_shared>>
        %dma_start3A_164 = arith.constant 0 : i32
        %dma_start3A_165 = arith.constant 0 : i32
        %dma_start3A_166 = tpu.memref_slice %arg8[%run_scoped3A, %dma_start3A_164, %dma_start3A_165] : memref<2x32x32xf32, #tpu.memory_space<vmem>> -> memref<1x32x32xf32, #tpu.memory_space<vmem>>
        %dma_start3A_167 = tpu.memref_squeeze %dma_start3A_166 : memref<1x32x32xf32, #tpu.memory_space<vmem>> -> memref<32x32xf32, #tpu.memory_space<vmem>>
        %dma_start3A_168 = arith.constant 0 : i32
        %dma_start3A_169 = tpu.memref_slice %arg10[%add3A_155, %dma_start3A_168] : memref<50176x32xf32, #tpu.memory_space<vmem_shared>> -> memref<32x32xf32, #tpu.memory_space<vmem_shared>>
        tpu.enqueue_dma source(%dma_start3A_169 : memref<32x32xf32, #tpu.memory_space<vmem_shared>>) target(%dma_start3A_167 : memref<32x32xf32, #tpu.memory_space<vmem>>) target_semaphore(%run_scoped3A_157 : memref<!tpu.dma_semaphore, #tpu.memory_space<semaphore_mem>>)
        %dma_wait3A_170 = arith.constant 0 : i32
        %dma_wait3A_171 = arith.constant 0 : i32
        %dma_wait3A_172 = tpu.memref_slice %arg8[%run_scoped3A, %dma_wait3A_170, %dma_wait3A_171] : memref<2x32x32xf32, #tpu.memory_space<vmem>> -> memref<1x32x32xf32, #tpu.memory_space<vmem>>
        %dma_wait3A_173 = tpu.memref_squeeze %dma_wait3A_172 : memref<1x32x32xf32, #tpu.memory_space<vmem>> -> memref<32x32xf32, #tpu.memory_space<vmem>>
        %dma_wait3A_174 = arith.constant 0 : i32
        %dma_wait3A_175 = tpu.memref_slice %arg10[%add3A_155, %dma_wait3A_174] : memref<50176x32xf32, #tpu.memory_space<vmem_shared>> -> memref<32x32xf32, #tpu.memory_space<vmem_shared>>
        %dma_wait3A_176 = arith.constant 0 : i32
        %dma_wait3A_177 = arith.constant 0 : i32
        %dma_wait3A_178 = tpu.memref_slice %arg8[%run_scoped3A, %dma_wait3A_176, %dma_wait3A_177] : memref<2x32x32xf32, #tpu.memory_space<vmem>> -> memref<1x32x32xf32, #tpu.memory_space<vmem>>
        %dma_wait3A_179 = tpu.memref_squeeze %dma_wait3A_178 : memref<1x32x32xf32, #tpu.memory_space<vmem>> -> memref<32x32xf32, #tpu.memory_space<vmem>>
        %dma_wait3A_180 = arith.constant 0 : i32
        %dma_wait3A_181 = tpu.memref_slice %arg10[%add3A_155, %dma_wait3A_180] : memref<50176x32xf32, #tpu.memory_space<vmem_shared>> -> memref<32x32xf32, #tpu.memory_space<vmem_shared>>
        tpu.wait_dma2 semaphore(%run_scoped3A_157 : memref<!tpu.dma_semaphore, #tpu.memory_space<semaphore_mem>>) src(%dma_wait3A_181 : memref<32x32xf32, #tpu.memory_space<vmem_shared>>) dst(%dma_wait3A_179 : memref<32x32xf32, #tpu.memory_space<vmem>>)
        tpu.yield
      }) : () -> ()
      %run_scoped3A_156 = arith.constant 0 : i32
      "tpu.region"() ({
        %run_scoped3A_157 = tpu.sem_alloc : memref<!tpu.dma_semaphore, #tpu.memory_space<semaphore_mem>>
        %dma_start3A_158 = arith.constant 0 : i32
        %dma_start3A_159 = arith.constant 0 : i32
        %dma_start3A_160 = tpu.memref_slice %arg8[%run_scoped3A_156, %dma_start3A_158, %dma_start3A_159] : memref<2x32x32xf32, #tpu.memory_space<vmem>> -> memref<1x32x32xf32, #tpu.memory_space<vmem>>
        %dma_start3A_161 = tpu.memref_squeeze %dma_start3A_160 : memref<1x32x32xf32, #tpu.memory_space<vmem>> -> memref<32x32xf32, #tpu.memory_space<vmem>>
        %dma_start3A_162 = arith.constant 0 : i32
        %dma_start3A_163 = tpu.memref_slice %arg9[%scan3A_150, %dma_start3A_162] : memref<98x32xi32, #tpu.memory_space<vmem>> -> memref<1x32xi32, #tpu.memory_space<vmem>>
        %dma_start3A_164 = tpu.memref_squeeze %dma_start3A_163 : memref<1x32xi32, #tpu.memory_space<vmem>> -> memref<32xi32, #tpu.memory_space<vmem>>
        %dma_start3A_165 = arith.constant 0 : i32
        %dma_start3A_166 = arith.constant 0 : i32
        %dma_start3A_167 = tpu.memref_slice %arg5[%dma_start3A_165, %dma_start3A_166] : memref<100352x32xf32, #tpu.memory_space<hbm>> -> memref<100352x32xf32, #tpu.memory_space<hbm>>
        tpu.enqueue_indirect_dma source(%dma_start3A_161 : memref<32x32xf32, #tpu.memory_space<vmem>>) target(%dma_start3A_167 : memref<100352x32xf32, #tpu.memory_space<hbm>>) offsets(%dma_start3A_164 : memref<32xi32, #tpu.memory_space<vmem>>) semaphore(%run_scoped3A_157 : memref<!tpu.dma_semaphore, #tpu.memory_space<semaphore_mem>>)
        %dma_wait3A_168 = arith.constant 0 : i32
        %dma_wait3A_169 = arith.constant 0 : i32
        %dma_wait3A_170 = tpu.memref_slice %arg8[%run_scoped3A_156, %dma_wait3A_168, %dma_wait3A_169] : memref<2x32x32xf32, #tpu.memory_space<vmem>> -> memref<1x32x32xf32, #tpu.memory_space<vmem>>
        %dma_wait3A_171 = tpu.memref_squeeze %dma_wait3A_170 : memref<1x32x32xf32, #tpu.memory_space<vmem>> -> memref<32x32xf32, #tpu.memory_space<vmem>>
        %dma_wait3A_172 = arith.constant 0 : i32
        %dma_wait3A_173 = tpu.memref_slice %arg9[%scan3A_150, %dma_wait3A_172] : memref<98x32xi32, #tpu.memory_space<vmem>> -> memref<1x32xi32, #tpu.memory_space<vmem>>
        %dma_wait3A_174 = tpu.memref_squeeze %dma_wait3A_173 : memref<1x32xi32, #tpu.memory_space<vmem>> -> memref<32xi32, #tpu.memory_space<vmem>>
        %dma_wait3A_175 = arith.constant 0 : i32
        %dma_wait3A_176 = arith.constant 0 : i32
        %dma_wait3A_177 = tpu.memref_slice %arg5[%dma_wait3A_175, %dma_wait3A_176] : memref<100352x32xf32, #tpu.memory_space<hbm>> -> memref<100352x32xf32, #tpu.memory_space<hbm>>
        tpu.wait_indirect_dma semaphore(%run_scoped3A_157 : memref<!tpu.dma_semaphore, #tpu.memory_space<semaphore_mem>>) src(%dma_wait3A_171 : memref<32x32xf32, #tpu.memory_space<vmem>>) dst(%dma_wait3A_177 : memref<100352x32xf32, #tpu.memory_space<hbm>>)
        tpu.yield
      }) : () -> ()
    }
    %scan3A_149 = arith.constant 98 : i32
    return
  }
}

#map = affine_map<(d0, d1) -> (0, 0)>
#map1 = affine_map<(d0, d1) -> (0, 0, 0, 0)>
module attributes {stable_mosaic.version = 14 : i64} {
  func.func @_scat_body(%arg0: i32, %arg1: i32, %arg2: memref<100352x32xf32, #tpu.memory_space<hbm>>, %arg3: memref<16x392x2x128xi32, #tpu.memory_space<hbm>>, %arg4: memref<50176x32xf32, #tpu.memory_space<hbm>>, %arg5: memref<100352x32xf32, #tpu.memory_space<hbm>>, %arg6: memref<2x4x2x128xi32, #tpu.memory_space<vmem>>, %arg7: memref<4x128x32xf32, #tpu.memory_space<vmem>>, %arg8: memref<2x32x32xf32, #tpu.memory_space<vmem>>, %arg9: memref<98x32xi32, #tpu.memory_space<vmem>>, %arg10: memref<50176x32xf32, #tpu.memory_space<vmem_shared>>, %arg11: memref<!tpu.dma_semaphore, #tpu.memory_space<semaphore_mem>>, %arg12: memref<!tpu.dma_semaphore, #tpu.memory_space<semaphore_mem>>, %arg13: memref<!tpu.dma_semaphore, #tpu.memory_space<semaphore_mem>>, %arg14: memref<!tpu.dma_semaphore, #tpu.memory_space<semaphore_mem>>, %arg15: memref<!tpu.dma_semaphore, #tpu.memory_space<semaphore_mem>>, %arg16: memref<!tpu.dma_semaphore, #tpu.memory_space<semaphore_mem>>, %arg17: memref<!tpu.dma_semaphore, #tpu.memory_space<semaphore_mem>>) attributes {dimension_semantics = [#tpu.dimension_semantics<core_parallel>, #tpu.dimension_semantics<subcore_parallel>], iteration_bounds = array<i64: 2, 16>, scalar_prefetch = 0 : i64, scratch_operands = 12 : i64, tpu.core_type = #tpu.core_type<sc_vector_subcore>, window_params = [{transform_indices = #map}, {transform_indices = #map1}, {transform_indices = #map}, {transform_indices = #map}]} {
    %iota3A = tpu.iota {dimensions = array<i32: 0>} : vector<16xi32>
    %mul3A = arith.constant 2 : i32
    %mul3A_0 = vector.broadcast %mul3A : i32 to vector<16xi32>
    %mul3A_1 = arith.muli %iota3A, %mul3A_0 : vector<16xi32>
    %mul3A_2 = arith.constant 3136 : i32
    %mul3A_3 = arith.muli %arg1, %mul3A_2 : i32
    %mul3A_4 = arith.constant 2 : i32
    %mul3A_5 = arith.muli %mul3A_3, %mul3A_4 : i32
    %add3A = arith.addi %mul3A_5, %arg0 : i32
    %scan3A = arith.constant 0 : i32
    %scan3A_6 = arith.constant 98 : i32
    %scan3A_7 = arith.addi %scan3A, %scan3A_6 : i32
    %scan3A_8 = arith.constant 1 : i32
    scf.for %scan3A_150 = %scan3A to %scan3A_7 step %scan3A_8  : i32 {
      %mul3A_151 = arith.constant 64 : i32
      %mul3A_152 = arith.muli %scan3A_150, %mul3A_151 : i32
      %add3A_153 = arith.addi %add3A, %mul3A_152 : i32
      %add3A_154 = arith.constant 0 : i32
      %add3A_155 = arith.addi %add3A_153, %add3A_154 : i32
      %add3A_156 = vector.broadcast %add3A_155 : i32 to vector<16xi32>
      %add3A_157 = arith.addi %add3A_156, %mul3A_1 : vector<16xi32>
      %swap3A = arith.index_cast %scan3A_150 : i32 to index
      %swap3A_158 = arith.constant 0 : index
      %swap3A_159 = tpu.vector_load %arg9[%swap3A, %swap3A_158] {strides = array<i32>} : memref<98x32xi32, #tpu.memory_space<vmem>>, vector<1x16xi32>,
      %swap3A_160 = vector.shape_cast %swap3A_159 : vector<1x16xi32> to vector<16xi32>
      %swap3A_161 = vector.shape_cast %add3A_157 : vector<16xi32> to vector<1x16xi32>
      tpu.vector_store %arg9[%swap3A, %swap3A_158], %swap3A_161 {strides = array<i32>} : memref<98x32xi32, #tpu.memory_space<vmem>>, vector<1x16xi32>,
      %mul3A_162 = arith.constant 64 : i32
      %mul3A_163 = arith.muli %scan3A_150, %mul3A_162 : i32
      %add3A_164 = arith.addi %add3A, %mul3A_163 : i32
      %add3A_165 = arith.constant 32 : i32
      %add3A_166 = arith.addi %add3A_164, %add3A_165 : i32
      %add3A_167 = vector.broadcast %add3A_166 : i32 to vector<16xi32>
      %add3A_168 = arith.addi %add3A_167, %mul3A_1 : vector<16xi32>
      %swap3A_169 = arith.index_cast %scan3A_150 : i32 to index
      %swap3A_170 = arith.constant 16 : index
      %swap3A_171 = tpu.vector_load %arg9[%swap3A_169, %swap3A_170] {strides = array<i32>} : memref<98x32xi32, #tpu.memory_space<vmem>>, vector<1x16xi32>,
      %swap3A_172 = vector.shape_cast %swap3A_171 : vector<1x16xi32> to vector<16xi32>
      %swap3A_173 = vector.shape_cast %add3A_168 : vector<16xi32> to vector<1x16xi32>
      tpu.vector_store %arg9[%swap3A_169, %swap3A_170], %swap3A_173 {strides = array<i32>} : memref<98x32xi32, #tpu.memory_space<vmem>>, vector<1x16xi32>,
    }
    %scan3A_9 = arith.constant 98 : i32
    %mul3A_10 = arith.constant 3136 : i32
    %mul3A_11 = arith.muli %arg1, %mul3A_10 : i32
    %mul3A_12 = arith.constant 3136 : i32
    %mul3A_13 = arith.muli %arg1, %mul3A_12 : i32
    "tpu.region"() ({
      %run_scoped3A = tpu.sem_alloc : memref<!tpu.dma_semaphore, #tpu.memory_space<semaphore_mem>>
      %dma_start3A_150 = arith.constant 0 : i32
      %dma_start3A_151 = tpu.memref_slice %arg10[%mul3A_13, %dma_start3A_150] : memref<50176x32xf32, #tpu.memory_space<vmem_shared>> -> memref<3136x32xf32, #tpu.memory_space<vmem_shared>>
      %dma_start3A_152 = arith.constant 0 : i32
      %dma_start3A_153 = tpu.memref_slice %arg4[%mul3A_11, %dma_start3A_152] : memref<50176x32xf32, #tpu.memory_space<hbm>> -> memref<3136x32xf32, #tpu.memory_space<hbm>>
      tpu.enqueue_dma source(%dma_start3A_153 : memref<3136x32xf32, #tpu.memory_space<hbm>>) target(%dma_start3A_151 : memref<3136x32xf32, #tpu.memory_space<vmem_shared>>) target_semaphore(%run_scoped3A : memref<!tpu.dma_semaphore, #tpu.memory_space<semaphore_mem>>)
      %dma_wait3A_154 = arith.constant 0 : i32
      %dma_wait3A_155 = tpu.memref_slice %arg10[%mul3A_13, %dma_wait3A_154] : memref<50176x32xf32, #tpu.memory_space<vmem_shared>> -> memref<3136x32xf32, #tpu.memory_space<vmem_shared>>
      %dma_wait3A_156 = arith.constant 0 : i32
      %dma_wait3A_157 = tpu.memref_slice %arg4[%mul3A_11, %dma_wait3A_156] : memref<50176x32xf32, #tpu.memory_space<hbm>> -> memref<3136x32xf32, #tpu.memory_space<hbm>>
      tpu.wait_dma2 semaphore(%run_scoped3A : memref<!tpu.dma_semaphore, #tpu.memory_space<semaphore_mem>>) src(%dma_wait3A_157 : memref<3136x32xf32, #tpu.memory_space<hbm>>) dst(%dma_wait3A_155 : memref<3136x32xf32, #tpu.memory_space<vmem_shared>>)
      tpu.yield
    }) : () -> ()
    %barrier3A = arith.constant 0 : index
    tpu.barrier barrier_id(%barrier3A)
    %dma_start3A = arith.constant 0 : i32
    %dma_start3A_14 = arith.constant 0 : i32
    %dma_start3A_15 = arith.constant 0 : i32
    %dma_start3A_16 = arith.constant 0 : i32
    %dma_start3A_17 = tpu.memref_slice %arg6[%dma_start3A, %dma_start3A_14, %dma_start3A_15, %dma_start3A_16] : memref<2x4x2x128xi32, #tpu.memory_space<vmem>> -> memref<1x4x2x128xi32, #tpu.memory_space<vmem>>
    %dma_start3A_18 = tpu.memref_squeeze %dma_start3A_17 : memref<1x4x2x128xi32, #tpu.memory_space<vmem>> -> memref<4x2x128xi32, #tpu.memory_space<vmem>>
    %dma_start3A_19 = arith.constant 0 : i32
    %dma_start3A_20 = arith.constant 0 : i32
    %dma_start3A_21 = arith.constant 0 : i32
    %dma_start3A_22 = tpu.memref_slice %arg3[%arg1, %dma_start3A_19, %dma_start3A_20, %dma_start3A_21] : memref<16x392x2x128xi32, #tpu.memory_space<hbm>> -> memref<1x4x2x128xi32, #tpu.memory_space<hbm>>
    %dma_start3A_23 = tpu.memref_squeeze %dma_start3A_22 : memref<1x4x2x128xi32, #tpu.memory_space<hbm>> -> memref<4x2x128xi32, #tpu.memory_space<hbm>>
    %dma_start3A_24 = arith.constant 0 : i32
    %dma_start3A_25 = arith.constant 0 : i32
    %dma_start3A_26 = arith.constant 0 : i32
    %dma_start3A_27 = tpu.memref_slice %arg6[%dma_start3A, %dma_start3A_24, %dma_start3A_25, %dma_start3A_26] : memref<2x4x2x128xi32, #tpu.memory_space<vmem>> -> memref<1x4x2x128xi32, #tpu.memory_space<vmem>>
    %dma_start3A_28 = tpu.memref_squeeze %dma_start3A_27 : memref<1x4x2x128xi32, #tpu.memory_space<vmem>> -> memref<4x2x128xi32, #tpu.memory_space<vmem>>
    %dma_start3A_29 = arith.constant 0 : i32
    %dma_start3A_30 = arith.constant 0 : i32
    %dma_start3A_31 = arith.constant 0 : i32
    %dma_start3A_32 = tpu.memref_slice %arg3[%arg1, %dma_start3A_29, %dma_start3A_30, %dma_start3A_31] : memref<16x392x2x128xi32, #tpu.memory_space<hbm>> -> memref<1x4x2x128xi32, #tpu.memory_space<hbm>>
    %dma_start3A_33 = tpu.memref_squeeze %dma_start3A_32 : memref<1x4x2x128xi32, #tpu.memory_space<hbm>> -> memref<4x2x128xi32, #tpu.memory_space<hbm>>
    tpu.enqueue_dma source(%dma_start3A_33 : memref<4x2x128xi32, #tpu.memory_space<hbm>>) target(%dma_start3A_28 : memref<4x2x128xi32, #tpu.memory_space<vmem>>) target_semaphore(%arg11 : memref<!tpu.dma_semaphore, #tpu.memory_space<semaphore_mem>>)
    %dma_wait3A = arith.constant 0 : i32
    %dma_wait3A_34 = arith.constant 0 : i32
    %dma_wait3A_35 = arith.constant 0 : i32
    %dma_wait3A_36 = arith.constant 0 : i32
    %dma_wait3A_37 = tpu.memref_slice %arg6[%dma_wait3A, %dma_wait3A_34, %dma_wait3A_35, %dma_wait3A_36] : memref<2x4x2x128xi32, #tpu.memory_space<vmem>> -> memref<1x4x2x128xi32, #tpu.memory_space<vmem>>
    %dma_wait3A_38 = tpu.memref_squeeze %dma_wait3A_37 : memref<1x4x2x128xi32, #tpu.memory_space<vmem>> -> memref<4x2x128xi32, #tpu.memory_space<vmem>>
    %dma_wait3A_39 = arith.constant 0 : i32
    %dma_wait3A_40 = arith.constant 0 : i32
    %dma_wait3A_41 = arith.constant 0 : i32
    %dma_wait3A_42 = tpu.memref_slice %arg3[%arg1, %dma_wait3A_39, %dma_wait3A_40, %dma_wait3A_41] : memref<16x392x2x128xi32, #tpu.memory_space<hbm>> -> memref<1x4x2x128xi32, #tpu.memory_space<hbm>>
    %dma_wait3A_43 = tpu.memref_squeeze %dma_wait3A_42 : memref<1x4x2x128xi32, #tpu.memory_space<hbm>> -> memref<4x2x128xi32, #tpu.memory_space<hbm>>
    %dma_wait3A_44 = arith.constant 0 : i32
    %dma_wait3A_45 = arith.constant 0 : i32
    %dma_wait3A_46 = arith.constant 0 : i32
    %dma_wait3A_47 = tpu.memref_slice %arg6[%dma_wait3A, %dma_wait3A_44, %dma_wait3A_45, %dma_wait3A_46] : memref<2x4x2x128xi32, #tpu.memory_space<vmem>> -> memref<1x4x2x128xi32, #tpu.memory_space<vmem>>
    %dma_wait3A_48 = tpu.memref_squeeze %dma_wait3A_47 : memref<1x4x2x128xi32, #tpu.memory_space<vmem>> -> memref<4x2x128xi32, #tpu.memory_space<vmem>>
    %dma_wait3A_49 = arith.constant 0 : i32
    %dma_wait3A_50 = arith.constant 0 : i32
    %dma_wait3A_51 = arith.constant 0 : i32
    %dma_wait3A_52 = tpu.memref_slice %arg3[%arg1, %dma_wait3A_49, %dma_wait3A_50, %dma_wait3A_51] : memref<16x392x2x128xi32, #tpu.memory_space<hbm>> -> memref<1x4x2x128xi32, #tpu.memory_space<hbm>>
    %dma_wait3A_53 = tpu.memref_squeeze %dma_wait3A_52 : memref<1x4x2x128xi32, #tpu.memory_space<hbm>> -> memref<4x2x128xi32, #tpu.memory_space<hbm>>
    tpu.wait_dma2 semaphore(%arg11 : memref<!tpu.dma_semaphore, #tpu.memory_space<semaphore_mem>>) src(%dma_wait3A_53 : memref<4x2x128xi32, #tpu.memory_space<hbm>>) dst(%dma_wait3A_48 : memref<4x2x128xi32, #tpu.memory_space<vmem>>)
    %dma_start3A_54 = arith.constant 0 : i32
    %dma_start3A_55 = arith.constant 0 : i32
    %dma_start3A_56 = arith.constant 0 : i32
    %dma_start3A_57 = arith.constant 0 : i32
    %dma_start3A_58 = arith.constant 0 : i32
    %dma_start3A_59 = arith.constant 0 : i32
    %dma_start3A_60 = tpu.memref_slice %arg7[%dma_start3A_57, %dma_start3A_58, %dma_start3A_59] : memref<4x128x32xf32, #tpu.memory_space<vmem>> -> memref<1x128x32xf32, #tpu.memory_space<vmem>>
    %dma_start3A_61 = tpu.memref_squeeze %dma_start3A_60 : memref<1x128x32xf32, #tpu.memory_space<vmem>> -> memref<128x32xf32, #tpu.memory_space<vmem>>
    %dma_start3A_62 = arith.constant 0 : i32
    %dma_start3A_63 = tpu.memref_slice %arg6[%dma_start3A_54, %dma_start3A_55, %dma_start3A_56, %dma_start3A_62] : memref<2x4x2x128xi32, #tpu.memory_space<vmem>> -> memref<1x1x1x128xi32, #tpu.memory_space<vmem>>
    %dma_start3A_64 = tpu.memref_squeeze %dma_start3A_63 : memref<1x1x1x128xi32, #tpu.memory_space<vmem>> -> memref<128xi32, #tpu.memory_space<vmem>>
    %dma_start3A_65 = arith.constant 0 : i32
    %dma_start3A_66 = tpu.memref_slice %arg2[%arg0, %dma_start3A_65] : memref<100352x32xf32, #tpu.memory_space<hbm>> -> memref<100344x32xf32, #tpu.memory_space<hbm>>
    %dma_start3A_67 = arith.constant 0 : i32
    %dma_start3A_68 = arith.constant 0 : i32
    %dma_start3A_69 = tpu.memref_slice %dma_start3A_66[%dma_start3A_67, %dma_start3A_68] : memref<100344x32xf32, #tpu.memory_space<hbm>> -> memref<100344x32xf32, #tpu.memory_space<hbm>>
    tpu.enqueue_indirect_dma source(%dma_start3A_69 : memref<100344x32xf32, #tpu.memory_space<hbm>>) target(%dma_start3A_61 : memref<128x32xf32, #tpu.memory_space<vmem>>) offsets(%dma_start3A_64 : memref<128xi32, #tpu.memory_space<vmem>>) semaphore(%arg13 : memref<!tpu.dma_semaphore, #tpu.memory_space<semaphore_mem>>)
    %dma_start3A_70 = arith.constant 0 : i32
    %dma_start3A_71 = arith.constant 1 : i32
    %dma_start3A_72 = arith.constant 0 : i32
    %dma_start3A_73 = arith.constant 1 : i32
    %dma_start3A_74 = arith.constant 0 : i32
    %dma_start3A_75 = arith.constant 0 : i32
    %dma_start3A_76 = tpu.memref_slice %arg7[%dma_start3A_73, %dma_start3A_74, %dma_start3A_75] : memref<4x128x32xf32, #tpu.memory_space<vmem>> -> memref<1x128x32xf32, #tpu.memory_space<vmem>>
    %dma_start3A_77 = tpu.memref_squeeze %dma_start3A_76 : memref<1x128x32xf32, #tpu.memory_space<vmem>> -> memref<128x32xf32, #tpu.memory_space<vmem>>
    %dma_start3A_78 = arith.constant 0 : i32
    %dma_start3A_79 = tpu.memref_slice %arg6[%dma_start3A_70, %dma_start3A_71, %dma_start3A_72, %dma_start3A_78] : memref<2x4x2x128xi32, #tpu.memory_space<vmem>> -> memref<1x1x1x128xi32, #tpu.memory_space<vmem>>
    %dma_start3A_80 = tpu.memref_squeeze %dma_start3A_79 : memref<1x1x1x128xi32, #tpu.memory_space<vmem>> -> memref<128xi32, #tpu.memory_space<vmem>>
    %dma_start3A_81 = arith.constant 0 : i32
    %dma_start3A_82 = tpu.memref_slice %arg2[%arg0, %dma_start3A_81] : memref<100352x32xf32, #tpu.memory_space<hbm>> -> memref<100344x32xf32, #tpu.memory_space<hbm>>
    %dma_start3A_83 = arith.constant 0 : i32
    %dma_start3A_84 = arith.constant 0 : i32
    %dma_start3A_85 = tpu.memref_slice %dma_start3A_82[%dma_start3A_83, %dma_start3A_84] : memref<100344x32xf32, #tpu.memory_space<hbm>> -> memref<100344x32xf32, #tpu.memory_space<hbm>>
    tpu.enqueue_indirect_dma source(%dma_start3A_85 : memref<100344x32xf32, #tpu.memory_space<hbm>>) target(%dma_start3A_77 : memref<128x32xf32, #tpu.memory_space<vmem>>) offsets(%dma_start3A_80 : memref<128xi32, #tpu.memory_space<vmem>>) semaphore(%arg14 : memref<!tpu.dma_semaphore, #tpu.memory_space<semaphore_mem>>)
    %dma_start3A_86 = arith.constant 0 : i32
    %dma_start3A_87 = arith.constant 2 : i32
    %dma_start3A_88 = arith.constant 0 : i32
    %dma_start3A_89 = arith.constant 2 : i32
    %dma_start3A_90 = arith.constant 0 : i32
    %dma_start3A_91 = arith.constant 0 : i32
    %dma_start3A_92 = tpu.memref_slice %arg7[%dma_start3A_89, %dma_start3A_90, %dma_start3A_91] : memref<4x128x32xf32, #tpu.memory_space<vmem>> -> memref<1x128x32xf32, #tpu.memory_space<vmem>>
    %dma_start3A_93 = tpu.memref_squeeze %dma_start3A_92 : memref<1x128x32xf32, #tpu.memory_space<vmem>> -> memref<128x32xf32, #tpu.memory_space<vmem>>
    %dma_start3A_94 = arith.constant 0 : i32
    %dma_start3A_95 = tpu.memref_slice %arg6[%dma_start3A_86, %dma_start3A_87, %dma_start3A_88, %dma_start3A_94] : memref<2x4x2x128xi32, #tpu.memory_space<vmem>> -> memref<1x1x1x128xi32, #tpu.memory_space<vmem>>
    %dma_start3A_96 = tpu.memref_squeeze %dma_start3A_95 : memref<1x1x1x128xi32, #tpu.memory_space<vmem>> -> memref<128xi32, #tpu.memory_space<vmem>>
    %dma_start3A_97 = arith.constant 0 : i32
    %dma_start3A_98 = tpu.memref_slice %arg2[%arg0, %dma_start3A_97] : memref<100352x32xf32, #tpu.memory_space<hbm>> -> memref<100344x32xf32, #tpu.memory_space<hbm>>
    %dma_start3A_99 = arith.constant 0 : i32
    %dma_start3A_100 = arith.constant 0 : i32
    %dma_start3A_101 = tpu.memref_slice %dma_start3A_98[%dma_start3A_99, %dma_start3A_100] : memref<100344x32xf32, #tpu.memory_space<hbm>> -> memref<100344x32xf32, #tpu.memory_space<hbm>>
    tpu.enqueue_indirect_dma source(%dma_start3A_101 : memref<100344x32xf32, #tpu.memory_space<hbm>>) target(%dma_start3A_93 : memref<128x32xf32, #tpu.memory_space<vmem>>) offsets(%dma_start3A_96 : memref<128xi32, #tpu.memory_space<vmem>>) semaphore(%arg15 : memref<!tpu.dma_semaphore, #tpu.memory_space<semaphore_mem>>)
    %dma_start3A_102 = arith.constant 0 : i32
    %dma_start3A_103 = arith.constant 3 : i32
    %dma_start3A_104 = arith.constant 0 : i32
    %dma_start3A_105 = arith.constant 3 : i32
    %dma_start3A_106 = arith.constant 0 : i32
    %dma_start3A_107 = arith.constant 0 : i32
    %dma_start3A_108 = tpu.memref_slice %arg7[%dma_start3A_105, %dma_start3A_106, %dma_start3A_107] : memref<4x128x32xf32, #tpu.memory_space<vmem>> -> memref<1x128x32xf32, #tpu.memory_space<vmem>>
    %dma_start3A_109 = tpu.memref_squeeze %dma_start3A_108 : memref<1x128x32xf32, #tpu.memory_space<vmem>> -> memref<128x32xf32, #tpu.memory_space<vmem>>
    %dma_start3A_110 = arith.constant 0 : i32
    %dma_start3A_111 = tpu.memref_slice %arg6[%dma_start3A_102, %dma_start3A_103, %dma_start3A_104, %dma_start3A_110] : memref<2x4x2x128xi32, #tpu.memory_space<vmem>> -> memref<1x1x1x128xi32, #tpu.memory_space<vmem>>
    %dma_start3A_112 = tpu.memref_squeeze %dma_start3A_111 : memref<1x1x1x128xi32, #tpu.memory_space<vmem>> -> memref<128xi32, #tpu.memory_space<vmem>>
    %dma_start3A_113 = arith.constant 0 : i32
    %dma_start3A_114 = tpu.memref_slice %arg2[%arg0, %dma_start3A_113] : memref<100352x32xf32, #tpu.memory_space<hbm>> -> memref<100344x32xf32, #tpu.memory_space<hbm>>
    %dma_start3A_115 = arith.constant 0 : i32
    %dma_start3A_116 = arith.constant 0 : i32
    %dma_start3A_117 = tpu.memref_slice %dma_start3A_114[%dma_start3A_115, %dma_start3A_116] : memref<100344x32xf32, #tpu.memory_space<hbm>> -> memref<100344x32xf32, #tpu.memory_space<hbm>>
    tpu.enqueue_indirect_dma source(%dma_start3A_117 : memref<100344x32xf32, #tpu.memory_space<hbm>>) target(%dma_start3A_109 : memref<128x32xf32, #tpu.memory_space<vmem>>) offsets(%dma_start3A_112 : memref<128xi32, #tpu.memory_space<vmem>>) semaphore(%arg16 : memref<!tpu.dma_semaphore, #tpu.memory_space<semaphore_mem>>)
    %dma_start3A_118 = arith.constant 1 : i32
    %dma_start3A_119 = arith.constant 0 : i32
    %dma_start3A_120 = arith.constant 0 : i32
    %dma_start3A_121 = arith.constant 0 : i32
    %dma_start3A_122 = tpu.memref_slice %arg6[%dma_start3A_118, %dma_start3A_119, %dma_start3A_120, %dma_start3A_121] : memref<2x4x2x128xi32, #tpu.memory_space<vmem>> -> memref<1x4x2x128xi32, #tpu.memory_space<vmem>>
    %dma_start3A_123 = tpu.memref_squeeze %dma_start3A_122 : memref<1x4x2x128xi32, #tpu.memory_space<vmem>> -> memref<4x2x128xi32, #tpu.memory_space<vmem>>
    %dma_start3A_124 = arith.constant 4 : i32
    %dma_start3A_125 = arith.constant 0 : i32
    %dma_start3A_126 = arith.constant 0 : i32
    %dma_start3A_127 = tpu.memref_slice %arg3[%arg1, %dma_start3A_124, %dma_start3A_125, %dma_start3A_126] : memref<16x392x2x128xi32, #tpu.memory_space<hbm>> -> memref<1x4x2x128xi32, #tpu.memory_space<hbm>>
    %dma_start3A_128 = tpu.memref_squeeze %dma_start3A_127 : memref<1x4x2x128xi32, #tpu.memory_space<hbm>> -> memref<4x2x128xi32, #tpu.memory_space<hbm>>
    %dma_start3A_129 = arith.constant 0 : i32
    %dma_start3A_130 = arith.constant 0 : i32
    %dma_start3A_131 = arith.constant 0 : i32
    %dma_start3A_132 = tpu.memref_slice %arg6[%dma_start3A_118, %dma_start3A_129, %dma_start3A_130, %dma_start3A_131] : memref<2x4x2x128xi32, #tpu.memory_space<vmem>> -> memref<1x4x2x128xi32, #tpu.memory_space<vmem>>
    %dma_start3A_133 = tpu.memref_squeeze %dma_start3A_132 : memref<1x4x2x128xi32, #tpu.memory_space<vmem>> -> memref<4x2x128xi32, #tpu.memory_space<vmem>>
    %dma_start3A_134 = arith.constant 4 : i32
    %dma_start3A_135 = arith.constant 0 : i32
    %dma_start3A_136 = arith.constant 0 : i32
    %dma_start3A_137 = tpu.memref_slice %arg3[%arg1, %dma_start3A_134, %dma_start3A_135, %dma_start3A_136] : memref<16x392x2x128xi32, #tpu.memory_space<hbm>> -> memref<1x4x2x128xi32, #tpu.memory_space<hbm>>
    %dma_start3A_138 = tpu.memref_squeeze %dma_start3A_137 : memref<1x4x2x128xi32, #tpu.memory_space<hbm>> -> memref<4x2x128xi32, #tpu.memory_space<hbm>>
    tpu.enqueue_dma source(%dma_start3A_138 : memref<4x2x128xi32, #tpu.memory_space<hbm>>) target(%dma_start3A_133 : memref<4x2x128xi32, #tpu.memory_space<vmem>>) target_semaphore(%arg12 : memref<!tpu.dma_semaphore, #tpu.memory_space<semaphore_mem>>)
    %scan3A_139 = arith.constant 0 : i32
    %scan3A_140 = arith.constant 49 : i32
    %scan3A_141 = arith.addi %scan3A_139, %scan3A_140 : i32
    %scan3A_142 = arith.constant 1 : i32
    scf.for %scan3A_150 = %scan3A_139 to %scan3A_141 step %scan3A_142  : i32 {
      %mul3A_151 = arith.constant 2 : i32
      %mul3A_152 = arith.muli %mul3A_151, %scan3A_150 : i32
      %add3A_153 = arith.constant 1 : i32
      %add3A_154 = arith.addi %mul3A_152, %add3A_153 : i32
      %mul3A_155 = arith.constant 4 : i32
      %mul3A_156 = arith.muli %mul3A_155, %add3A_154 : i32
      %dma_wait3A_157 = arith.constant 1 : i32
      %dma_wait3A_158 = arith.constant 0 : i32
      %dma_wait3A_159 = arith.constant 0 : i32
      %dma_wait3A_160 = arith.constant 0 : i32
      %dma_wait3A_161 = tpu.memref_slice %arg6[%dma_wait3A_157, %dma_wait3A_158, %dma_wait3A_159, %dma_wait3A_160] : memref<2x4x2x128xi32, #tpu.memory_space<vmem>> -> memref<1x4x2x128xi32, #tpu.memory_space<vmem>>
      %dma_wait3A_162 = tpu.memref_squeeze %dma_wait3A_161 : memref<1x4x2x128xi32, #tpu.memory_space<vmem>> -> memref<4x2x128xi32, #tpu.memory_space<vmem>>
      %dma_wait3A_163 = arith.constant 0 : i32
      %dma_wait3A_164 = arith.constant 0 : i32
      %dma_wait3A_165 = tpu.memref_slice %arg3[%arg1, %mul3A_156, %dma_wait3A_163, %dma_wait3A_164] : memref<16x392x2x128xi32, #tpu.memory_space<hbm>> -> memref<1x4x2x128xi32, #tpu.memory_space<hbm>>
      %dma_wait3A_166 = tpu.memref_squeeze %dma_wait3A_165 : memref<1x4x2x128xi32, #tpu.memory_space<hbm>> -> memref<4x2x128xi32, #tpu.memory_space<hbm>>
      %dma_wait3A_167 = arith.constant 0 : i32
      %dma_wait3A_168 = arith.constant 0 : i32
      %dma_wait3A_169 = arith.constant 0 : i32
      %dma_wait3A_170 = tpu.memref_slice %arg6[%dma_wait3A_157, %dma_wait3A_167, %dma_wait3A_168, %dma_wait3A_169] : memref<2x4x2x128xi32, #tpu.memory_space<vmem>> -> memref<1x4x2x128xi32, #tpu.memory_space<vmem>>
      %dma_wait3A_171 = tpu.memref_squeeze %dma_wait3A_170 : memref<1x4x2x128xi32, #tpu.memory_space<vmem>> -> memref<4x2x128xi32, #tpu.memory_space<vmem>>
      %dma_wait3A_172 = arith.constant 0 : i32
      %dma_wait3A_173 = arith.constant 0 : i32
      %dma_wait3A_174 = tpu.memref_slice %arg3[%arg1, %mul3A_156, %dma_wait3A_172, %dma_wait3A_173] : memref<16x392x2x128xi32, #tpu.memory_space<hbm>> -> memref<1x4x2x128xi32, #tpu.memory_space<hbm>>
      %dma_wait3A_175 = tpu.memref_squeeze %dma_wait3A_174 : memref<1x4x2x128xi32, #tpu.memory_space<hbm>> -> memref<4x2x128xi32, #tpu.memory_space<hbm>>
      tpu.wait_dma2 semaphore(%arg12 : memref<!tpu.dma_semaphore, #tpu.memory_space<semaphore_mem>>) src(%dma_wait3A_175 : memref<4x2x128xi32, #tpu.memory_space<hbm>>) dst(%dma_wait3A_171 : memref<4x2x128xi32, #tpu.memory_space<vmem>>)
      %dma_wait3A_176 = arith.constant 0 : i32
      %dma_wait3A_177 = arith.constant 0 : i32
      %dma_wait3A_178 = arith.constant 0 : i32
      %dma_wait3A_179 = arith.constant 0 : i32
      %dma_wait3A_180 = arith.constant 0 : i32
      %dma_wait3A_181 = arith.constant 0 : i32
      %dma_wait3A_182 = tpu.memref_slice %arg7[%dma_wait3A_179, %dma_wait3A_180, %dma_wait3A_181] : memref<4x128x32xf32, #tpu.memory_space<vmem>> -> memref<1x128x32xf32, #tpu.memory_space<vmem>>
      %dma_wait3A_183 = tpu.memref_squeeze %dma_wait3A_182 : memref<1x128x32xf32, #tpu.memory_space<vmem>> -> memref<128x32xf32, #tpu.memory_space<vmem>>
      %dma_wait3A_184 = arith.constant 0 : i32
      %dma_wait3A_185 = tpu.memref_slice %arg6[%dma_wait3A_176, %dma_wait3A_177, %dma_wait3A_178, %dma_wait3A_184] : memref<2x4x2x128xi32, #tpu.memory_space<vmem>> -> memref<1x1x1x128xi32, #tpu.memory_space<vmem>>
      %dma_wait3A_186 = tpu.memref_squeeze %dma_wait3A_185 : memref<1x1x1x128xi32, #tpu.memory_space<vmem>> -> memref<128xi32, #tpu.memory_space<vmem>>
      %dma_wait3A_187 = arith.constant 0 : i32
      %dma_wait3A_188 = tpu.memref_slice %arg2[%arg0, %dma_wait3A_187] : memref<100352x32xf32, #tpu.memory_space<hbm>> -> memref<100344x32xf32, #tpu.memory_space<hbm>>
      %dma_wait3A_189 = arith.constant 0 : i32
      %dma_wait3A_190 = arith.constant 0 : i32
      %dma_wait3A_191 = tpu.memref_slice %dma_wait3A_188[%dma_wait3A_189, %dma_wait3A_190] : memref<100344x32xf32, #tpu.memory_space<hbm>> -> memref<100344x32xf32, #tpu.memory_space<hbm>>
      tpu.wait_indirect_dma semaphore(%arg13 : memref<!tpu.dma_semaphore, #tpu.memory_space<semaphore_mem>>) src(%dma_wait3A_191 : memref<100344x32xf32, #tpu.memory_space<hbm>>) dst(%dma_wait3A_183 : memref<128x32xf32, #tpu.memory_space<vmem>>)
      %dma_start3A_192 = arith.constant 0 : i32
      %dma_start3A_193 = arith.constant 0 : i32
      %dma_start3A_194 = arith.constant 0 : i32
      %dma_start3A_195 = arith.constant 1 : i32
      %dma_start3A_196 = arith.constant 0 : i32
      %dma_start3A_197 = arith.constant 0 : i32
      %dma_start3A_198 = tpu.memref_slice %arg7[%dma_start3A_192, %dma_start3A_196, %dma_start3A_197] : memref<4x128x32xf32, #tpu.memory_space<vmem>> -> memref<1x128x32xf32, #tpu.memory_space<vmem>>
      %dma_start3A_199 = tpu.memref_squeeze %dma_start3A_198 : memref<1x128x32xf32, #tpu.memory_space<vmem>> -> memref<128x32xf32, #tpu.memory_space<vmem>>
      %dma_start3A_200 = arith.constant 0 : i32
      %dma_start3A_201 = tpu.memref_slice %arg6[%dma_start3A_193, %dma_start3A_194, %dma_start3A_195, %dma_start3A_200] : memref<2x4x2x128xi32, #tpu.memory_space<vmem>> -> memref<1x1x1x128xi32, #tpu.memory_space<vmem>>
      %dma_start3A_202 = tpu.memref_squeeze %dma_start3A_201 : memref<1x1x1x128xi32, #tpu.memory_space<vmem>> -> memref<128xi32, #tpu.memory_space<vmem>>
      %dma_start3A_203 = arith.constant 0 : i32
      %dma_start3A_204 = arith.constant 0 : i32
      %dma_start3A_205 = tpu.memref_slice %arg10[%dma_start3A_203, %dma_start3A_204] : memref<50176x32xf32, #tpu.memory_space<vmem_shared>> -> memref<50176x32xf32, #tpu.memory_space<vmem_shared>>
      tpu.enqueue_indirect_dma source(%dma_start3A_199 : memref<128x32xf32, #tpu.memory_space<vmem>>) target(%dma_start3A_205 : memref<50176x32xf32, #tpu.memory_space<vmem_shared>>) offsets(%dma_start3A_202 : memref<128xi32, #tpu.memory_space<vmem>>) semaphore(%arg17 : memref<!tpu.dma_semaphore, #tpu.memory_space<semaphore_mem>>) {add = true}
      %dma_wait3A_206 = arith.constant 0 : i32
      %dma_wait3A_207 = arith.constant 1 : i32
      %dma_wait3A_208 = arith.constant 0 : i32
      %dma_wait3A_209 = arith.constant 1 : i32
      %dma_wait3A_210 = arith.constant 0 : i32
      %dma_wait3A_211 = arith.constant 0 : i32
      %dma_wait3A_212 = tpu.memref_slice %arg7[%dma_wait3A_209, %dma_wait3A_210, %dma_wait3A_211] : memref<4x128x32xf32, #tpu.memory_space<vmem>> -> memref<1x128x32xf32, #tpu.memory_space<vmem>>
      %dma_wait3A_213 = tpu.memref_squeeze %dma_wait3A_212 : memref<1x128x32xf32, #tpu.memory_space<vmem>> -> memref<128x32xf32, #tpu.memory_space<vmem>>
      %dma_wait3A_214 = arith.constant 0 : i32
      %dma_wait3A_215 = tpu.memref_slice %arg6[%dma_wait3A_206, %dma_wait3A_207, %dma_wait3A_208, %dma_wait3A_214] : memref<2x4x2x128xi32, #tpu.memory_space<vmem>> -> memref<1x1x1x128xi32, #tpu.memory_space<vmem>>
      %dma_wait3A_216 = tpu.memref_squeeze %dma_wait3A_215 : memref<1x1x1x128xi32, #tpu.memory_space<vmem>> -> memref<128xi32, #tpu.memory_space<vmem>>
      %dma_wait3A_217 = arith.constant 0 : i32
      %dma_wait3A_218 = tpu.memref_slice %arg2[%arg0, %dma_wait3A_217] : memref<100352x32xf32, #tpu.memory_space<hbm>> -> memref<100344x32xf32, #tpu.memory_space<hbm>>
      %dma_wait3A_219 = arith.constant 0 : i32
      %dma_wait3A_220 = arith.constant 0 : i32
      %dma_wait3A_221 = tpu.memref_slice %dma_wait3A_218[%dma_wait3A_219, %dma_wait3A_220] : memref<100344x32xf32, #tpu.memory_space<hbm>> -> memref<100344x32xf32, #tpu.memory_space<hbm>>
      tpu.wait_indirect_dma semaphore(%arg14 : memref<!tpu.dma_semaphore, #tpu.memory_space<semaphore_mem>>) src(%dma_wait3A_221 : memref<100344x32xf32, #tpu.memory_space<hbm>>) dst(%dma_wait3A_213 : memref<128x32xf32, #tpu.memory_space<vmem>>)
      %dma_start3A_222 = arith.constant 1 : i32
      %dma_start3A_223 = arith.constant 0 : i32
      %dma_start3A_224 = arith.constant 1 : i32
      %dma_start3A_225 = arith.constant 1 : i32
      %dma_start3A_226 = arith.constant 0 : i32
      %dma_start3A_227 = arith.constant 0 : i32
      %dma_start3A_228 = tpu.memref_slice %arg7[%dma_start3A_222, %dma_start3A_226, %dma_start3A_227] : memref<4x128x32xf32, #tpu.memory_space<vmem>> -> memref<1x128x32xf32, #tpu.memory_space<vmem>>
      %dma_start3A_229 = tpu.memref_squeeze %dma_start3A_228 : memref<1x128x32xf32, #tpu.memory_space<vmem>> -> memref<128x32xf32, #tpu.memory_space<vmem>>
      %dma_start3A_230 = arith.constant 0 : i32
      %dma_start3A_231 = tpu.memref_slice %arg6[%dma_start3A_223, %dma_start3A_224, %dma_start3A_225, %dma_start3A_230] : memref<2x4x2x128xi32, #tpu.memory_space<vmem>> -> memref<1x1x1x128xi32, #tpu.memory_space<vmem>>
      %dma_start3A_232 = tpu.memref_squeeze %dma_start3A_231 : memref<1x1x1x128xi32, #tpu.memory_space<vmem>> -> memref<128xi32, #tpu.memory_space<vmem>>
      %dma_start3A_233 = arith.constant 0 : i32
      %dma_start3A_234 = arith.constant 0 : i32
      %dma_start3A_235 = tpu.memref_slice %arg10[%dma_start3A_233, %dma_start3A_234] : memref<50176x32xf32, #tpu.memory_space<vmem_shared>> -> memref<50176x32xf32, #tpu.memory_space<vmem_shared>>
      tpu.enqueue_indirect_dma source(%dma_start3A_229 : memref<128x32xf32, #tpu.memory_space<vmem>>) target(%dma_start3A_235 : memref<50176x32xf32, #tpu.memory_space<vmem_shared>>) offsets(%dma_start3A_232 : memref<128xi32, #tpu.memory_space<vmem>>) semaphore(%arg17 : memref<!tpu.dma_semaphore, #tpu.memory_space<semaphore_mem>>) {add = true}
      %dma_wait3A_236 = arith.constant 0 : i32
      %dma_wait3A_237 = arith.constant 2 : i32
      %dma_wait3A_238 = arith.constant 0 : i32
      %dma_wait3A_239 = arith.constant 2 : i32
      %dma_wait3A_240 = arith.constant 0 : i32
      %dma_wait3A_241 = arith.constant 0 : i32
      %dma_wait3A_242 = tpu.memref_slice %arg7[%dma_wait3A_239, %dma_wait3A_240, %dma_wait3A_241] : memref<4x128x32xf32, #tpu.memory_space<vmem>> -> memref<1x128x32xf32, #tpu.memory_space<vmem>>
      %dma_wait3A_243 = tpu.memref_squeeze %dma_wait3A_242 : memref<1x128x32xf32, #tpu.memory_space<vmem>> -> memref<128x32xf32, #tpu.memory_space<vmem>>
      %dma_wait3A_244 = arith.constant 0 : i32
      %dma_wait3A_245 = tpu.memref_slice %arg6[%dma_wait3A_236, %dma_wait3A_237, %dma_wait3A_238, %dma_wait3A_244] : memref<2x4x2x128xi32, #tpu.memory_space<vmem>> -> memref<1x1x1x128xi32, #tpu.memory_space<vmem>>
      %dma_wait3A_246 = tpu.memref_squeeze %dma_wait3A_245 : memref<1x1x1x128xi32, #tpu.memory_space<vmem>> -> memref<128xi32, #tpu.memory_space<vmem>>
      %dma_wait3A_247 = arith.constant 0 : i32
      %dma_wait3A_248 = tpu.memref_slice %arg2[%arg0, %dma_wait3A_247] : memref<100352x32xf32, #tpu.memory_space<hbm>> -> memref<100344x32xf32, #tpu.memory_space<hbm>>
      %dma_wait3A_249 = arith.constant 0 : i32
      %dma_wait3A_250 = arith.constant 0 : i32
      %dma_wait3A_251 = tpu.memref_slice %dma_wait3A_248[%dma_wait3A_249, %dma_wait3A_250] : memref<100344x32xf32, #tpu.memory_space<hbm>> -> memref<100344x32xf32, #tpu.memory_space<hbm>>
      tpu.wait_indirect_dma semaphore(%arg15 : memref<!tpu.dma_semaphore, #tpu.memory_space<semaphore_mem>>) src(%dma_wait3A_251 : memref<100344x32xf32, #tpu.memory_space<hbm>>) dst(%dma_wait3A_243 : memref<128x32xf32, #tpu.memory_space<vmem>>)
      %dma_start3A_252 = arith.constant 2 : i32
      %dma_start3A_253 = arith.constant 0 : i32
      %dma_start3A_254 = arith.constant 2 : i32
      %dma_start3A_255 = arith.constant 1 : i32
      %dma_start3A_256 = arith.constant 0 : i32
      %dma_start3A_257 = arith.constant 0 : i32
      %dma_start3A_258 = tpu.memref_slice %arg7[%dma_start3A_252, %dma_start3A_256, %dma_start3A_257] : memref<4x128x32xf32, #tpu.memory_space<vmem>> -> memref<1x128x32xf32, #tpu.memory_space<vmem>>
      %dma_start3A_259 = tpu.memref_squeeze %dma_start3A_258 : memref<1x128x32xf32, #tpu.memory_space<vmem>> -> memref<128x32xf32, #tpu.memory_space<vmem>>
      %dma_start3A_260 = arith.constant 0 : i32
      %dma_start3A_261 = tpu.memref_slice %arg6[%dma_start3A_253, %dma_start3A_254, %dma_start3A_255, %dma_start3A_260] : memref<2x4x2x128xi32, #tpu.memory_space<vmem>> -> memref<1x1x1x128xi32, #tpu.memory_space<vmem>>
      %dma_start3A_262 = tpu.memref_squeeze %dma_start3A_261 : memref<1x1x1x128xi32, #tpu.memory_space<vmem>> -> memref<128xi32, #tpu.memory_space<vmem>>
      %dma_start3A_263 = arith.constant 0 : i32
      %dma_start3A_264 = arith.constant 0 : i32
      %dma_start3A_265 = tpu.memref_slice %arg10[%dma_start3A_263, %dma_start3A_264] : memref<50176x32xf32, #tpu.memory_space<vmem_shared>> -> memref<50176x32xf32, #tpu.memory_space<vmem_shared>>
      tpu.enqueue_indirect_dma source(%dma_start3A_259 : memref<128x32xf32, #tpu.memory_space<vmem>>) target(%dma_start3A_265 : memref<50176x32xf32, #tpu.memory_space<vmem_shared>>) offsets(%dma_start3A_262 : memref<128xi32, #tpu.memory_space<vmem>>) semaphore(%arg17 : memref<!tpu.dma_semaphore, #tpu.memory_space<semaphore_mem>>) {add = true}
      %dma_wait3A_266 = arith.constant 0 : i32
      %dma_wait3A_267 = arith.constant 3 : i32
      %dma_wait3A_268 = arith.constant 0 : i32
      %dma_wait3A_269 = arith.constant 3 : i32
      %dma_wait3A_270 = arith.constant 0 : i32
      %dma_wait3A_271 = arith.constant 0 : i32
      %dma_wait3A_272 = tpu.memref_slice %arg7[%dma_wait3A_269, %dma_wait3A_270, %dma_wait3A_271] : memref<4x128x32xf32, #tpu.memory_space<vmem>> -> memref<1x128x32xf32, #tpu.memory_space<vmem>>
      %dma_wait3A_273 = tpu.memref_squeeze %dma_wait3A_272 : memref<1x128x32xf32, #tpu.memory_space<vmem>> -> memref<128x32xf32, #tpu.memory_space<vmem>>
      %dma_wait3A_274 = arith.constant 0 : i32
      %dma_wait3A_275 = tpu.memref_slice %arg6[%dma_wait3A_266, %dma_wait3A_267, %dma_wait3A_268, %dma_wait3A_274] : memref<2x4x2x128xi32, #tpu.memory_space<vmem>> -> memref<1x1x1x128xi32, #tpu.memory_space<vmem>>
      %dma_wait3A_276 = tpu.memref_squeeze %dma_wait3A_275 : memref<1x1x1x128xi32, #tpu.memory_space<vmem>> -> memref<128xi32, #tpu.memory_space<vmem>>
      %dma_wait3A_277 = arith.constant 0 : i32
      %dma_wait3A_278 = tpu.memref_slice %arg2[%arg0, %dma_wait3A_277] : memref<100352x32xf32, #tpu.memory_space<hbm>> -> memref<100344x32xf32, #tpu.memory_space<hbm>>
      %dma_wait3A_279 = arith.constant 0 : i32
      %dma_wait3A_280 = arith.constant 0 : i32
      %dma_wait3A_281 = tpu.memref_slice %dma_wait3A_278[%dma_wait3A_279, %dma_wait3A_280] : memref<100344x32xf32, #tpu.memory_space<hbm>> -> memref<100344x32xf32, #tpu.memory_space<hbm>>
      tpu.wait_indirect_dma semaphore(%arg16 : memref<!tpu.dma_semaphore, #tpu.memory_space<semaphore_mem>>) src(%dma_wait3A_281 : memref<100344x32xf32, #tpu.memory_space<hbm>>) dst(%dma_wait3A_273 : memref<128x32xf32, #tpu.memory_space<vmem>>)
      %dma_start3A_282 = arith.constant 3 : i32
      %dma_start3A_283 = arith.constant 0 : i32
      %dma_start3A_284 = arith.constant 3 : i32
      %dma_start3A_285 = arith.constant 1 : i32
      %dma_start3A_286 = arith.constant 0 : i32
      %dma_start3A_287 = arith.constant 0 : i32
      %dma_start3A_288 = tpu.memref_slice %arg7[%dma_start3A_282, %dma_start3A_286, %dma_start3A_287] : memref<4x128x32xf32, #tpu.memory_space<vmem>> -> memref<1x128x32xf32, #tpu.memory_space<vmem>>
      %dma_start3A_289 = tpu.memref_squeeze %dma_start3A_288 : memref<1x128x32xf32, #tpu.memory_space<vmem>> -> memref<128x32xf32, #tpu.memory_space<vmem>>
      %dma_start3A_290 = arith.constant 0 : i32
      %dma_start3A_291 = tpu.memref_slice %arg6[%dma_start3A_283, %dma_start3A_284, %dma_start3A_285, %dma_start3A_290] : memref<2x4x2x128xi32, #tpu.memory_space<vmem>> -> memref<1x1x1x128xi32, #tpu.memory_space<vmem>>
      %dma_start3A_292 = tpu.memref_squeeze %dma_start3A_291 : memref<1x1x1x128xi32, #tpu.memory_space<vmem>> -> memref<128xi32, #tpu.memory_space<vmem>>
      %dma_start3A_293 = arith.constant 0 : i32
      %dma_start3A_294 = arith.constant 0 : i32
      %dma_start3A_295 = tpu.memref_slice %arg10[%dma_start3A_293, %dma_start3A_294] : memref<50176x32xf32, #tpu.memory_space<vmem_shared>> -> memref<50176x32xf32, #tpu.memory_space<vmem_shared>>
      tpu.enqueue_indirect_dma source(%dma_start3A_289 : memref<128x32xf32, #tpu.memory_space<vmem>>) target(%dma_start3A_295 : memref<50176x32xf32, #tpu.memory_space<vmem_shared>>) offsets(%dma_start3A_292 : memref<128xi32, #tpu.memory_space<vmem>>) semaphore(%arg17 : memref<!tpu.dma_semaphore, #tpu.memory_space<semaphore_mem>>) {add = true}
      %dma_wait3A_296 = arith.constant 0 : i32
      %dma_wait3A_297 = arith.constant 0 : i32
      %dma_wait3A_298 = arith.constant 0 : i32
      %dma_wait3A_299 = arith.constant 1 : i32
      %dma_wait3A_300 = arith.constant 0 : i32
      %dma_wait3A_301 = arith.constant 0 : i32
      %dma_wait3A_302 = tpu.memref_slice %arg7[%dma_wait3A_296, %dma_wait3A_300, %dma_wait3A_301] : memref<4x128x32xf32, #tpu.memory_space<vmem>> -> memref<1x128x32xf32, #tpu.memory_space<vmem>>
      %dma_wait3A_303 = tpu.memref_squeeze %dma_wait3A_302 : memref<1x128x32xf32, #tpu.memory_space<vmem>> -> memref<128x32xf32, #tpu.memory_space<vmem>>
      %dma_wait3A_304 = arith.constant 0 : i32
      %dma_wait3A_305 = tpu.memref_slice %arg6[%dma_wait3A_297, %dma_wait3A_298, %dma_wait3A_299, %dma_wait3A_304] : memref<2x4x2x128xi32, #tpu.memory_space<vmem>> -> memref<1x1x1x128xi32, #tpu.memory_space<vmem>>
      %dma_wait3A_306 = tpu.memref_squeeze %dma_wait3A_305 : memref<1x1x1x128xi32, #tpu.memory_space<vmem>> -> memref<128xi32, #tpu.memory_space<vmem>>
      %dma_wait3A_307 = arith.constant 0 : i32
      %dma_wait3A_308 = arith.constant 0 : i32
      %dma_wait3A_309 = tpu.memref_slice %arg10[%dma_wait3A_307, %dma_wait3A_308] : memref<50176x32xf32, #tpu.memory_space<vmem_shared>> -> memref<50176x32xf32, #tpu.memory_space<vmem_shared>>
      tpu.wait_indirect_dma semaphore(%arg17 : memref<!tpu.dma_semaphore, #tpu.memory_space<semaphore_mem>>) src(%dma_wait3A_303 : memref<128x32xf32, #tpu.memory_space<vmem>>) dst(%dma_wait3A_309 : memref<50176x32xf32, #tpu.memory_space<vmem_shared>>)
      %dma_wait3A_310 = arith.constant 1 : i32
      %dma_wait3A_311 = arith.constant 0 : i32
      %dma_wait3A_312 = arith.constant 1 : i32
      %dma_wait3A_313 = arith.constant 1 : i32
      %dma_wait3A_314 = arith.constant 0 : i32
      %dma_wait3A_315 = arith.constant 0 : i32
      %dma_wait3A_316 = tpu.memref_slice %arg7[%dma_wait3A_310, %dma_wait3A_314, %dma_wait3A_315] : memref<4x128x32xf32, #tpu.memory_space<vmem>> -> memref<1x128x32xf32, #tpu.memory_space<vmem>>
      %dma_wait3A_317 = tpu.memref_squeeze %dma_wait3A_316 : memref<1x128x32xf32, #tpu.memory_space<vmem>> -> memref<128x32xf32, #tpu.memory_space<vmem>>
      %dma_wait3A_318 = arith.constant 0 : i32
      %dma_wait3A_319 = tpu.memref_slice %arg6[%dma_wait3A_311, %dma_wait3A_312, %dma_wait3A_313, %dma_wait3A_318] : memref<2x4x2x128xi32, #tpu.memory_space<vmem>> -> memref<1x1x1x128xi32, #tpu.memory_space<vmem>>
      %dma_wait3A_320 = tpu.memref_squeeze %dma_wait3A_319 : memref<1x1x1x128xi32, #tpu.memory_space<vmem>> -> memref<128xi32, #tpu.memory_space<vmem>>
      %dma_wait3A_321 = arith.constant 0 : i32
      %dma_wait3A_322 = arith.constant 0 : i32
      %dma_wait3A_323 = tpu.memref_slice %arg10[%dma_wait3A_321, %dma_wait3A_322] : memref<50176x32xf32, #tpu.memory_space<vmem_shared>> -> memref<50176x32xf32, #tpu.memory_space<vmem_shared>>
      tpu.wait_indirect_dma semaphore(%arg17 : memref<!tpu.dma_semaphore, #tpu.memory_space<semaphore_mem>>) src(%dma_wait3A_317 : memref<128x32xf32, #tpu.memory_space<vmem>>) dst(%dma_wait3A_323 : memref<50176x32xf32, #tpu.memory_space<vmem_shared>>)
      %dma_wait3A_324 = arith.constant 2 : i32
      %dma_wait3A_325 = arith.constant 0 : i32
      %dma_wait3A_326 = arith.constant 2 : i32
      %dma_wait3A_327 = arith.constant 1 : i32
      %dma_wait3A_328 = arith.constant 0 : i32
      %dma_wait3A_329 = arith.constant 0 : i32
      %dma_wait3A_330 = tpu.memref_slice %arg7[%dma_wait3A_324, %dma_wait3A_328, %dma_wait3A_329] : memref<4x128x32xf32, #tpu.memory_space<vmem>> -> memref<1x128x32xf32, #tpu.memory_space<vmem>>
      %dma_wait3A_331 = tpu.memref_squeeze %dma_wait3A_330 : memref<1x128x32xf32, #tpu.memory_space<vmem>> -> memref<128x32xf32, #tpu.memory_space<vmem>>
      %dma_wait3A_332 = arith.constant 0 : i32
      %dma_wait3A_333 = tpu.memref_slice %arg6[%dma_wait3A_325, %dma_wait3A_326, %dma_wait3A_327, %dma_wait3A_332] : memref<2x4x2x128xi32, #tpu.memory_space<vmem>> -> memref<1x1x1x128xi32, #tpu.memory_space<vmem>>
      %dma_wait3A_334 = tpu.memref_squeeze %dma_wait3A_333 : memref<1x1x1x128xi32, #tpu.memory_space<vmem>> -> memref<128xi32, #tpu.memory_space<vmem>>
      %dma_wait3A_335 = arith.constant 0 : i32
      %dma_wait3A_336 = arith.constant 0 : i32
      %dma_wait3A_337 = tpu.memref_slice %arg10[%dma_wait3A_335, %dma_wait3A_336] : memref<50176x32xf32, #tpu.memory_space<vmem_shared>> -> memref<50176x32xf32, #tpu.memory_space<vmem_shared>>
      tpu.wait_indirect_dma semaphore(%arg17 : memref<!tpu.dma_semaphore, #tpu.memory_space<semaphore_mem>>) src(%dma_wait3A_331 : memref<128x32xf32, #tpu.memory_space<vmem>>) dst(%dma_wait3A_337 : memref<50176x32xf32, #tpu.memory_space<vmem_shared>>)
      %dma_wait3A_338 = arith.constant 3 : i32
      %dma_wait3A_339 = arith.constant 0 : i32
      %dma_wait3A_340 = arith.constant 3 : i32
      %dma_wait3A_341 = arith.constant 1 : i32
      %dma_wait3A_342 = arith.constant 0 : i32
      %dma_wait3A_343 = arith.constant 0 : i32
      %dma_wait3A_344 = tpu.memref_slice %arg7[%dma_wait3A_338, %dma_wait3A_342, %dma_wait3A_343] : memref<4x128x32xf32, #tpu.memory_space<vmem>> -> memref<1x128x32xf32, #tpu.memory_space<vmem>>
      %dma_wait3A_345 = tpu.memref_squeeze %dma_wait3A_344 : memref<1x128x32xf32, #tpu.memory_space<vmem>> -> memref<128x32xf32, #tpu.memory_space<vmem>>
      %dma_wait3A_346 = arith.constant 0 : i32
      %dma_wait3A_347 = tpu.memref_slice %arg6[%dma_wait3A_339, %dma_wait3A_340, %dma_wait3A_341, %dma_wait3A_346] : memref<2x4x2x128xi32, #tpu.memory_space<vmem>> -> memref<1x1x1x128xi32, #tpu.memory_space<vmem>>
      %dma_wait3A_348 = tpu.memref_squeeze %dma_wait3A_347 : memref<1x1x1x128xi32, #tpu.memory_space<vmem>> -> memref<128xi32, #tpu.memory_space<vmem>>
      %dma_wait3A_349 = arith.constant 0 : i32
      %dma_wait3A_350 = arith.constant 0 : i32
      %dma_wait3A_351 = tpu.memref_slice %arg10[%dma_wait3A_349, %dma_wait3A_350] : memref<50176x32xf32, #tpu.memory_space<vmem_shared>> -> memref<50176x32xf32, #tpu.memory_space<vmem_shared>>
      tpu.wait_indirect_dma semaphore(%arg17 : memref<!tpu.dma_semaphore, #tpu.memory_space<semaphore_mem>>) src(%dma_wait3A_345 : memref<128x32xf32, #tpu.memory_space<vmem>>) dst(%dma_wait3A_351 : memref<50176x32xf32, #tpu.memory_space<vmem_shared>>)
      %dma_start3A_352 = arith.constant 1 : i32
      %dma_start3A_353 = arith.constant 0 : i32
      %dma_start3A_354 = arith.constant 0 : i32
      %dma_start3A_355 = arith.constant 0 : i32
      %dma_start3A_356 = arith.constant 0 : i32
      %dma_start3A_357 = arith.constant 0 : i32
      %dma_start3A_358 = tpu.memref_slice %arg7[%dma_start3A_355, %dma_start3A_356, %dma_start3A_357] : memref<4x128x32xf32, #tpu.memory_space<vmem>> -> memref<1x128x32xf32, #tpu.memory_space<vmem>>
      %dma_start3A_359 = tpu.memref_squeeze %dma_start3A_358 : memref<1x128x32xf32, #tpu.memory_space<vmem>> -> memref<128x32xf32, #tpu.memory_space<vmem>>
      %dma_start3A_360 = arith.constant 0 : i32
      %dma_start3A_361 = tpu.memref_slice %arg6[%dma_start3A_352, %dma_start3A_353, %dma_start3A_354, %dma_start3A_360] : memref<2x4x2x128xi32, #tpu.memory_space<vmem>> -> memref<1x1x1x128xi32, #tpu.memory_space<vmem>>
      %dma_start3A_362 = tpu.memref_squeeze %dma_start3A_361 : memref<1x1x1x128xi32, #tpu.memory_space<vmem>> -> memref<128xi32, #tpu.memory_space<vmem>>
      %dma_start3A_363 = arith.constant 0 : i32
      %dma_start3A_364 = tpu.memref_slice %arg2[%arg0, %dma_start3A_363] : memref<100352x32xf32, #tpu.memory_space<hbm>> -> memref<100344x32xf32, #tpu.memory_space<hbm>>
      %dma_start3A_365 = arith.constant 0 : i32
      %dma_start3A_366 = arith.constant 0 : i32
      %dma_start3A_367 = tpu.memref_slice %dma_start3A_364[%dma_start3A_365, %dma_start3A_366] : memref<100344x32xf32, #tpu.memory_space<hbm>> -> memref<100344x32xf32, #tpu.memory_space<hbm>>
      tpu.enqueue_indirect_dma source(%dma_start3A_367 : memref<100344x32xf32, #tpu.memory_space<hbm>>) target(%dma_start3A_359 : memref<128x32xf32, #tpu.memory_space<vmem>>) offsets(%dma_start3A_362 : memref<128xi32, #tpu.memory_space<vmem>>) semaphore(%arg13 : memref<!tpu.dma_semaphore, #tpu.memory_space<semaphore_mem>>)
      %dma_start3A_368 = arith.constant 1 : i32
      %dma_start3A_369 = arith.constant 1 : i32
      %dma_start3A_370 = arith.constant 0 : i32
      %dma_start3A_371 = arith.constant 1 : i32
      %dma_start3A_372 = arith.constant 0 : i32
      %dma_start3A_373 = arith.constant 0 : i32
      %dma_start3A_374 = tpu.memref_slice %arg7[%dma_start3A_371, %dma_start3A_372, %dma_start3A_373] : memref<4x128x32xf32, #tpu.memory_space<vmem>> -> memref<1x128x32xf32, #tpu.memory_space<vmem>>
      %dma_start3A_375 = tpu.memref_squeeze %dma_start3A_374 : memref<1x128x32xf32, #tpu.memory_space<vmem>> -> memref<128x32xf32, #tpu.memory_space<vmem>>
      %dma_start3A_376 = arith.constant 0 : i32
      %dma_start3A_377 = tpu.memref_slice %arg6[%dma_start3A_368, %dma_start3A_369, %dma_start3A_370, %dma_start3A_376] : memref<2x4x2x128xi32, #tpu.memory_space<vmem>> -> memref<1x1x1x128xi32, #tpu.memory_space<vmem>>
      %dma_start3A_378 = tpu.memref_squeeze %dma_start3A_377 : memref<1x1x1x128xi32, #tpu.memory_space<vmem>> -> memref<128xi32, #tpu.memory_space<vmem>>
      %dma_start3A_379 = arith.constant 0 : i32
      %dma_start3A_380 = tpu.memref_slice %arg2[%arg0, %dma_start3A_379] : memref<100352x32xf32, #tpu.memory_space<hbm>> -> memref<100344x32xf32, #tpu.memory_space<hbm>>
      %dma_start3A_381 = arith.constant 0 : i32
      %dma_start3A_382 = arith.constant 0 : i32
      %dma_start3A_383 = tpu.memref_slice %dma_start3A_380[%dma_start3A_381, %dma_start3A_382] : memref<100344x32xf32, #tpu.memory_space<hbm>> -> memref<100344x32xf32, #tpu.memory_space<hbm>>
      tpu.enqueue_indirect_dma source(%dma_start3A_383 : memref<100344x32xf32, #tpu.memory_space<hbm>>) target(%dma_start3A_375 : memref<128x32xf32, #tpu.memory_space<vmem>>) offsets(%dma_start3A_378 : memref<128xi32, #tpu.memory_space<vmem>>) semaphore(%arg14 : memref<!tpu.dma_semaphore, #tpu.memory_space<semaphore_mem>>)
      %dma_start3A_384 = arith.constant 1 : i32
      %dma_start3A_385 = arith.constant 2 : i32
      %dma_start3A_386 = arith.constant 0 : i32
      %dma_start3A_387 = arith.constant 2 : i32
      %dma_start3A_388 = arith.constant 0 : i32
      %dma_start3A_389 = arith.constant 0 : i32
      %dma_start3A_390 = tpu.memref_slice %arg7[%dma_start3A_387, %dma_start3A_388, %dma_start3A_389] : memref<4x128x32xf32, #tpu.memory_space<vmem>> -> memref<1x128x32xf32, #tpu.memory_space<vmem>>
      %dma_start3A_391 = tpu.memref_squeeze %dma_start3A_390 : memref<1x128x32xf32, #tpu.memory_space<vmem>> -> memref<128x32xf32, #tpu.memory_space<vmem>>
      %dma_start3A_392 = arith.constant 0 : i32
      %dma_start3A_393 = tpu.memref_slice %arg6[%dma_start3A_384, %dma_start3A_385, %dma_start3A_386, %dma_start3A_392] : memref<2x4x2x128xi32, #tpu.memory_space<vmem>> -> memref<1x1x1x128xi32, #tpu.memory_space<vmem>>
      %dma_start3A_394 = tpu.memref_squeeze %dma_start3A_393 : memref<1x1x1x128xi32, #tpu.memory_space<vmem>> -> memref<128xi32, #tpu.memory_space<vmem>>
      %dma_start3A_395 = arith.constant 0 : i32
      %dma_start3A_396 = tpu.memref_slice %arg2[%arg0, %dma_start3A_395] : memref<100352x32xf32, #tpu.memory_space<hbm>> -> memref<100344x32xf32, #tpu.memory_space<hbm>>
      %dma_start3A_397 = arith.constant 0 : i32
      %dma_start3A_398 = arith.constant 0 : i32
      %dma_start3A_399 = tpu.memref_slice %dma_start3A_396[%dma_start3A_397, %dma_start3A_398] : memref<100344x32xf32, #tpu.memory_space<hbm>> -> memref<100344x32xf32, #tpu.memory_space<hbm>>
      tpu.enqueue_indirect_dma source(%dma_start3A_399 : memref<100344x32xf32, #tpu.memory_space<hbm>>) target(%dma_start3A_391 : memref<128x32xf32, #tpu.memory_space<vmem>>) offsets(%dma_start3A_394 : memref<128xi32, #tpu.memory_space<vmem>>) semaphore(%arg15 : memref<!tpu.dma_semaphore, #tpu.memory_space<semaphore_mem>>)
      %dma_start3A_400 = arith.constant 1 : i32
      %dma_start3A_401 = arith.constant 3 : i32
      %dma_start3A_402 = arith.constant 0 : i32
      %dma_start3A_403 = arith.constant 3 : i32
      %dma_start3A_404 = arith.constant 0 : i32
      %dma_start3A_405 = arith.constant 0 : i32
      %dma_start3A_406 = tpu.memref_slice %arg7[%dma_start3A_403, %dma_start3A_404, %dma_start3A_405] : memref<4x128x32xf32, #tpu.memory_space<vmem>> -> memref<1x128x32xf32, #tpu.memory_space<vmem>>
      %dma_start3A_407 = tpu.memref_squeeze %dma_start3A_406 : memref<1x128x32xf32, #tpu.memory_space<vmem>> -> memref<128x32xf32, #tpu.memory_space<vmem>>
      %dma_start3A_408 = arith.constant 0 : i32
      %dma_start3A_409 = tpu.memref_slice %arg6[%dma_start3A_400, %dma_start3A_401, %dma_start3A_402, %dma_start3A_408] : memref<2x4x2x128xi32, #tpu.memory_space<vmem>> -> memref<1x1x1x128xi32, #tpu.memory_space<vmem>>
      %dma_start3A_410 = tpu.memref_squeeze %dma_start3A_409 : memref<1x1x1x128xi32, #tpu.memory_space<vmem>> -> memref<128xi32, #tpu.memory_space<vmem>>
      %dma_start3A_411 = arith.constant 0 : i32
      %dma_start3A_412 = tpu.memref_slice %arg2[%arg0, %dma_start3A_411] : memref<100352x32xf32, #tpu.memory_space<hbm>> -> memref<100344x32xf32, #tpu.memory_space<hbm>>
      %dma_start3A_413 = arith.constant 0 : i32
      %dma_start3A_414 = arith.constant 0 : i32
      %dma_start3A_415 = tpu.memref_slice %dma_start3A_412[%dma_start3A_413, %dma_start3A_414] : memref<100344x32xf32, #tpu.memory_space<hbm>> -> memref<100344x32xf32, #tpu.memory_space<hbm>>
      tpu.enqueue_indirect_dma source(%dma_start3A_415 : memref<100344x32xf32, #tpu.memory_space<hbm>>) target(%dma_start3A_407 : memref<128x32xf32, #tpu.memory_space<vmem>>) offsets(%dma_start3A_410 : memref<128xi32, #tpu.memory_space<vmem>>) semaphore(%arg16 : memref<!tpu.dma_semaphore, #tpu.memory_space<semaphore_mem>>)
      %add3A_416 = arith.constant 2 : i32
      %add3A_417 = arith.addi %mul3A_152, %add3A_416 : i32
      %lt3A = arith.constant 98 : i32
      %lt3A_418 = arith.cmpi slt, %add3A_417, %lt3A : i32
      %convert_element_type3A = arith.extui %lt3A_418 : i1 to i32
      %cond3A = arith.constant 0 : i32
      %cond3A_419 = arith.cmpi ne, %convert_element_type3A, %cond3A : i32
      scf.if %cond3A_419 {
        %add3A_610 = arith.constant 2 : i32
        %add3A_611 = arith.addi %mul3A_152, %add3A_610 : i32
        %mul3A_612 = arith.constant 4 : i32
        %mul3A_613 = arith.muli %mul3A_612, %add3A_611 : i32
        %dma_start3A_614 = arith.constant 0 : i32
        %dma_start3A_615 = arith.constant 0 : i32
        %dma_start3A_616 = arith.constant 0 : i32
        %dma_start3A_617 = arith.constant 0 : i32
        %dma_start3A_618 = tpu.memref_slice %arg6[%dma_start3A_614, %dma_start3A_615, %dma_start3A_616, %dma_start3A_617] : memref<2x4x2x128xi32, #tpu.memory_space<vmem>> -> memref<1x4x2x128xi32, #tpu.memory_space<vmem>>
        %dma_start3A_619 = tpu.memref_squeeze %dma_start3A_618 : memref<1x4x2x128xi32, #tpu.memory_space<vmem>> -> memref<4x2x128xi32, #tpu.memory_space<vmem>>
        %dma_start3A_620 = arith.constant 0 : i32
        %dma_start3A_621 = arith.constant 0 : i32
        %dma_start3A_622 = tpu.memref_slice %arg3[%arg1, %mul3A_613, %dma_start3A_620, %dma_start3A_621] : memref<16x392x2x128xi32, #tpu.memory_space<hbm>> -> memref<1x4x2x128xi32, #tpu.memory_space<hbm>>
        %dma_start3A_623 = tpu.memref_squeeze %dma_start3A_622 : memref<1x4x2x128xi32, #tpu.memory_space<hbm>> -> memref<4x2x128xi32, #tpu.memory_space<hbm>>
        %dma_start3A_624 = arith.constant 0 : i32
        %dma_start3A_625 = arith.constant 0 : i32
        %dma_start3A_626 = arith.constant 0 : i32
        %dma_start3A_627 = tpu.memref_slice %arg6[%dma_start3A_614, %dma_start3A_624, %dma_start3A_625, %dma_start3A_626] : memref<2x4x2x128xi32, #tpu.memory_space<vmem>> -> memref<1x4x2x128xi32, #tpu.memory_space<vmem>>
        %dma_start3A_628 = tpu.memref_squeeze %dma_start3A_627 : memref<1x4x2x128xi32, #tpu.memory_space<vmem>> -> memref<4x2x128xi32, #tpu.memory_space<vmem>>
        %dma_start3A_629 = arith.constant 0 : i32
        %dma_start3A_630 = arith.constant 0 : i32
        %dma_start3A_631 = tpu.memref_slice %arg3[%arg1, %mul3A_613, %dma_start3A_629, %dma_start3A_630] : memref<16x392x2x128xi32, #tpu.memory_space<hbm>> -> memref<1x4x2x128xi32, #tpu.memory_space<hbm>>
        %dma_start3A_632 = tpu.memref_squeeze %dma_start3A_631 : memref<1x4x2x128xi32, #tpu.memory_space<hbm>> -> memref<4x2x128xi32, #tpu.memory_space<hbm>>
        tpu.enqueue_dma source(%dma_start3A_632 : memref<4x2x128xi32, #tpu.memory_space<hbm>>) target(%dma_start3A_628 : memref<4x2x128xi32, #tpu.memory_space<vmem>>) target_semaphore(%arg11 : memref<!tpu.dma_semaphore, #tpu.memory_space<semaphore_mem>>)
      } else {
      }
      %dma_wait3A_420 = arith.constant 1 : i32
      %dma_wait3A_421 = arith.constant 0 : i32
      %dma_wait3A_422 = arith.constant 0 : i32
      %dma_wait3A_423 = arith.constant 0 : i32
      %dma_wait3A_424 = arith.constant 0 : i32
      %dma_wait3A_425 = arith.constant 0 : i32
      %dma_wait3A_426 = tpu.memref_slice %arg7[%dma_wait3A_423, %dma_wait3A_424, %dma_wait3A_425] : memref<4x128x32xf32, #tpu.memory_space<vmem>> -> memref<1x128x32xf32, #tpu.memory_space<vmem>>
      %dma_wait3A_427 = tpu.memref_squeeze %dma_wait3A_426 : memref<1x128x32xf32, #tpu.memory_space<vmem>> -> memref<128x32xf32, #tpu.memory_space<vmem>>
      %dma_wait3A_428 = arith.constant 0 : i32
      %dma_wait3A_429 = tpu.memref_slice %arg6[%dma_wait3A_420, %dma_wait3A_421, %dma_wait3A_422, %dma_wait3A_428] : memref<2x4x2x128xi32, #tpu.memory_space<vmem>> -> memref<1x1x1x128xi32, #tpu.memory_space<vmem>>
      %dma_wait3A_430 = tpu.memref_squeeze %dma_wait3A_429 : memref<1x1x1x128xi32, #tpu.memory_space<vmem>> -> memref<128xi32, #tpu.memory_space<vmem>>
      %dma_wait3A_431 = arith.constant 0 : i32
      %dma_wait3A_432 = tpu.memref_slice %arg2[%arg0, %dma_wait3A_431] : memref<100352x32xf32, #tpu.memory_space<hbm>> -> memref<100344x32xf32, #tpu.memory_space<hbm>>
      %dma_wait3A_433 = arith.constant 0 : i32
      %dma_wait3A_434 = arith.constant 0 : i32
      %dma_wait3A_435 = tpu.memref_slice %dma_wait3A_432[%dma_wait3A_433, %dma_wait3A_434] : memref<100344x32xf32, #tpu.memory_space<hbm>> -> memref<100344x32xf32, #tpu.memory_space<hbm>>
      tpu.wait_indirect_dma semaphore(%arg13 : memref<!tpu.dma_semaphore, #tpu.memory_space<semaphore_mem>>) src(%dma_wait3A_435 : memref<100344x32xf32, #tpu.memory_space<hbm>>) dst(%dma_wait3A_427 : memref<128x32xf32, #tpu.memory_space<vmem>>)
      %dma_start3A_436 = arith.constant 0 : i32
      %dma_start3A_437 = arith.constant 1 : i32
      %dma_start3A_438 = arith.constant 0 : i32
      %dma_start3A_439 = arith.constant 1 : i32
      %dma_start3A_440 = arith.constant 0 : i32
      %dma_start3A_441 = arith.constant 0 : i32
      %dma_start3A_442 = tpu.memref_slice %arg7[%dma_start3A_436, %dma_start3A_440, %dma_start3A_441] : memref<4x128x32xf32, #tpu.memory_space<vmem>> -> memref<1x128x32xf32, #tpu.memory_space<vmem>>
      %dma_start3A_443 = tpu.memref_squeeze %dma_start3A_442 : memref<1x128x32xf32, #tpu.memory_space<vmem>> -> memref<128x32xf32, #tpu.memory_space<vmem>>
      %dma_start3A_444 = arith.constant 0 : i32
      %dma_start3A_445 = tpu.memref_slice %arg6[%dma_start3A_437, %dma_start3A_438, %dma_start3A_439, %dma_start3A_444] : memref<2x4x2x128xi32, #tpu.memory_space<vmem>> -> memref<1x1x1x128xi32, #tpu.memory_space<vmem>>
      %dma_start3A_446 = tpu.memref_squeeze %dma_start3A_445 : memref<1x1x1x128xi32, #tpu.memory_space<vmem>> -> memref<128xi32, #tpu.memory_space<vmem>>
      %dma_start3A_447 = arith.constant 0 : i32
      %dma_start3A_448 = arith.constant 0 : i32
      %dma_start3A_449 = tpu.memref_slice %arg10[%dma_start3A_447, %dma_start3A_448] : memref<50176x32xf32, #tpu.memory_space<vmem_shared>> -> memref<50176x32xf32, #tpu.memory_space<vmem_shared>>
      tpu.enqueue_indirect_dma source(%dma_start3A_443 : memref<128x32xf32, #tpu.memory_space<vmem>>) target(%dma_start3A_449 : memref<50176x32xf32, #tpu.memory_space<vmem_shared>>) offsets(%dma_start3A_446 : memref<128xi32, #tpu.memory_space<vmem>>) semaphore(%arg17 : memref<!tpu.dma_semaphore, #tpu.memory_space<semaphore_mem>>) {add = true}
      %dma_wait3A_450 = arith.constant 1 : i32
      %dma_wait3A_451 = arith.constant 1 : i32
      %dma_wait3A_452 = arith.constant 0 : i32
      %dma_wait3A_453 = arith.constant 1 : i32
      %dma_wait3A_454 = arith.constant 0 : i32
      %dma_wait3A_455 = arith.constant 0 : i32
      %dma_wait3A_456 = tpu.memref_slice %arg7[%dma_wait3A_453, %dma_wait3A_454, %dma_wait3A_455] : memref<4x128x32xf32, #tpu.memory_space<vmem>> -> memref<1x128x32xf32, #tpu.memory_space<vmem>>
      %dma_wait3A_457 = tpu.memref_squeeze %dma_wait3A_456 : memref<1x128x32xf32, #tpu.memory_space<vmem>> -> memref<128x32xf32, #tpu.memory_space<vmem>>
      %dma_wait3A_458 = arith.constant 0 : i32
      %dma_wait3A_459 = tpu.memref_slice %arg6[%dma_wait3A_450, %dma_wait3A_451, %dma_wait3A_452, %dma_wait3A_458] : memref<2x4x2x128xi32, #tpu.memory_space<vmem>> -> memref<1x1x1x128xi32, #tpu.memory_space<vmem>>
      %dma_wait3A_460 = tpu.memref_squeeze %dma_wait3A_459 : memref<1x1x1x128xi32, #tpu.memory_space<vmem>> -> memref<128xi32, #tpu.memory_space<vmem>>
      %dma_wait3A_461 = arith.constant 0 : i32
      %dma_wait3A_462 = tpu.memref_slice %arg2[%arg0, %dma_wait3A_461] : memref<100352x32xf32, #tpu.memory_space<hbm>> -> memref<100344x32xf32, #tpu.memory_space<hbm>>
      %dma_wait3A_463 = arith.constant 0 : i32
      %dma_wait3A_464 = arith.constant 0 : i32
      %dma_wait3A_465 = tpu.memref_slice %dma_wait3A_462[%dma_wait3A_463, %dma_wait3A_464] : memref<100344x32xf32, #tpu.memory_space<hbm>> -> memref<100344x32xf32, #tpu.memory_space<hbm>>
      tpu.wait_indirect_dma semaphore(%arg14 : memref<!tpu.dma_semaphore, #tpu.memory_space<semaphore_mem>>) src(%dma_wait3A_465 : memref<100344x32xf32, #tpu.memory_space<hbm>>) dst(%dma_wait3A_457 : memref<128x32xf32, #tpu.memory_space<vmem>>)
      %dma_start3A_466 = arith.constant 1 : i32
      %dma_start3A_467 = arith.constant 1 : i32
      %dma_start3A_468 = arith.constant 1 : i32
      %dma_start3A_469 = arith.constant 1 : i32
      %dma_start3A_470 = arith.constant 0 : i32
      %dma_start3A_471 = arith.constant 0 : i32
      %dma_start3A_472 = tpu.memref_slice %arg7[%dma_start3A_466, %dma_start3A_470, %dma_start3A_471] : memref<4x128x32xf32, #tpu.memory_space<vmem>> -> memref<1x128x32xf32, #tpu.memory_space<vmem>>
      %dma_start3A_473 = tpu.memref_squeeze %dma_start3A_472 : memref<1x128x32xf32, #tpu.memory_space<vmem>> -> memref<128x32xf32, #tpu.memory_space<vmem>>
      %dma_start3A_474 = arith.constant 0 : i32
      %dma_start3A_475 = tpu.memref_slice %arg6[%dma_start3A_467, %dma_start3A_468, %dma_start3A_469, %dma_start3A_474] : memref<2x4x2x128xi32, #tpu.memory_space<vmem>> -> memref<1x1x1x128xi32, #tpu.memory_space<vmem>>
      %dma_start3A_476 = tpu.memref_squeeze %dma_start3A_475 : memref<1x1x1x128xi32, #tpu.memory_space<vmem>> -> memref<128xi32, #tpu.memory_space<vmem>>
      %dma_start3A_477 = arith.constant 0 : i32
      %dma_start3A_478 = arith.constant 0 : i32
      %dma_start3A_479 = tpu.memref_slice %arg10[%dma_start3A_477, %dma_start3A_478] : memref<50176x32xf32, #tpu.memory_space<vmem_shared>> -> memref<50176x32xf32, #tpu.memory_space<vmem_shared>>
      tpu.enqueue_indirect_dma source(%dma_start3A_473 : memref<128x32xf32, #tpu.memory_space<vmem>>) target(%dma_start3A_479 : memref<50176x32xf32, #tpu.memory_space<vmem_shared>>) offsets(%dma_start3A_476 : memref<128xi32, #tpu.memory_space<vmem>>) semaphore(%arg17 : memref<!tpu.dma_semaphore, #tpu.memory_space<semaphore_mem>>) {add = true}
      %dma_wait3A_480 = arith.constant 1 : i32
      %dma_wait3A_481 = arith.constant 2 : i32
      %dma_wait3A_482 = arith.constant 0 : i32
      %dma_wait3A_483 = arith.constant 2 : i32
      %dma_wait3A_484 = arith.constant 0 : i32
      %dma_wait3A_485 = arith.constant 0 : i32
      %dma_wait3A_486 = tpu.memref_slice %arg7[%dma_wait3A_483, %dma_wait3A_484, %dma_wait3A_485] : memref<4x128x32xf32, #tpu.memory_space<vmem>> -> memref<1x128x32xf32, #tpu.memory_space<vmem>>
      %dma_wait3A_487 = tpu.memref_squeeze %dma_wait3A_486 : memref<1x128x32xf32, #tpu.memory_space<vmem>> -> memref<128x32xf32, #tpu.memory_space<vmem>>
      %dma_wait3A_488 = arith.constant 0 : i32
      %dma_wait3A_489 = tpu.memref_slice %arg6[%dma_wait3A_480, %dma_wait3A_481, %dma_wait3A_482, %dma_wait3A_488] : memref<2x4x2x128xi32, #tpu.memory_space<vmem>> -> memref<1x1x1x128xi32, #tpu.memory_space<vmem>>
      %dma_wait3A_490 = tpu.memref_squeeze %dma_wait3A_489 : memref<1x1x1x128xi32, #tpu.memory_space<vmem>> -> memref<128xi32, #tpu.memory_space<vmem>>
      %dma_wait3A_491 = arith.constant 0 : i32
      %dma_wait3A_492 = tpu.memref_slice %arg2[%arg0, %dma_wait3A_491] : memref<100352x32xf32, #tpu.memory_space<hbm>> -> memref<100344x32xf32, #tpu.memory_space<hbm>>
      %dma_wait3A_493 = arith.constant 0 : i32
      %dma_wait3A_494 = arith.constant 0 : i32
      %dma_wait3A_495 = tpu.memref_slice %dma_wait3A_492[%dma_wait3A_493, %dma_wait3A_494] : memref<100344x32xf32, #tpu.memory_space<hbm>> -> memref<100344x32xf32, #tpu.memory_space<hbm>>
      tpu.wait_indirect_dma semaphore(%arg15 : memref<!tpu.dma_semaphore, #tpu.memory_space<semaphore_mem>>) src(%dma_wait3A_495 : memref<100344x32xf32, #tpu.memory_space<hbm>>) dst(%dma_wait3A_487 : memref<128x32xf32, #tpu.memory_space<vmem>>)
      %dma_start3A_496 = arith.constant 2 : i32
      %dma_start3A_497 = arith.constant 1 : i32
      %dma_start3A_498 = arith.constant 2 : i32
      %dma_start3A_499 = arith.constant 1 : i32
      %dma_start3A_500 = arith.constant 0 : i32
      %dma_start3A_501 = arith.constant 0 : i32
      %dma_start3A_502 = tpu.memref_slice %arg7[%dma_start3A_496, %dma_start3A_500, %dma_start3A_501] : memref<4x128x32xf32, #tpu.memory_space<vmem>> -> memref<1x128x32xf32, #tpu.memory_space<vmem>>
      %dma_start3A_503 = tpu.memref_squeeze %dma_start3A_502 : memref<1x128x32xf32, #tpu.memory_space<vmem>> -> memref<128x32xf32, #tpu.memory_space<vmem>>
      %dma_start3A_504 = arith.constant 0 : i32
      %dma_start3A_505 = tpu.memref_slice %arg6[%dma_start3A_497, %dma_start3A_498, %dma_start3A_499, %dma_start3A_504] : memref<2x4x2x128xi32, #tpu.memory_space<vmem>> -> memref<1x1x1x128xi32, #tpu.memory_space<vmem>>
      %dma_start3A_506 = tpu.memref_squeeze %dma_start3A_505 : memref<1x1x1x128xi32, #tpu.memory_space<vmem>> -> memref<128xi32, #tpu.memory_space<vmem>>
      %dma_start3A_507 = arith.constant 0 : i32
      %dma_start3A_508 = arith.constant 0 : i32
      %dma_start3A_509 = tpu.memref_slice %arg10[%dma_start3A_507, %dma_start3A_508] : memref<50176x32xf32, #tpu.memory_space<vmem_shared>> -> memref<50176x32xf32, #tpu.memory_space<vmem_shared>>
      tpu.enqueue_indirect_dma source(%dma_start3A_503 : memref<128x32xf32, #tpu.memory_space<vmem>>) target(%dma_start3A_509 : memref<50176x32xf32, #tpu.memory_space<vmem_shared>>) offsets(%dma_start3A_506 : memref<128xi32, #tpu.memory_space<vmem>>) semaphore(%arg17 : memref<!tpu.dma_semaphore, #tpu.memory_space<semaphore_mem>>) {add = true}
      %dma_wait3A_510 = arith.constant 1 : i32
      %dma_wait3A_511 = arith.constant 3 : i32
      %dma_wait3A_512 = arith.constant 0 : i32
      %dma_wait3A_513 = arith.constant 3 : i32
      %dma_wait3A_514 = arith.constant 0 : i32
      %dma_wait3A_515 = arith.constant 0 : i32
      %dma_wait3A_516 = tpu.memref_slice %arg7[%dma_wait3A_513, %dma_wait3A_514, %dma_wait3A_515] : memref<4x128x32xf32, #tpu.memory_space<vmem>> -> memref<1x128x32xf32, #tpu.memory_space<vmem>>
      %dma_wait3A_517 = tpu.memref_squeeze %dma_wait3A_516 : memref<1x128x32xf32, #tpu.memory_space<vmem>> -> memref<128x32xf32, #tpu.memory_space<vmem>>
      %dma_wait3A_518 = arith.constant 0 : i32
      %dma_wait3A_519 = tpu.memref_slice %arg6[%dma_wait3A_510, %dma_wait3A_511, %dma_wait3A_512, %dma_wait3A_518] : memref<2x4x2x128xi32, #tpu.memory_space<vmem>> -> memref<1x1x1x128xi32, #tpu.memory_space<vmem>>
      %dma_wait3A_520 = tpu.memref_squeeze %dma_wait3A_519 : memref<1x1x1x128xi32, #tpu.memory_space<vmem>> -> memref<128xi32, #tpu.memory_space<vmem>>
      %dma_wait3A_521 = arith.constant 0 : i32
      %dma_wait3A_522 = tpu.memref_slice %arg2[%arg0, %dma_wait3A_521] : memref<100352x32xf32, #tpu.memory_space<hbm>> -> memref<100344x32xf32, #tpu.memory_space<hbm>>
      %dma_wait3A_523 = arith.constant 0 : i32
      %dma_wait3A_524 = arith.constant 0 : i32
      %dma_wait3A_525 = tpu.memref_slice %dma_wait3A_522[%dma_wait3A_523, %dma_wait3A_524] : memref<100344x32xf32, #tpu.memory_space<hbm>> -> memref<100344x32xf32, #tpu.memory_space<hbm>>
      tpu.wait_indirect_dma semaphore(%arg16 : memref<!tpu.dma_semaphore, #tpu.memory_space<semaphore_mem>>) src(%dma_wait3A_525 : memref<100344x32xf32, #tpu.memory_space<hbm>>) dst(%dma_wait3A_517 : memref<128x32xf32, #tpu.memory_space<vmem>>)
      %dma_start3A_526 = arith.constant 3 : i32
      %dma_start3A_527 = arith.constant 1 : i32
      %dma_start3A_528 = arith.constant 3 : i32
      %dma_start3A_529 = arith.constant 1 : i32
      %dma_start3A_530 = arith.constant 0 : i32
      %dma_start3A_531 = arith.constant 0 : i32
      %dma_start3A_532 = tpu.memref_slice %arg7[%dma_start3A_526, %dma_start3A_530, %dma_start3A_531] : memref<4x128x32xf32, #tpu.memory_space<vmem>> -> memref<1x128x32xf32, #tpu.memory_space<vmem>>
      %dma_start3A_533 = tpu.memref_squeeze %dma_start3A_532 : memref<1x128x32xf32, #tpu.memory_space<vmem>> -> memref<128x32xf32, #tpu.memory_space<vmem>>
      %dma_start3A_534 = arith.constant 0 : i32
      %dma_start3A_535 = tpu.memref_slice %arg6[%dma_start3A_527, %dma_start3A_528, %dma_start3A_529, %dma_start3A_534] : memref<2x4x2x128xi32, #tpu.memory_space<vmem>> -> memref<1x1x1x128xi32, #tpu.memory_space<vmem>>
      %dma_start3A_536 = tpu.memref_squeeze %dma_start3A_535 : memref<1x1x1x128xi32, #tpu.memory_space<vmem>> -> memref<128xi32, #tpu.memory_space<vmem>>
      %dma_start3A_537 = arith.constant 0 : i32
      %dma_start3A_538 = arith.constant 0 : i32
      %dma_start3A_539 = tpu.memref_slice %arg10[%dma_start3A_537, %dma_start3A_538] : memref<50176x32xf32, #tpu.memory_space<vmem_shared>> -> memref<50176x32xf32, #tpu.memory_space<vmem_shared>>
      tpu.enqueue_indirect_dma source(%dma_start3A_533 : memref<128x32xf32, #tpu.memory_space<vmem>>) target(%dma_start3A_539 : memref<50176x32xf32, #tpu.memory_space<vmem_shared>>) offsets(%dma_start3A_536 : memref<128xi32, #tpu.memory_space<vmem>>) semaphore(%arg17 : memref<!tpu.dma_semaphore, #tpu.memory_space<semaphore_mem>>) {add = true}
      %dma_wait3A_540 = arith.constant 0 : i32
      %dma_wait3A_541 = arith.constant 1 : i32
      %dma_wait3A_542 = arith.constant 0 : i32
      %dma_wait3A_543 = arith.constant 1 : i32
      %dma_wait3A_544 = arith.constant 0 : i32
      %dma_wait3A_545 = arith.constant 0 : i32
      %dma_wait3A_546 = tpu.memref_slice %arg7[%dma_wait3A_540, %dma_wait3A_544, %dma_wait3A_545] : memref<4x128x32xf32, #tpu.memory_space<vmem>> -> memref<1x128x32xf32, #tpu.memory_space<vmem>>
      %dma_wait3A_547 = tpu.memref_squeeze %dma_wait3A_546 : memref<1x128x32xf32, #tpu.memory_space<vmem>> -> memref<128x32xf32, #tpu.memory_space<vmem>>
      %dma_wait3A_548 = arith.constant 0 : i32
      %dma_wait3A_549 = tpu.memref_slice %arg6[%dma_wait3A_541, %dma_wait3A_542, %dma_wait3A_543, %dma_wait3A_548] : memref<2x4x2x128xi32, #tpu.memory_space<vmem>> -> memref<1x1x1x128xi32, #tpu.memory_space<vmem>>
      %dma_wait3A_550 = tpu.memref_squeeze %dma_wait3A_549 : memref<1x1x1x128xi32, #tpu.memory_space<vmem>> -> memref<128xi32, #tpu.memory_space<vmem>>
      %dma_wait3A_551 = arith.constant 0 : i32
      %dma_wait3A_552 = arith.constant 0 : i32
      %dma_wait3A_553 = tpu.memref_slice %arg10[%dma_wait3A_551, %dma_wait3A_552] : memref<50176x32xf32, #tpu.memory_space<vmem_shared>> -> memref<50176x32xf32, #tpu.memory_space<vmem_shared>>
      tpu.wait_indirect_dma semaphore(%arg17 : memref<!tpu.dma_semaphore, #tpu.memory_space<semaphore_mem>>) src(%dma_wait3A_547 : memref<128x32xf32, #tpu.memory_space<vmem>>) dst(%dma_wait3A_553 : memref<50176x32xf32, #tpu.memory_space<vmem_shared>>)
      %dma_wait3A_554 = arith.constant 1 : i32
      %dma_wait3A_555 = arith.constant 1 : i32
      %dma_wait3A_556 = arith.constant 1 : i32
      %dma_wait3A_557 = arith.constant 1 : i32
      %dma_wait3A_558 = arith.constant 0 : i32
      %dma_wait3A_559 = arith.constant 0 : i32
      %dma_wait3A_560 = tpu.memref_slice %arg7[%dma_wait3A_554, %dma_wait3A_558, %dma_wait3A_559] : memref<4x128x32xf32, #tpu.memory_space<vmem>> -> memref<1x128x32xf32, #tpu.memory_space<vmem>>
      %dma_wait3A_561 = tpu.memref_squeeze %dma_wait3A_560 : memref<1x128x32xf32, #tpu.memory_space<vmem>> -> memref<128x32xf32, #tpu.memory_space<vmem>>
      %dma_wait3A_562 = arith.constant 0 : i32
      %dma_wait3A_563 = tpu.memref_slice %arg6[%dma_wait3A_555, %dma_wait3A_556, %dma_wait3A_557, %dma_wait3A_562] : memref<2x4x2x128xi32, #tpu.memory_space<vmem>> -> memref<1x1x1x128xi32, #tpu.memory_space<vmem>>
      %dma_wait3A_564 = tpu.memref_squeeze %dma_wait3A_563 : memref<1x1x1x128xi32, #tpu.memory_space<vmem>> -> memref<128xi32, #tpu.memory_space<vmem>>
      %dma_wait3A_565 = arith.constant 0 : i32
      %dma_wait3A_566 = arith.constant 0 : i32
      %dma_wait3A_567 = tpu.memref_slice %arg10[%dma_wait3A_565, %dma_wait3A_566] : memref<50176x32xf32, #tpu.memory_space<vmem_shared>> -> memref<50176x32xf32, #tpu.memory_space<vmem_shared>>
      tpu.wait_indirect_dma semaphore(%arg17 : memref<!tpu.dma_semaphore, #tpu.memory_space<semaphore_mem>>) src(%dma_wait3A_561 : memref<128x32xf32, #tpu.memory_space<vmem>>) dst(%dma_wait3A_567 : memref<50176x32xf32, #tpu.memory_space<vmem_shared>>)
      %dma_wait3A_568 = arith.constant 2 : i32
      %dma_wait3A_569 = arith.constant 1 : i32
      %dma_wait3A_570 = arith.constant 2 : i32
      %dma_wait3A_571 = arith.constant 1 : i32
      %dma_wait3A_572 = arith.constant 0 : i32
      %dma_wait3A_573 = arith.constant 0 : i32
      %dma_wait3A_574 = tpu.memref_slice %arg7[%dma_wait3A_568, %dma_wait3A_572, %dma_wait3A_573] : memref<4x128x32xf32, #tpu.memory_space<vmem>> -> memref<1x128x32xf32, #tpu.memory_space<vmem>>
      %dma_wait3A_575 = tpu.memref_squeeze %dma_wait3A_574 : memref<1x128x32xf32, #tpu.memory_space<vmem>> -> memref<128x32xf32, #tpu.memory_space<vmem>>
      %dma_wait3A_576 = arith.constant 0 : i32
      %dma_wait3A_577 = tpu.memref_slice %arg6[%dma_wait3A_569, %dma_wait3A_570, %dma_wait3A_571, %dma_wait3A_576] : memref<2x4x2x128xi32, #tpu.memory_space<vmem>> -> memref<1x1x1x128xi32, #tpu.memory_space<vmem>>
      %dma_wait3A_578 = tpu.memref_squeeze %dma_wait3A_577 : memref<1x1x1x128xi32, #tpu.memory_space<vmem>> -> memref<128xi32, #tpu.memory_space<vmem>>
      %dma_wait3A_579 = arith.constant 0 : i32
      %dma_wait3A_580 = arith.constant 0 : i32
      %dma_wait3A_581 = tpu.memref_slice %arg10[%dma_wait3A_579, %dma_wait3A_580] : memref<50176x32xf32, #tpu.memory_space<vmem_shared>> -> memref<50176x32xf32, #tpu.memory_space<vmem_shared>>
      tpu.wait_indirect_dma semaphore(%arg17 : memref<!tpu.dma_semaphore, #tpu.memory_space<semaphore_mem>>) src(%dma_wait3A_575 : memref<128x32xf32, #tpu.memory_space<vmem>>) dst(%dma_wait3A_581 : memref<50176x32xf32, #tpu.memory_space<vmem_shared>>)
      %dma_wait3A_582 = arith.constant 3 : i32
      %dma_wait3A_583 = arith.constant 1 : i32
      %dma_wait3A_584 = arith.constant 3 : i32
      %dma_wait3A_585 = arith.constant 1 : i32
      %dma_wait3A_586 = arith.constant 0 : i32
      %dma_wait3A_587 = arith.constant 0 : i32
      %dma_wait3A_588 = tpu.memref_slice %arg7[%dma_wait3A_582, %dma_wait3A_586, %dma_wait3A_587] : memref<4x128x32xf32, #tpu.memory_space<vmem>> -> memref<1x128x32xf32, #tpu.memory_space<vmem>>
      %dma_wait3A_589 = tpu.memref_squeeze %dma_wait3A_588 : memref<1x128x32xf32, #tpu.memory_space<vmem>> -> memref<128x32xf32, #tpu.memory_space<vmem>>
      %dma_wait3A_590 = arith.constant 0 : i32
      %dma_wait3A_591 = tpu.memref_slice %arg6[%dma_wait3A_583, %dma_wait3A_584, %dma_wait3A_585, %dma_wait3A_590] : memref<2x4x2x128xi32, #tpu.memory_space<vmem>> -> memref<1x1x1x128xi32, #tpu.memory_space<vmem>>
      %dma_wait3A_592 = tpu.memref_squeeze %dma_wait3A_591 : memref<1x1x1x128xi32, #tpu.memory_space<vmem>> -> memref<128xi32, #tpu.memory_space<vmem>>
      %dma_wait3A_593 = arith.constant 0 : i32
      %dma_wait3A_594 = arith.constant 0 : i32
      %dma_wait3A_595 = tpu.memref_slice %arg10[%dma_wait3A_593, %dma_wait3A_594] : memref<50176x32xf32, #tpu.memory_space<vmem_shared>> -> memref<50176x32xf32, #tpu.memory_space<vmem_shared>>
      tpu.wait_indirect_dma semaphore(%arg17 : memref<!tpu.dma_semaphore, #tpu.memory_space<semaphore_mem>>) src(%dma_wait3A_589 : memref<128x32xf32, #tpu.memory_space<vmem>>) dst(%dma_wait3A_595 : memref<50176x32xf32, #tpu.memory_space<vmem_shared>>)
      %add3A_596 = arith.constant 2 : i32
      %add3A_597 = arith.addi %mul3A_152, %add3A_596 : i32
      %lt3A_598 = arith.constant 98 : i32
      %lt3A_599 = arith.cmpi slt, %add3A_597, %lt3A_598 : i32
      %convert_element_type3A_600 = arith.extui %lt3A_599 : i1 to i32
      %cond3A_601 = arith.constant 0 : i32
      %cond3A_602 = arith.cmpi ne, %convert_element_type3A_600, %cond3A_601 : i32
      scf.if %cond3A_602 {
        %add3A_610 = arith.constant 2 : i32
        %add3A_611 = arith.addi %mul3A_152, %add3A_610 : i32
        %mul3A_612 = arith.constant 4 : i32
        %mul3A_613 = arith.muli %mul3A_612, %add3A_611 : i32
        %dma_wait3A_614 = arith.constant 0 : i32
        %dma_wait3A_615 = arith.constant 0 : i32
        %dma_wait3A_616 = arith.constant 0 : i32
        %dma_wait3A_617 = arith.constant 0 : i32
        %dma_wait3A_618 = tpu.memref_slice %arg6[%dma_wait3A_614, %dma_wait3A_615, %dma_wait3A_616, %dma_wait3A_617] : memref<2x4x2x128xi32, #tpu.memory_space<vmem>> -> memref<1x4x2x128xi32, #tpu.memory_space<vmem>>
        %dma_wait3A_619 = tpu.memref_squeeze %dma_wait3A_618 : memref<1x4x2x128xi32, #tpu.memory_space<vmem>> -> memref<4x2x128xi32, #tpu.memory_space<vmem>>
        %dma_wait3A_620 = arith.constant 0 : i32
        %dma_wait3A_621 = arith.constant 0 : i32
        %dma_wait3A_622 = tpu.memref_slice %arg3[%arg1, %mul3A_613, %dma_wait3A_620, %dma_wait3A_621] : memref<16x392x2x128xi32, #tpu.memory_space<hbm>> -> memref<1x4x2x128xi32, #tpu.memory_space<hbm>>
        %dma_wait3A_623 = tpu.memref_squeeze %dma_wait3A_622 : memref<1x4x2x128xi32, #tpu.memory_space<hbm>> -> memref<4x2x128xi32, #tpu.memory_space<hbm>>
        %dma_wait3A_624 = arith.constant 0 : i32
        %dma_wait3A_625 = arith.constant 0 : i32
        %dma_wait3A_626 = arith.constant 0 : i32
        %dma_wait3A_627 = tpu.memref_slice %arg6[%dma_wait3A_614, %dma_wait3A_624, %dma_wait3A_625, %dma_wait3A_626] : memref<2x4x2x128xi32, #tpu.memory_space<vmem>> -> memref<1x4x2x128xi32, #tpu.memory_space<vmem>>
        %dma_wait3A_628 = tpu.memref_squeeze %dma_wait3A_627 : memref<1x4x2x128xi32, #tpu.memory_space<vmem>> -> memref<4x2x128xi32, #tpu.memory_space<vmem>>
        %dma_wait3A_629 = arith.constant 0 : i32
        %dma_wait3A_630 = arith.constant 0 : i32
        %dma_wait3A_631 = tpu.memref_slice %arg3[%arg1, %mul3A_613, %dma_wait3A_629, %dma_wait3A_630] : memref<16x392x2x128xi32, #tpu.memory_space<hbm>> -> memref<1x4x2x128xi32, #tpu.memory_space<hbm>>
        %dma_wait3A_632 = tpu.memref_squeeze %dma_wait3A_631 : memref<1x4x2x128xi32, #tpu.memory_space<hbm>> -> memref<4x2x128xi32, #tpu.memory_space<hbm>>
        tpu.wait_dma2 semaphore(%arg11 : memref<!tpu.dma_semaphore, #tpu.memory_space<semaphore_mem>>) src(%dma_wait3A_632 : memref<4x2x128xi32, #tpu.memory_space<hbm>>) dst(%dma_wait3A_628 : memref<4x2x128xi32, #tpu.memory_space<vmem>>)
        %dma_start3A_633 = arith.constant 0 : i32
        %dma_start3A_634 = arith.constant 0 : i32
        %dma_start3A_635 = arith.constant 0 : i32
        %dma_start3A_636 = arith.constant 0 : i32
        %dma_start3A_637 = arith.constant 0 : i32
        %dma_start3A_638 = arith.constant 0 : i32
        %dma_start3A_639 = tpu.memref_slice %arg7[%dma_start3A_636, %dma_start3A_637, %dma_start3A_638] : memref<4x128x32xf32, #tpu.memory_space<vmem>> -> memref<1x128x32xf32, #tpu.memory_space<vmem>>
        %dma_start3A_640 = tpu.memref_squeeze %dma_start3A_639 : memref<1x128x32xf32, #tpu.memory_space<vmem>> -> memref<128x32xf32, #tpu.memory_space<vmem>>
        %dma_start3A_641 = arith.constant 0 : i32
        %dma_start3A_642 = tpu.memref_slice %arg6[%dma_start3A_633, %dma_start3A_634, %dma_start3A_635, %dma_start3A_641] : memref<2x4x2x128xi32, #tpu.memory_space<vmem>> -> memref<1x1x1x128xi32, #tpu.memory_space<vmem>>
        %dma_start3A_643 = tpu.memref_squeeze %dma_start3A_642 : memref<1x1x1x128xi32, #tpu.memory_space<vmem>> -> memref<128xi32, #tpu.memory_space<vmem>>
        %dma_start3A_644 = arith.constant 0 : i32
        %dma_start3A_645 = tpu.memref_slice %arg2[%arg0, %dma_start3A_644] : memref<100352x32xf32, #tpu.memory_space<hbm>> -> memref<100344x32xf32, #tpu.memory_space<hbm>>
        %dma_start3A_646 = arith.constant 0 : i32
        %dma_start3A_647 = arith.constant 0 : i32
        %dma_start3A_648 = tpu.memref_slice %dma_start3A_645[%dma_start3A_646, %dma_start3A_647] : memref<100344x32xf32, #tpu.memory_space<hbm>> -> memref<100344x32xf32, #tpu.memory_space<hbm>>
        tpu.enqueue_indirect_dma source(%dma_start3A_648 : memref<100344x32xf32, #tpu.memory_space<hbm>>) target(%dma_start3A_640 : memref<128x32xf32, #tpu.memory_space<vmem>>) offsets(%dma_start3A_643 : memref<128xi32, #tpu.memory_space<vmem>>) semaphore(%arg13 : memref<!tpu.dma_semaphore, #tpu.memory_space<semaphore_mem>>)
        %dma_start3A_649 = arith.constant 0 : i32
        %dma_start3A_650 = arith.constant 1 : i32
        %dma_start3A_651 = arith.constant 0 : i32
        %dma_start3A_652 = arith.constant 1 : i32
        %dma_start3A_653 = arith.constant 0 : i32
        %dma_start3A_654 = arith.constant 0 : i32
        %dma_start3A_655 = tpu.memref_slice %arg7[%dma_start3A_652, %dma_start3A_653, %dma_start3A_654] : memref<4x128x32xf32, #tpu.memory_space<vmem>> -> memref<1x128x32xf32, #tpu.memory_space<vmem>>
        %dma_start3A_656 = tpu.memref_squeeze %dma_start3A_655 : memref<1x128x32xf32, #tpu.memory_space<vmem>> -> memref<128x32xf32, #tpu.memory_space<vmem>>
        %dma_start3A_657 = arith.constant 0 : i32
        %dma_start3A_658 = tpu.memref_slice %arg6[%dma_start3A_649, %dma_start3A_650, %dma_start3A_651, %dma_start3A_657] : memref<2x4x2x128xi32, #tpu.memory_space<vmem>> -> memref<1x1x1x128xi32, #tpu.memory_space<vmem>>
        %dma_start3A_659 = tpu.memref_squeeze %dma_start3A_658 : memref<1x1x1x128xi32, #tpu.memory_space<vmem>> -> memref<128xi32, #tpu.memory_space<vmem>>
        %dma_start3A_660 = arith.constant 0 : i32
        %dma_start3A_661 = tpu.memref_slice %arg2[%arg0, %dma_start3A_660] : memref<100352x32xf32, #tpu.memory_space<hbm>> -> memref<100344x32xf32, #tpu.memory_space<hbm>>
        %dma_start3A_662 = arith.constant 0 : i32
        %dma_start3A_663 = arith.constant 0 : i32
        %dma_start3A_664 = tpu.memref_slice %dma_start3A_661[%dma_start3A_662, %dma_start3A_663] : memref<100344x32xf32, #tpu.memory_space<hbm>> -> memref<100344x32xf32, #tpu.memory_space<hbm>>
        tpu.enqueue_indirect_dma source(%dma_start3A_664 : memref<100344x32xf32, #tpu.memory_space<hbm>>) target(%dma_start3A_656 : memref<128x32xf32, #tpu.memory_space<vmem>>) offsets(%dma_start3A_659 : memref<128xi32, #tpu.memory_space<vmem>>) semaphore(%arg14 : memref<!tpu.dma_semaphore, #tpu.memory_space<semaphore_mem>>)
        %dma_start3A_665 = arith.constant 0 : i32
        %dma_start3A_666 = arith.constant 2 : i32
        %dma_start3A_667 = arith.constant 0 : i32
        %dma_start3A_668 = arith.constant 2 : i32
        %dma_start3A_669 = arith.constant 0 : i32
        %dma_start3A_670 = arith.constant 0 : i32
        %dma_start3A_671 = tpu.memref_slice %arg7[%dma_start3A_668, %dma_start3A_669, %dma_start3A_670] : memref<4x128x32xf32, #tpu.memory_space<vmem>> -> memref<1x128x32xf32, #tpu.memory_space<vmem>>
        %dma_start3A_672 = tpu.memref_squeeze %dma_start3A_671 : memref<1x128x32xf32, #tpu.memory_space<vmem>> -> memref<128x32xf32, #tpu.memory_space<vmem>>
        %dma_start3A_673 = arith.constant 0 : i32
        %dma_start3A_674 = tpu.memref_slice %arg6[%dma_start3A_665, %dma_start3A_666, %dma_start3A_667, %dma_start3A_673] : memref<2x4x2x128xi32, #tpu.memory_space<vmem>> -> memref<1x1x1x128xi32, #tpu.memory_space<vmem>>
        %dma_start3A_675 = tpu.memref_squeeze %dma_start3A_674 : memref<1x1x1x128xi32, #tpu.memory_space<vmem>> -> memref<128xi32, #tpu.memory_space<vmem>>
        %dma_start3A_676 = arith.constant 0 : i32
        %dma_start3A_677 = tpu.memref_slice %arg2[%arg0, %dma_start3A_676] : memref<100352x32xf32, #tpu.memory_space<hbm>> -> memref<100344x32xf32, #tpu.memory_space<hbm>>
        %dma_start3A_678 = arith.constant 0 : i32
        %dma_start3A_679 = arith.constant 0 : i32
        %dma_start3A_680 = tpu.memref_slice %dma_start3A_677[%dma_start3A_678, %dma_start3A_679] : memref<100344x32xf32, #tpu.memory_space<hbm>> -> memref<100344x32xf32, #tpu.memory_space<hbm>>
        tpu.enqueue_indirect_dma source(%dma_start3A_680 : memref<100344x32xf32, #tpu.memory_space<hbm>>) target(%dma_start3A_672 : memref<128x32xf32, #tpu.memory_space<vmem>>) offsets(%dma_start3A_675 : memref<128xi32, #tpu.memory_space<vmem>>) semaphore(%arg15 : memref<!tpu.dma_semaphore, #tpu.memory_space<semaphore_mem>>)
        %dma_start3A_681 = arith.constant 0 : i32
        %dma_start3A_682 = arith.constant 3 : i32
        %dma_start3A_683 = arith.constant 0 : i32
        %dma_start3A_684 = arith.constant 3 : i32
        %dma_start3A_685 = arith.constant 0 : i32
        %dma_start3A_686 = arith.constant 0 : i32
        %dma_start3A_687 = tpu.memref_slice %arg7[%dma_start3A_684, %dma_start3A_685, %dma_start3A_686] : memref<4x128x32xf32, #tpu.memory_space<vmem>> -> memref<1x128x32xf32, #tpu.memory_space<vmem>>
        %dma_start3A_688 = tpu.memref_squeeze %dma_start3A_687 : memref<1x128x32xf32, #tpu.memory_space<vmem>> -> memref<128x32xf32, #tpu.memory_space<vmem>>
        %dma_start3A_689 = arith.constant 0 : i32
        %dma_start3A_690 = tpu.memref_slice %arg6[%dma_start3A_681, %dma_start3A_682, %dma_start3A_683, %dma_start3A_689] : memref<2x4x2x128xi32, #tpu.memory_space<vmem>> -> memref<1x1x1x128xi32, #tpu.memory_space<vmem>>
        %dma_start3A_691 = tpu.memref_squeeze %dma_start3A_690 : memref<1x1x1x128xi32, #tpu.memory_space<vmem>> -> memref<128xi32, #tpu.memory_space<vmem>>
        %dma_start3A_692 = arith.constant 0 : i32
        %dma_start3A_693 = tpu.memref_slice %arg2[%arg0, %dma_start3A_692] : memref<100352x32xf32, #tpu.memory_space<hbm>> -> memref<100344x32xf32, #tpu.memory_space<hbm>>
        %dma_start3A_694 = arith.constant 0 : i32
        %dma_start3A_695 = arith.constant 0 : i32
        %dma_start3A_696 = tpu.memref_slice %dma_start3A_693[%dma_start3A_694, %dma_start3A_695] : memref<100344x32xf32, #tpu.memory_space<hbm>> -> memref<100344x32xf32, #tpu.memory_space<hbm>>
        tpu.enqueue_indirect_dma source(%dma_start3A_696 : memref<100344x32xf32, #tpu.memory_space<hbm>>) target(%dma_start3A_688 : memref<128x32xf32, #tpu.memory_space<vmem>>) offsets(%dma_start3A_691 : memref<128xi32, #tpu.memory_space<vmem>>) semaphore(%arg16 : memref<!tpu.dma_semaphore, #tpu.memory_space<semaphore_mem>>)
      } else {
      }
      %add3A_603 = arith.constant 3 : i32
      %add3A_604 = arith.addi %mul3A_152, %add3A_603 : i32
      %lt3A_605 = arith.constant 98 : i32
      %lt3A_606 = arith.cmpi slt, %add3A_604, %lt3A_605 : i32
      %convert_element_type3A_607 = arith.extui %lt3A_606 : i1 to i32
      %cond3A_608 = arith.constant 0 : i32
      %cond3A_609 = arith.cmpi ne, %convert_element_type3A_607, %cond3A_608 : i32
      scf.if %cond3A_609 {
        %add3A_610 = arith.constant 3 : i32
        %add3A_611 = arith.addi %mul3A_152, %add3A_610 : i32
        %mul3A_612 = arith.constant 4 : i32
        %mul3A_613 = arith.muli %mul3A_612, %add3A_611 : i32
        %dma_start3A_614 = arith.constant 1 : i32
        %dma_start3A_615 = arith.constant 0 : i32
        %dma_start3A_616 = arith.constant 0 : i32
        %dma_start3A_617 = arith.constant 0 : i32
        %dma_start3A_618 = tpu.memref_slice %arg6[%dma_start3A_614, %dma_start3A_615, %dma_start3A_616, %dma_start3A_617] : memref<2x4x2x128xi32, #tpu.memory_space<vmem>> -> memref<1x4x2x128xi32, #tpu.memory_space<vmem>>
        %dma_start3A_619 = tpu.memref_squeeze %dma_start3A_618 : memref<1x4x2x128xi32, #tpu.memory_space<vmem>> -> memref<4x2x128xi32, #tpu.memory_space<vmem>>
        %dma_start3A_620 = arith.constant 0 : i32
        %dma_start3A_621 = arith.constant 0 : i32
        %dma_start3A_622 = tpu.memref_slice %arg3[%arg1, %mul3A_613, %dma_start3A_620, %dma_start3A_621] : memref<16x392x2x128xi32, #tpu.memory_space<hbm>> -> memref<1x4x2x128xi32, #tpu.memory_space<hbm>>
        %dma_start3A_623 = tpu.memref_squeeze %dma_start3A_622 : memref<1x4x2x128xi32, #tpu.memory_space<hbm>> -> memref<4x2x128xi32, #tpu.memory_space<hbm>>
        %dma_start3A_624 = arith.constant 0 : i32
        %dma_start3A_625 = arith.constant 0 : i32
        %dma_start3A_626 = arith.constant 0 : i32
        %dma_start3A_627 = tpu.memref_slice %arg6[%dma_start3A_614, %dma_start3A_624, %dma_start3A_625, %dma_start3A_626] : memref<2x4x2x128xi32, #tpu.memory_space<vmem>> -> memref<1x4x2x128xi32, #tpu.memory_space<vmem>>
        %dma_start3A_628 = tpu.memref_squeeze %dma_start3A_627 : memref<1x4x2x128xi32, #tpu.memory_space<vmem>> -> memref<4x2x128xi32, #tpu.memory_space<vmem>>
        %dma_start3A_629 = arith.constant 0 : i32
        %dma_start3A_630 = arith.constant 0 : i32
        %dma_start3A_631 = tpu.memref_slice %arg3[%arg1, %mul3A_613, %dma_start3A_629, %dma_start3A_630] : memref<16x392x2x128xi32, #tpu.memory_space<hbm>> -> memref<1x4x2x128xi32, #tpu.memory_space<hbm>>
        %dma_start3A_632 = tpu.memref_squeeze %dma_start3A_631 : memref<1x4x2x128xi32, #tpu.memory_space<hbm>> -> memref<4x2x128xi32, #tpu.memory_space<hbm>>
        tpu.enqueue_dma source(%dma_start3A_632 : memref<4x2x128xi32, #tpu.memory_space<hbm>>) target(%dma_start3A_628 : memref<4x2x128xi32, #tpu.memory_space<vmem>>) target_semaphore(%arg12 : memref<!tpu.dma_semaphore, #tpu.memory_space<semaphore_mem>>)
      } else {
      }
    }
    %scan3A_143 = arith.constant 49 : i32
    %barrier3A_144 = arith.constant 0 : index
    tpu.barrier barrier_id(%barrier3A_144)
    %scan3A_145 = arith.constant 0 : i32
    %scan3A_146 = arith.constant 98 : i32
    %scan3A_147 = arith.addi %scan3A_145, %scan3A_146 : i32
    %scan3A_148 = arith.constant 1 : i32
    scf.for %scan3A_150 = %scan3A_145 to %scan3A_147 step %scan3A_148  : i32 {
      %mul3A_151 = arith.constant 3136 : i32
      %mul3A_152 = arith.muli %arg1, %mul3A_151 : i32
      %mul3A_153 = arith.constant 32 : i32
      %mul3A_154 = arith.muli %scan3A_150, %mul3A_153 : i32
      %add3A_155 = arith.addi %mul3A_152, %mul3A_154 : i32
      %run_scoped3A = arith.constant 0 : i32
      "tpu.region"() ({
        %run_scoped3A_157 = tpu.sem_alloc : memref<!tpu.dma_semaphore, #tpu.memory_space<semaphore_mem>>
        %dma_start3A_158 = arith.constant 0 : i32
        %dma_start3A_159 = arith.constant 0 : i32
        %dma_start3A_160 = tpu.memref_slice %arg8[%run_scoped3A, %dma_start3A_158, %dma_start3A_159] : memref<2x32x32xf32, #tpu.memory_space<vmem>> -> memref<1x32x32xf32, #tpu.memory_space<vmem>>
        %dma_start3A_161 = tpu.memref_squeeze %dma_start3A_160 : memref<1x32x32xf32, #tpu.memory_space<vmem>> -> memref<32x32xf32, #tpu.memory_space<vmem>>
        %dma_start3A_162 = arith.constant 0 : i32
        %dma_start3A_163 = tpu.memref_slice %arg10[%add3A_155, %dma_start3A_162] : memref<50176x32xf32, #tpu.memory_space<vmem_shared>> -> memref<32x32xf32, #tpu.memory_space<vmem_shared>>
        %dma_start3A_164 = arith.constant 0 : i32
        %dma_start3A_165 = arith.constant 0 : i32
        %dma_start3A_166 = tpu.memref_slice %arg8[%run_scoped3A, %dma_start3A_164, %dma_start3A_165] : memref<2x32x32xf32, #tpu.memory_space<vmem>> -> memref<1x32x32xf32, #tpu.memory_space<vmem>>
        %dma_start3A_167 = tpu.memref_squeeze %dma_start3A_166 : memref<1x32x32xf32, #tpu.memory_space<vmem>> -> memref<32x32xf32, #tpu.memory_space<vmem>>
        %dma_start3A_168 = arith.constant 0 : i32
        %dma_start3A_169 = tpu.memref_slice %arg10[%add3A_155, %dma_start3A_168] : memref<50176x32xf32, #tpu.memory_space<vmem_shared>> -> memref<32x32xf32, #tpu.memory_space<vmem_shared>>
        tpu.enqueue_dma source(%dma_start3A_169 : memref<32x32xf32, #tpu.memory_space<vmem_shared>>) target(%dma_start3A_167 : memref<32x32xf32, #tpu.memory_space<vmem>>) target_semaphore(%run_scoped3A_157 : memref<!tpu.dma_semaphore, #tpu.memory_space<semaphore_mem>>)
        %dma_wait3A_170 = arith.constant 0 : i32
        %dma_wait3A_171 = arith.constant 0 : i32
        %dma_wait3A_172 = tpu.memref_slice %arg8[%run_scoped3A, %dma_wait3A_170, %dma_wait3A_171] : memref<2x32x32xf32, #tpu.memory_space<vmem>> -> memref<1x32x32xf32, #tpu.memory_space<vmem>>
        %dma_wait3A_173 = tpu.memref_squeeze %dma_wait3A_172 : memref<1x32x32xf32, #tpu.memory_space<vmem>> -> memref<32x32xf32, #tpu.memory_space<vmem>>
        %dma_wait3A_174 = arith.constant 0 : i32
        %dma_wait3A_175 = tpu.memref_slice %arg10[%add3A_155, %dma_wait3A_174] : memref<50176x32xf32, #tpu.memory_space<vmem_shared>> -> memref<32x32xf32, #tpu.memory_space<vmem_shared>>
        %dma_wait3A_176 = arith.constant 0 : i32
        %dma_wait3A_177 = arith.constant 0 : i32
        %dma_wait3A_178 = tpu.memref_slice %arg8[%run_scoped3A, %dma_wait3A_176, %dma_wait3A_177] : memref<2x32x32xf32, #tpu.memory_space<vmem>> -> memref<1x32x32xf32, #tpu.memory_space<vmem>>
        %dma_wait3A_179 = tpu.memref_squeeze %dma_wait3A_178 : memref<1x32x32xf32, #tpu.memory_space<vmem>> -> memref<32x32xf32, #tpu.memory_space<vmem>>
        %dma_wait3A_180 = arith.constant 0 : i32
        %dma_wait3A_181 = tpu.memref_slice %arg10[%add3A_155, %dma_wait3A_180] : memref<50176x32xf32, #tpu.memory_space<vmem_shared>> -> memref<32x32xf32, #tpu.memory_space<vmem_shared>>
        tpu.wait_dma2 semaphore(%run_scoped3A_157 : memref<!tpu.dma_semaphore, #tpu.memory_space<semaphore_mem>>) src(%dma_wait3A_181 : memref<32x32xf32, #tpu.memory_space<vmem_shared>>) dst(%dma_wait3A_179 : memref<32x32xf32, #tpu.memory_space<vmem>>)
        tpu.yield
      }) : () -> ()
      %run_scoped3A_156 = arith.constant 0 : i32
      "tpu.region"() ({
        %run_scoped3A_157 = tpu.sem_alloc : memref<!tpu.dma_semaphore, #tpu.memory_space<semaphore_mem>>
        %dma_start3A_158 = arith.constant 0 : i32
        %dma_start3A_159 = arith.constant 0 : i32
        %dma_start3A_160 = tpu.memref_slice %arg8[%run_scoped3A_156, %dma_start3A_158, %dma_start3A_159] : memref<2x32x32xf32, #tpu.memory_space<vmem>> -> memref<1x32x32xf32, #tpu.memory_space<vmem>>
        %dma_start3A_161 = tpu.memref_squeeze %dma_start3A_160 : memref<1x32x32xf32, #tpu.memory_space<vmem>> -> memref<32x32xf32, #tpu.memory_space<vmem>>
        %dma_start3A_162 = arith.constant 0 : i32
        %dma_start3A_163 = tpu.memref_slice %arg9[%scan3A_150, %dma_start3A_162] : memref<98x32xi32, #tpu.memory_space<vmem>> -> memref<1x32xi32, #tpu.memory_space<vmem>>
        %dma_start3A_164 = tpu.memref_squeeze %dma_start3A_163 : memref<1x32xi32, #tpu.memory_space<vmem>> -> memref<32xi32, #tpu.memory_space<vmem>>
        %dma_start3A_165 = arith.constant 0 : i32
        %dma_start3A_166 = arith.constant 0 : i32
        %dma_start3A_167 = tpu.memref_slice %arg5[%dma_start3A_165, %dma_start3A_166] : memref<100352x32xf32, #tpu.memory_space<hbm>> -> memref<100352x32xf32, #tpu.memory_space<hbm>>
        tpu.enqueue_indirect_dma source(%dma_start3A_161 : memref<32x32xf32, #tpu.memory_space<vmem>>) target(%dma_start3A_167 : memref<100352x32xf32, #tpu.memory_space<hbm>>) offsets(%dma_start3A_164 : memref<32xi32, #tpu.memory_space<vmem>>) semaphore(%run_scoped3A_157 : memref<!tpu.dma_semaphore, #tpu.memory_space<semaphore_mem>>)
        %dma_wait3A_168 = arith.constant 0 : i32
        %dma_wait3A_169 = arith.constant 0 : i32
        %dma_wait3A_170 = tpu.memref_slice %arg8[%run_scoped3A_156, %dma_wait3A_168, %dma_wait3A_169] : memref<2x32x32xf32, #tpu.memory_space<vmem>> -> memref<1x32x32xf32, #tpu.memory_space<vmem>>
        %dma_wait3A_171 = tpu.memref_squeeze %dma_wait3A_170 : memref<1x32x32xf32, #tpu.memory_space<vmem>> -> memref<32x32xf32, #tpu.memory_space<vmem>>
        %dma_wait3A_172 = arith.constant 0 : i32
        %dma_wait3A_173 = tpu.memref_slice %arg9[%scan3A_150, %dma_wait3A_172] : memref<98x32xi32, #tpu.memory_space<vmem>> -> memref<1x32xi32, #tpu.memory_space<vmem>>
        %dma_wait3A_174 = tpu.memref_squeeze %dma_wait3A_173 : memref<1x32xi32, #tpu.memory_space<vmem>> -> memref<32xi32, #tpu.memory_space<vmem>>
        %dma_wait3A_175 = arith.constant 0 : i32
        %dma_wait3A_176 = arith.constant 0 : i32
        %dma_wait3A_177 = tpu.memref_slice %arg5[%dma_wait3A_175, %dma_wait3A_176] : memref<100352x32xf32, #tpu.memory_space<hbm>> -> memref<100352x32xf32, #tpu.memory_space<hbm>>
        tpu.wait_indirect_dma semaphore(%run_scoped3A_157 : memref<!tpu.dma_semaphore, #tpu.memory_space<semaphore_mem>>) src(%dma_wait3A_171 : memref<32x32xf32, #tpu.memory_space<vmem>>) dst(%dma_wait3A_177 : memref<100352x32xf32, #tpu.memory_space<hbm>>)
        tpu.yield
      }) : () -> ()
    }
    %scan3A_149 = arith.constant 98 : i32
    return
  }
}

module attributes {stable_mosaic.version = 14 : i64} {
  func.func @_tc1_body(%arg0: i32, %arg1: memref<3136x24xf32, #tpu.memory_space<vmem>>, %arg2: memref<24x64xf32, #tpu.memory_space<vmem>>, %arg3: memref<64xf32, #tpu.memory_space<vmem>>, %arg4: memref<64x64xf32, #tpu.memory_space<vmem>>, %arg5: memref<3136x64xf32, #tpu.memory_space<vmem>>) attributes {dimension_semantics = [#tpu.dimension_semantics<arbitrary>], iteration_bounds = array<i64: 16>, scalar_prefetch = 0 : i64, scratch_operands = 0 : i64, tpu.core_type = #tpu.core_type<tc>, window_params = [{transform_indices = @transform_0, window_bounds = array<i64: 3136, 24>}, {pipeline_mode = #tpu.pipeline_mode<synchronous>, transform_indices = @transform_1, window_bounds = array<i64: 24, 64>}, {pipeline_mode = #tpu.pipeline_mode<synchronous>, transform_indices = @transform_2, window_bounds = array<i64: 64>}, {pipeline_mode = #tpu.pipeline_mode<synchronous>, transform_indices = @transform_3, window_bounds = array<i64: 64, 64>}, {transform_indices = @transform_4, window_bounds = array<i64: 3136, 64>}]} {
    %get3A = arith.constant 0 : index
    %get3A_0 = arith.constant 0 : index
    %get3A_1 = vector.load %arg1[%get3A, %get3A_0] : memref<3136x24xf32, #tpu.memory_space<vmem>>, vector<3136x24xf32>
    %get3A_2 = arith.constant 0 : index
    %get3A_3 = arith.constant 0 : index
    %get3A_4 = vector.load %arg2[%get3A_2, %get3A_3] : memref<24x64xf32, #tpu.memory_space<vmem>>, vector<24x64xf32>
    %dot_general3A = arith.constant dense<0.000000e+00> : vector<3136x64xf32>
    %dot_general3A_5 = tpu.matmul %get3A_1, %get3A_4, %dot_general3A {dimension_numbers = #tpu.dot_dimension_numbers<[1], [0], [0], [1], [0, 0, 1, 1], [], []>, transpose_lhs_hint = false} : vector<3136x24xf32>, vector<24x64xf32>, vector<3136x64xf32> -> vector<3136x64xf32>
    %get3A_6 = arith.constant 0 : index
    %get3A_7 = vector.load %arg3[%get3A_6] : memref<64xf32, #tpu.memory_space<vmem>>, vector<64xf32>
    %broadcast_in_dim3A = vector.shape_cast %get3A_7 : vector<64xf32> to vector<1x64xf32>
    %add3A = vector.broadcast %broadcast_in_dim3A : vector<1x64xf32> to vector<3136x64xf32>
    %add3A_8 = arith.addf %dot_general3A_5, %add3A : vector<3136x64xf32>
    %get3A_9 = arith.constant 0 : index
    %get3A_10 = arith.constant 0 : index
    %get3A_11 = vector.load %arg4[%get3A_9, %get3A_10] : memref<64x64xf32, #tpu.memory_space<vmem>>, vector<64x64xf32>
    %dot_general3A_12 = arith.constant dense<0.000000e+00> : vector<3136x64xf32>
    %dot_general3A_13 = tpu.matmul %add3A_8, %get3A_11, %dot_general3A_12 {dimension_numbers = #tpu.dot_dimension_numbers<[1], [0], [0], [1], [0, 0, 1, 1], [], []>, transpose_lhs_hint = false} : vector<3136x64xf32>, vector<64x64xf32>, vector<3136x64xf32> -> vector<3136x64xf32>
    %swap3A = arith.constant 0 : index
    %swap3A_14 = arith.constant 0 : index
    %swap3A_15 = vector.load %arg5[%swap3A, %swap3A_14] : memref<3136x64xf32, #tpu.memory_space<vmem>>, vector<3136x64xf32>
    tpu.vector_store %arg5[%swap3A, %swap3A_14], %dot_general3A_13 {strides = array<i32>} : memref<3136x64xf32, #tpu.memory_space<vmem>>, vector<3136x64xf32>,
    return
  }
  func.func @transform_0(%arg0: i32) -> (i32, i32) {
    %c0_i32 = arith.constant 0 : i32
    %c0_i32_0 = arith.constant 0 : i32
    return %arg0, %c0_i32 : i32, i32
  }
  func.func @transform_1(%arg0: i32) -> (i32, i32) {
    %c0_i32 = arith.constant 0 : i32
    %c0_i32_0 = arith.constant 0 : i32
    %c0_i32_1 = arith.constant 0 : i32
    return %c0_i32, %c0_i32_0 : i32, i32
  }
  func.func @transform_2(%arg0: i32) -> i32 {
    %c0_i32 = arith.constant 0 : i32
    %c0_i32_0 = arith.constant 0 : i32
    return %c0_i32 : i32
  }
  func.func @transform_3(%arg0: i32) -> (i32, i32) {
    %c0_i32 = arith.constant 0 : i32
    %c0_i32_0 = arith.constant 0 : i32
    %c0_i32_1 = arith.constant 0 : i32
    return %c0_i32, %c0_i32_0 : i32, i32
  }
  func.func @transform_4(%arg0: i32) -> (i32, i32) {
    %c0_i32 = arith.constant 0 : i32
    %c0_i32_0 = arith.constant 0 : i32
    return %arg0, %c0_i32 : i32, i32
  }
}

module attributes {stable_mosaic.version = 14 : i64} {
  func.func @_tc2_body(%arg0: i32, %arg1: memref<3136x64xf32, #tpu.memory_space<vmem>>, %arg2: memref<3136x64xf32, #tpu.memory_space<vmem>>, %arg3: memref<3136x1xf32, #tpu.memory_space<vmem>>, %arg4: memref<64xf32, #tpu.memory_space<vmem>>, %arg5: memref<64x64xf32, #tpu.memory_space<vmem>>, %arg6: memref<3136x64xf32, #tpu.memory_space<vmem>>) attributes {dimension_semantics = [#tpu.dimension_semantics<arbitrary>], iteration_bounds = array<i64: 16>, scalar_prefetch = 0 : i64, scratch_operands = 0 : i64, tpu.core_type = #tpu.core_type<tc>, window_params = [{transform_indices = @transform_0, window_bounds = array<i64: 3136, 64>}, {transform_indices = @transform_1, window_bounds = array<i64: 3136, 64>}, {transform_indices = @transform_2, window_bounds = array<i64: 3136, 1>}, {pipeline_mode = #tpu.pipeline_mode<synchronous>, transform_indices = @transform_3, window_bounds = array<i64: 64>}, {pipeline_mode = #tpu.pipeline_mode<synchronous>, transform_indices = @transform_4, window_bounds = array<i64: 64, 64>}, {transform_indices = @transform_5, window_bounds = array<i64: 3136, 64>}]} {
    %get3A = arith.constant 0 : index
    %get3A_0 = arith.constant 0 : index
    %get3A_1 = vector.load %arg3[%get3A, %get3A_0] : memref<3136x1xf32, #tpu.memory_space<vmem>>, vector<3136x1xf32>
    %add3A = arith.constant 1.000000e+00 : f32
    %add3A_2 = vector.broadcast %add3A : f32 to vector<3136x1xf32>
    %add3A_3 = arith.addf %get3A_1, %add3A_2 : vector<3136x1xf32>
    %rsqrt3A = math.rsqrt %add3A_3 : vector<3136x1xf32>
    %get3A_4 = arith.constant 0 : index
    %get3A_5 = arith.constant 0 : index
    %get3A_6 = vector.load %arg1[%get3A_4, %get3A_5] : memref<3136x64xf32, #tpu.memory_space<vmem>>, vector<3136x64xf32>
    %get3A_7 = arith.constant 0 : index
    %get3A_8 = arith.constant 0 : index
    %get3A_9 = vector.load %arg2[%get3A_7, %get3A_8] : memref<3136x64xf32, #tpu.memory_space<vmem>>, vector<3136x64xf32>
    %add3A_10 = arith.addf %get3A_6, %get3A_9 : vector<3136x64xf32>
    %mul3A = vector.broadcast %rsqrt3A : vector<3136x1xf32> to vector<3136x64xf32>
    %mul3A_11 = arith.mulf %add3A_10, %mul3A : vector<3136x64xf32>
    %get3A_12 = arith.constant 0 : index
    %get3A_13 = vector.load %arg4[%get3A_12] : memref<64xf32, #tpu.memory_space<vmem>>, vector<64xf32>
    %broadcast_in_dim3A = vector.shape_cast %get3A_13 : vector<64xf32> to vector<1x64xf32>
    %add3A_14 = vector.broadcast %broadcast_in_dim3A : vector<1x64xf32> to vector<3136x64xf32>
    %add3A_15 = arith.addf %mul3A_11, %add3A_14 : vector<3136x64xf32>
    %max3A = arith.constant 0.000000e+00 : f32
    %max3A_16 = vector.broadcast %max3A : f32 to vector<3136x64xf32>
    %max3A_17 = arith.maximumf %add3A_15, %max3A_16 : vector<3136x64xf32>
    %get3A_18 = arith.constant 0 : index
    %get3A_19 = arith.constant 0 : index
    %get3A_20 = vector.load %arg5[%get3A_18, %get3A_19] : memref<64x64xf32, #tpu.memory_space<vmem>>, vector<64x64xf32>
    %dot_general3A = arith.constant dense<0.000000e+00> : vector<3136x64xf32>
    %dot_general3A_21 = tpu.matmul %max3A_17, %get3A_20, %dot_general3A {dimension_numbers = #tpu.dot_dimension_numbers<[1], [0], [0], [1], [0, 0, 1, 1], [], []>, transpose_lhs_hint = false} : vector<3136x64xf32>, vector<64x64xf32>, vector<3136x64xf32> -> vector<3136x64xf32>
    %mul3A_22 = vector.broadcast %rsqrt3A : vector<3136x1xf32> to vector<3136x64xf32>
    %mul3A_23 = arith.mulf %dot_general3A_21, %mul3A_22 : vector<3136x64xf32>
    %swap3A = arith.constant 0 : index
    %swap3A_24 = arith.constant 0 : index
    %swap3A_25 = vector.load %arg6[%swap3A, %swap3A_24] : memref<3136x64xf32, #tpu.memory_space<vmem>>, vector<3136x64xf32>
    tpu.vector_store %arg6[%swap3A, %swap3A_24], %mul3A_23 {strides = array<i32>} : memref<3136x64xf32, #tpu.memory_space<vmem>>, vector<3136x64xf32>,
    return
  }
  func.func @transform_0(%arg0: i32) -> (i32, i32) {
    %c0_i32 = arith.constant 0 : i32
    %c0_i32_0 = arith.constant 0 : i32
    return %arg0, %c0_i32 : i32, i32
  }
  func.func @transform_1(%arg0: i32) -> (i32, i32) {
    %c0_i32 = arith.constant 0 : i32
    %c0_i32_0 = arith.constant 0 : i32
    return %arg0, %c0_i32 : i32, i32
  }
  func.func @transform_2(%arg0: i32) -> (i32, i32) {
    %c0_i32 = arith.constant 0 : i32
    %c0_i32_0 = arith.constant 0 : i32
    return %arg0, %c0_i32 : i32, i32
  }
  func.func @transform_3(%arg0: i32) -> i32 {
    %c0_i32 = arith.constant 0 : i32
    %c0_i32_0 = arith.constant 0 : i32
    return %c0_i32 : i32
  }
  func.func @transform_4(%arg0: i32) -> (i32, i32) {
    %c0_i32 = arith.constant 0 : i32
    %c0_i32_0 = arith.constant 0 : i32
    %c0_i32_1 = arith.constant 0 : i32
    return %c0_i32, %c0_i32_0 : i32, i32
  }
  func.func @transform_5(%arg0: i32) -> (i32, i32) {
    %c0_i32 = arith.constant 0 : i32
    %c0_i32_0 = arith.constant 0 : i32
    return %arg0, %c0_i32 : i32, i32
  }
}

module attributes {stable_mosaic.version = 14 : i64} {
  func.func @_tc3_body(%arg0: i32, %arg1: memref<3136x64xf32, #tpu.memory_space<vmem>>, %arg2: memref<3136x64xf32, #tpu.memory_space<vmem>>, %arg3: memref<3136x1xf32, #tpu.memory_space<vmem>>, %arg4: memref<64xf32, #tpu.memory_space<vmem>>, %arg5: memref<3136x64xf32, #tpu.memory_space<vmem>>) attributes {dimension_semantics = [#tpu.dimension_semantics<arbitrary>], iteration_bounds = array<i64: 16>, scalar_prefetch = 0 : i64, scratch_operands = 0 : i64, tpu.core_type = #tpu.core_type<tc>, window_params = [{transform_indices = @transform_0, window_bounds = array<i64: 3136, 64>}, {transform_indices = @transform_1, window_bounds = array<i64: 3136, 64>}, {transform_indices = @transform_2, window_bounds = array<i64: 3136, 1>}, {pipeline_mode = #tpu.pipeline_mode<synchronous>, transform_indices = @transform_3, window_bounds = array<i64: 64>}, {transform_indices = @transform_4, window_bounds = array<i64: 3136, 64>}]} {
    %get3A = arith.constant 0 : index
    %get3A_0 = arith.constant 0 : index
    %get3A_1 = vector.load %arg3[%get3A, %get3A_0] : memref<3136x1xf32, #tpu.memory_space<vmem>>, vector<3136x1xf32>
    %add3A = arith.constant 1.000000e+00 : f32
    %add3A_2 = vector.broadcast %add3A : f32 to vector<3136x1xf32>
    %add3A_3 = arith.addf %get3A_1, %add3A_2 : vector<3136x1xf32>
    %rsqrt3A = math.rsqrt %add3A_3 : vector<3136x1xf32>
    %get3A_4 = arith.constant 0 : index
    %get3A_5 = arith.constant 0 : index
    %get3A_6 = vector.load %arg1[%get3A_4, %get3A_5] : memref<3136x64xf32, #tpu.memory_space<vmem>>, vector<3136x64xf32>
    %get3A_7 = arith.constant 0 : index
    %get3A_8 = arith.constant 0 : index
    %get3A_9 = vector.load %arg2[%get3A_7, %get3A_8] : memref<3136x64xf32, #tpu.memory_space<vmem>>, vector<3136x64xf32>
    %add3A_10 = arith.addf %get3A_6, %get3A_9 : vector<3136x64xf32>
    %mul3A = vector.broadcast %rsqrt3A : vector<3136x1xf32> to vector<3136x64xf32>
    %mul3A_11 = arith.mulf %add3A_10, %mul3A : vector<3136x64xf32>
    %get3A_12 = arith.constant 0 : index
    %get3A_13 = vector.load %arg4[%get3A_12] : memref<64xf32, #tpu.memory_space<vmem>>, vector<64xf32>
    %broadcast_in_dim3A = vector.shape_cast %get3A_13 : vector<64xf32> to vector<1x64xf32>
    %add3A_14 = vector.broadcast %broadcast_in_dim3A : vector<1x64xf32> to vector<3136x64xf32>
    %add3A_15 = arith.addf %mul3A_11, %add3A_14 : vector<3136x64xf32>
    %swap3A = arith.constant 0 : index
    %swap3A_16 = arith.constant 0 : index
    %swap3A_17 = vector.load %arg5[%swap3A, %swap3A_16] : memref<3136x64xf32, #tpu.memory_space<vmem>>, vector<3136x64xf32>
    tpu.vector_store %arg5[%swap3A, %swap3A_16], %add3A_15 {strides = array<i32>} : memref<3136x64xf32, #tpu.memory_space<vmem>>, vector<3136x64xf32>,
    return
  }
  func.func @transform_0(%arg0: i32) -> (i32, i32) {
    %c0_i32 = arith.constant 0 : i32
    %c0_i32_0 = arith.constant 0 : i32
    return %arg0, %c0_i32 : i32, i32
  }
  func.func @transform_1(%arg0: i32) -> (i32, i32) {
    %c0_i32 = arith.constant 0 : i32
    %c0_i32_0 = arith.constant 0 : i32
    return %arg0, %c0_i32 : i32, i32
  }
  func.func @transform_2(%arg0: i32) -> (i32, i32) {
    %c0_i32 = arith.constant 0 : i32
    %c0_i32_0 = arith.constant 0 : i32
    return %arg0, %c0_i32 : i32, i32
  }
  func.func @transform_3(%arg0: i32) -> i32 {
    %c0_i32 = arith.constant 0 : i32
    %c0_i32_0 = arith.constant 0 : i32
    return %c0_i32 : i32
  }
  func.func @transform_4(%arg0: i32) -> (i32, i32) {
    %c0_i32 = arith.constant 0 : i32
    %c0_i32_0 = arith.constant 0 : i32
    return %arg0, %c0_i32 : i32, i32
  }
}

</mosaic_0001>

<sc_bundles>
// kernel: kernel.11.cloned.1.call-start
scs
__scs_entry_jumppad:
0x0: {  	(pc) =	sbr.rel $0x88, $3  }
0x1: {  	(tag) =	ssettag $0x0;
	lr =	simm.s32 $0x1  }
0x2: {  	[smem:$0x3F99] =	sst lr;
	_ =	strace $0xD0000000  }
0x3: {  	_ = 	snop  }
0x4: {  	_ = 	snop  }
0x5: {  	_ = 	snop  }
0x6: {  	_ = 	snop  }
0x7: {  	_ = 	snop  }
__scs_overlays_trampoline_lowered:
0x8: {  	[smem:$0x3FA8] =	sst s0  }
0x9: {  	[smem:$0x3FA9] =	sst s1  }
0xa: {  	[smem:$0x3FAA] =	sst s2  }
0xb: {  	[smem:$0x3FAB] =	sst s3  }
0xc: {  	[smem:$0x3FAC] =	sst s4  }
0xd: {  	[smem:$0x3FAD] =	sst s5  }
0xe: {  	[smem:$0x3FAE] =	sst s6  }
0xf: {  	[smem:$0x3FAF] =	sst s7  }
0x10: {  	[smem:$0x3FB0] =	sst s8  }
0x11: {  	[smem:$0x3FB1] =	sst s9;
	s0 =	simm.s32 @!p0 $0x0  }
0x12: {  	s1 =	sld [smem:$0x3F97];
	s0 =	simm.s32 @p0 $0x1  }
0x13: {  	[smem:$0x3FB2] =	sst s0;
	s0 =	simm.s32 @!p1 $0x0  }
0x14: {  	s2 =	sld [smem:$0x3F96];
	s0 =	simm.s32 @p1 $0x1  }
0x15: {  	[smem:$0x3FB3] =	sst s0;
	s0 =	simm.s32 @!p2 $0x0  }
0x16: {  	s3 =	sld [smem:$0x3FDB];
	s0 =	simm.s32 @p2 $0x1  }
0x17: {  	s4 =	simm.s32 $0x1BF5;
	[smem:$0x3FB5] =	sst s0  }
0x18: {  	s0 =	sld [smem:$0x3F98];
	_ =	swait.ge [sflag:s4], $0x0  }
0x19: {  	s7 =	sld [smem:$0x3F99]  }
0x1a: {  	s8 =	sadd.s32 $0xFFFFE003, lr  }
0x1b: {  	s9 =	sadd.s32 $0xFFFFFEF7, lr;
	s5 =	simm.s32 $0xFFFFFFFF;
	p2 =	slt.u32 s8, $0xFFFFF086  }
0x1c: {  	p1 =	slt.u32 s9, $0xF7A;
	s5 =	simm.s32 @!p2 $0x0  }
0x1d: {  	s5 =	simm.s32 @p1 $0x1;
	p0 =	seq.s32 s7, s2  }
0x1e: {  	s7 =	smul.u32 @!p0 $0xF7A, s2;
	p2 =	seq.s32 @!p0 s5, $0x0  }
0x1f: {  	s9 =	smul.u32 $0xF7A, s1;
	s8 =	simm.s32 @!p0 $0x1BF5;
	p2 =	por !p2, p0  }
0x20: {  	[sflag:s8] =	ssyncset.s32 @!p0 $0xFFFFF086;
	s6 =	sadd.s32 @!p0 s3, s7;
	s7 =	simm.s32 @!p0 $0x108  }
0x21: {  	s3 =	sadd.s32 s3, s9;
	s6 =	sadd.s32 @!p0 $0x88, s6;
	s7 =	simm.s32 @p2 $0x1082  }
0x22: {  	[simem:s7], [sflag:s8] =	dma.local @!p0 [hbm:s6], $0xF7A  }
0x23: {  	s9 =	sor.u32 $0xD0000000, s2;
	s6 =	simm.s32 $0x108;
	_ =	swait.ge @!p0 [sflag:s8], $0x0  }
0x24: {  	s3 =	sadd.s32 $0x88, s3;
	s6 =	simm.s32 @!p1 $0x1082;
	[sflag:s4] =	ssyncset.s32 $0xFFFFF086  }
0x25: {  	[simem:s6], [sflag:s4] =	dma.local [hbm:s3], $0xF7A  }
0x26: {  	[smem:$0x3F99] =	sst s1;
	(tag) =	ssettag s2;
	_ =	strace s9  }
0x27: {  	s1 =	sld [smem:$0x3FA9]  }
0x28: {  	s2 =	sld [smem:$0x3FAA]  }
0x29: {  	s4 =	sld [smem:$0x3FAC]  }
0x2a: {  	p0 =	seq.s32 s5, $0x0;
	s5 =	sld [smem:$0x3FAD]  }
0x2b: {  	s6 =	sld [smem:$0x3FAE]  }
0x2c: {  	s7 =	sld [smem:$0x3FAF]  }
0x2d: {  	s3 =	simm.s32 $0x108;
	s8 =	sld [smem:$0x3FB0]  }
0x2e: {  	s3 =	simm.s32 @!p0 $0x1082;
	s9 =	sld [smem:$0x3FB1]  }
0x2f: {  	lr =	sadd.s32 s0, s3;
	s0 =	sld [smem:$0x3FA8]  }
0x30: {  	s3 =	sld [smem:$0x3FAB]  }
0x31: {  	[smem:$0x3FB4] =	sst s10  }
0x32: {  	s10 =	sld [smem:$0x3FB2];
	_ =	sdelay $0x3  }
0x33: {  	p0 =	seq.s32 s10, $0x1;
	s10 =	sld [smem:$0x3FB4];
	_ =	sdelay $0x3  }
0x34: {  	[smem:$0x3FB4] =	sst s10  }
0x35: {  	s10 =	sld [smem:$0x3FB3];
	_ =	sdelay $0x3  }
0x36: {  	p1 =	seq.s32 s10, $0x1;
	s10 =	sld [smem:$0x3FB4];
	_ =	sdelay $0x3  }
0x37: {  	[smem:$0x3FB4] =	sst s10  }
0x38: {  	s10 =	sld [smem:$0x3FB5]  }
0x39: {  	_ = 	snop;
	(pc) =	sbr.ind lr, $3  }
0x3a: {  	_ = 	snop  }
0x3b: {  	_ = 	snop  }
0x3c: {  	p2 =	seq.s32 s10, $0x1;
	s10 =	sld [smem:$0x3FB4]  }
0x3d: {  	_ =	shalt  }
0x3e: {  	_ =	shalt  }
0x3f: {  	_ =	shalt  }
0x40: {  	_ =	shalt  }
0x41: {  	_ =	shalt  }
0x42: {  	_ =	shalt  }
0x43: {  	_ =	shalt  }
0x44: {  	_ =	shalt  }
0x45: {  	_ =	shalt  }
0x46: {  	_ =	shalt  }
0x47: {  	_ =	shalt  }
0x48: {  	_ =	shalt  }
0x49: {  	_ =	shalt  }
0x4a: {  	_ =	shalt  }
0x4b: {  	_ =	shalt  }
0x4c: {  	_ =	shalt  }
0x4d: {  	_ =	shalt  }
0x4e: {  	_ =	shalt  }
0x4f: {  	_ =	shalt  }
0x50: {  	_ =	shalt  }
0x51: {  	_ =	shalt  }
0x52: {  	_ =	shalt  }
0x53: {  	_ =	shalt  }
0x54: {  	_ =	shalt  }
0x55: {  	_ =	shalt  }
0x56: {  	_ =	shalt  }
0x57: {  	_ =	shalt  }
0x58: {  	_ =	shalt  }
0x59: {  	_ =	shalt  }
0x5a: {  	_ =	shalt  }
0x5b: {  	_ =	shalt  }
0x5c: {  	_ =	shalt  }
0x5d: {  	_ =	shalt  }
0x5e: {  	_ =	shalt  }
0x5f: {  	_ =	shalt  }
0x60: {  	_ =	shalt  }
0x61: {  	_ =	shalt  }
0x62: {  	_ =	shalt  }
0x63: {  	_ =	shalt  }
0x64: {  	_ =	shalt  }
0x65: {  	_ =	shalt  }
0x66: {  	_ =	shalt  }
0x67: {  	_ =	shalt  }
0x68: {  	_ =	shalt  }
0x69: {  	_ =	shalt  }
0x6a: {  	_ =	shalt  }
0x6b: {  	_ =	shalt  }
0x6c: {  	_ =	shalt  }
0x6d: {  	_ =	shalt  }
0x6e: {  	_ =	shalt  }
0x6f: {  	_ =	shalt  }
0x70: {  	_ =	shalt  }
0x71: {  	_ =	shalt  }
0x72: {  	_ =	shalt  }
0x73: {  	_ =	shalt  }
0x74: {  	_ =	shalt  }
0x75: {  	_ =	shalt  }
0x76: {  	_ =	shalt  }
0x77: {  	_ =	shalt  }
0x78: {  	_ =	shalt  }
0x79: {  	_ =	shalt  }
0x7a: {  	_ =	shalt  }
0x7b: {  	_ =	shalt  }
0x7c: {  	_ =	shalt  }
0x7d: {  	_ =	shalt  }
0x7e: {  	_ =	shalt  }
0x7f: {  	_ =	shalt  }
0x80: {  	_ =	shalt  }
0x81: {  	_ =	shalt  }
0x82: {  	_ =	shalt  }
0x83: {  	_ =	shalt  }
0x84: {  	_ =	shalt  }
0x85: {  	_ =	shalt  }
0x86: {  	_ =	shalt  }
0x87: {  	_ =	shalt  }
.Lfunc_end0:
.L_simem_size_0:
called_computation.1_lowered:
.L_overlay_start_0:
0x88: {  	s2 =	sld [smem:$0x3FD9]  }
0x89: {  	s3 =	sld [smem:$0x3FFE];
	_ =	sdelay $0x1  }
0x8a: {  	s1 =	srdreg.scid  }
0x8b: {  	s0 =	sand.u32 $0x1, s1  }
0x8c: {  	s17 =	sshll.u32 s0, $0xA;
	s2 =	sadd.s32 s3, s2  }
0x8d: {  	s2 =	sadd.s32 s2, s17  }
0x8e: {  	[smem:$0x3FC0] =	sst s2  }
0x8f: {  	_ = 	snop  }
0x90: {  	s2 =	sld [smem:$0x3FD0];
	(tm) =	ssettm $0x1  }
0x91: {  	s18 =	sld [smem:$0x3FFB];
	_ =	sdelay $0x3  }
0x92: {  	_ =	strace s18  }
0x93: {  	s3 =	sld [smem:$0x3FFC];
	_ =	sdelay $0x3  }
0x94: {  	_ =	strace s3  }
0x95: {  	s3 =	sld [smem:$0x3FFD];
	_ =	sdelay $0x3  }
0x96: {  	_ =	strace s3  }
0x97: {  	_ =	strace $0x8FFFFFFF  }
0x98: {  	s19 =	sld [smem:$0x3FDB];
	_ =	sdelay $0x1  }
0x99: {  	s4 =	simm.s32 $_scs_section_size  }
0x9a: {  	s5 =	simm.s32 $_size__tile_overlayer_lowered;
	s6 =	simm.s32 $_tile_overlayer_lowered  }
0x9b: {  	s22 =	simm.s32 $0x1BFF;
	s21 =	sshll.u32 s6, $0x1;
	s3 =	sadd.s32 s4, s19  }
0x9c: {  	s7 =	simm.s32 $0x0;
	s20 =	sshll.u32 s5, $0x1;
	s5 =	sadd.s32 s21, s3  }
0x9d: {  	[timem:s7], [sflag:s22] =	dma.local [hbm:s5], s20  }
0x9e: {  	_ =	swait.ge [sflag:s22], s20  }
0x9f: {  	s4 =	ssub.s32 $0x0, s20;
	[sflag:s22] =	ssyncset.done $0x0  }
0xa0: {  	[sflag:s22] =	ssyncadd.s32 s4;
	_ =	sdelay $0x1  }
0xa1: {  	s23 =	simm.s32 $0x1B8B  }
0xa2: {  	_ =	swait.ge [sflag:s23], $0x1  }
0xa3: {  	[sflag:s23] =	ssyncset.done $0x0  }
0xa4: {  	s25 =	simm.s32 $0x1B8E;
	s24 =	sld [smem:$0x3FFE];
	[sflag:s23] =	ssyncadd.s32 $0xFFFFFFFF  }
0xa5: {  	s26 =	simm.s32 $execute0_lowered;
	[smem:$0x3FD2] =	sst s25  }
0xa6: {  	s5 =	sshll.u32 s26, $0x1;
	_ =	strace $0x80000049;
	[dreg:$0x1] =	wrdreg $0xFFFFFFFF  }
0xa7: {  	s28 =	simm.s32 $_size_execute0_lowered;
	s3 =	sadd.s32 s3, s5;
	[dreg:$0x0] =	wrdreg $0x0  }
0xa8: {  	s5 =	sshll.u32 s28, $0x1;
	[dreg:$0x2] =	wrdreg s3  }
0xa9: {  	[dreg:$0x3] =	wrdreg s5  }
0xaa: {  	[dreg:$0x4] =	wrdreg $0xC0  }
0xab: {  	_ =	task [dreg:s7], $0x5FFFF  }
0xac: {  	[dreg:$0x1] =	wrdreg $0xFFFFFFFF  }
0xad: {  	[dreg:$0x0] =	wrdreg $0x60  }
0xae: {  	[dreg:$0x2] =	wrdreg s24  }
0xaf: {  	[dreg:$0x3] =	wrdreg s2  }
0xb0: {  	[dreg:$0x4] =	wrdreg $0x5C400  }
0xb1: {  	[dreg:$0x5] =	wrdreg $0x9  }
0xb2: {  	_ =	task.clear_ibuf [dreg:s7], $0x6FFFF;
	_ =	strace $0x90000049  }
0xb3: {  	s29 =	simm.s32 $0x9;
	_ =	strace $0x8000004B  }
0xb4: {  	_ =	swait.ge [sflag:s29], $0x1  }
0xb5: {  	[sflag:s29] =	ssyncadd.s32 $0xFFFFFFFF  }
0xb6: {  	_ =	strace $0x9000004B  }
0xb7: {  	_ =	sfence  }
0xb8: {  	s30 =	sld [smem:$0x0];
	_ =	sdelay $0x2  }
0xb9: {  	s31 =	sshll.u32 s1, $0xD;
	s1 =	sshrl.u32 s1, $0x2  }
0xba: {  	s3 =	sand.u32 $0x4000, s31;
	s1 =	sadd.s32 s1, s30  }
0xbb: {  	s0 =	sor.u32 s3, s0;
	s1 =	sshll.u32 s1, $0x11  }
0xbc: {  	s0 =	sor.u32 s1, s0  }
0xbd: {  	s0 =	sadd.s32 $0x8F2B, s0  }
0xbe: {  	[sflag:s0] =	ssyncadd.remote.s32 $0x1  }
0xbf: {  	_ =	sfence.sel $0xFFFF  }
0xc0: {  	[dreg:$0x0] =	wrdreg $0xFFFFFFFF;
	(pc) =	sbr.abs _section_cstart, $3  }
0xc1: {  	[dreg:$0x1] =	wrdreg $0xFFFFFFFF  }
0xc2: {  	_ =	task.clear_ibuf [dreg:s7], $0x2FFFF;
	_ =	strace $0x9FFFFFFF  }
0xc3: {  	(tm) =	ssettm $0x7FFFFFFF  }
tec
execute0_lowered:
.L_overlay_start_1:
0x0: {  	(tag) =	ssettag $0x1  }
0x1: {  	s0 =	rddreg [dreg:$0x0]  }
0x2: {  	s1 =	rddreg [dreg:$0x1]  }
0x3: {  	s2 =	rddreg [dreg:$0x2]  }
0x4: {  	s3 =	simm.s32 $0x0;
	s4 =	srdreg.scid;
	s12 =	stileid.u32  }
0x5: {  	s15 =	simm.s32 $0x8;
	s16 =	simm.s32 $0x1;
	s17 =	simm.s32 $0x80  }
0x6: {  	s18 =	simm.s32 $0x800;
	s28 =	simm.s32 $0x3;
	s29 =	simm.s32 $0x4  }
0x7: {  	s31 =	simm.s32 $0x5;
	s14 =	simm.s32 $0x480;
	s6 =	smul.u32 $0x18800, s12  }
0x8: {  	s13 =	simm.s32 $0x580;
	[smem:$0x7FF] =	sst s3;
	s20 =	smul.u32 $0x1880, s12  }
0x9: {  	s5 =	sand.u32 $0x1, s4;
	s11 =	sshll.u32 s12, $0x6;
	s23 =	smul.u32 $0x62000, s12  }
0xa: {  	s24 =	smul.u32 $0x3100, s12;
	_ =	strace $0x8000004A;
	s4 =	sshll.u32 s5, $0x2  }
0xb: {  	s9 =	ssub.s32 $0x2, s5;
	s21 =	sor.u32 $0x1C08, s11;
	s11 =	simm.s32 $0x680  }
0xc: {  	s7 =	sadd.s32 s4, s0;
	s8 =	sshrl.u32 s6, $0x3;
	s4 =	sadd.s32 $0x159000, s0  }
0xd: {  	s19 =	sshrl.u32 s9, $0x1;
	s6 =	sadd.s32 s6, s2;
	[dreg:$0x5] =	wrdreg s21  }
0xe: {  	s5 =	sor.u32 s5, s20;
	s26 =	sshrl.u32 s23, $0x2;
	s12 =	sadd.s32 s24, s1  }
0xf: {  	s20 =	simm.s32 $0x1800;
	s24 =	simm.s32 $0x3800;
	s21 =	simm.s32 $0x4800  }
0x10: {  	s23 =	simm.s32 $0x20;
	s10 =	sadd.s32 s8, s0;
	s0 =	ssub.s32 s9, s19  }
0x11: {  	s22 =	sadd.s32 s1, s8;
	s8 =	sadd.s32 $0xC6000, s7;
	s25 =	sor.u32 $0x20, s5  }
0x12: {  	s30 =	sshrl.u32 s6, $0x3;
	s1 =	simm.s32 $0x6;
	[dreg:$0x6] =	wrdreg s22  }
0x13: {  	s6 =	simm.s32 $0x7;
	s7 =	simm.s32 $0x700;
	[dreg:$0x9] =	wrdreg s25  }
0x14: {  	s19 =	simm.s32 $0x780;
	s10 =	sadd.s32 $0x128000, s10;
	[dreg:$0xb] =	wrdreg s30  }
0x15: {  	s5 =	simm.s32 $0x0;
	s0 =	smax.u32 s0, $0x1;
	[dreg:$0x4] =	wrdreg s10  }
0x16: {  	s25 =	simm.s32 $0x400;
	s10 =	sadd.s32 $0x80, s22;
	[dreg:$0x8] =	wrdreg s0  }
0x17: {  	v0 =	vlaneseq.u32;
	s0 =	sadd.s32 s26, s2;
	s22 =	simm.s32 $0x2800;
	[dreg:$0x7] =	wrdreg s10  }
0x18: {  	v0 =	vmul.u32 $0x2, v0;
	s26 =	simm.s32 $0x2;
	[dreg:$0xa] =	wrdreg s0;
	s10 =	simm.s32 $0x600  }
.LBB2_1:
0x19: {  	s30 =	rddreg [dreg:$0x9]  }
0x1a: {  	s9 =	sadd.s32 $0xFFFFFFE0, s30  }
0x1b: {  	[dreg:$0xc] =	wrdreg s5;
	s0 =	simm.s32 $0x80;
	s5 =	simm.s32 $0x0;
	v1 =	vor.u32 s30, v0;
	v2 =	vor.u32 s9, v0  }
.LBB2_2:
0x1c: {  	p0 =	sne.s32 s0, $0x3080  }
0x1d: {  	[tilespmem:s5+$0x5000] =	vst v2;
	s30 =	sadd.s32 $0x40, s30;
	s9 =	smov.u32 s0;
	s0 =	sadd.s32 $0x80, s0  }
.Ltmp0:
0x1e: {  	[tilespmem:s5+$0x5010] =	vst v1;
	(pc) =	sbr.rel @p0 .LBB2_2-.Ltmp0, $3  }
0x1f: {  	_ =	sdelay $0x1  }
0x20: {  	s5 =	sadd.s32 $0xFFFFFFE0, s30  }
0x21: {  	v1 =	vor.u32 s30, v0;
	v2 =	vor.u32 s5, v0;
	s5 =	sshra.s32 s9, $0x2  }
0x22: {  	[tilespmem:s5+$0x5000] =	vst v2;
	s0 =	rddreg [dreg:$0x4]  }
0x23: {  	[tilespmem:s5+$0x5010] =	vst v1;
	s5 =	rddreg [dreg:$0x5]  }
0x24: {  	s9 =	rddreg [dreg:$0xb]  }
0x25: {  	[spmem:s9], [sflag:s5] =	dma.local [hbm:s0], $0x3100  }
0x26: {  	_ =	swait.ge [sflag:s15], $0x3100  }
0x27: {  	[sflag:s15] =	ssyncset.done $0x0  }
0x28: {  	[sflag:s15] =	ssyncadd.s32 $0xFFFFCF00  }
0x29: {  	[bflag:$0x0] =	sbarrier.arrive $0xFFFF  }
0x2a: {  	s9 =	rddreg [dreg:$0x6]  }
0x2b: {  	[tilespmem:s3], [sflag:$0x1] =	stream.linear.gather [hbm4b:s9+s3], $0x400, $0x38;
	[tilespmem:$0x1E440] =	vst v63  }
0x2c: {  	_ =	swait.ge [sflag:s16], $0x400  }
0x2d: {  	[sflag:s16] =	ssyncset.done $0x0  }
0x2e: {  	[sflag:s16] =	ssyncadd.s32 $0xFFFFFC00  }
0x2f: {  	[tilespmem:s18], [sflag:$0x3] =	stream.indirect.gather [hbm4b:s8+s17], $0x20, s3, s17, $0xb8;
	[tilespmem:$0x1E440] =	vst v63  }
0x30: {  	s9 =	simm.s32 $0x100  }
0x31: {  	[tilespmem:s20], [sflag:$0x4] =	stream.indirect.gather [hbm4b:s8+s17], $0x20, s9, s17, $0xb8;
	[tilespmem:$0x1E440] =	vst v63  }
0x32: {  	s5 =	simm.s32 $0x200  }
0x33: {  	[tilespmem:s22], [sflag:$0x5] =	stream.indirect.gather [hbm4b:s8+s17], $0x20, s5, s17, $0xb8;
	[tilespmem:$0x1E440] =	vst v63  }
0x34: {  	s5 =	simm.s32 $0x300  }
0x35: {  	[tilespmem:s24], [sflag:$0x6] =	stream.indirect.gather [hbm4b:s8+s17], $0x20, s5, s17, $0xb8;
	[tilespmem:$0x1E440] =	vst v63  }
0x36: {  	s30 =	simm.s32 $0xFFFFD000;
	s5 =	rddreg [dreg:$0x7]  }
0x37: {  	[tilespmem:s25], [sflag:$0x2] =	stream.linear.gather [hbm4b:s5+s3], $0x400, $0x38;
	[tilespmem:$0x1E440] =	vst v63  }
.LBB2_4:
0x38: {  	_ =	swait.ge [sflag:s26], $0x400  }
0x39: {  	[sflag:s26] =	ssyncset.done $0x0  }
0x3a: {  	[sflag:s26] =	ssyncadd.s32 $0xFFFFFC00  }
0x3b: {  	_ =	swait.ge [sflag:s28], $0x1000  }
0x3c: {  	[sflag:s28] =	ssyncset.done $0x0  }
0x3d: {  	[sflag:s28] =	ssyncadd.s32 $0xFFFFF000  }
0x3e: {  	[spmem:s2] =	stream.indirect.scatter.add.f32 [tilespmem:s18], [sflag:$0x7], $0x20, s17, s17, $0xb8;
	[tilespmem:$0x1E440] =	vst v63  }
0x3f: {  	_ =	swait.ge [sflag:s29], $0x1000  }
0x40: {  	[sflag:s29] =	ssyncset.done $0x0  }
0x41: {  	s0 =	simm.s32 $0x180;
	[sflag:s29] =	ssyncadd.s32 $0xFFFFF000  }
0x42: {  	[spmem:s2] =	stream.indirect.scatter.add.f32 [tilespmem:s20], [sflag:$0x7], $0x20, s0, s17, $0xb8;
	[tilespmem:$0x1E440] =	vst v63  }
0x43: {  	_ =	swait.ge [sflag:s31], $0x1000  }
0x44: {  	[sflag:s31] =	ssyncset.done $0x0  }
0x45: {  	s5 =	simm.s32 $0x280;
	[sflag:s31] =	ssyncadd.s32 $0xFFFFF000  }
0x46: {  	[spmem:s2] =	stream.indirect.scatter.add.f32 [tilespmem:s22], [sflag:$0x7], $0x20, s5, s17, $0xb8;
	[tilespmem:$0x1E440] =	vst v63  }
0x47: {  	_ =	swait.ge [sflag:s1], $0x1000  }
0x48: {  	[sflag:s1] =	ssyncset.done $0x0  }
0x49: {  	s5 =	simm.s32 $0x380;
	[sflag:s1] =	ssyncadd.s32 $0xFFFFF000  }
0x4a: {  	[spmem:s2] =	stream.indirect.scatter.add.f32 [tilespmem:s24], [sflag:$0x7], $0x20, s5, s17, $0xb8;
	[tilespmem:$0x1E440] =	vst v63  }
0x4b: {  	_ =	swait.ge [sflag:s6], $0x1000  }
0x4c: {  	[sflag:s6] =	ssyncset.done $0x0  }
0x4d: {  	[sflag:s6] =	ssyncadd.s32 $0xFFFFF000  }
0x4e: {  	_ =	swait.ge [sflag:s6], $0x1000  }
0x4f: {  	[sflag:s6] =	ssyncset.done $0x0  }
0x50: {  	[sflag:s6] =	ssyncadd.s32 $0xFFFFF000  }
0x51: {  	_ =	swait.ge [sflag:s6], $0x1000  }
0x52: {  	[sflag:s6] =	ssyncset.done $0x0  }
0x53: {  	[sflag:s6] =	ssyncadd.s32 $0xFFFFF000  }
0x54: {  	_ =	swait.ge [sflag:s6], $0x1000  }
0x55: {  	[sflag:s6] =	ssyncset.done $0x0  }
0x56: {  	[sflag:s6] =	ssyncadd.s32 $0xFFFFF000  }
0x57: {  	[tilespmem:s18], [sflag:$0x3] =	stream.indirect.gather [hbm4b:s8+s17], $0x20, s25, s17, $0xb8;
	[tilespmem:$0x1E440] =	vst v63  }
0x58: {  	s5 =	simm.s32 $0x500  }
0x59: {  	[tilespmem:s20], [sflag:$0x4] =	stream.indirect.gather [hbm4b:s8+s17], $0x20, s5, s17, $0xb8;
	[tilespmem:$0x1E440] =	vst v63  }
0x5a: {  	p0 =	seq.s32 s30, $0x0  }
0x5b: {  	[tilespmem:s22], [sflag:$0x5] =	stream.indirect.gather [hbm4b:s8+s17], $0x20, s10, s17, $0xb8;
	[tilespmem:$0x1E440] =	vst v63  }
0x5c: {  	s0 =	sadd.s32 @!p0 s30, s12  }
0x5d: {  	[tilespmem:s24], [sflag:$0x6] =	stream.indirect.gather [hbm4b:s8+s17], $0x20, s7, s17, $0xb8;
	[tilespmem:$0x1E440] =	vst v63  }
0x5e: {  	s0 =	sadd.s32 @!p0 $0x3100, s0;
	s5 =	simm.s32 @!p0 $0x0  }
0x5f: {  	[tilespmem:s5], [sflag:$0x1] =	stream.linear.gather @!p0 [hbm4b:s0+s5], $0x400, $0x38;
	[tilespmem:$0x1E440] =	vst v63  }
0x60: {  	_ =	swait.ge [sflag:s28], $0x1000  }
0x61: {  	[sflag:s28] =	ssyncset.done $0x0  }
0x62: {  	[sflag:s28] =	ssyncadd.s32 $0xFFFFF000  }
0x63: {  	[spmem:s2] =	stream.indirect.scatter.add.f32 [tilespmem:s18], [sflag:$0x7], $0x20, s14, s17, $0xb8;
	[tilespmem:$0x1E440] =	vst v63  }
0x64: {  	_ =	swait.ge [sflag:s29], $0x1000  }
0x65: {  	[sflag:s29] =	ssyncset.done $0x0  }
0x66: {  	[sflag:s29] =	ssyncadd.s32 $0xFFFFF000  }
0x67: {  	[spmem:s2] =	stream.indirect.scatter.add.f32 [tilespmem:s20], [sflag:$0x7], $0x20, s13, s17, $0xb8;
	[tilespmem:$0x1E440] =	vst v63  }
0x68: {  	_ =	swait.ge [sflag:s31], $0x1000  }
0x69: {  	[sflag:s31] =	ssyncset.done $0x0  }
0x6a: {  	[sflag:s31] =	ssyncadd.s32 $0xFFFFF000  }
0x6b: {  	[spmem:s2] =	stream.indirect.scatter.add.f32 [tilespmem:s22], [sflag:$0x7], $0x20, s11, s17, $0xb8;
	[tilespmem:$0x1E440] =	vst v63  }
0x6c: {  	_ =	swait.ge [sflag:s1], $0x1000  }
0x6d: {  	[sflag:s1] =	ssyncset.done $0x0  }
0x6e: {  	[sflag:s1] =	ssyncadd.s32 $0xFFFFF000  }
0x6f: {  	[spmem:s2] =	stream.indirect.scatter.add.f32 [tilespmem:s24], [sflag:$0x7], $0x20, s19, s17, $0xb8;
	[tilespmem:$0x1E440] =	vst v63  }
0x70: {  	_ =	swait.ge [sflag:s6], $0x1000  }
0x71: {  	[sflag:s6] =	ssyncset.done $0x0  }
0x72: {  	[sflag:s6] =	ssyncadd.s32 $0xFFFFF000  }
0x73: {  	_ =	swait.ge [sflag:s6], $0x1000  }
0x74: {  	[sflag:s6] =	ssyncset.done $0x0  }
0x75: {  	[sflag:s6] =	ssyncadd.s32 $0xFFFFF000  }
0x76: {  	_ =	swait.ge [sflag:s6], $0x1000  }
.Ltmp1:
0x77: {  	[sflag:s6] =	ssyncset.done $0x0;
	(pc) =	sbr.rel @p0 .LBB2_6-.Ltmp1, $4  }
0x78: {  	[sflag:s6] =	ssyncadd.s32 $0xFFFFF000  }
0x79: {  	_ =	swait.ge [sflag:s6], $0x1000  }
0x7a: {  	[sflag:s6] =	ssyncset.done $0x0  }
0x7b: {  	[sflag:s6] =	ssyncadd.s32 $0xFFFFF000  }
0x7c: {  	_ =	swait.ge [sflag:s16], $0x400  }
0x7d: {  	[sflag:s16] =	ssyncset.done $0x0  }
0x7e: {  	[sflag:s16] =	ssyncadd.s32 $0xFFFFFC00  }
0x7f: {  	[tilespmem:s18], [sflag:$0x3] =	stream.indirect.gather [hbm4b:s8+s17], $0x20, s3, s17, $0xb8;
	[tilespmem:$0x1E440] =	vst v63  }
0x80: {  	_ = 	snop  }
0x81: {  	[tilespmem:s20], [sflag:$0x4] =	stream.indirect.gather [hbm4b:s8+s17], $0x20, s9, s17, $0xb8;
	[tilespmem:$0x1E440] =	vst v63  }
0x82: {  	s0 =	simm.s32 $0x200  }
0x83: {  	[tilespmem:s22], [sflag:$0x5] =	stream.indirect.gather [hbm4b:s8+s17], $0x20, s0, s17, $0xb8;
	[tilespmem:$0x1E440] =	vst v63  }
.Ltmp2:
0x84: {  	s5 =	simm.s32 $0x300;
	(pc) =	sbr.rel .LBB2_4-.Ltmp2, $4  }
0x85: {  	[tilespmem:s24], [sflag:$0x6] =	stream.indirect.gather [hbm4b:s8+s17], $0x20, s5, s17, $0xb8;
	[tilespmem:$0x1E440] =	vst v63  }
0x86: {  	s5 =	sadd.s32 s30, s12  }
0x87: {  	s30 =	sadd.s32 $0x100, s30;
	s0 =	sadd.s32 $0x3180, s5  }
0x88: {  	[tilespmem:s25], [sflag:$0x2] =	stream.linear.gather [hbm4b:s0+s3], $0x400, $0x38;
	[tilespmem:$0x1E440] =	vst v63  }
.LBB2_6:
0x89: {  	[bflag:$0x0] =	sbarrier.arrive $0xFFFF  }
0x8a: {  	s5 =	rddreg [dreg:$0xa]  }
0x8b: {  	[tilespmem:s21], [sflag:$0x8] =	stream.linear.gather [spmem:s5], $0x400, $0x38;
	[tilespmem:$0x1E440] =	vst v63  }
0x8c: {  	_ =	swait.ge [sflag:s15], $0x400  }
0x8d: {  	[sflag:s15] =	ssyncset.done $0x0  }
0x8e: {  	s0 =	simm.s32 $0x5000;
	[sflag:s15] =	ssyncadd.s32 $0xFFFFFC00  }
0x8f: {  	[hbm4b:s4+s23] =	stream.indirect.scatter [tilespmem:s21], [sflag:$0x8], $0x20, s0, s23, $0xb8;
	[tilespmem:$0x1E440] =	vst v63  }
0x90: {  	_ =	swait.ge [sflag:s15], $0x400  }
0x91: {  	s30 =	simm.s32 $0x80;
	s0 =	smov.u32 s5;
	[sflag:s15] =	ssyncset.done $0x0  }
.LBB2_7:
0x92: {  	p0 =	sne.s32 s30, $0x3080;
	[sflag:s15] =	ssyncadd.s32 $0xFFFFFC00;
	s0 =	sadd.s32 $0x400, s0  }
0x93: {  	[tilespmem:s21], [sflag:$0x8] =	stream.linear.gather [spmem:s0], $0x400, $0x38;
	[tilespmem:$0x1E440] =	vst v63  }
0x94: {  	s5 =	smov.u32 s30;
	s30 =	sadd.s32 $0x80, s30;
	_ =	swait.ge [sflag:s15], $0x400  }
.Ltmp3:
0x95: {  	s5 =	sshra.s32 s5, $0x2;
	[sflag:s15] =	ssyncset.done $0x0;
	(pc) =	sbr.rel @p0 .LBB2_7-.Ltmp3, $4  }
0x96: {  	s5 =	sadd.s32 $0x5000, s5;
	[sflag:s15] =	ssyncadd.s32 $0xFFFFFC00  }
0x97: {  	[hbm4b:s4+s23] =	stream.indirect.scatter [tilespmem:s21], [sflag:$0x8], $0x20, s5, s23, $0xb8;
	[tilespmem:$0x1E440] =	vst v63  }
0x98: {  	_ =	swait.ge [sflag:s15], $0x400  }
0x99: {  	[sflag:s15] =	ssyncset.done $0x0  }
0x9a: {  	s5 =	rddreg [dreg:$0xc]  }
0x9b: {  	s0 =	rddreg [dreg:$0x8];
	s5 =	sadd.s32 $0x1, s5  }
0x9c: {  	p0 =	sne.s32 s5, s0  }
.Ltmp4:
0x9d: {  	_ = 	snop;
	(pc) =	sbr.rel @p0 .LBB2_1-.Ltmp4, $2  }
0x9e: {  	_ =	sdelay $0x2  }
0x9f: {  	[sflag:s15] =	ssyncadd.s32 $0xFFFFFC00  }
0xa0: {  	_ =	sfence.sel $0x180000  }
0xa1: {  	[bflag:$0x0] =	sbarrier.arrive $0xFFFF  }
0xa2: {  	_ =	strace $0x9000004A  }
0xa3: {  	s0 =	stileid.u32;
	[bflag:$0x2] =	sbarrier.arrive $0xFFFF  }
0xa4: {  	p0 =	sne.s32 s0, $0x0;
	s0 =	rddreg [dreg:$0x3]  }
0xa5: {  	s0 =	sadd.s32 @!p0 $0x100000, s0  }
0xa6: {  	[sflag:s0] =	ssyncadd.tile.s32 @!p0 $0x1;
	_ =	shalt  }
.Lfunc_end2:
_tile_overlayer_lowered:
.L_overlay_start_2:
0xa7: {  	(tag) =	ssettag $0x2  }
0xa8: {  	s0 =	rddreg [dreg:$0x0];
	s2 =	stileid.u32  }
0xa9: {  	s1 =	rddreg [dreg:$0x1];
	p0 =	sne.s32 s2, $0x0  }
0xaa: {  	s3 =	rddreg [dreg:$0x2];
	[bflag:$0x3] =	sbarrier.arrive $0xFFFF;
	s2 =	simm.s32 @!p0 $0x1C08  }
0xab: {  	[timem:s3], [sflag:s2] =	dma.local @!p0 [hbm:s0], s1  }
0xac: {  	s0 =	simm.s32 @!p0 $0x8  }
0xad: {  	_ =	swait.ge @!p0 [sflag:s0], s1  }
0xae: {  	s1 =	ssub.s32 @!p0 $0x0, s1;
	[sflag:s0] =	ssyncset.done @!p0 $0x0  }
0xaf: {  	[sflag:s0] =	ssyncadd.s32 @!p0 s1  }
0xb0: {  	[bflag:$0x3] =	sbarrier.arrive $0xFFFF  }
0xb1: {  	_ =	shalt  }

// kernel: kernel.14.cloned.1.call-start
scs
__scs_entry_jumppad:
0x0: {  	(pc) =	sbr.rel $0x88, $3  }
0x1: {  	(tag) =	ssettag $0x0;
	lr =	simm.s32 $0x1  }
0x2: {  	[smem:$0x3F99] =	sst lr;
	_ =	strace $0xD0000000  }
0x3: {  	_ = 	snop  }
0x4: {  	_ = 	snop  }
0x5: {  	_ = 	snop  }
0x6: {  	_ = 	snop  }
0x7: {  	_ = 	snop  }
__scs_overlays_trampoline_lowered:
0x8: {  	[smem:$0x3FA8] =	sst s0  }
0x9: {  	[smem:$0x3FA9] =	sst s1  }
0xa: {  	[smem:$0x3FAA] =	sst s2  }
0xb: {  	[smem:$0x3FAB] =	sst s3  }
0xc: {  	[smem:$0x3FAC] =	sst s4  }
0xd: {  	[smem:$0x3FAD] =	sst s5  }
0xe: {  	[smem:$0x3FAE] =	sst s6  }
0xf: {  	[smem:$0x3FAF] =	sst s7  }
0x10: {  	[smem:$0x3FB0] =	sst s8  }
0x11: {  	[smem:$0x3FB1] =	sst s9;
	s0 =	simm.s32 @!p0 $0x0  }
0x12: {  	s1 =	sld [smem:$0x3F97];
	s0 =	simm.s32 @p0 $0x1  }
0x13: {  	[smem:$0x3FB2] =	sst s0;
	s0 =	simm.s32 @!p1 $0x0  }
0x14: {  	s2 =	sld [smem:$0x3F96];
	s0 =	simm.s32 @p1 $0x1  }
0x15: {  	[smem:$0x3FB3] =	sst s0;
	s0 =	simm.s32 @!p2 $0x0  }
0x16: {  	s3 =	sld [smem:$0x3FDB];
	s0 =	simm.s32 @p2 $0x1  }
0x17: {  	s4 =	simm.s32 $0x1BF5;
	[smem:$0x3FB5] =	sst s0  }
0x18: {  	s0 =	sld [smem:$0x3F98];
	_ =	swait.ge [sflag:s4], $0x0  }
0x19: {  	s7 =	sld [smem:$0x3F99]  }
0x1a: {  	s8 =	sadd.s32 $0xFFFFE003, lr  }
0x1b: {  	s9 =	sadd.s32 $0xFFFFFEF7, lr;
	s5 =	simm.s32 $0xFFFFFFFF;
	p2 =	slt.u32 s8, $0xFFFFF086  }
0x1c: {  	p1 =	slt.u32 s9, $0xF7A;
	s5 =	simm.s32 @!p2 $0x0  }
0x1d: {  	s5 =	simm.s32 @p1 $0x1;
	p0 =	seq.s32 s7, s2  }
0x1e: {  	s7 =	smul.u32 @!p0 $0xF7A, s2;
	p2 =	seq.s32 @!p0 s5, $0x0  }
0x1f: {  	s9 =	smul.u32 $0xF7A, s1;
	s8 =	simm.s32 @!p0 $0x1BF5;
	p2 =	por !p2, p0  }
0x20: {  	[sflag:s8] =	ssyncset.s32 @!p0 $0xFFFFF086;
	s6 =	sadd.s32 @!p0 s3, s7;
	s7 =	simm.s32 @!p0 $0x108  }
0x21: {  	s3 =	sadd.s32 s3, s9;
	s6 =	sadd.s32 @!p0 $0x88, s6;
	s7 =	simm.s32 @p2 $0x1082  }
0x22: {  	[simem:s7], [sflag:s8] =	dma.local @!p0 [hbm:s6], $0xF7A  }
0x23: {  	s9 =	sor.u32 $0xD0000000, s2;
	s6 =	simm.s32 $0x108;
	_ =	swait.ge @!p0 [sflag:s8], $0x0  }
0x24: {  	s3 =	sadd.s32 $0x88, s3;
	s6 =	simm.s32 @!p1 $0x1082;
	[sflag:s4] =	ssyncset.s32 $0xFFFFF086  }
0x25: {  	[simem:s6], [sflag:s4] =	dma.local [hbm:s3], $0xF7A  }
0x26: {  	[smem:$0x3F99] =	sst s1;
	(tag) =	ssettag s2;
	_ =	strace s9  }
0x27: {  	s1 =	sld [smem:$0x3FA9]  }
0x28: {  	s2 =	sld [smem:$0x3FAA]  }
0x29: {  	s4 =	sld [smem:$0x3FAC]  }
0x2a: {  	p0 =	seq.s32 s5, $0x0;
	s5 =	sld [smem:$0x3FAD]  }
0x2b: {  	s6 =	sld [smem:$0x3FAE]  }
0x2c: {  	s7 =	sld [smem:$0x3FAF]  }
0x2d: {  	s3 =	simm.s32 $0x108;
	s8 =	sld [smem:$0x3FB0]  }
0x2e: {  	s3 =	simm.s32 @!p0 $0x1082;
	s9 =	sld [smem:$0x3FB1]  }
0x2f: {  	lr =	sadd.s32 s0, s3;
	s0 =	sld [smem:$0x3FA8]  }
0x30: {  	s3 =	sld [smem:$0x3FAB]  }
0x31: {  	[smem:$0x3FB4] =	sst s10  }
0x32: {  	s10 =	sld [smem:$0x3FB2];
	_ =	sdelay $0x3  }
0x33: {  	p0 =	seq.s32 s10, $0x1;
	s10 =	sld [smem:$0x3FB4];
	_ =	sdelay $0x3  }
0x34: {  	[smem:$0x3FB4] =	sst s10  }
0x35: {  	s10 =	sld [smem:$0x3FB3];
	_ =	sdelay $0x3  }
0x36: {  	p1 =	seq.s32 s10, $0x1;
	s10 =	sld [smem:$0x3FB4];
	_ =	sdelay $0x3  }
0x37: {  	[smem:$0x3FB4] =	sst s10  }
0x38: {  	s10 =	sld [smem:$0x3FB5]  }
0x39: {  	_ = 	snop;
	(pc) =	sbr.ind lr, $3  }
0x3a: {  	_ = 	snop  }
0x3b: {  	_ = 	snop  }
0x3c: {  	p2 =	seq.s32 s10, $0x1;
	s10 =	sld [smem:$0x3FB4]  }
0x3d: {  	_ =	shalt  }
0x3e: {  	_ =	shalt  }
0x3f: {  	_ =	shalt  }
0x40: {  	_ =	shalt  }
0x41: {  	_ =	shalt  }
0x42: {  	_ =	shalt  }
0x43: {  	_ =	shalt  }
0x44: {  	_ =	shalt  }
0x45: {  	_ =	shalt  }
0x46: {  	_ =	shalt  }
0x47: {  	_ =	shalt  }
0x48: {  	_ =	shalt  }
0x49: {  	_ =	shalt  }
0x4a: {  	_ =	shalt  }
0x4b: {  	_ =	shalt  }
0x4c: {  	_ =	shalt  }
0x4d: {  	_ =	shalt  }
0x4e: {  	_ =	shalt  }
0x4f: {  	_ =	shalt  }
0x50: {  	_ =	shalt  }
0x51: {  	_ =	shalt  }
0x52: {  	_ =	shalt  }
0x53: {  	_ =	shalt  }
0x54: {  	_ =	shalt  }
0x55: {  	_ =	shalt  }
0x56: {  	_ =	shalt  }
0x57: {  	_ =	shalt  }
0x58: {  	_ =	shalt  }
0x59: {  	_ =	shalt  }
0x5a: {  	_ =	shalt  }
0x5b: {  	_ =	shalt  }
0x5c: {  	_ =	shalt  }
0x5d: {  	_ =	shalt  }
0x5e: {  	_ =	shalt  }
0x5f: {  	_ =	shalt  }
0x60: {  	_ =	shalt  }
0x61: {  	_ =	shalt  }
0x62: {  	_ =	shalt  }
0x63: {  	_ =	shalt  }
0x64: {  	_ =	shalt  }
0x65: {  	_ =	shalt  }
0x66: {  	_ =	shalt  }
0x67: {  	_ =	shalt  }
0x68: {  	_ =	shalt  }
0x69: {  	_ =	shalt  }
0x6a: {  	_ =	shalt  }
0x6b: {  	_ =	shalt  }
0x6c: {  	_ =	shalt  }
0x6d: {  	_ =	shalt  }
0x6e: {  	_ =	shalt  }
0x6f: {  	_ =	shalt  }
0x70: {  	_ =	shalt  }
0x71: {  	_ =	shalt  }
0x72: {  	_ =	shalt  }
0x73: {  	_ =	shalt  }
0x74: {  	_ =	shalt  }
0x75: {  	_ =	shalt  }
0x76: {  	_ =	shalt  }
0x77: {  	_ =	shalt  }
0x78: {  	_ =	shalt  }
0x79: {  	_ =	shalt  }
0x7a: {  	_ =	shalt  }
0x7b: {  	_ =	shalt  }
0x7c: {  	_ =	shalt  }
0x7d: {  	_ =	shalt  }
0x7e: {  	_ =	shalt  }
0x7f: {  	_ =	shalt  }
0x80: {  	_ =	shalt  }
0x81: {  	_ =	shalt  }
0x82: {  	_ =	shalt  }
0x83: {  	_ =	shalt  }
0x84: {  	_ =	shalt  }
0x85: {  	_ =	shalt  }
0x86: {  	_ =	shalt  }
0x87: {  	_ =	shalt  }
.Lfunc_end0:
.L_simem_size_0:
called_computation.2_lowered:
.L_overlay_start_0:
0x88: {  	s2 =	sld [smem:$0x3FD9]  }
0x89: {  	s3 =	sld [smem:$0x3FFE];
	_ =	sdelay $0x1  }
0x8a: {  	s1 =	srdreg.scid  }
0x8b: {  	s0 =	sand.u32 $0x1, s1  }
0x8c: {  	s17 =	sshll.u32 s0, $0xA;
	s2 =	sadd.s32 s3, s2  }
0x8d: {  	s2 =	sadd.s32 s2, s17  }
0x8e: {  	[smem:$0x3FC0] =	sst s2  }
0x8f: {  	_ = 	snop  }
0x90: {  	s2 =	sld [smem:$0x3FD0];
	(tm) =	ssettm $0x1  }
0x91: {  	s18 =	sld [smem:$0x3FFB];
	_ =	sdelay $0x3  }
0x92: {  	_ =	strace s18  }
0x93: {  	s3 =	sld [smem:$0x3FFC];
	_ =	sdelay $0x3  }
0x94: {  	_ =	strace s3  }
0x95: {  	s3 =	sld [smem:$0x3FFD];
	_ =	sdelay $0x3  }
0x96: {  	_ =	strace s3  }
0x97: {  	_ =	strace $0x8FFFFFFF  }
0x98: {  	s19 =	sld [smem:$0x3FDB];
	_ =	sdelay $0x1  }
0x99: {  	s4 =	simm.s32 $_scs_section_size  }
0x9a: {  	s5 =	simm.s32 $_size__tile_overlayer_lowered;
	s6 =	simm.s32 $_tile_overlayer_lowered  }
0x9b: {  	s22 =	simm.s32 $0x1BFF;
	s21 =	sshll.u32 s6, $0x1;
	s3 =	sadd.s32 s4, s19  }
0x9c: {  	s7 =	simm.s32 $0x0;
	s20 =	sshll.u32 s5, $0x1;
	s5 =	sadd.s32 s21, s3  }
0x9d: {  	[timem:s7], [sflag:s22] =	dma.local [hbm:s5], s20  }
0x9e: {  	_ =	swait.ge [sflag:s22], s20  }
0x9f: {  	s4 =	ssub.s32 $0x0, s20;
	[sflag:s22] =	ssyncset.done $0x0  }
0xa0: {  	[sflag:s22] =	ssyncadd.s32 s4;
	_ =	sdelay $0x1  }
0xa1: {  	s23 =	simm.s32 $0x1B8B  }
0xa2: {  	_ =	swait.ge [sflag:s23], $0x1  }
0xa3: {  	[sflag:s23] =	ssyncset.done $0x0  }
0xa4: {  	s25 =	simm.s32 $0x1B8E;
	s24 =	sld [smem:$0x3FFE];
	[sflag:s23] =	ssyncadd.s32 $0xFFFFFFFF  }
0xa5: {  	s26 =	simm.s32 $execute0_lowered;
	[smem:$0x3FD2] =	sst s25  }
0xa6: {  	s5 =	sshll.u32 s26, $0x1;
	_ =	strace $0x8000004C;
	[dreg:$0x1] =	wrdreg $0xFFFFFFFF  }
0xa7: {  	s28 =	simm.s32 $_size_execute0_lowered;
	s3 =	sadd.s32 s3, s5;
	[dreg:$0x0] =	wrdreg $0x0  }
0xa8: {  	s5 =	sshll.u32 s28, $0x1;
	[dreg:$0x2] =	wrdreg s3  }
0xa9: {  	[dreg:$0x3] =	wrdreg s5  }
0xaa: {  	[dreg:$0x4] =	wrdreg $0xC0  }
0xab: {  	_ =	task [dreg:s7], $0x5FFFF  }
0xac: {  	[dreg:$0x1] =	wrdreg $0xFFFFFFFF  }
0xad: {  	[dreg:$0x0] =	wrdreg $0x60  }
0xae: {  	[dreg:$0x2] =	wrdreg s24  }
0xaf: {  	[dreg:$0x3] =	wrdreg s2  }
0xb0: {  	[dreg:$0x4] =	wrdreg $0x5C400  }
0xb1: {  	[dreg:$0x5] =	wrdreg $0x9  }
0xb2: {  	_ =	task.clear_ibuf [dreg:s7], $0x6FFFF;
	_ =	strace $0x9000004C  }
0xb3: {  	s29 =	simm.s32 $0x9;
	_ =	strace $0x8000004E  }
0xb4: {  	_ =	swait.ge [sflag:s29], $0x1  }
0xb5: {  	[sflag:s29] =	ssyncadd.s32 $0xFFFFFFFF  }
0xb6: {  	_ =	strace $0x9000004E  }
0xb7: {  	_ =	sfence  }
0xb8: {  	s30 =	sld [smem:$0x0];
	_ =	sdelay $0x2  }
0xb9: {  	s31 =	sshll.u32 s1, $0xD;
	s1 =	sshrl.u32 s1, $0x2  }
0xba: {  	s3 =	sand.u32 $0x4000, s31;
	s1 =	sadd.s32 s1, s30  }
0xbb: {  	s0 =	sor.u32 s3, s0;
	s1 =	sshll.u32 s1, $0x11  }
0xbc: {  	s0 =	sor.u32 s1, s0  }
0xbd: {  	s0 =	sadd.s32 $0x8F2B, s0  }
0xbe: {  	[sflag:s0] =	ssyncadd.remote.s32 $0x1  }
0xbf: {  	_ =	sfence.sel $0xFFFF  }
0xc0: {  	[dreg:$0x0] =	wrdreg $0xFFFFFFFF;
	(pc) =	sbr.abs _section_cstart, $3  }
0xc1: {  	[dreg:$0x1] =	wrdreg $0xFFFFFFFF  }
0xc2: {  	_ =	task.clear_ibuf [dreg:s7], $0x2FFFF;
	_ =	strace $0x9FFFFFFF  }
0xc3: {  	(tm) =	ssettm $0x7FFFFFFF  }
tec
execute0_lowered:
.L_overlay_start_1:
0x0: {  	(tag) =	ssettag $0x1  }
0x1: {  	s0 =	rddreg [dreg:$0x0]  }
0x2: {  	s1 =	rddreg [dreg:$0x1]  }
0x3: {  	s2 =	rddreg [dreg:$0x2]  }
0x4: {  	s3 =	simm.s32 $0x0;
	s4 =	srdreg.scid;
	s12 =	stileid.u32  }
0x5: {  	s15 =	simm.s32 $0x8;
	s16 =	simm.s32 $0x1;
	s17 =	simm.s32 $0x80  }
0x6: {  	s18 =	simm.s32 $0x800;
	s28 =	simm.s32 $0x3;
	s29 =	simm.s32 $0x4  }
0x7: {  	s31 =	simm.s32 $0x5;
	s14 =	simm.s32 $0x480;
	s6 =	smul.u32 $0x18800, s12  }
0x8: {  	s13 =	simm.s32 $0x580;
	[smem:$0x7FF] =	sst s3;
	s20 =	smul.u32 $0x1880, s12  }
0x9: {  	s5 =	sand.u32 $0x1, s4;
	s11 =	sshll.u32 s12, $0x6;
	s23 =	smul.u32 $0x62000, s12  }
0xa: {  	s24 =	smul.u32 $0x3100, s12;
	_ =	strace $0x8000004D;
	s4 =	sshll.u32 s5, $0x2  }
0xb: {  	s9 =	ssub.s32 $0x2, s5;
	s21 =	sor.u32 $0x1C08, s11;
	s11 =	simm.s32 $0x680  }
0xc: {  	s7 =	sadd.s32 s4, s0;
	s8 =	sshrl.u32 s6, $0x3;
	s4 =	sadd.s32 $0x27F000, s0  }
0xd: {  	s19 =	sshrl.u32 s9, $0x1;
	s6 =	sadd.s32 s6, s2;
	[dreg:$0x5] =	wrdreg s21  }
0xe: {  	s5 =	sor.u32 s5, s20;
	s26 =	sshrl.u32 s23, $0x2;
	s12 =	sadd.s32 s24, s1  }
0xf: {  	s20 =	simm.s32 $0x1800;
	s24 =	simm.s32 $0x3800;
	s21 =	simm.s32 $0x4800  }
0x10: {  	s23 =	simm.s32 $0x20;
	s10 =	sadd.s32 s8, s0;
	s0 =	ssub.s32 s9, s19  }
0x11: {  	s22 =	sadd.s32 s1, s8;
	s8 =	sadd.s32 $0x159000, s7;
	s25 =	sor.u32 $0x20, s5  }
0x12: {  	s30 =	sshrl.u32 s6, $0x3;
	s1 =	simm.s32 $0x6;
	[dreg:$0x6] =	wrdreg s22  }
0x13: {  	s6 =	simm.s32 $0x7;
	s7 =	simm.s32 $0x700;
	[dreg:$0x9] =	wrdreg s25  }
0x14: {  	s19 =	simm.s32 $0x780;
	s10 =	sadd.s32 $0x128000, s10;
	[dreg:$0xb] =	wrdreg s30  }
0x15: {  	s5 =	simm.s32 $0x0;
	s0 =	smax.u32 s0, $0x1;
	[dreg:$0x4] =	wrdreg s10  }
0x16: {  	s25 =	simm.s32 $0x400;
	s10 =	sadd.s32 $0x80, s22;
	[dreg:$0x8] =	wrdreg s0  }
0x17: {  	v0 =	vlaneseq.u32;
	s0 =	sadd.s32 s26, s2;
	s22 =	simm.s32 $0x2800;
	[dreg:$0x7] =	wrdreg s10  }
0x18: {  	v0 =	vmul.u32 $0x2, v0;
	s26 =	simm.s32 $0x2;
	[dreg:$0xa] =	wrdreg s0;
	s10 =	simm.s32 $0x600  }
.LBB2_1:
0x19: {  	s30 =	rddreg [dreg:$0x9]  }
0x1a: {  	s9 =	sadd.s32 $0xFFFFFFE0, s30  }
0x1b: {  	[dreg:$0xc] =	wrdreg s5;
	s0 =	simm.s32 $0x80;
	s5 =	simm.s32 $0x0;
	v1 =	vor.u32 s30, v0;
	v2 =	vor.u32 s9, v0  }
.LBB2_2:
0x1c: {  	p0 =	sne.s32 s0, $0x3080  }
0x1d: {  	[tilespmem:s5+$0x5000] =	vst v2;
	s30 =	sadd.s32 $0x40, s30;
	s9 =	smov.u32 s0;
	s0 =	sadd.s32 $0x80, s0  }
.Ltmp0:
0x1e: {  	[tilespmem:s5+$0x5010] =	vst v1;
	(pc) =	sbr.rel @p0 .LBB2_2-.Ltmp0, $3  }
0x1f: {  	_ =	sdelay $0x1  }
0x20: {  	s5 =	sadd.s32 $0xFFFFFFE0, s30  }
0x21: {  	v1 =	vor.u32 s30, v0;
	v2 =	vor.u32 s5, v0;
	s5 =	sshra.s32 s9, $0x2  }
0x22: {  	[tilespmem:s5+$0x5000] =	vst v2;
	s0 =	rddreg [dreg:$0x4]  }
0x23: {  	[tilespmem:s5+$0x5010] =	vst v1;
	s5 =	rddreg [dreg:$0x5]  }
0x24: {  	s9 =	rddreg [dreg:$0xb]  }
0x25: {  	[spmem:s9], [sflag:s5] =	dma.local [hbm:s0], $0x3100  }
0x26: {  	_ =	swait.ge [sflag:s15], $0x3100  }
0x27: {  	[sflag:s15] =	ssyncset.done $0x0  }
0x28: {  	[sflag:s15] =	ssyncadd.s32 $0xFFFFCF00  }
0x29: {  	[bflag:$0x0] =	sbarrier.arrive $0xFFFF  }
0x2a: {  	s9 =	rddreg [dreg:$0x6]  }
0x2b: {  	[tilespmem:s3], [sflag:$0x1] =	stream.linear.gather [hbm4b:s9+s3], $0x400, $0x38;
	[tilespmem:$0x1E440] =	vst v63  }
0x2c: {  	_ =	swait.ge [sflag:s16], $0x400  }
0x2d: {  	[sflag:s16] =	ssyncset.done $0x0  }
0x2e: {  	[sflag:s16] =	ssyncadd.s32 $0xFFFFFC00  }
0x2f: {  	[tilespmem:s18], [sflag:$0x3] =	stream.indirect.gather [hbm4b:s8+s17], $0x20, s3, s17, $0xb8;
	[tilespmem:$0x1E440] =	vst v63  }
0x30: {  	s9 =	simm.s32 $0x100  }
0x31: {  	[tilespmem:s20], [sflag:$0x4] =	stream.indirect.gather [hbm4b:s8+s17], $0x20, s9, s17, $0xb8;
	[tilespmem:$0x1E440] =	vst v63  }
0x32: {  	s5 =	simm.s32 $0x200  }
0x33: {  	[tilespmem:s22], [sflag:$0x5] =	stream.indirect.gather [hbm4b:s8+s17], $0x20, s5, s17, $0xb8;
	[tilespmem:$0x1E440] =	vst v63  }
0x34: {  	s5 =	simm.s32 $0x300  }
0x35: {  	[tilespmem:s24], [sflag:$0x6] =	stream.indirect.gather [hbm4b:s8+s17], $0x20, s5, s17, $0xb8;
	[tilespmem:$0x1E440] =	vst v63  }
0x36: {  	s30 =	simm.s32 $0xFFFFD000;
	s5 =	rddreg [dreg:$0x7]  }
0x37: {  	[tilespmem:s25], [sflag:$0x2] =	stream.linear.gather [hbm4b:s5+s3], $0x400, $0x38;
	[tilespmem:$0x1E440] =	vst v63  }
.LBB2_4:
0x38: {  	_ =	swait.ge [sflag:s26], $0x400  }
0x39: {  	[sflag:s26] =	ssyncset.done $0x0  }
0x3a: {  	[sflag:s26] =	ssyncadd.s32 $0xFFFFFC00  }
0x3b: {  	_ =	swait.ge [sflag:s28], $0x1000  }
0x3c: {  	[sflag:s28] =	ssyncset.done $0x0  }
0x3d: {  	[sflag:s28] =	ssyncadd.s32 $0xFFFFF000  }
0x3e: {  	[spmem:s2] =	stream.indirect.scatter.add.f32 [tilespmem:s18], [sflag:$0x7], $0x20, s17, s17, $0xb8;
	[tilespmem:$0x1E440] =	vst v63  }
0x3f: {  	_ =	swait.ge [sflag:s29], $0x1000  }
0x40: {  	[sflag:s29] =	ssyncset.done $0x0  }
0x41: {  	s0 =	simm.s32 $0x180;
	[sflag:s29] =	ssyncadd.s32 $0xFFFFF000  }
0x42: {  	[spmem:s2] =	stream.indirect.scatter.add.f32 [tilespmem:s20], [sflag:$0x7], $0x20, s0, s17, $0xb8;
	[tilespmem:$0x1E440] =	vst v63  }
0x43: {  	_ =	swait.ge [sflag:s31], $0x1000  }
0x44: {  	[sflag:s31] =	ssyncset.done $0x0  }
0x45: {  	s5 =	simm.s32 $0x280;
	[sflag:s31] =	ssyncadd.s32 $0xFFFFF000  }
0x46: {  	[spmem:s2] =	stream.indirect.scatter.add.f32 [tilespmem:s22], [sflag:$0x7], $0x20, s5, s17, $0xb8;
	[tilespmem:$0x1E440] =	vst v63  }
0x47: {  	_ =	swait.ge [sflag:s1], $0x1000  }
0x48: {  	[sflag:s1] =	ssyncset.done $0x0  }
0x49: {  	s5 =	simm.s32 $0x380;
	[sflag:s1] =	ssyncadd.s32 $0xFFFFF000  }
0x4a: {  	[spmem:s2] =	stream.indirect.scatter.add.f32 [tilespmem:s24], [sflag:$0x7], $0x20, s5, s17, $0xb8;
	[tilespmem:$0x1E440] =	vst v63  }
0x4b: {  	_ =	swait.ge [sflag:s6], $0x1000  }
0x4c: {  	[sflag:s6] =	ssyncset.done $0x0  }
0x4d: {  	[sflag:s6] =	ssyncadd.s32 $0xFFFFF000  }
0x4e: {  	_ =	swait.ge [sflag:s6], $0x1000  }
0x4f: {  	[sflag:s6] =	ssyncset.done $0x0  }
0x50: {  	[sflag:s6] =	ssyncadd.s32 $0xFFFFF000  }
0x51: {  	_ =	swait.ge [sflag:s6], $0x1000  }
0x52: {  	[sflag:s6] =	ssyncset.done $0x0  }
0x53: {  	[sflag:s6] =	ssyncadd.s32 $0xFFFFF000  }
0x54: {  	_ =	swait.ge [sflag:s6], $0x1000  }
0x55: {  	[sflag:s6] =	ssyncset.done $0x0  }
0x56: {  	[sflag:s6] =	ssyncadd.s32 $0xFFFFF000  }
0x57: {  	[tilespmem:s18], [sflag:$0x3] =	stream.indirect.gather [hbm4b:s8+s17], $0x20, s25, s17, $0xb8;
	[tilespmem:$0x1E440] =	vst v63  }
0x58: {  	s5 =	simm.s32 $0x500  }
0x59: {  	[tilespmem:s20], [sflag:$0x4] =	stream.indirect.gather [hbm4b:s8+s17], $0x20, s5, s17, $0xb8;
	[tilespmem:$0x1E440] =	vst v63  }
0x5a: {  	p0 =	seq.s32 s30, $0x0  }
0x5b: {  	[tilespmem:s22], [sflag:$0x5] =	stream.indirect.gather [hbm4b:s8+s17], $0x20, s10, s17, $0xb8;
	[tilespmem:$0x1E440] =	vst v63  }
0x5c: {  	s0 =	sadd.s32 @!p0 s30, s12  }
0x5d: {  	[tilespmem:s24], [sflag:$0x6] =	stream.indirect.gather [hbm4b:s8+s17], $0x20, s7, s17, $0xb8;
	[tilespmem:$0x1E440] =	vst v63  }
0x5e: {  	s0 =	sadd.s32 @!p0 $0x3100, s0;
	s5 =	simm.s32 @!p0 $0x0  }
0x5f: {  	[tilespmem:s5], [sflag:$0x1] =	stream.linear.gather @!p0 [hbm4b:s0+s5], $0x400, $0x38;
	[tilespmem:$0x1E440] =	vst v63  }
0x60: {  	_ =	swait.ge [sflag:s28], $0x1000  }
0x61: {  	[sflag:s28] =	ssyncset.done $0x0  }
0x62: {  	[sflag:s28] =	ssyncadd.s32 $0xFFFFF000  }
0x63: {  	[spmem:s2] =	stream.indirect.scatter.add.f32 [tilespmem:s18], [sflag:$0x7], $0x20, s14, s17, $0xb8;
	[tilespmem:$0x1E440] =	vst v63  }
0x64: {  	_ =	swait.ge [sflag:s29], $0x1000  }
0x65: {  	[sflag:s29] =	ssyncset.done $0x0  }
0x66: {  	[sflag:s29] =	ssyncadd.s32 $0xFFFFF000  }
0x67: {  	[spmem:s2] =	stream.indirect.scatter.add.f32 [tilespmem:s20], [sflag:$0x7], $0x20, s13, s17, $0xb8;
	[tilespmem:$0x1E440] =	vst v63  }
0x68: {  	_ =	swait.ge [sflag:s31], $0x1000  }
0x69: {  	[sflag:s31] =	ssyncset.done $0x0  }
0x6a: {  	[sflag:s31] =	ssyncadd.s32 $0xFFFFF000  }
0x6b: {  	[spmem:s2] =	stream.indirect.scatter.add.f32 [tilespmem:s22], [sflag:$0x7], $0x20, s11, s17, $0xb8;
	[tilespmem:$0x1E440] =	vst v63  }
0x6c: {  	_ =	swait.ge [sflag:s1], $0x1000  }
0x6d: {  	[sflag:s1] =	ssyncset.done $0x0  }
0x6e: {  	[sflag:s1] =	ssyncadd.s32 $0xFFFFF000  }
0x6f: {  	[spmem:s2] =	stream.indirect.scatter.add.f32 [tilespmem:s24], [sflag:$0x7], $0x20, s19, s17, $0xb8;
	[tilespmem:$0x1E440] =	vst v63  }
0x70: {  	_ =	swait.ge [sflag:s6], $0x1000  }
0x71: {  	[sflag:s6] =	ssyncset.done $0x0  }
0x72: {  	[sflag:s6] =	ssyncadd.s32 $0xFFFFF000  }
0x73: {  	_ =	swait.ge [sflag:s6], $0x1000  }
0x74: {  	[sflag:s6] =	ssyncset.done $0x0  }
0x75: {  	[sflag:s6] =	ssyncadd.s32 $0xFFFFF000  }
0x76: {  	_ =	swait.ge [sflag:s6], $0x1000  }
.Ltmp1:
0x77: {  	[sflag:s6] =	ssyncset.done $0x0;
	(pc) =	sbr.rel @p0 .LBB2_6-.Ltmp1, $4  }
0x78: {  	[sflag:s6] =	ssyncadd.s32 $0xFFFFF000  }
0x79: {  	_ =	swait.ge [sflag:s6], $0x1000  }
0x7a: {  	[sflag:s6] =	ssyncset.done $0x0  }
0x7b: {  	[sflag:s6] =	ssyncadd.s32 $0xFFFFF000  }
0x7c: {  	_ =	swait.ge [sflag:s16], $0x400  }
0x7d: {  	[sflag:s16] =	ssyncset.done $0x0  }
0x7e: {  	[sflag:s16] =	ssyncadd.s32 $0xFFFFFC00  }
0x7f: {  	[tilespmem:s18], [sflag:$0x3] =	stream.indirect.gather [hbm4b:s8+s17], $0x20, s3, s17, $0xb8;
	[tilespmem:$0x1E440] =	vst v63  }
0x80: {  	_ = 	snop  }
0x81: {  	[tilespmem:s20], [sflag:$0x4] =	stream.indirect.gather [hbm4b:s8+s17], $0x20, s9, s17, $0xb8;
	[tilespmem:$0x1E440] =	vst v63  }
0x82: {  	s0 =	simm.s32 $0x200  }
0x83: {  	[tilespmem:s22], [sflag:$0x5] =	stream.indirect.gather [hbm4b:s8+s17], $0x20, s0, s17, $0xb8;
	[tilespmem:$0x1E440] =	vst v63  }
.Ltmp2:
0x84: {  	s5 =	simm.s32 $0x300;
	(pc) =	sbr.rel .LBB2_4-.Ltmp2, $4  }
0x85: {  	[tilespmem:s24], [sflag:$0x6] =	stream.indirect.gather [hbm4b:s8+s17], $0x20, s5, s17, $0xb8;
	[tilespmem:$0x1E440] =	vst v63  }
0x86: {  	s5 =	sadd.s32 s30, s12  }
0x87: {  	s30 =	sadd.s32 $0x100, s30;
	s0 =	sadd.s32 $0x3180, s5  }
0x88: {  	[tilespmem:s25], [sflag:$0x2] =	stream.linear.gather [hbm4b:s0+s3], $0x400, $0x38;
	[tilespmem:$0x1E440] =	vst v63  }
.LBB2_6:
0x89: {  	[bflag:$0x0] =	sbarrier.arrive $0xFFFF  }
0x8a: {  	s5 =	rddreg [dreg:$0xa]  }
0x8b: {  	[tilespmem:s21], [sflag:$0x8] =	stream.linear.gather [spmem:s5], $0x400, $0x38;
	[tilespmem:$0x1E440] =	vst v63  }
0x8c: {  	_ =	swait.ge [sflag:s15], $0x400  }
0x8d: {  	[sflag:s15] =	ssyncset.done $0x0  }
0x8e: {  	s0 =	simm.s32 $0x5000;
	[sflag:s15] =	ssyncadd.s32 $0xFFFFFC00  }
0x8f: {  	[hbm4b:s4+s23] =	stream.indirect.scatter [tilespmem:s21], [sflag:$0x8], $0x20, s0, s23, $0xb8;
	[tilespmem:$0x1E440] =	vst v63  }
0x90: {  	_ =	swait.ge [sflag:s15], $0x400  }
0x91: {  	s30 =	simm.s32 $0x80;
	s0 =	smov.u32 s5;
	[sflag:s15] =	ssyncset.done $0x0  }
.LBB2_7:
0x92: {  	p0 =	sne.s32 s30, $0x3080;
	[sflag:s15] =	ssyncadd.s32 $0xFFFFFC00;
	s0 =	sadd.s32 $0x400, s0  }
0x93: {  	[tilespmem:s21], [sflag:$0x8] =	stream.linear.gather [spmem:s0], $0x400, $0x38;
	[tilespmem:$0x1E440] =	vst v63  }
0x94: {  	s5 =	smov.u32 s30;
	s30 =	sadd.s32 $0x80, s30;
	_ =	swait.ge [sflag:s15], $0x400  }
.Ltmp3:
0x95: {  	s5 =	sshra.s32 s5, $0x2;
	[sflag:s15] =	ssyncset.done $0x0;
	(pc) =	sbr.rel @p0 .LBB2_7-.Ltmp3, $4  }
0x96: {  	s5 =	sadd.s32 $0x5000, s5;
	[sflag:s15] =	ssyncadd.s32 $0xFFFFFC00  }
0x97: {  	[hbm4b:s4+s23] =	stream.indirect.scatter [tilespmem:s21], [sflag:$0x8], $0x20, s5, s23, $0xb8;
	[tilespmem:$0x1E440] =	vst v63  }
0x98: {  	_ =	swait.ge [sflag:s15], $0x400  }
0x99: {  	[sflag:s15] =	ssyncset.done $0x0  }
0x9a: {  	s5 =	rddreg [dreg:$0xc]  }
0x9b: {  	s0 =	rddreg [dreg:$0x8];
	s5 =	sadd.s32 $0x1, s5  }
0x9c: {  	p0 =	sne.s32 s5, s0  }
.Ltmp4:
0x9d: {  	_ = 	snop;
	(pc) =	sbr.rel @p0 .LBB2_1-.Ltmp4, $2  }
0x9e: {  	_ =	sdelay $0x2  }
0x9f: {  	[sflag:s15] =	ssyncadd.s32 $0xFFFFFC00  }
0xa0: {  	_ =	sfence.sel $0x180000  }
0xa1: {  	[bflag:$0x0] =	sbarrier.arrive $0xFFFF  }
0xa2: {  	_ =	strace $0x9000004D  }
0xa3: {  	s0 =	stileid.u32;
	[bflag:$0x2] =	sbarrier.arrive $0xFFFF  }
0xa4: {  	p0 =	sne.s32 s0, $0x0;
	s0 =	rddreg [dreg:$0x3]  }
0xa5: {  	s0 =	sadd.s32 @!p0 $0x100000, s0  }
0xa6: {  	[sflag:s0] =	ssyncadd.tile.s32 @!p0 $0x1;
	_ =	shalt  }
.Lfunc_end2:
_tile_overlayer_lowered:
.L_overlay_start_2:
0xa7: {  	(tag) =	ssettag $0x2  }
0xa8: {  	s0 =	rddreg [dreg:$0x0];
	s2 =	stileid.u32  }
0xa9: {  	s1 =	rddreg [dreg:$0x1];
	p0 =	sne.s32 s2, $0x0  }
0xaa: {  	s3 =	rddreg [dreg:$0x2];
	[bflag:$0x3] =	sbarrier.arrive $0xFFFF;
	s2 =	simm.s32 @!p0 $0x1C08  }
0xab: {  	[timem:s3], [sflag:s2] =	dma.local @!p0 [hbm:s0], s1  }
0xac: {  	s0 =	simm.s32 @!p0 $0x8  }
0xad: {  	_ =	swait.ge @!p0 [sflag:s0], s1  }
0xae: {  	s1 =	ssub.s32 @!p0 $0x0, s1;
	[sflag:s0] =	ssyncset.done @!p0 $0x0  }
0xaf: {  	[sflag:s0] =	ssyncadd.s32 @!p0 s1  }
0xb0: {  	[bflag:$0x3] =	sbarrier.arrive $0xFFFF  }
0xb1: {  	_ =	shalt  }

// kernel: kernel.8.cloned.1.call-start
scs
__scs_entry_jumppad:
0x0: {  	(pc) =	sbr.rel $0x88, $3  }
0x1: {  	(tag) =	ssettag $0x0;
	lr =	simm.s32 $0x1  }
0x2: {  	[smem:$0x3F99] =	sst lr;
	_ =	strace $0xD0000000  }
0x3: {  	_ = 	snop  }
0x4: {  	_ = 	snop  }
0x5: {  	_ = 	snop  }
0x6: {  	_ = 	snop  }
0x7: {  	_ = 	snop  }
__scs_overlays_trampoline_lowered:
0x8: {  	[smem:$0x3FA8] =	sst s0  }
0x9: {  	[smem:$0x3FA9] =	sst s1  }
0xa: {  	[smem:$0x3FAA] =	sst s2  }
0xb: {  	[smem:$0x3FAB] =	sst s3  }
0xc: {  	[smem:$0x3FAC] =	sst s4  }
0xd: {  	[smem:$0x3FAD] =	sst s5  }
0xe: {  	[smem:$0x3FAE] =	sst s6  }
0xf: {  	[smem:$0x3FAF] =	sst s7  }
0x10: {  	[smem:$0x3FB0] =	sst s8  }
0x11: {  	[smem:$0x3FB1] =	sst s9;
	s0 =	simm.s32 @!p0 $0x0  }
0x12: {  	s1 =	sld [smem:$0x3F97];
	s0 =	simm.s32 @p0 $0x1  }
0x13: {  	[smem:$0x3FB2] =	sst s0;
	s0 =	simm.s32 @!p1 $0x0  }
0x14: {  	s2 =	sld [smem:$0x3F96];
	s0 =	simm.s32 @p1 $0x1  }
0x15: {  	[smem:$0x3FB3] =	sst s0;
	s0 =	simm.s32 @!p2 $0x0  }
0x16: {  	s3 =	sld [smem:$0x3FDB];
	s0 =	simm.s32 @p2 $0x1  }
0x17: {  	s4 =	simm.s32 $0x1BF5;
	[smem:$0x3FB5] =	sst s0  }
0x18: {  	s0 =	sld [smem:$0x3F98];
	_ =	swait.ge [sflag:s4], $0x0  }
0x19: {  	s7 =	sld [smem:$0x3F99]  }
0x1a: {  	s8 =	sadd.s32 $0xFFFFE003, lr  }
0x1b: {  	s9 =	sadd.s32 $0xFFFFFEF7, lr;
	s5 =	simm.s32 $0xFFFFFFFF;
	p2 =	slt.u32 s8, $0xFFFFF086  }
0x1c: {  	p1 =	slt.u32 s9, $0xF7A;
	s5 =	simm.s32 @!p2 $0x0  }
0x1d: {  	s5 =	simm.s32 @p1 $0x1;
	p0 =	seq.s32 s7, s2  }
0x1e: {  	s7 =	smul.u32 @!p0 $0xF7A, s2;
	p2 =	seq.s32 @!p0 s5, $0x0  }
0x1f: {  	s9 =	smul.u32 $0xF7A, s1;
	s8 =	simm.s32 @!p0 $0x1BF5;
	p2 =	por !p2, p0  }
0x20: {  	[sflag:s8] =	ssyncset.s32 @!p0 $0xFFFFF086;
	s6 =	sadd.s32 @!p0 s3, s7;
	s7 =	simm.s32 @!p0 $0x108  }
0x21: {  	s3 =	sadd.s32 s3, s9;
	s6 =	sadd.s32 @!p0 $0x88, s6;
	s7 =	simm.s32 @p2 $0x1082  }
0x22: {  	[simem:s7], [sflag:s8] =	dma.local @!p0 [hbm:s6], $0xF7A  }
0x23: {  	s9 =	sor.u32 $0xD0000000, s2;
	s6 =	simm.s32 $0x108;
	_ =	swait.ge @!p0 [sflag:s8], $0x0  }
0x24: {  	s3 =	sadd.s32 $0x88, s3;
	s6 =	simm.s32 @!p1 $0x1082;
	[sflag:s4] =	ssyncset.s32 $0xFFFFF086  }
0x25: {  	[simem:s6], [sflag:s4] =	dma.local [hbm:s3], $0xF7A  }
0x26: {  	[smem:$0x3F99] =	sst s1;
	(tag) =	ssettag s2;
	_ =	strace s9  }
0x27: {  	s1 =	sld [smem:$0x3FA9]  }
0x28: {  	s2 =	sld [smem:$0x3FAA]  }
0x29: {  	s4 =	sld [smem:$0x3FAC]  }
0x2a: {  	p0 =	seq.s32 s5, $0x0;
	s5 =	sld [smem:$0x3FAD]  }
0x2b: {  	s6 =	sld [smem:$0x3FAE]  }
0x2c: {  	s7 =	sld [smem:$0x3FAF]  }
0x2d: {  	s3 =	simm.s32 $0x108;
	s8 =	sld [smem:$0x3FB0]  }
0x2e: {  	s3 =	simm.s32 @!p0 $0x1082;
	s9 =	sld [smem:$0x3FB1]  }
0x2f: {  	lr =	sadd.s32 s0, s3;
	s0 =	sld [smem:$0x3FA8]  }
0x30: {  	s3 =	sld [smem:$0x3FAB]  }
0x31: {  	[smem:$0x3FB4] =	sst s10  }
0x32: {  	s10 =	sld [smem:$0x3FB2];
	_ =	sdelay $0x3  }
0x33: {  	p0 =	seq.s32 s10, $0x1;
	s10 =	sld [smem:$0x3FB4];
	_ =	sdelay $0x3  }
0x34: {  	[smem:$0x3FB4] =	sst s10  }
0x35: {  	s10 =	sld [smem:$0x3FB3];
	_ =	sdelay $0x3  }
0x36: {  	p1 =	seq.s32 s10, $0x1;
	s10 =	sld [smem:$0x3FB4];
	_ =	sdelay $0x3  }
0x37: {  	[smem:$0x3FB4] =	sst s10  }
0x38: {  	s10 =	sld [smem:$0x3FB5]  }
0x39: {  	_ = 	snop;
	(pc) =	sbr.ind lr, $3  }
0x3a: {  	_ = 	snop  }
0x3b: {  	_ = 	snop  }
0x3c: {  	p2 =	seq.s32 s10, $0x1;
	s10 =	sld [smem:$0x3FB4]  }
0x3d: {  	_ =	shalt  }
0x3e: {  	_ =	shalt  }
0x3f: {  	_ =	shalt  }
0x40: {  	_ =	shalt  }
0x41: {  	_ =	shalt  }
0x42: {  	_ =	shalt  }
0x43: {  	_ =	shalt  }
0x44: {  	_ =	shalt  }
0x45: {  	_ =	shalt  }
0x46: {  	_ =	shalt  }
0x47: {  	_ =	shalt  }
0x48: {  	_ =	shalt  }
0x49: {  	_ =	shalt  }
0x4a: {  	_ =	shalt  }
0x4b: {  	_ =	shalt  }
0x4c: {  	_ =	shalt  }
0x4d: {  	_ =	shalt  }
0x4e: {  	_ =	shalt  }
0x4f: {  	_ =	shalt  }
0x50: {  	_ =	shalt  }
0x51: {  	_ =	shalt  }
0x52: {  	_ =	shalt  }
0x53: {  	_ =	shalt  }
0x54: {  	_ =	shalt  }
0x55: {  	_ =	shalt  }
0x56: {  	_ =	shalt  }
0x57: {  	_ =	shalt  }
0x58: {  	_ =	shalt  }
0x59: {  	_ =	shalt  }
0x5a: {  	_ =	shalt  }
0x5b: {  	_ =	shalt  }
0x5c: {  	_ =	shalt  }
0x5d: {  	_ =	shalt  }
0x5e: {  	_ =	shalt  }
0x5f: {  	_ =	shalt  }
0x60: {  	_ =	shalt  }
0x61: {  	_ =	shalt  }
0x62: {  	_ =	shalt  }
0x63: {  	_ =	shalt  }
0x64: {  	_ =	shalt  }
0x65: {  	_ =	shalt  }
0x66: {  	_ =	shalt  }
0x67: {  	_ =	shalt  }
0x68: {  	_ =	shalt  }
0x69: {  	_ =	shalt  }
0x6a: {  	_ =	shalt  }
0x6b: {  	_ =	shalt  }
0x6c: {  	_ =	shalt  }
0x6d: {  	_ =	shalt  }
0x6e: {  	_ =	shalt  }
0x6f: {  	_ =	shalt  }
0x70: {  	_ =	shalt  }
0x71: {  	_ =	shalt  }
0x72: {  	_ =	shalt  }
0x73: {  	_ =	shalt  }
0x74: {  	_ =	shalt  }
0x75: {  	_ =	shalt  }
0x76: {  	_ =	shalt  }
0x77: {  	_ =	shalt  }
0x78: {  	_ =	shalt  }
0x79: {  	_ =	shalt  }
0x7a: {  	_ =	shalt  }
0x7b: {  	_ =	shalt  }
0x7c: {  	_ =	shalt  }
0x7d: {  	_ =	shalt  }
0x7e: {  	_ =	shalt  }
0x7f: {  	_ =	shalt  }
0x80: {  	_ =	shalt  }
0x81: {  	_ =	shalt  }
0x82: {  	_ =	shalt  }
0x83: {  	_ =	shalt  }
0x84: {  	_ =	shalt  }
0x85: {  	_ =	shalt  }
0x86: {  	_ =	shalt  }
0x87: {  	_ =	shalt  }
.Lfunc_end0:
.L_simem_size_0:
called_computation_lowered:
.L_overlay_start_0:
0x88: {  	s2 =	sld [smem:$0x3FD9]  }
0x89: {  	s3 =	sld [smem:$0x3FFE];
	_ =	sdelay $0x1  }
0x8a: {  	s1 =	srdreg.scid  }
0x8b: {  	s0 =	sand.u32 $0x1, s1  }
0x8c: {  	s17 =	sshll.u32 s0, $0xA;
	s2 =	sadd.s32 s3, s2  }
0x8d: {  	s2 =	sadd.s32 s2, s17  }
0x8e: {  	[smem:$0x3FC0] =	sst s2  }
0x8f: {  	_ = 	snop  }
0x90: {  	s2 =	sld [smem:$0x3FD0];
	(tm) =	ssettm $0x1  }
0x91: {  	s18 =	sld [smem:$0x3FFB];
	_ =	sdelay $0x3  }
0x92: {  	_ =	strace s18  }
0x93: {  	s3 =	sld [smem:$0x3FFC];
	_ =	sdelay $0x3  }
0x94: {  	_ =	strace s3  }
0x95: {  	s3 =	sld [smem:$0x3FFD];
	_ =	sdelay $0x3  }
0x96: {  	_ =	strace s3  }
0x97: {  	_ =	strace $0x8FFFFFFF  }
0x98: {  	s19 =	sld [smem:$0x3FDB];
	_ =	sdelay $0x1  }
0x99: {  	s4 =	simm.s32 $_scs_section_size  }
0x9a: {  	s5 =	simm.s32 $_size__tile_overlayer_lowered;
	s6 =	simm.s32 $_tile_overlayer_lowered  }
0x9b: {  	s22 =	simm.s32 $0x1BFF;
	s21 =	sshll.u32 s6, $0x1;
	s3 =	sadd.s32 s4, s19  }
0x9c: {  	s7 =	simm.s32 $0x0;
	s20 =	sshll.u32 s5, $0x1;
	s5 =	sadd.s32 s21, s3  }
0x9d: {  	[timem:s7], [sflag:s22] =	dma.local [hbm:s5], s20  }
0x9e: {  	_ =	swait.ge [sflag:s22], s20  }
0x9f: {  	s4 =	ssub.s32 $0x0, s20;
	[sflag:s22] =	ssyncset.done $0x0  }
0xa0: {  	[sflag:s22] =	ssyncadd.s32 s4;
	_ =	sdelay $0x1  }
0xa1: {  	s23 =	simm.s32 $0x1B8B  }
0xa2: {  	_ =	swait.ge [sflag:s23], $0x1  }
0xa3: {  	[sflag:s23] =	ssyncset.done $0x0  }
0xa4: {  	s25 =	simm.s32 $0x1B8E;
	s24 =	sld [smem:$0x3FFE];
	[sflag:s23] =	ssyncadd.s32 $0xFFFFFFFF  }
0xa5: {  	s26 =	simm.s32 $execute0_lowered;
	[smem:$0x3FD2] =	sst s25  }
0xa6: {  	s5 =	sshll.u32 s26, $0x1;
	_ =	strace $0x80000046;
	[dreg:$0x1] =	wrdreg $0xFFFFFFFF  }
0xa7: {  	s28 =	simm.s32 $_size_execute0_lowered;
	s3 =	sadd.s32 s3, s5;
	[dreg:$0x0] =	wrdreg $0x0  }
0xa8: {  	s5 =	sshll.u32 s28, $0x1;
	[dreg:$0x2] =	wrdreg s3  }
0xa9: {  	[dreg:$0x3] =	wrdreg s5  }
0xaa: {  	[dreg:$0x4] =	wrdreg $0xC0  }
0xab: {  	_ =	task [dreg:s7], $0x5FFFF  }
0xac: {  	[dreg:$0x1] =	wrdreg $0xFFFFFFFF  }
0xad: {  	[dreg:$0x0] =	wrdreg $0x60  }
0xae: {  	[dreg:$0x2] =	wrdreg s2  }
0xaf: {  	[dreg:$0x3] =	wrdreg s24  }
0xb0: {  	[dreg:$0x4] =	wrdreg $0xEB00  }
0xb1: {  	[dreg:$0x5] =	wrdreg $0x9  }
0xb2: {  	_ =	task.clear_ibuf [dreg:s7], $0x6FFFF;
	_ =	strace $0x90000046  }
0xb3: {  	s29 =	simm.s32 $0x9;
	_ =	strace $0x80000048  }
0xb4: {  	_ =	swait.ge [sflag:s29], $0x1  }
0xb5: {  	[sflag:s29] =	ssyncadd.s32 $0xFFFFFFFF  }
0xb6: {  	_ =	strace $0x90000048  }
0xb7: {  	_ =	sfence  }
0xb8: {  	s30 =	sld [smem:$0x0];
	_ =	sdelay $0x2  }
0xb9: {  	s31 =	sshll.u32 s1, $0xD;
	s1 =	sshrl.u32 s1, $0x2  }
0xba: {  	s3 =	sand.u32 $0x4000, s31;
	s1 =	sadd.s32 s1, s30  }
0xbb: {  	s0 =	sor.u32 s3, s0;
	s1 =	sshll.u32 s1, $0x11  }
0xbc: {  	s0 =	sor.u32 s1, s0  }
0xbd: {  	s0 =	sadd.s32 $0x8F2B, s0  }
0xbe: {  	[sflag:s0] =	ssyncadd.remote.s32 $0x1  }
0xbf: {  	_ =	sfence.sel $0xFFFF  }
0xc0: {  	[dreg:$0x0] =	wrdreg $0xFFFFFFFF;
	(pc) =	sbr.abs _section_cstart, $3  }
0xc1: {  	[dreg:$0x1] =	wrdreg $0xFFFFFFFF  }
0xc2: {  	_ =	task.clear_ibuf [dreg:s7], $0x2FFFF;
	_ =	strace $0x9FFFFFFF  }
0xc3: {  	(tm) =	ssettm $0x7FFFFFFF  }
tec
execute0_lowered:
.L_overlay_start_1:
0x0: {  	(tag) =	ssettag $0x1  }
0x1: {  	s9 =	rddreg [dreg:$0x0];
	s1 =	srdreg.scid  }
0x2: {  	s0 =	stileid.u32;
	s4 =	rddreg [dreg:$0x1]  }
0x3: {  	s2 =	rddreg [dreg:$0x2];
	s3 =	simm.s32 $0x0;
	s11 =	simm.s32 $0x4  }
0x4: {  	s12 =	simm.s32 $0x400;
	s13 =	simm.s32 $0x1;
	s14 =	simm.s32 $0x80  }
0x5: {  	s15 =	simm.s32 $0x800;
	s16 =	simm.s32 $0x180;
	s17 =	simm.s32 $0x280  }
0x6: {  	s18 =	simm.s32 $0x380;
	s19 =	simm.s32 $0x3;
	s21 =	simm.s32 $0x480  }
0x7: {  	s22 =	simm.s32 $0x580;
	s24 =	simm.s32 $0x780;
	s6 =	smul.u32 $0x630, s0  }
0x8: {  	s5 =	sand.u32 $0x1, s1;
	s1 =	rddreg [dreg:$0x3];
	s10 =	smul.u32 $0x18800, s0  }
0x9: {  	s25 =	simm.s32 $0x0;
	[smem:$0x7FF] =	sst s3;
	s31 =	smul.u32 $0x3100, s0  }
0xa: {  	s7 =	smul.u32 $0x6300, s5;
	s8 =	ssub.s32 $0x2, s5;
	_ =	strace $0x80000047  }
0xb: {  	s20 =	smul.u32 $0x6200, s5;
	s29 =	sshrl.u32 s8, $0x1;
	s30 =	sshrl.u32 s10, $0x3  }
.Ltmp0:
0xc: {  	s10 =	simm.s32 $0x880;
	s7 =	sadd.s32 s6, s7;
	(pc) =	sbr.rel .LBB2_1-.Ltmp0, $4  }
0xd: {  	s8 =	ssub.s32 s8, s29;
	s5 =	sadd.s32 s9, s30;
	s23 =	sadd.s32 $0x6200, s20  }
0xe: {  	s9 =	sadd.s32 s31, s9;
	v0 =	vmov s20;
	s20 =	simm.s32 $0x2;
	s7 =	sshrl.u32 s7, $0x3  }
0xf: {  	s8 =	smax.u32 s8, $0x1;
	v1 =	vmov s23;
	s23 =	simm.s32 $0x680;
	s7 =	sadd.s32 s7, s4  }
0x10: {  	v2 =	vimm.f32 $0.0e+00;
	v3 =	vimm.f32 $1.000000000e+00;
	s4 =	sadd.s32 s6, s2;
	s6 =	sadd.s32 $0x80, s5;
	s7 =	sadd.s32 $0x2000, s7  }
.LBB2_6:
0x11: {  	[bflag:$0x0] =	sbarrier.arrive $0xFFFF  }
0x12: {  	[tilespmem:s10], [sflag:$0x4] =	stream.linear.gather [spmem:s4], $0x630, $0x38;
	[tilespmem:$0x14E0] =	vst v63  }
0x13: {  	s25 =	sadd.s32 $0x1, s25;
	_ =	swait.ge [sflag:s11], $0x630  }
0x14: {  	p0 =	sne.s32 s25, s8;
	[sflag:s11] =	ssyncset.done $0x0  }
.Ltmp1:
0x15: {  	[sflag:s11] =	ssyncadd.s32 $0xFFFFF9D0;
	(pc) =	sbr.rel @!p0 .LBB2_7-.Ltmp1, $4  }
0x16: {  	[hbm4b:s7+s3] =	stream.linear.scatter [tilespmem:s10], [sflag:$0x4], $0x630, $0x38;
	[tilespmem:$0x14E0] =	vst v63  }
0x17: {  	_ =	swait.ge [sflag:s11], $0x630  }
0x18: {  	[sflag:s11] =	ssyncset.done $0x0  }
0x19: {  	[sflag:s11] =	ssyncadd.s32 $0xFFFFF9D0  }
.LBB2_1:
0x1a: {  	s26 =	simm.s32 $0x40;
	s28 =	simm.s32 $0x0  }
.LBB2_2:
0x1b: {  	p0 =	sne.s32 s26, $0x1880;
	[tilespmem:s28+$0x880] =	vst v2;
	s28 =	smov.u32 s26;
	s26 =	sadd.s32 $0x40, s26  }
.Ltmp2:
0x1c: {  	(pc) =	sbr.rel @p0 .LBB2_2-.Ltmp2, $2  }
0x1d: {  	_ =	sdelay $0x2  }
0x1e: {  	s28 =	sshra.s32 s28, $0x2  }
0x1f: {  	[tilespmem:s28+$0x880] =	vst v2  }
0x20: {  	[tilespmem:$0x800] =	vst v3  }
0x21: {  	[tilespmem:$0x810] =	vst v3  }
0x22: {  	[tilespmem:$0x820] =	vst v3  }
0x23: {  	[tilespmem:$0x830] =	vst v3  }
0x24: {  	[tilespmem:$0x840] =	vst v3  }
0x25: {  	[tilespmem:$0x850] =	vst v3  }
0x26: {  	[tilespmem:$0x860] =	vst v3  }
0x27: {  	[tilespmem:$0x870] =	vst v3  }
0x28: {  	[spmem:s4] =	stream.linear.scatter [tilespmem:s10], [sflag:$0x4], $0x630, $0x38;
	[tilespmem:$0x14E0] =	vst v63  }
0x29: {  	_ =	swait.ge [sflag:s11], $0x630  }
0x2a: {  	[sflag:s11] =	ssyncset.done $0x0  }
0x2b: {  	[sflag:s11] =	ssyncadd.s32 $0xFFFFF9D0  }
0x2c: {  	[bflag:$0x0] =	sbarrier.arrive $0xFFFF  }
0x2d: {  	[tilespmem:s3], [sflag:$0x1] =	stream.linear.gather [hbm4b:s5+s3], $0x400, $0x38;
	[tilespmem:$0x14E0] =	vst v63  }
0x2e: {  	s26 =	simm.s32 $0xFFFFD000  }
0x2f: {  	[tilespmem:s12], [sflag:$0x2] =	stream.linear.gather [hbm4b:s6+s3], $0x400, $0x38;
	[tilespmem:$0x14E0] =	vst v63  }
.LBB2_4:
0x30: {  	_ =	swait.ge [sflag:s13], $0x400  }
0x31: {  	[sflag:s13] =	ssyncset.done $0x0  }
0x32: {  	[sflag:s13] =	ssyncadd.s32 $0xFFFFFC00  }
0x33: {  	v4 =	vld [tilespmem:$0x80]  }
0x34: {  	v5 =	vld [tilespmem:$0x90]  }
0x35: {  	v7 =	vld [tilespmem:$0xA0]  }
0x36: {  	v49 =	vld [tilespmem:$0xB0]  }
0x37: {  	v10 =	vld [tilespmem:$0xC0]  }
0x38: {  	v12 =	vld [tilespmem:$0xD0]  }
0x39: {  	v51 =	vld [tilespmem:$0xE0]  }
0x3a: {  	v54 =	vld [tilespmem:$0xF0]  }
0x3b: {  	v15 =	vld [tilespmem:$0x180]  }
0x3c: {  	v56 =	vld [tilespmem:$0x190]  }
0x3d: {  	v16 =	vld [tilespmem:$0x1A0]  }
0x3e: {  	v18 =	vld [tilespmem:$0x1B0]  }
0x3f: {  	v60 =	vld [tilespmem:$0x1C0];
	vm0 =	vge.s32 v4, v0  }
0x40: {  	v19 =	vld [tilespmem:$0x1D0];
	vm1 =	vlt.s32 v4, v1;
	v6 =	vand.u32 $0xFF, v4;
	v4 =	vsub.s32 v4, v0  }
0x41: {  	v21 =	vld [tilespmem:$0x1E0];
	vm5 =	vge.s32 v5, v0;
	vm6 =	vlt.s32 v5, v1;
	v8 =	vand.u32 $0xFF, v5  }
0x42: {  	v28 =	vld [tilespmem:$0x1F0];
	v5 =	vsub.s32 v5, v0;
	vm7 =	vge.s32 v7, v0;
	vm2 =	vlt.s32 v7, v1  }
0x43: {  	v30 =	vld [tilespmem:$0x280];
	v9 =	vand.u32 $0xFF, v7;
	v7 =	vsub.s32 v7, v0;
	vm8 =	vge.s32 v49, v0  }
0x44: {  	v22 =	vld [tilespmem:$0x290];
	vm3 =	vlt.s32 v49, v1;
	v11 =	vand.u32 $0xFF, v49;
	v13 =	vsub.s32 v49, v0  }
0x45: {  	v24 =	vld [tilespmem:$0x2A0];
	vm9 =	vge.s32 v10, v0;
	vm10 =	vlt.s32 v10, v1;
	v52 =	vand.u32 $0xFF, v10  }
0x46: {  	v33 =	vld [tilespmem:$0x2B0];
	v10 =	vsub.s32 v10, v0;
	vm11 =	vge.s32 v12, v0;
	vm12 =	vlt.s32 v12, v1  }
0x47: {  	v27 =	vld [tilespmem:$0x2C0];
	v53 =	vand.u32 $0xFF, v12;
	v12 =	vsub.s32 v12, v0;
	vm13 =	vge.s32 v51, v0  }
0x48: {  	v36 =	vld [tilespmem:$0x2D0];
	vm14 =	vlt.s32 v51, v1;
	v14 =	vand.u32 $0xFF, v51;
	vm15 =	vge.s32 v54, v0  }
0x49: {  	v39 =	vld [tilespmem:$0x2E0];
	vm4 =	vlt.s32 v54, v1;
	v57 =	vand.u32 $0xFF, v54;
	v58 =	vand.u32 $0xFF, v15  }
0x4a: {  	v41 =	vld [tilespmem:$0x2F0];
	v17 =	vand.u32 $0xFF, v56;
	v61 =	vand.u32 $0xFF, v16;
	v62 =	vand.u32 $0xFF, v18  }
0x4b: {  	v20 =	vand.u32 $0xFF, v60;
	v29 =	vand.u32 $0xFF, v19;
	v31 =	vsub.s32 v21, v0  }
0x4c: {  	v23 =	vsub.s32 v28, v0;
	v32 =	vand.u32 $0xFF, v30;
	v25 =	vsub.s32 v22, v0  }
0x4d: {  	v26 =	vand.u32 $0xFF, v24;
	v37 =	vsub.s32 v33, v0;
	v38 =	vand.u32 $0xFF, v27  }
0x4e: {  	v40 =	vand.u32 $0xFF, v36;
	v42 =	vsub.s32 v36, v0;
	v45 =	vand.u32 $0xFF, v39  }
0x4f: {  	v46 =	vsub.s32 v39, v0;
	v47 =	vand.u32 $0xFF, v41;
	v49 =	vsub.s32 v41, v0  }
0x50: {  	vm0 =	vmand vm0, vm1;
	v6 =	vor.u32 $0x6200, v6;
	v8 =	vor.u32 $0x6200, v8  }
0x51: {  	vm1 =	vmand vm7, vm2;
	v9 =	vor.u32 $0x6200, v9;
	vm2 =	vmand vm8, vm3  }
0x52: {  	v11 =	vor.u32 $0x6200, v11;
	v14 =	vor.u32 $0x6200, v14;
	vm7 =	vge.s32 v56, v0  }
0x53: {  	vm8 =	vlt.s32 v56, v1;
	v17 =	vor.u32 $0x6200, v17;
	v20 =	vor.u32 $0x6200, v20  }
0x54: {  	v26 =	vor.u32 $0x6200, v26;
	v4 =	vsel vm0, v4, v6;
	vm0 =	vmand vm5, vm6  }
0x55: {  	v50 =	vsel vm1, v7, v9;
	v9 =	vor.u32 $0x6200, v52;
	vm1 =	vmand vm11, vm12  }
0x56: {  	v7 =	vsub.s32 v51, v0;
	vm5 =	vge.s32 v15, v0;
	vm6 =	vlt.s32 v15, v1  }
0x57: {  	v44 =	vld [tilespmem:$0x380];
	v15 =	vsub.s32 v15, v0;
	vm11 =	vge.s32 v18, v0;
	vm12 =	vlt.s32 v18, v1  }
0x58: {  	v48 =	vld [tilespmem:$0x390];
	v18 =	vsub.s32 v18, v0;
	v6 =	vor.u32 $0x6200, v38;
	v8 =	vsel vm0, v5, v8  }
0x59: {  	v5 =	vsel vm2, v13, v11;
	vm0 =	vmand vm9, vm10;
	v11 =	vor.u32 $0x6200, v53  }
0x5a: {  	vm2 =	vmand vm13, vm14;
	v13 =	vsub.s32 v54, v0;
	vm9 =	vge.s32 v16, v0  }
0x5b: {  	vm10 =	vlt.s32 v16, v1;
	v16 =	vsub.s32 v16, v0;
	vm13 =	vge.s32 v60, v0;
	[tilespmem:$0x80] =	vst v4  }
0x5c: {  	vm14 =	vlt.s32 v60, v1;
	v4 =	vand.u32 $0xFF, v33;
	[tilespmem:$0xA0] =	vst v50;
	v50 =	vand.u32 $0xFF, v44  }
0x5d: {  	v54 =	vand.u32 $0xFF, v48;
	v9 =	vsel vm0, v10, v9;
	v55 =	vsel vm1, v12, v11  }
0x5e: {  	v7 =	vsel vm2, v7, v14;
	vm0 =	vmand vm15, vm4;
	v12 =	vor.u32 $0x6200, v57  }
0x5f: {  	vm1 =	vmand vm5, vm6;
	v14 =	vor.u32 $0x6200, v58;
	vm2 =	vmand vm7, vm8  }
0x60: {  	v11 =	vsub.s32 v56, v0;
	vm15 =	vge.s32 v19, v0;
	vm4 =	vlt.s32 v19, v1  }
0x61: {  	v19 =	vsub.s32 v19, v0;
	vm5 =	vge.s32 v21, v0;
	vm6 =	vlt.s32 v21, v1  }
0x62: {  	v21 =	vand.u32 $0xFF, v21;
	vm7 =	vge.s32 v28, v0;
	vm8 =	vlt.s32 v28, v1;
	[tilespmem:$0x90] =	vst v8  }
0x63: {  	v4 =	vor.u32 $0x6200, v4;
	[tilespmem:$0xB0] =	vst v5;
	v5 =	vsub.s32 v27, v0;
	v8 =	vor.u32 $0x6200, v45  }
0x64: {  	v10 =	vor.u32 $0x6200, v47;
	v12 =	vsel vm0, v13, v12;
	v59 =	vsel vm1, v15, v14  }
0x65: {  	v11 =	vsel vm2, v11, v17;
	vm0 =	vmand vm9, vm10;
	v15 =	vor.u32 $0x6200, v61  }
0x66: {  	vm1 =	vmand vm11, vm12;
	v17 =	vor.u32 $0x6200, v62;
	vm2 =	vmand vm13, vm14  }
0x67: {  	v14 =	vsub.s32 v60, v0;
	v21 =	vor.u32 $0x6200, v21;
	vm9 =	vge.s32 v30, v0  }
0x68: {  	vm10 =	vlt.s32 v30, v1;
	vm12 =	vge.s32 v22, v0;
	vm13 =	vlt.s32 v22, v1  }
0x69: {  	vm14 =	vge.s32 v24, v0;
	v22 =	vand.u32 $0xFF, v22;
	[tilespmem:$0xC0] =	vst v9;
	v9 =	vor.u32 $0x6200, v40  }
0x6a: {  	[tilespmem:$0xE0] =	vst v7;
	v7 =	vsub.s32 v44, v0;
	v13 =	vor.u32 $0x6200, v50;
	v15 =	vsel vm0, v16, v15  }
0x6b: {  	v63 =	vsel vm1, v18, v17;
	v14 =	vsel vm2, v14, v20;
	vm0 =	vmand vm15, vm4  }
0x6c: {  	v18 =	vor.u32 $0x6200, v29;
	vm1 =	vmand vm7, vm8;
	v17 =	vand.u32 $0xFF, v28  }
0x6d: {  	vm11 =	vmand vm9, vm10;
	v20 =	vsub.s32 v30, v0;
	vm15 =	vlt.s32 v24, v1  }
0x6e: {  	v51 =	vld [tilespmem:$0x3A0];
	v22 =	vor.u32 $0x6200, v22;
	v24 =	vsub.s32 v24, v0;
	vm4 =	vge.s32 v33, v0  }
0x6f: {  	vm7 =	vlt.s32 v27, v1;
	vm8 =	vge.s32 v36, v0;
	vm9 =	vlt.s32 v36, v1;
	[tilespmem:$0xF0] =	vst v12  }
0x70: {  	vm10 =	vge.s32 v39, v0;
	[tilespmem:$0x190] =	vst v11;
	v11 =	vsub.s32 v48, v0;
	v12 =	vor.u32 $0x6200, v54  }
0x71: {  	v18 =	vsel vm0, v19, v18;
	vm0 =	vmand vm5, vm6;
	v17 =	vor.u32 $0x6200, v17  }
0x72: {  	vm2 =	vmand vm14, vm15;
	vm5 =	vlt.s32 v33, v1;
	vm6 =	vge.s32 v27, v0  }
0x73: {  	v53 =	vld [tilespmem:$0x3B0];
	[tilespmem:$0xD0] =	vst v55;
	vm14 =	vge.s32 v44, v0;
	vm15 =	vlt.s32 v44, v1;
	v55 =	vand.u32 $0xFF, v51  }
0x74: {  	[tilespmem:$0x1A0] =	vst v15;
	v15 =	vsub.s32 v51, v0;
	v19 =	vsel vm0, v31, v21;
	v17 =	vsel vm1, v23, v17  }
0x75: {  	v21 =	vor.u32 $0x6200, v32;
	vm1 =	vmand vm12, vm13;
	v35 =	vsel vm2, v24, v26  }
0x76: {  	[tilespmem:$0x180] =	vst v59;
	vm0 =	vmand vm4, vm5;
	vm2 =	vmand vm8, vm9;
	vm12 =	vge.s32 v41, v0  }
0x77: {  	v56 =	vld [tilespmem:$0x3C0];
	[tilespmem:$0x1B0] =	vst v63;
	vm13 =	vlt.s32 v41, v1;
	vm4 =	vge.s32 v48, v0;
	vm5 =	vlt.s32 v48, v1  }
0x78: {  	v58 =	vld [tilespmem:$0x3D0];
	[tilespmem:$0x1C0] =	vst v14;
	vm8 =	vge.s32 v53, v0;
	vm9 =	vlt.s32 v53, v1;
	v57 =	vand.u32 $0xFF, v53  }
0x79: {  	[tilespmem:$0x1D0] =	vst v18;
	v20 =	vsel vm11, v20, v21;
	v34 =	vsel vm1, v25, v22;
	vm1 =	vmand vm6, vm7  }
0x7a: {  	v4 =	vsel vm0, v37, v4;
	v43 =	vsel vm2, v42, v9;
	vm11 =	vlt.s32 v39, v1;
	[tilespmem:$0x1E0] =	vst v19  }
0x7b: {  	vm2 =	vmand vm14, vm15;
	[tilespmem:$0x1F0] =	vst v17;
	vm6 =	vge.s32 v51, v0;
	vm7 =	vlt.s32 v51, v1  }
0x7c: {  	[tilespmem:$0x2A0] =	vst v35;
	v59 =	vor.u32 $0x6200, v57;
	v62 =	vand.u32 $0xFF, v56;
	v63 =	vsub.s32 v56, v0  }
0x7d: {  	v61 =	vld [tilespmem:$0x3E0];
	v16 =	vand.u32 $0xFF, v58;
	v19 =	vsub.s32 v58, v0;
	v5 =	vsel vm1, v5, v6;
	[tilespmem:$0x280] =	vst v20  }
0x7e: {  	vm0 =	vmand vm10, vm11;
	vm1 =	vmand vm12, vm13;
	v7 =	vsel vm2, v7, v13;
	[tilespmem:$0x290] =	vst v34  }
0x7f: {  	v13 =	vor.u32 $0x6200, v55;
	[tilespmem:$0x2B0] =	vst v4;
	vm2 =	vmand vm8, vm9;
	v4 =	vsub.s32 v53, v0  }
0x80: {  	[tilespmem:$0x2D0] =	vst v43;
	vm10 =	vge.s32 v56, v0;
	vm11 =	vlt.s32 v56, v1;
	v6 =	vor.u32 $0x6200, v62  }
0x81: {  	vm12 =	vge.s32 v58, v0;
	vm13 =	vlt.s32 v58, v1;
	v9 =	vor.u32 $0x6200, v16;
	[tilespmem:$0x2C0] =	vst v5  }
0x82: {  	v18 =	vld [tilespmem:$0x3F0];
	vm14 =	vge.s32 v61, v0;
	vm15 =	vlt.s32 v61, v1;
	v8 =	vsel vm0, v46, v8;
	[tilespmem:$0x380] =	vst v7  }
0x83: {  	v52 =	vsel vm1, v49, v10;
	vm0 =	vmand vm4, vm5;
	vm1 =	vmand vm6, vm7;
	[tilespmem:$0x2E0] =	vst v8  }
0x84: {  	v4 =	vsel vm2, v4, v59;
	vm2 =	vmand vm14, vm15;
	v10 =	vsub.s32 v61, v0;
	[tilespmem:$0x2F0] =	vst v52  }
0x85: {  	v5 =	vsel vm0, v11, v12;
	v60 =	vsel vm1, v15, v13;
	vm0 =	vmand vm10, vm11;
	[tilespmem:$0x3B0] =	vst v4  }
0x86: {  	vm1 =	vmand vm12, vm13;
	[tilespmem:$0x390] =	vst v5;
	v5 =	vand.u32 $0xFF, v61;
	v4 =	vsel vm0, v63, v6  }
0x87: {  	[tilespmem:$0x3A0] =	vst v60;
	v20 =	vsel vm1, v19, v9;
	vm5 =	vge.s32 v18, v0;
	vm6 =	vlt.s32 v18, v1  }
0x88: {  	v21 =	vsub.s32 v18, v0;
	v5 =	vor.u32 $0x6200, v5;
	[tilespmem:$0x3C0] =	vst v4;
	v4 =	vand.u32 $0xFF, v18  }
0x89: {  	[tilespmem:$0x3D0] =	vst v20;
	vm0 =	vmand vm5, vm6;
	v5 =	vsel vm2, v10, v5;
	v4 =	vor.u32 $0x6200, v4  }
0x8a: {  	[tilespmem:$0x3E0] =	vst v5;
	v4 =	vsel vm0, v21, v4  }
0x8b: {  	[tilespmem:$0x3F0] =	vst v4  }
0x8c: {  	[spmem:s2] =	stream.indirect.scatter.add.f32 [tilespmem:s15], [sflag:$0x3], $0x1, s14, s14, $0xb8;
	[tilespmem:$0x14E0] =	vst v63  }
0x8d: {  	_ = 	snop  }
0x8e: {  	[spmem:s2] =	stream.indirect.scatter.add.f32 [tilespmem:s15], [sflag:$0x3], $0x1, s16, s14, $0xb8;
	[tilespmem:$0x14E0] =	vst v63  }
0x8f: {  	_ = 	snop  }
0x90: {  	[spmem:s2] =	stream.indirect.scatter.add.f32 [tilespmem:s15], [sflag:$0x3], $0x1, s17, s14, $0xb8;
	[tilespmem:$0x14E0] =	vst v63  }
0x91: {  	_ = 	snop  }
0x92: {  	[spmem:s2] =	stream.indirect.scatter.add.f32 [tilespmem:s15], [sflag:$0x3], $0x1, s18, s14, $0xb8;
	[tilespmem:$0x14E0] =	vst v63  }
0x93: {  	_ =	swait.ge [sflag:s19], $0x80  }
0x94: {  	[sflag:s19] =	ssyncset.done $0x0  }
0x95: {  	[sflag:s19] =	ssyncadd.s32 $0xFFFFFF80  }
0x96: {  	_ =	swait.ge [sflag:s19], $0x80  }
0x97: {  	[sflag:s19] =	ssyncset.done $0x0  }
0x98: {  	[sflag:s19] =	ssyncadd.s32 $0xFFFFFF80  }
0x99: {  	_ =	swait.ge [sflag:s19], $0x80  }
0x9a: {  	[sflag:s19] =	ssyncset.done $0x0  }
0x9b: {  	[sflag:s19] =	ssyncadd.s32 $0xFFFFFF80  }
0x9c: {  	p0 =	seq.s32 s26, $0x0;
	_ =	swait.ge [sflag:s19], $0x80  }
0x9d: {  	s28 =	sadd.s32 @!p0 s26, s9;
	[sflag:s19] =	ssyncset.done $0x0  }
0x9e: {  	s29 =	simm.s32 @!p0 $0x0;
	s28 =	sadd.s32 @!p0 $0x3100, s28;
	[sflag:s19] =	ssyncadd.s32 $0xFFFFFF80  }
0x9f: {  	[tilespmem:s29], [sflag:$0x1] =	stream.linear.gather @!p0 [hbm4b:s28+s29], $0x400, $0x38;
	[tilespmem:$0x14E0] =	vst v63  }
0xa0: {  	_ =	swait.ge [sflag:s20], $0x400  }
0xa1: {  	[sflag:s20] =	ssyncset.done $0x0  }
0xa2: {  	[sflag:s20] =	ssyncadd.s32 $0xFFFFFC00  }
0xa3: {  	v4 =	vld [tilespmem:$0x480]  }
0xa4: {  	v5 =	vld [tilespmem:$0x490]  }
0xa5: {  	v23 =	vld [tilespmem:$0x4A0]  }
0xa6: {  	v24 =	vld [tilespmem:$0x4B0]  }
0xa7: {  	v27 =	vld [tilespmem:$0x4C0]  }
0xa8: {  	v29 =	vld [tilespmem:$0x4D0]  }
0xa9: {  	v31 =	vld [tilespmem:$0x4E0]  }
0xaa: {  	v34 =	vld [tilespmem:$0x4F0]  }
0xab: {  	v36 =	vld [tilespmem:$0x580]  }
0xac: {  	v38 =	vld [tilespmem:$0x590];
	vm7 =	vge.s32 v4, v0  }
0xad: {  	v41 =	vld [tilespmem:$0x5A0];
	vm8 =	vlt.s32 v4, v1;
	v22 =	vand.u32 $0xFF, v4;
	v4 =	vsub.s32 v4, v0  }
0xae: {  	v43 =	vld [tilespmem:$0x5B0];
	vm9 =	vge.s32 v5, v0;
	vm10 =	vlt.s32 v5, v1;
	v25 =	vand.u32 $0xFF, v5  }
0xaf: {  	v45 =	vld [tilespmem:$0x5C0];
	v5 =	vsub.s32 v5, v0;
	vm11 =	vge.s32 v23, v0;
	vm12 =	vlt.s32 v23, v1  }
0xb0: {  	v48 =	vld [tilespmem:$0x5D0];
	v26 =	vand.u32 $0xFF, v23;
	v7 =	vsub.s32 v23, v0;
	vm13 =	vge.s32 v24, v0  }
0xb1: {  	v50 =	vld [tilespmem:$0x5E0];
	vm14 =	vlt.s32 v24, v1;
	v28 =	vand.u32 $0xFF, v24;
	v30 =	vsub.s32 v24, v0  }
0xb2: {  	v52 =	vld [tilespmem:$0x5F0];
	vm15 =	vge.s32 v27, v0;
	vm4 =	vlt.s32 v27, v1;
	v32 =	vand.u32 $0xFF, v27  }
0xb3: {  	v54 =	vld [tilespmem:$0x680];
	v10 =	vsub.s32 v27, v0;
	vm5 =	vge.s32 v29, v0;
	vm6 =	vlt.s32 v29, v1  }
0xb4: {  	v56 =	vld [tilespmem:$0x690];
	v33 =	vand.u32 $0xFF, v29;
	v12 =	vsub.s32 v29, v0;
	v35 =	vand.u32 $0xFF, v31  }
0xb5: {  	v58 =	vld [tilespmem:$0x6A0];
	v39 =	vand.u32 $0xFF, v34;
	v13 =	vsub.s32 v34, v0;
	v40 =	vand.u32 $0xFF, v36  }
0xb6: {  	v15 =	vsub.s32 v36, v0;
	v42 =	vand.u32 $0xFF, v38;
	v46 =	vand.u32 $0xFF, v41  }
0xb7: {  	v16 =	vsub.s32 v41, v0;
	v47 =	vand.u32 $0xFF, v43;
	v18 =	vsub.s32 v43, v0  }
0xb8: {  	v49 =	vand.u32 $0xFF, v45;
	v53 =	vand.u32 $0xFF, v48;
	v19 =	vsub.s32 v48, v0  }
0xb9: {  	v55 =	vsub.s32 v50, v0;
	v21 =	vand.u32 $0xFF, v50;
	v57 =	vsub.s32 v52, v0  }
0xba: {  	v59 =	vand.u32 $0xFF, v54;
	v61 =	vsub.s32 v56, v0;
	v62 =	vand.u32 $0xFF, v58  }
0xbb: {  	v24 =	vsub.s32 v58, v0;
	vm0 =	vmand vm7, vm8;
	v6 =	vor.u32 $0x6200, v22  }
0xbc: {  	v8 =	vor.u32 $0x6200, v25;
	vm1 =	vmand vm11, vm12;
	v9 =	vor.u32 $0x6200, v26  }
0xbd: {  	vm2 =	vmand vm13, vm14;
	v11 =	vor.u32 $0x6200, v28;
	vm7 =	vge.s32 v31, v0  }
0xbe: {  	vm8 =	vlt.s32 v31, v1;
	v14 =	vor.u32 $0x6200, v35;
	vm11 =	vge.s32 v36, v0  }
0xbf: {  	v60 =	vld [tilespmem:$0x6B0];
	vm12 =	vlt.s32 v36, v1;
	vm13 =	vge.s32 v38, v0;
	vm14 =	vlt.s32 v38, v1  }
0xc0: {  	v63 =	vld [tilespmem:$0x6C0];
	v17 =	vor.u32 $0x6200, v42;
	v20 =	vor.u32 $0x6200, v49;
	v21 =	vor.u32 $0x6200, v21  }
0xc1: {  	v22 =	vand.u32 $0xFF, v56;
	v26 =	vor.u32 $0x6200, v62;
	v4 =	vsel vm0, v4, v6  }
0xc2: {  	vm0 =	vmand vm9, vm10;
	v6 =	vsel vm1, v7, v9;
	v9 =	vor.u32 $0x6200, v32  }
0xc3: {  	vm1 =	vmand vm5, vm6;
	v7 =	vsub.s32 v31, v0;
	vm9 =	vge.s32 v34, v0  }
0xc4: {  	vm10 =	vlt.s32 v34, v1;
	vm5 =	vge.s32 v43, v0;
	vm6 =	vlt.s32 v43, v1  }
0xc5: {  	v22 =	vor.u32 $0x6200, v22;
	v32 =	vsub.s32 v60, v0;
	v34 =	vand.u32 $0xFF, v63  }
0xc6: {  	v8 =	vsel vm0, v5, v8;
	v5 =	vsel vm2, v30, v11;
	vm0 =	vmand vm15, vm4  }
0xc7: {  	v11 =	vor.u32 $0x6200, v33;
	vm2 =	vmand vm7, vm8;
	vm15 =	vge.s32 v41, v0  }
0xc8: {  	vm4 =	vlt.s32 v41, v1;
	vm7 =	vge.s32 v45, v0;
	vm8 =	vlt.s32 v45, v1;
	[tilespmem:$0x480] =	vst v4  }
0xc9: {  	v4 =	vand.u32 $0xFF, v60;
	[tilespmem:$0x4A0] =	vst v6;
	v6 =	vor.u32 $0x6200, v34;
	v9 =	vsel vm0, v10, v9  }
0xca: {  	v37 =	vsel vm1, v12, v11;
	v7 =	vsel vm2, v7, v14;
	vm0 =	vmand vm9, vm10  }
0xcb: {  	v12 =	vor.u32 $0x6200, v39;
	vm1 =	vmand vm11, vm12;
	v14 =	vor.u32 $0x6200, v40  }
0xcc: {  	vm2 =	vmand vm13, vm14;
	v11 =	vsub.s32 v38, v0;
	vm9 =	vge.s32 v48, v0  }
0xcd: {  	vm10 =	vlt.s32 v48, v1;
	vm11 =	vge.s32 v50, v0;
	vm12 =	vlt.s32 v50, v1  }
0xce: {  	vm13 =	vge.s32 v52, v0;
	vm14 =	vlt.s32 v52, v1;
	v4 =	vor.u32 $0x6200, v4  }
0xcf: {  	[tilespmem:$0x4B0] =	vst v5;
	v5 =	vsub.s32 v63, v0;
	v12 =	vsel vm0, v13, v12;
	v44 =	vsel vm1, v15, v14  }
0xd0: {  	v11 =	vsel vm2, v11, v17;
	vm0 =	vmand vm15, vm4;
	v15 =	vor.u32 $0x6200, v46  }
0xd1: {  	vm1 =	vmand vm5, vm6;
	v17 =	vor.u32 $0x6200, v47;
	vm2 =	vmand vm7, vm8  }
0xd2: {  	v35 =	vld [tilespmem:$0x6F0];
	v14 =	vsub.s32 v45, v0;
	vm15 =	vge.s32 v54, v0;
	vm6 =	vlt.s32 v54, v1  }
0xd3: {  	v49 =	vld [tilespmem:$0x7B0];
	vm8 =	vge.s32 v56, v0;
	v15 =	vsel vm0, v16, v15;
	v51 =	vsel vm1, v18, v17  }
0xd4: {  	v14 =	vsel vm2, v14, v20;
	vm0 =	vmand vm9, vm10;
	v18 =	vor.u32 $0x6200, v53  }
0xd5: {  	v31 =	vld [tilespmem:$0x6D0];
	vm1 =	vmand vm13, vm14;
	v17 =	vand.u32 $0xFF, v52;
	vm7 =	vmand vm15, vm6  }
0xd6: {  	[tilespmem:$0x490] =	vst v8;
	vm9 =	vlt.s32 v56, v1;
	v20 =	vsub.s32 v54, v0;
	vm10 =	vge.s32 v58, v0  }
0xd7: {  	v43 =	vld [tilespmem:$0x790];
	vm13 =	vlt.s32 v60, v1;
	vm14 =	vge.s32 v63, v0;
	vm15 =	vlt.s32 v63, v1;
	[tilespmem:$0x580] =	vst v44  }
0xd8: {  	[tilespmem:$0x590] =	vst v11;
	v44 =	vsub.s32 v35, v0;
	v8 =	vand.u32 $0xFF, v35;
	v11 =	vand.u32 $0xFF, v49  }
0xd9: {  	v18 =	vsel vm0, v19, v18;
	vm0 =	vmand vm11, vm12;
	v17 =	vor.u32 $0x6200, v17  }
0xda: {  	v33 =	vld [tilespmem:$0x6E0];
	vm11 =	vlt.s32 v58, v1;
	vm12 =	vge.s32 v60, v0;
	vm4 =	vge.s32 v31, v0  }
0xdb: {  	[tilespmem:$0x4D0] =	vst v37;
	vm5 =	vlt.s32 v31, v1;
	v36 =	vsub.s32 v31, v0;
	v37 =	vand.u32 $0xFF, v31  }
0xdc: {  	v8 =	vor.u32 $0x6200, v8;
	v50 =	vand.u32 $0xFF, v43;
	v10 =	vsub.s32 v43, v0  }
0xdd: {  	v19 =	vsel vm0, v55, v21;
	v17 =	vsel vm1, v57, v17;
	v21 =	vor.u32 $0x6200, v59  }
0xde: {  	vm1 =	vmand vm8, vm9;
	vm2 =	vmand vm10, vm11;
	vm0 =	vmand vm12, vm13  }
0xdf: {  	v38 =	vld [tilespmem:$0x780];
	v39 =	vor.u32 $0x6200, v37;
	vm6 =	vge.s32 v33, v0;
	v41 =	vand.u32 $0xFF, v33  }
0xe0: {  	[tilespmem:$0x4C0] =	vst v9;
	vm9 =	vge.s32 v35, v0;
	vm10 =	vlt.s32 v35, v1;
	v42 =	vsub.s32 v33, v0  }
0xe1: {  	[tilespmem:$0x4E0] =	vst v7;
	vm13 =	vge.s32 v43, v0;
	v20 =	vsel vm7, v20, v21;
	v29 =	vsel vm1, v61, v22  }
0xe2: {  	[tilespmem:$0x4F0] =	vst v12;
	v30 =	vsel vm2, v24, v26;
	v4 =	vsel vm0, v32, v4;
	vm0 =	vmand vm14, vm15  }
0xe3: {  	v46 =	vld [tilespmem:$0x7A0];
	[tilespmem:$0x5A0] =	vst v15;
	vm1 =	vmand vm4, vm5;
	vm7 =	vlt.s32 v33, v1;
	v7 =	vor.u32 $0x6200, v41  }
0xe4: {  	[tilespmem:$0x5B0] =	vst v51;
	vm11 =	vge.s32 v38, v0;
	vm12 =	vlt.s32 v38, v1;
	v45 =	vand.u32 $0xFF, v38  }
0xe5: {  	[tilespmem:$0x5C0] =	vst v14;
	v47 =	vsub.s32 v38, v0;
	vm14 =	vlt.s32 v43, v1;
	vm5 =	vge.s32 v49, v0  }
0xe6: {  	[tilespmem:$0x5D0] =	vst v18;
	v5 =	vsel vm0, v5, v6;
	v40 =	vsel vm1, v36, v39;
	vm8 =	vmand vm6, vm7  }
0xe7: {  	v53 =	vld [tilespmem:$0x7D0];
	[tilespmem:$0x5E0] =	vst v19;
	vm1 =	vmand vm9, vm10;
	vm2 =	vmand vm11, vm12;
	v12 =	vor.u32 $0x6200, v45  }
0xe8: {  	v54 =	vld [tilespmem:$0x7E0];
	[tilespmem:$0x5F0] =	vst v17;
	vm0 =	vmand vm13, vm14;
	vm15 =	vge.s32 v46, v0;
	vm4 =	vlt.s32 v46, v1  }
0xe9: {  	[tilespmem:$0x680] =	vst v20;
	v52 =	vsub.s32 v46, v0;
	v13 =	vand.u32 $0xFF, v46;
	vm6 =	vlt.s32 v49, v1  }
0xea: {  	v56 =	vld [tilespmem:$0x7F0];
	[tilespmem:$0x6B0] =	vst v4;
	v4 =	vsub.s32 v49, v0;
	v7 =	vsel vm8, v42, v7;
	v8 =	vsel vm1, v44, v8  }
0xeb: {  	v51 =	vld [tilespmem:$0x7C0];
	[tilespmem:$0x690] =	vst v29;
	v48 =	vsel vm2, v47, v12;
	v12 =	vor.u32 $0x6200, v50;
	v13 =	vor.u32 $0x6200, v13  }
0xec: {  	vm1 =	vmand vm5, vm6;
	[tilespmem:$0x6C0] =	vst v5;
	v5 =	vor.u32 $0x6200, v11;
	vm10 =	vge.s32 v53, v0  }
0xed: {  	[tilespmem:$0x6A0] =	vst v30;
	vm11 =	vlt.s32 v53, v1;
	vm12 =	vge.s32 v54, v0;
	vm13 =	vlt.s32 v54, v1  }
0xee: {  	[tilespmem:$0x6D0] =	vst v40;
	v58 =	vsub.s32 v53, v0;
	v59 =	vand.u32 $0xFF, v53;
	v60 =	vand.u32 $0xFF, v54  }
0xef: {  	v62 =	vsub.s32 v54, v0;
	vm14 =	vge.s32 v56, v0;
	v10 =	vsel vm0, v10, v12;
	[tilespmem:$0x6E0] =	vst v7  }
0xf0: {  	vm0 =	vmand vm15, vm4;
	vm7 =	vge.s32 v51, v0;
	vm8 =	vlt.s32 v51, v1;
	[tilespmem:$0x6F0] =	vst v8  }
0xf1: {  	v4 =	vsel vm1, v4, v5;
	v5 =	vand.u32 $0xFF, v51;
	vm1 =	vmand vm10, vm11;
	[tilespmem:$0x780] =	vst v48  }
0xf2: {  	vm2 =	vmand vm12, vm13;
	v57 =	vsub.s32 v51, v0;
	v61 =	vor.u32 $0x6200, v59;
	[tilespmem:$0x790] =	vst v10  }
0xf3: {  	v55 =	vsel vm0, v52, v13;
	vm9 =	vmand vm7, vm8;
	v5 =	vor.u32 $0x6200, v5;
	[tilespmem:$0x7B0] =	vst v4  }
0xf4: {  	v11 =	vor.u32 $0x6200, v60;
	vm15 =	vlt.s32 v56, v1;
	[tilespmem:$0x7A0] =	vst v55;
	v5 =	vsel vm9, v57, v5  }
0xf5: {  	v4 =	vsel vm1, v58, v61;
	v63 =	vsel vm2, v62, v11;
	[tilespmem:$0x7C0] =	vst v5;
	v5 =	vand.u32 $0xFF, v56  }
0xf6: {  	vm0 =	vmand vm14, vm15;
	[tilespmem:$0x7D0] =	vst v4;
	v4 =	vsub.s32 v56, v0;
	v5 =	vor.u32 $0x6200, v5  }
0xf7: {  	[tilespmem:$0x7E0] =	vst v63;
	v4 =	vsel vm0, v4, v5  }
0xf8: {  	[tilespmem:$0x7F0] =	vst v4  }
0xf9: {  	[spmem:s2] =	stream.indirect.scatter.add.f32 [tilespmem:s15], [sflag:$0x3], $0x1, s21, s14, $0xb8;
	[tilespmem:$0x14E0] =	vst v63  }
0xfa: {  	_ = 	snop  }
0xfb: {  	[spmem:s2] =	stream.indirect.scatter.add.f32 [tilespmem:s15], [sflag:$0x3], $0x1, s22, s14, $0xb8;
	[tilespmem:$0x14E0] =	vst v63  }
0xfc: {  	_ = 	snop  }
0xfd: {  	[spmem:s2] =	stream.indirect.scatter.add.f32 [tilespmem:s15], [sflag:$0x3], $0x1, s23, s14, $0xb8;
	[tilespmem:$0x14E0] =	vst v63  }
0xfe: {  	_ = 	snop  }
0xff: {  	[spmem:s2] =	stream.indirect.scatter.add.f32 [tilespmem:s15], [sflag:$0x3], $0x1, s24, s14, $0xb8;
	[tilespmem:$0x14E0] =	vst v63  }
0x100: {  	_ =	swait.ge [sflag:s19], $0x80  }
0x101: {  	[sflag:s19] =	ssyncset.done $0x0  }
0x102: {  	[sflag:s19] =	ssyncadd.s32 $0xFFFFFF80  }
0x103: {  	_ =	swait.ge [sflag:s19], $0x80  }
0x104: {  	[sflag:s19] =	ssyncset.done $0x0  }
0x105: {  	[sflag:s19] =	ssyncadd.s32 $0xFFFFFF80  }
0x106: {  	_ =	swait.ge [sflag:s19], $0x80  }
.Ltmp3:
0x107: {  	[sflag:s19] =	ssyncset.done $0x0;
	(pc) =	sbr.rel @p0 .LBB2_6-.Ltmp3, $4  }
0x108: {  	[sflag:s19] =	ssyncadd.s32 $0xFFFFFF80  }
0x109: {  	_ =	swait.ge [sflag:s19], $0x80  }
0x10a: {  	[sflag:s19] =	ssyncset.done $0x0  }
0x10b: {  	[sflag:s19] =	ssyncadd.s32 $0xFFFFFF80  }
.Ltmp4:
0x10c: {  	(pc) =	sbr.rel .LBB2_4-.Ltmp4, $4  }
0x10d: {  	_ = 	snop  }
0x10e: {  	s28 =	sadd.s32 s26, s9  }
0x10f: {  	s26 =	sadd.s32 $0x100, s26;
	s28 =	sadd.s32 $0x3180, s28  }
0x110: {  	[tilespmem:s12], [sflag:$0x2] =	stream.linear.gather [hbm4b:s28+s3], $0x400, $0x38;
	[tilespmem:$0x14E0] =	vst v63  }
.LBB2_7:
0x111: {  	_ =	sfence.sel $0x180000  }
0x112: {  	[bflag:$0x0] =	sbarrier.arrive $0xFFFF  }
0x113: {  	p0 =	sne.s32 s0, $0x0;
	_ =	strace $0x90000047  }
0x114: {  	s0 =	sadd.s32 @!p0 $0x100000, s1;
	[bflag:$0x2] =	sbarrier.arrive $0xFFFF  }
0x115: {  	[sflag:s0] =	ssyncadd.tile.s32 @!p0 $0x1;
	_ =	shalt  }
.Lfunc_end2:
_tile_overlayer_lowered:
.L_overlay_start_2:
0x116: {  	(tag) =	ssettag $0x2  }
0x117: {  	s0 =	rddreg [dreg:$0x0];
	s2 =	stileid.u32  }
0x118: {  	s1 =	rddreg [dreg:$0x1];
	p0 =	sne.s32 s2, $0x0  }
0x119: {  	s3 =	rddreg [dreg:$0x2];
	[bflag:$0x3] =	sbarrier.arrive $0xFFFF;
	s2 =	simm.s32 @!p0 $0x1C04  }
0x11a: {  	[timem:s3], [sflag:s2] =	dma.local @!p0 [hbm:s0], s1  }
0x11b: {  	s0 =	simm.s32 @!p0 $0x4  }
0x11c: {  	_ =	swait.ge @!p0 [sflag:s0], s1  }
0x11d: {  	s1 =	ssub.s32 @!p0 $0x0, s1;
	[sflag:s0] =	ssyncset.done @!p0 $0x0  }
0x11e: {  	[sflag:s0] =	ssyncadd.s32 @!p0 s1  }
0x11f: {  	[bflag:$0x3] =	sbarrier.arrive $0xFFFF  }
0x120: {  	_ =	shalt  }

</sc_bundles>
